<compile_context>
chip_gen: v7x
topology: tpu7x:2x2x1
jax: 0.10.2.dev20260603
libtpu: 0.0.44.dev20260713+nightly
codegen_flags: <defaults>
</compile_context>

<pallas_src>
import numpy as np
import jax
import jax.numpy as jnp
from jax import lax
from jax.experimental import pallas as pl
from jax.experimental.pallas import tpu as pltpu
from jax.experimental.pallas import tpu_sc as plsc

B = 64
V = 128000
D = 2048
K = 50
L = 16
NW = 32
ROWS_PER_W = B // NW
CH = 5120
NCH = V // CH
GRP = 16
NGRP = CH // (L * GRP)
KP = 56
BUF = 512
TRIG = BUF - GRP * L
NEG_INF = np.float32("-inf")
SIGN = np.int32(-2147483648)


def _key_of(v):
    b = plsc.bitcast(v, jnp.int32)
    return jnp.where(b < 0, (~b) ^ SIGN, b)


def _popc(m):
    return plsc.all_reduce_population_count(m)


def _mixer_body(logits_hbm, emb_hbm, out_hbm,
                chunka, chunkb, keys, bvals, bidx,
                selvals, selkeys, selidx, gidx, rows, outv,
                cnt_v, th_v, sem, sema, semb):
    wid = lax.axis_index("s") * 2 + lax.axis_index("c")
    iota = lax.broadcasted_iota(jnp.int32, (L,), 0)
    zero_v = jnp.zeros((L,), jnp.int32)
    sign_v = jnp.full((L,), SIGN, jnp.int32)
    ninf_v = jnp.full((L,), NEG_INF, jnp.float32)
    nbv = BUF // L

    def select_topk():
        nv = (cnt_v[pl.ds(0, L)][0] + (L - 1)) >> 4

        def bit_body(i, t_u):
            sh = np.uint32(31) - i.astype(jnp.uint32)
            bit = jnp.broadcast_to(np.uint32(1) << sh, (L,))
            cand = t_u | bit

            def cnt(j, c):
                kv = keys[pl.ds(j * L, L)]
                ku = plsc.bitcast(kv ^ SIGN, jnp.uint32)
                return c + _popc(ku >= cand)

            c = lax.fori_loop(0, nv, cnt, zero_v)
            return jnp.where(c >= K, cand, t_u)

        t_u = lax.fori_loop(0, 32, bit_body, jnp.zeros((L,), jnp.uint32))
        t = plsc.bitcast(t_u ^ np.uint32(0x80000000), jnp.int32)

        selvals[pl.ds(48, L)] = ninf_v
        selkeys[pl.ds(48, L)] = sign_v

        def pass_gt(j, n):
            kv = keys[pl.ds(j * L, L)]
            m = kv > t
            pos = n + plsc.cumsum(m.astype(jnp.int32)) - 1
            plsc.store_scatter(selvals, [pos], bvals[pl.ds(j * L, L)], mask=m)
            plsc.store_scatter(selidx, [pos], bidx[pl.ds(j * L, L)], mask=m)
            plsc.store_scatter(selkeys, [pos], kv, mask=m)
            return n + _popc(m)

        n1 = lax.fori_loop(0, nv, pass_gt, zero_v)

        def pass_eq(j, n):
            kv = keys[pl.ds(j * L, L)]
            m = kv == t
            pos = n + plsc.cumsum(m.astype(jnp.int32)) - 1
            msel = m & (pos < K)
            plsc.store_scatter(selvals, [pos], bvals[pl.ds(j * L, L)], mask=msel)
            plsc.store_scatter(selidx, [pos], bidx[pl.ds(j * L, L)], mask=msel)
            plsc.store_scatter(selkeys, [pos], kv, mask=msel)
            return n + _popc(m)

        lax.fori_loop(0, nv, pass_eq, n1)
        return t

    def compact():
        t = select_topk()
        for q in range(4):
            keys[pl.ds(q * L, L)] = selkeys[pl.ds(q * L, L)]
            bvals[pl.ds(q * L, L)] = selvals[pl.ds(q * L, L)]
            bidx[pl.ds(q * L, L)] = selidx[pl.ds(q * L, L)]
        for q in range(4, nbv):
            keys[pl.ds(q * L, L)] = sign_v
        cnt_v[pl.ds(0, L)] = jnp.full((L,), K, jnp.int32)
        bv = jnp.where(t < 0, ~(t ^ SIGN), t)
        th_v[pl.ds(0, L)] = plsc.bitcast(bv, jnp.float32)

    def row_body(r, _):
        row = wid * ROWS_PER_W + r
        cnt_v[pl.ds(0, L)] = zero_v
        th_v[pl.ds(0, L)] = ninf_v
        for q in range(nbv):
            keys[pl.ds(q * L, L)] = sign_v

        def issue(c, buf, sm):
            return pltpu.async_copy(logits_hbm.at[row, pl.ds(c * CH, CH)], buf, sm)

        def drain(buf, sm):
            pltpu.make_async_copy(logits_hbm.at[row, pl.ds(0, CH)], buf, sm).wait()

        def scan_chunk(buf, c):
            def grp_body(g, _):
                loc = g * (GRP * L)
                th = th_v[pl.ds(0, L)]
                vs = [buf[pl.ds(loc + j * L, L)] for j in range(GRP)]
                m = vs[0]
                for j in range(1, GRP):
                    m = jnp.maximum(m, vs[j])

                @pl.when(_popc(m > th)[0] > 0)
                def _():
                    base = c * CH + loc
                    for j in range(GRP):
                        v = vs[j]
                        msk = v > th
                        n = cnt_v[pl.ds(0, L)]
                        pos = n + plsc.cumsum(msk.astype(jnp.int32)) - 1
                        plsc.store_scatter(bvals, [pos], v, mask=msk)
                        plsc.store_scatter(keys, [pos], _key_of(v), mask=msk)
                        plsc.store_scatter(bidx, [pos], base + j * L + iota, mask=msk)
                        cnt_v[pl.ds(0, L)] = n + _popc(msk)

                    @pl.when(cnt_v[pl.ds(0, L)][0] >= TRIG)
                    def _():
                        compact()

                return 0

            lax.fori_loop(0, NGRP, grp_body, 0)

        issue(0, chunka, sema)
        issue(1, chunkb, semb)

        def pair_body(p, _):
            ca = 2 * p
            drain(chunka, sema)
            scan_chunk(chunka, ca)

            @pl.when(ca + 2 < NCH)
            def _():
                issue(ca + 2, chunka, sema)

            @pl.when(ca + 1 < NCH)
            def _():
                drain(chunkb, semb)
                scan_chunk(chunkb, ca + 1)

                @pl.when(ca + 3 < NCH)
                def _():
                    issue(ca + 3, chunkb, semb)

            return 0

        lax.fori_loop(0, (NCH + 1) // 2, pair_body, 0)

        select_topk()

        for q in range(3):
            gidx[pl.ds(q * L, L)] = selidx[pl.ds(q * L, L)]
        tail = jnp.full((L,), 48, jnp.int32) + iota
        tv = jnp.where(iota < K - 48, selidx[pl.ds(48, L)], 0)
        plsc.store_scatter(gidx, [tail], tv, mask=iota < KP - 48)

        cp = pltpu.async_copy(emb_hbm.at[gidx], rows, sem)

        v4 = [selvals[pl.ds(q * L, L)] for q in range(4)]
        mx = v4[0]
        for q in range(1, 4):
            mx = jnp.maximum(mx, v4[q])
        mxs = jnp.max(mx)
        e4 = [jnp.exp(v - mxs) for v in v4]
        z = e4[0]
        for q in range(1, 4):
            z = z + e4[q]
        zs = jnp.sum(z)
        zv = jnp.broadcast_to(zs, (L,))
        w4 = [e / zv for e in e4]

        cp.wait()

        def d_body(d, _):
            off = d * L
            acc = jnp.zeros((L,), jnp.float32)
            for g in range(4):
                wg = w4[g]
                for j in range(L):
                    k = g * L + j
                    if k >= K:
                        break
                    bc = wg.at[jnp.full((L,), j, jnp.int32)].get(
                        mode="promise_in_bounds")
                    acc = acc + bc * rows[k, pl.ds(off, L)]
            outv[pl.ds(off, L)] = acc
            return 0

        lax.fori_loop(0, D // L, d_body, 0)
        pltpu.sync_copy(outv, out_hbm.at[row])
        return 0

    lax.fori_loop(0, ROWS_PER_W, row_body, 0)


@jax.jit
def _mixer(logits, emb_weight):
    f = pl.kernel(
        _mixer_body,
        out_type=jax.ShapeDtypeStruct((B, D), jnp.float32),
        mesh=plsc.VectorSubcoreMesh(core_axis_name="c", subcore_axis_name="s"),
        compiler_params=pltpu.CompilerParams(needs_layout_passes=False),
        scratch_types=[
            pltpu.VMEM((CH,), jnp.float32),
            pltpu.VMEM((CH,), jnp.float32),
            pltpu.VMEM((BUF,), jnp.int32),
            pltpu.VMEM((BUF,), jnp.float32),
            pltpu.VMEM((BUF,), jnp.int32),
            pltpu.VMEM((64,), jnp.float32),
            pltpu.VMEM((64,), jnp.int32),
            pltpu.VMEM((64,), jnp.int32),
            pltpu.VMEM((KP,), jnp.int32),
            pltpu.VMEM((KP, D), jnp.float32),
            pltpu.VMEM((D,), jnp.float32),
            pltpu.VMEM((L,), jnp.int32),
            pltpu.VMEM((L,), jnp.float32),
            pltpu.SemaphoreType.DMA,
            pltpu.SemaphoreType.DMA,
            pltpu.SemaphoreType.DMA,
        ],
    )
    return f(logits, emb_weight)


def kernel(logits, emb_weight):
    assert logits.shape == (B, V) and emb_weight.shape == (V, D)
    return _mixer(logits, emb_weight)

# --- scband reference (transcript-rebuilt; emitter-appended) ---
"""Pipeline reference for scband-soft-thinking-mixer-7559142441428 (READ-ONLY COPY).

The authoritative reference and input builder live on the scoring server;
editing this copy changes nothing except your own understanding.
"""

import jax, jax.numpy as jnp
import numpy as np

D_MODEL = 2048
VOCAB = 128000
TOP_K = 50
TEMPERATURE = 1.0
RENORMALIZE = True
BATCH = 64


def setup_inputs(seed: int = 0) -> dict:
    key = jax.random.key(seed)
    k1, k2 = jax.random.split(key)
    logits = jax.random.normal(k1, (BATCH, VOCAB), dtype=jnp.float32)
    emb_weight = jax.random.normal(k2, (VOCAB, D_MODEL), dtype=jnp.float32) * 0.02
    return {"logits": logits, "emb_weight": emb_weight}


def reference(logits, emb_weight):
    # logits: [B, V]  -> treat as [B, 1, V] internally like the torch module
    is_2d = logits.ndim == 2
    if is_2d:
        logits = logits[:, None, :]
    B, T, V = logits.shape
    k = min(TOP_K, V)
    scaled = logits / TEMPERATURE
    probs = jax.nn.softmax(scaled, axis=-1)
    topk_weights, topk_indices = jax.lax.top_k(probs, k)  # [B, T, k]
    if RENORMALIZE:
        topk_weights = topk_weights / jnp.sum(topk_weights, axis=-1, keepdims=True)
    flat_indices = topk_indices.reshape(-1)
    flat_embeddings = jnp.take(emb_weight, flat_indices, axis=0)  # [B*T*k, d]
    d = emb_weight.shape[-1]
    embeddings = flat_embeddings.reshape(B, T, k, d)
    soft_emb = jnp.sum(topk_weights[..., None] * embeddings, axis=-2)  # [B, T, d]
    if is_2d:
        soft_emb = soft_emb[:, 0, :]
    return soft_emb

if __name__ == "__main__":
    import jax
    _d = setup_inputs()
    print(jax.jit(kernel)(*tuple(_d.values())))

</pallas_src>

<mosaic_0001>
#map = affine_map<(d0, d1) -> (0, 0)>
module attributes {stable_mosaic.version = 14 : i64} {
  func.func @_mixer_body(%arg0: i32, %arg1: i32, %arg2: memref<64x128000xf32, #tpu.memory_space<hbm>>, %arg3: memref<128000x2048xf32, #tpu.memory_space<hbm>>, %arg4: memref<64x2048xf32, #tpu.memory_space<hbm>>, %arg5: memref<5120xf32, #tpu.memory_space<vmem>>, %arg6: memref<5120xf32, #tpu.memory_space<vmem>>, %arg7: memref<512xi32, #tpu.memory_space<vmem>>, %arg8: memref<512xf32, #tpu.memory_space<vmem>>, %arg9: memref<512xi32, #tpu.memory_space<vmem>>, %arg10: memref<64xf32, #tpu.memory_space<vmem>>, %arg11: memref<64xi32, #tpu.memory_space<vmem>>, %arg12: memref<64xi32, #tpu.memory_space<vmem>>, %arg13: memref<56xi32, #tpu.memory_space<vmem>>, %arg14: memref<56x2048xf32, #tpu.memory_space<vmem>>, %arg15: memref<2048xf32, #tpu.memory_space<vmem>>, %arg16: memref<16xi32, #tpu.memory_space<vmem>>, %arg17: memref<16xf32, #tpu.memory_space<vmem>>, %arg18: memref<!tpu.dma_semaphore, #tpu.memory_space<semaphore_mem>>, %arg19: memref<!tpu.dma_semaphore, #tpu.memory_space<semaphore_mem>>, %arg20: memref<!tpu.dma_semaphore, #tpu.memory_space<semaphore_mem>>) attributes {dimension_semantics = [#tpu.dimension_semantics<core_parallel>, #tpu.dimension_semantics<subcore_parallel>], iteration_bounds = array<i64: 2, 16>, scalar_prefetch = 0 : i64, scratch_operands = 16 : i64, tpu.core_type = #tpu.core_type<sc_vector_subcore>, window_params = [{transform_indices = #map}, {transform_indices = #map}, {transform_indices = #map}]} {
    %mul3A = arith.constant 2 : i32
    %mul3A_0 = arith.muli %arg1, %mul3A : i32
    %add3A = arith.addi %mul3A_0, %arg0 : i32
    %iota3A = tpu.iota {dimensions = array<i32: 0>} : vector<16xi32>
    %broadcast_in_dim3A = arith.constant 0 : i32
    %broadcast_in_dim3A_1 = vector.broadcast %broadcast_in_dim3A : i32 to vector<16xi32>
    %broadcast_in_dim3A_2 = arith.constant -2147483648 : i32
    %broadcast_in_dim3A_3 = vector.broadcast %broadcast_in_dim3A_2 : i32 to vector<16xi32>
    %broadcast_in_dim3A_4 = arith.constant 0xFF800000 : f32
    %broadcast_in_dim3A_5 = vector.broadcast %broadcast_in_dim3A_4 : f32 to vector<16xf32>
    %scan3A = arith.constant 0 : i32
    %scan3A_6 = arith.constant 0 : i32
    %scan3A_7 = arith.constant 2 : i32
    %scan3A_8 = arith.addi %scan3A_6, %scan3A_7 : i32
    %scan3A_9 = arith.constant 1 : i32
    %scan3A_10 = scf.for %scan3A_12 = %scan3A_6 to %scan3A_8 step %scan3A_9 iter_args(%scan3A_13 = %scan3A) -> (i32)  : i32 {
      %mul3A_14 = arith.constant 2 : i32
      %mul3A_15 = arith.muli %add3A, %mul3A_14 : i32
      %add3A_16 = arith.addi %mul3A_15, %scan3A_12 : i32
      %swap3A = arith.constant 0 : index
      %swap3A_17 = tpu.vector_load %arg16[%swap3A] {strides = array<i32>} : memref<16xi32, #tpu.memory_space<vmem>>, vector<16xi32>,
      tpu.vector_store %arg16[%swap3A], %broadcast_in_dim3A_1 {strides = array<i32>} : memref<16xi32, #tpu.memory_space<vmem>>, vector<16xi32>,
      %swap3A_18 = arith.constant 0 : index
      %swap3A_19 = tpu.vector_load %arg17[%swap3A_18] {strides = array<i32>} : memref<16xf32, #tpu.memory_space<vmem>>, vector<16xf32>,
      tpu.vector_store %arg17[%swap3A_18], %broadcast_in_dim3A_5 {strides = array<i32>} : memref<16xf32, #tpu.memory_space<vmem>>, vector<16xf32>,
      %swap3A_20 = arith.constant 0 : index
      %swap3A_21 = tpu.vector_load %arg7[%swap3A_20] {strides = array<i32>} : memref<512xi32, #tpu.memory_space<vmem>>, vector<16xi32>,
      tpu.vector_store %arg7[%swap3A_20], %broadcast_in_dim3A_3 {strides = array<i32>} : memref<512xi32, #tpu.memory_space<vmem>>, vector<16xi32>,
      %swap3A_22 = arith.constant 16 : index
      %swap3A_23 = tpu.vector_load %arg7[%swap3A_22] {strides = array<i32>} : memref<512xi32, #tpu.memory_space<vmem>>, vector<16xi32>,
      tpu.vector_store %arg7[%swap3A_22], %broadcast_in_dim3A_3 {strides = array<i32>} : memref<512xi32, #tpu.memory_space<vmem>>, vector<16xi32>,
      %swap3A_24 = arith.constant 32 : index
      %swap3A_25 = tpu.vector_load %arg7[%swap3A_24] {strides = array<i32>} : memref<512xi32, #tpu.memory_space<vmem>>, vector<16xi32>,
      tpu.vector_store %arg7[%swap3A_24], %broadcast_in_dim3A_3 {strides = array<i32>} : memref<512xi32, #tpu.memory_space<vmem>>, vector<16xi32>,
      %swap3A_26 = arith.constant 48 : index
      %swap3A_27 = tpu.vector_load %arg7[%swap3A_26] {strides = array<i32>} : memref<512xi32, #tpu.memory_space<vmem>>, vector<16xi32>,
      tpu.vector_store %arg7[%swap3A_26], %broadcast_in_dim3A_3 {strides = array<i32>} : memref<512xi32, #tpu.memory_space<vmem>>, vector<16xi32>,
      %swap3A_28 = arith.constant 64 : index
      %swap3A_29 = tpu.vector_load %arg7[%swap3A_28] {strides = array<i32>} : memref<512xi32, #tpu.memory_space<vmem>>, vector<16xi32>,
      tpu.vector_store %arg7[%swap3A_28], %broadcast_in_dim3A_3 {strides = array<i32>} : memref<512xi32, #tpu.memory_space<vmem>>, vector<16xi32>,
      %swap3A_30 = arith.constant 80 : index
      %swap3A_31 = tpu.vector_load %arg7[%swap3A_30] {strides = array<i32>} : memref<512xi32, #tpu.memory_space<vmem>>, vector<16xi32>,
      tpu.vector_store %arg7[%swap3A_30], %broadcast_in_dim3A_3 {strides = array<i32>} : memref<512xi32, #tpu.memory_space<vmem>>, vector<16xi32>,
      %swap3A_32 = arith.constant 96 : index
      %swap3A_33 = tpu.vector_load %arg7[%swap3A_32] {strides = array<i32>} : memref<512xi32, #tpu.memory_space<vmem>>, vector<16xi32>,
      tpu.vector_store %arg7[%swap3A_32], %broadcast_in_dim3A_3 {strides = array<i32>} : memref<512xi32, #tpu.memory_space<vmem>>, vector<16xi32>,
      %swap3A_34 = arith.constant 112 : index
      %swap3A_35 = tpu.vector_load %arg7[%swap3A_34] {strides = array<i32>} : memref<512xi32, #tpu.memory_space<vmem>>, vector<16xi32>,
      tpu.vector_store %arg7[%swap3A_34], %broadcast_in_dim3A_3 {strides = array<i32>} : memref<512xi32, #tpu.memory_space<vmem>>, vector<16xi32>,
      %swap3A_36 = arith.constant 128 : index
      %swap3A_37 = tpu.vector_load %arg7[%swap3A_36] {strides = array<i32>} : memref<512xi32, #tpu.memory_space<vmem>>, vector<16xi32>,
      tpu.vector_store %arg7[%swap3A_36], %broadcast_in_dim3A_3 {strides = array<i32>} : memref<512xi32, #tpu.memory_space<vmem>>, vector<16xi32>,
      %swap3A_38 = arith.constant 144 : index
      %swap3A_39 = tpu.vector_load %arg7[%swap3A_38] {strides = array<i32>} : memref<512xi32, #tpu.memory_space<vmem>>, vector<16xi32>,
      tpu.vector_store %arg7[%swap3A_38], %broadcast_in_dim3A_3 {strides = array<i32>} : memref<512xi32, #tpu.memory_space<vmem>>, vector<16xi32>,
      %swap3A_40 = arith.constant 160 : index
      %swap3A_41 = tpu.vector_load %arg7[%swap3A_40] {strides = array<i32>} : memref<512xi32, #tpu.memory_space<vmem>>, vector<16xi32>,
      tpu.vector_store %arg7[%swap3A_40], %broadcast_in_dim3A_3 {strides = array<i32>} : memref<512xi32, #tpu.memory_space<vmem>>, vector<16xi32>,
      %swap3A_42 = arith.constant 176 : index
      %swap3A_43 = tpu.vector_load %arg7[%swap3A_42] {strides = array<i32>} : memref<512xi32, #tpu.memory_space<vmem>>, vector<16xi32>,
      tpu.vector_store %arg7[%swap3A_42], %broadcast_in_dim3A_3 {strides = array<i32>} : memref<512xi32, #tpu.memory_space<vmem>>, vector<16xi32>,
      %swap3A_44 = arith.constant 192 : index
      %swap3A_45 = tpu.vector_load %arg7[%swap3A_44] {strides = array<i32>} : memref<512xi32, #tpu.memory_space<vmem>>, vector<16xi32>,
      tpu.vector_store %arg7[%swap3A_44], %broadcast_in_dim3A_3 {strides = array<i32>} : memref<512xi32, #tpu.memory_space<vmem>>, vector<16xi32>,
      %swap3A_46 = arith.constant 208 : index
      %swap3A_47 = tpu.vector_load %arg7[%swap3A_46] {strides = array<i32>} : memref<512xi32, #tpu.memory_space<vmem>>, vector<16xi32>,
      tpu.vector_store %arg7[%swap3A_46], %broadcast_in_dim3A_3 {strides = array<i32>} : memref<512xi32, #tpu.memory_space<vmem>>, vector<16xi32>,
      %swap3A_48 = arith.constant 224 : index
      %swap3A_49 = tpu.vector_load %arg7[%swap3A_48] {strides = array<i32>} : memref<512xi32, #tpu.memory_space<vmem>>, vector<16xi32>,
      tpu.vector_store %arg7[%swap3A_48], %broadcast_in_dim3A_3 {strides = array<i32>} : memref<512xi32, #tpu.memory_space<vmem>>, vector<16xi32>,
      %swap3A_50 = arith.constant 240 : index
      %swap3A_51 = tpu.vector_load %arg7[%swap3A_50] {strides = array<i32>} : memref<512xi32, #tpu.memory_space<vmem>>, vector<16xi32>,
      tpu.vector_store %arg7[%swap3A_50], %broadcast_in_dim3A_3 {strides = array<i32>} : memref<512xi32, #tpu.memory_space<vmem>>, vector<16xi32>,
      %swap3A_52 = arith.constant 256 : index
      %swap3A_53 = tpu.vector_load %arg7[%swap3A_52] {strides = array<i32>} : memref<512xi32, #tpu.memory_space<vmem>>, vector<16xi32>,
      tpu.vector_store %arg7[%swap3A_52], %broadcast_in_dim3A_3 {strides = array<i32>} : memref<512xi32, #tpu.memory_space<vmem>>, vector<16xi32>,
      %swap3A_54 = arith.constant 272 : index
      %swap3A_55 = tpu.vector_load %arg7[%swap3A_54] {strides = array<i32>} : memref<512xi32, #tpu.memory_space<vmem>>, vector<16xi32>,
      tpu.vector_store %arg7[%swap3A_54], %broadcast_in_dim3A_3 {strides = array<i32>} : memref<512xi32, #tpu.memory_space<vmem>>, vector<16xi32>,
      %swap3A_56 = arith.constant 288 : index
      %swap3A_57 = tpu.vector_load %arg7[%swap3A_56] {strides = array<i32>} : memref<512xi32, #tpu.memory_space<vmem>>, vector<16xi32>,
      tpu.vector_store %arg7[%swap3A_56], %broadcast_in_dim3A_3 {strides = array<i32>} : memref<512xi32, #tpu.memory_space<vmem>>, vector<16xi32>,
      %swap3A_58 = arith.constant 304 : index
      %swap3A_59 = tpu.vector_load %arg7[%swap3A_58] {strides = array<i32>} : memref<512xi32, #tpu.memory_space<vmem>>, vector<16xi32>,
      tpu.vector_store %arg7[%swap3A_58], %broadcast_in_dim3A_3 {strides = array<i32>} : memref<512xi32, #tpu.memory_space<vmem>>, vector<16xi32>,
      %swap3A_60 = arith.constant 320 : index
      %swap3A_61 = tpu.vector_load %arg7[%swap3A_60] {strides = array<i32>} : memref<512xi32, #tpu.memory_space<vmem>>, vector<16xi32>,
      tpu.vector_store %arg7[%swap3A_60], %broadcast_in_dim3A_3 {strides = array<i32>} : memref<512xi32, #tpu.memory_space<vmem>>, vector<16xi32>,
      %swap3A_62 = arith.constant 336 : index
      %swap3A_63 = tpu.vector_load %arg7[%swap3A_62] {strides = array<i32>} : memref<512xi32, #tpu.memory_space<vmem>>, vector<16xi32>,
      tpu.vector_store %arg7[%swap3A_62], %broadcast_in_dim3A_3 {strides = array<i32>} : memref<512xi32, #tpu.memory_space<vmem>>, vector<16xi32>,
      %swap3A_64 = arith.constant 352 : index
      %swap3A_65 = tpu.vector_load %arg7[%swap3A_64] {strides = array<i32>} : memref<512xi32, #tpu.memory_space<vmem>>, vector<16xi32>,
      tpu.vector_store %arg7[%swap3A_64], %broadcast_in_dim3A_3 {strides = array<i32>} : memref<512xi32, #tpu.memory_space<vmem>>, vector<16xi32>,
      %swap3A_66 = arith.constant 368 : index
      %swap3A_67 = tpu.vector_load %arg7[%swap3A_66] {strides = array<i32>} : memref<512xi32, #tpu.memory_space<vmem>>, vector<16xi32>,
      tpu.vector_store %arg7[%swap3A_66], %broadcast_in_dim3A_3 {strides = array<i32>} : memref<512xi32, #tpu.memory_space<vmem>>, vector<16xi32>,
      %swap3A_68 = arith.constant 384 : index
      %swap3A_69 = tpu.vector_load %arg7[%swap3A_68] {strides = array<i32>} : memref<512xi32, #tpu.memory_space<vmem>>, vector<16xi32>,
      tpu.vector_store %arg7[%swap3A_68], %broadcast_in_dim3A_3 {strides = array<i32>} : memref<512xi32, #tpu.memory_space<vmem>>, vector<16xi32>,
      %swap3A_70 = arith.constant 400 : index
      %swap3A_71 = tpu.vector_load %arg7[%swap3A_70] {strides = array<i32>} : memref<512xi32, #tpu.memory_space<vmem>>, vector<16xi32>,
      tpu.vector_store %arg7[%swap3A_70], %broadcast_in_dim3A_3 {strides = array<i32>} : memref<512xi32, #tpu.memory_space<vmem>>, vector<16xi32>,
      %swap3A_72 = arith.constant 416 : index
      %swap3A_73 = tpu.vector_load %arg7[%swap3A_72] {strides = array<i32>} : memref<512xi32, #tpu.memory_space<vmem>>, vector<16xi32>,
      tpu.vector_store %arg7[%swap3A_72], %broadcast_in_dim3A_3 {strides = array<i32>} : memref<512xi32, #tpu.memory_space<vmem>>, vector<16xi32>,
      %swap3A_74 = arith.constant 432 : index
      %swap3A_75 = tpu.vector_load %arg7[%swap3A_74] {strides = array<i32>} : memref<512xi32, #tpu.memory_space<vmem>>, vector<16xi32>,
      tpu.vector_store %arg7[%swap3A_74], %broadcast_in_dim3A_3 {strides = array<i32>} : memref<512xi32, #tpu.memory_space<vmem>>, vector<16xi32>,
      %swap3A_76 = arith.constant 448 : index
      %swap3A_77 = tpu.vector_load %arg7[%swap3A_76] {strides = array<i32>} : memref<512xi32, #tpu.memory_space<vmem>>, vector<16xi32>,
      tpu.vector_store %arg7[%swap3A_76], %broadcast_in_dim3A_3 {strides = array<i32>} : memref<512xi32, #tpu.memory_space<vmem>>, vector<16xi32>,
      %swap3A_78 = arith.constant 464 : index
      %swap3A_79 = tpu.vector_load %arg7[%swap3A_78] {strides = array<i32>} : memref<512xi32, #tpu.memory_space<vmem>>, vector<16xi32>,
      tpu.vector_store %arg7[%swap3A_78], %broadcast_in_dim3A_3 {strides = array<i32>} : memref<512xi32, #tpu.memory_space<vmem>>, vector<16xi32>,
      %swap3A_80 = arith.constant 480 : index
      %swap3A_81 = tpu.vector_load %arg7[%swap3A_80] {strides = array<i32>} : memref<512xi32, #tpu.memory_space<vmem>>, vector<16xi32>,
      tpu.vector_store %arg7[%swap3A_80], %broadcast_in_dim3A_3 {strides = array<i32>} : memref<512xi32, #tpu.memory_space<vmem>>, vector<16xi32>,
      %swap3A_82 = arith.constant 496 : index
      %swap3A_83 = tpu.vector_load %arg7[%swap3A_82] {strides = array<i32>} : memref<512xi32, #tpu.memory_space<vmem>>, vector<16xi32>,
      tpu.vector_store %arg7[%swap3A_82], %broadcast_in_dim3A_3 {strides = array<i32>} : memref<512xi32, #tpu.memory_space<vmem>>, vector<16xi32>,
      %dma_start3A = arith.constant 0 : i32
      %dma_start3A_84 = tpu.memref_slice %arg2[%add3A_16, %dma_start3A] : memref<64x128000xf32, #tpu.memory_space<hbm>> -> memref<1x5120xf32, #tpu.memory_space<hbm>>
      %dma_start3A_85 = tpu.memref_squeeze %dma_start3A_84 : memref<1x5120xf32, #tpu.memory_space<hbm>> -> memref<5120xf32, #tpu.memory_space<hbm>>
      %dma_start3A_86 = arith.constant 0 : i32
      %dma_start3A_87 = tpu.memref_slice %arg2[%add3A_16, %dma_start3A_86] : memref<64x128000xf32, #tpu.memory_space<hbm>> -> memref<1x5120xf32, #tpu.memory_space<hbm>>
      %dma_start3A_88 = tpu.memref_squeeze %dma_start3A_87 : memref<1x5120xf32, #tpu.memory_space<hbm>> -> memref<5120xf32, #tpu.memory_space<hbm>>
      tpu.enqueue_dma source(%dma_start3A_88 : memref<5120xf32, #tpu.memory_space<hbm>>) target(%arg5 : memref<5120xf32, #tpu.memory_space<vmem>>) target_semaphore(%arg19 : memref<!tpu.dma_semaphore, #tpu.memory_space<semaphore_mem>>)
      %dma_start3A_89 = arith.constant 5120 : i32
      %dma_start3A_90 = tpu.memref_slice %arg2[%add3A_16, %dma_start3A_89] : memref<64x128000xf32, #tpu.memory_space<hbm>> -> memref<1x5120xf32, #tpu.memory_space<hbm>>
      %dma_start3A_91 = tpu.memref_squeeze %dma_start3A_90 : memref<1x5120xf32, #tpu.memory_space<hbm>> -> memref<5120xf32, #tpu.memory_space<hbm>>
      %dma_start3A_92 = arith.constant 5120 : i32
      %dma_start3A_93 = tpu.memref_slice %arg2[%add3A_16, %dma_start3A_92] : memref<64x128000xf32, #tpu.memory_space<hbm>> -> memref<1x5120xf32, #tpu.memory_space<hbm>>
      %dma_start3A_94 = tpu.memref_squeeze %dma_start3A_93 : memref<1x5120xf32, #tpu.memory_space<hbm>> -> memref<5120xf32, #tpu.memory_space<hbm>>
      tpu.enqueue_dma source(%dma_start3A_94 : memref<5120xf32, #tpu.memory_space<hbm>>) target(%arg6 : memref<5120xf32, #tpu.memory_space<vmem>>) target_semaphore(%arg20 : memref<!tpu.dma_semaphore, #tpu.memory_space<semaphore_mem>>)
      %scan3A_95 = arith.constant 0 : i32
      %scan3A_96 = arith.constant 0 : i32
      %scan3A_97 = arith.constant 13 : i32
      %scan3A_98 = arith.addi %scan3A_96, %scan3A_97 : i32
      %scan3A_99 = arith.constant 1 : i32
      %scan3A_100 = scf.for %scan3A_210 = %scan3A_96 to %scan3A_98 step %scan3A_99 iter_args(%scan3A_211 = %scan3A_95) -> (i32)  : i32 {
        %mul3A_212 = arith.constant 2 : i32
        %mul3A_213 = arith.muli %mul3A_212, %scan3A_210 : i32
        %dma_wait3A_214 = arith.constant 0 : i32
        %dma_wait3A_215 = tpu.memref_slice %arg2[%add3A_16, %dma_wait3A_214] : memref<64x128000xf32, #tpu.memory_space<hbm>> -> memref<1x5120xf32, #tpu.memory_space<hbm>>
        %dma_wait3A_216 = tpu.memref_squeeze %dma_wait3A_215 : memref<1x5120xf32, #tpu.memory_space<hbm>> -> memref<5120xf32, #tpu.memory_space<hbm>>
        %dma_wait3A_217 = arith.constant 0 : i32
        %dma_wait3A_218 = tpu.memref_slice %arg2[%add3A_16, %dma_wait3A_217] : memref<64x128000xf32, #tpu.memory_space<hbm>> -> memref<1x5120xf32, #tpu.memory_space<hbm>>
        %dma_wait3A_219 = tpu.memref_squeeze %dma_wait3A_218 : memref<1x5120xf32, #tpu.memory_space<hbm>> -> memref<5120xf32, #tpu.memory_space<hbm>>
        tpu.wait_dma2 semaphore(%arg19 : memref<!tpu.dma_semaphore, #tpu.memory_space<semaphore_mem>>) src(%dma_wait3A_219 : memref<5120xf32, #tpu.memory_space<hbm>>) dst(%arg5 : memref<5120xf32, #tpu.memory_space<vmem>>)
        %scan3A_220 = arith.constant 0 : i32
        %scan3A_221 = arith.constant 0 : i32
        %scan3A_222 = arith.constant 20 : i32
        %scan3A_223 = arith.addi %scan3A_221, %scan3A_222 : i32
        %scan3A_224 = arith.constant 1 : i32
        %scan3A_225 = scf.for %scan3A_240 = %scan3A_221 to %scan3A_223 step %scan3A_224 iter_args(%scan3A_241 = %scan3A_220) -> (i32)  : i32 {
          %mul3A_242 = arith.constant 256 : i32
          %mul3A_243 = arith.muli %scan3A_240, %mul3A_242 : i32
          %get3A_244 = arith.constant 0 : index
          %get3A_245 = tpu.vector_load %arg17[%get3A_244] {strides = array<i32>} : memref<16xf32, #tpu.memory_space<vmem>>, vector<16xf32>,
          %add3A_246 = arith.constant 0 : i32
          %add3A_247 = arith.addi %mul3A_243, %add3A_246 : i32
          %get3A_248 = arith.index_cast %add3A_247 : i32 to index
          %get3A_249 = tpu.vector_load %arg5[%get3A_248] {strides = array<i32>} : memref<5120xf32, #tpu.memory_space<vmem>>, vector<16xf32>,
          %add3A_250 = arith.constant 16 : i32
          %add3A_251 = arith.addi %mul3A_243, %add3A_250 : i32
          %get3A_252 = arith.index_cast %add3A_251 : i32 to index
          %get3A_253 = tpu.vector_load %arg5[%get3A_252] {strides = array<i32>} : memref<5120xf32, #tpu.memory_space<vmem>>, vector<16xf32>,
          %add3A_254 = arith.constant 32 : i32
          %add3A_255 = arith.addi %mul3A_243, %add3A_254 : i32
          %get3A_256 = arith.index_cast %add3A_255 : i32 to index
          %get3A_257 = tpu.vector_load %arg5[%get3A_256] {strides = array<i32>} : memref<5120xf32, #tpu.memory_space<vmem>>, vector<16xf32>,
          %add3A_258 = arith.constant 48 : i32
          %add3A_259 = arith.addi %mul3A_243, %add3A_258 : i32
          %get3A_260 = arith.index_cast %add3A_259 : i32 to index
          %get3A_261 = tpu.vector_load %arg5[%get3A_260] {strides = array<i32>} : memref<5120xf32, #tpu.memory_space<vmem>>, vector<16xf32>,
          %add3A_262 = arith.constant 64 : i32
          %add3A_263 = arith.addi %mul3A_243, %add3A_262 : i32
          %get3A_264 = arith.index_cast %add3A_263 : i32 to index
          %get3A_265 = tpu.vector_load %arg5[%get3A_264] {strides = array<i32>} : memref<5120xf32, #tpu.memory_space<vmem>>, vector<16xf32>,
          %add3A_266 = arith.constant 80 : i32
          %add3A_267 = arith.addi %mul3A_243, %add3A_266 : i32
          %get3A_268 = arith.index_cast %add3A_267 : i32 to index
          %get3A_269 = tpu.vector_load %arg5[%get3A_268] {strides = array<i32>} : memref<5120xf32, #tpu.memory_space<vmem>>, vector<16xf32>,
          %add3A_270 = arith.constant 96 : i32
          %add3A_271 = arith.addi %mul3A_243, %add3A_270 : i32
          %get3A_272 = arith.index_cast %add3A_271 : i32 to index
          %get3A_273 = tpu.vector_load %arg5[%get3A_272] {strides = array<i32>} : memref<5120xf32, #tpu.memory_space<vmem>>, vector<16xf32>,
          %add3A_274 = arith.constant 112 : i32
          %add3A_275 = arith.addi %mul3A_243, %add3A_274 : i32
          %get3A_276 = arith.index_cast %add3A_275 : i32 to index
          %get3A_277 = tpu.vector_load %arg5[%get3A_276] {strides = array<i32>} : memref<5120xf32, #tpu.memory_space<vmem>>, vector<16xf32>,
          %add3A_278 = arith.constant 128 : i32
          %add3A_279 = arith.addi %mul3A_243, %add3A_278 : i32
          %get3A_280 = arith.index_cast %add3A_279 : i32 to index
          %get3A_281 = tpu.vector_load %arg5[%get3A_280] {strides = array<i32>} : memref<5120xf32, #tpu.memory_space<vmem>>, vector<16xf32>,
          %add3A_282 = arith.constant 144 : i32
          %add3A_283 = arith.addi %mul3A_243, %add3A_282 : i32
          %get3A_284 = arith.index_cast %add3A_283 : i32 to index
          %get3A_285 = tpu.vector_load %arg5[%get3A_284] {strides = array<i32>} : memref<5120xf32, #tpu.memory_space<vmem>>, vector<16xf32>,
          %add3A_286 = arith.constant 160 : i32
          %add3A_287 = arith.addi %mul3A_243, %add3A_286 : i32
          %get3A_288 = arith.index_cast %add3A_287 : i32 to index
          %get3A_289 = tpu.vector_load %arg5[%get3A_288] {strides = array<i32>} : memref<5120xf32, #tpu.memory_space<vmem>>, vector<16xf32>,
          %add3A_290 = arith.constant 176 : i32
          %add3A_291 = arith.addi %mul3A_243, %add3A_290 : i32
          %get3A_292 = arith.index_cast %add3A_291 : i32 to index
          %get3A_293 = tpu.vector_load %arg5[%get3A_292] {strides = array<i32>} : memref<5120xf32, #tpu.memory_space<vmem>>, vector<16xf32>,
          %add3A_294 = arith.constant 192 : i32
          %add3A_295 = arith.addi %mul3A_243, %add3A_294 : i32
          %get3A_296 = arith.index_cast %add3A_295 : i32 to index
          %get3A_297 = tpu.vector_load %arg5[%get3A_296] {strides = array<i32>} : memref<5120xf32, #tpu.memory_space<vmem>>, vector<16xf32>,
          %add3A_298 = arith.constant 208 : i32
          %add3A_299 = arith.addi %mul3A_243, %add3A_298 : i32
          %get3A_300 = arith.index_cast %add3A_299 : i32 to index
          %get3A_301 = tpu.vector_load %arg5[%get3A_300] {strides = array<i32>} : memref<5120xf32, #tpu.memory_space<vmem>>, vector<16xf32>,
          %add3A_302 = arith.constant 224 : i32
          %add3A_303 = arith.addi %mul3A_243, %add3A_302 : i32
          %get3A_304 = arith.index_cast %add3A_303 : i32 to index
          %get3A_305 = tpu.vector_load %arg5[%get3A_304] {strides = array<i32>} : memref<5120xf32, #tpu.memory_space<vmem>>, vector<16xf32>,
          %add3A_306 = arith.constant 240 : i32
          %add3A_307 = arith.addi %mul3A_243, %add3A_306 : i32
          %get3A_308 = arith.index_cast %add3A_307 : i32 to index
          %get3A_309 = tpu.vector_load %arg5[%get3A_308] {strides = array<i32>} : memref<5120xf32, #tpu.memory_space<vmem>>, vector<16xf32>,
          %max3A_310 = arith.maximumf %get3A_249, %get3A_253 : vector<16xf32>
          %max3A_311 = arith.maximumf %max3A_310, %get3A_257 : vector<16xf32>
          %max3A_312 = arith.maximumf %max3A_311, %get3A_261 : vector<16xf32>
          %max3A_313 = arith.maximumf %max3A_312, %get3A_265 : vector<16xf32>
          %max3A_314 = arith.maximumf %max3A_313, %get3A_269 : vector<16xf32>
          %max3A_315 = arith.maximumf %max3A_314, %get3A_273 : vector<16xf32>
          %max3A_316 = arith.maximumf %max3A_315, %get3A_277 : vector<16xf32>
          %max3A_317 = arith.maximumf %max3A_316, %get3A_281 : vector<16xf32>
          %max3A_318 = arith.maximumf %max3A_317, %get3A_285 : vector<16xf32>
          %max3A_319 = arith.maximumf %max3A_318, %get3A_289 : vector<16xf32>
          %max3A_320 = arith.maximumf %max3A_319, %get3A_293 : vector<16xf32>
          %max3A_321 = arith.maximumf %max3A_320, %get3A_297 : vector<16xf32>
          %max3A_322 = arith.maximumf %max3A_321, %get3A_301 : vector<16xf32>
          %max3A_323 = arith.maximumf %max3A_322, %get3A_305 : vector<16xf32>
          %max3A_324 = arith.maximumf %max3A_323, %get3A_309 : vector<16xf32>
          %gt3A = arith.cmpf ogt, %max3A_324, %get3A_245 : vector<16xf32>
          %all_reduce_population_count3A = tpu.all_reduce %gt3A {dim = 0 : i64, kind = #tpu.reduction_kind<sum>} : vector<16xi1> -> vector<16xi32>
          %slice3A_325 = vector.extract_strided_slice %all_reduce_population_count3A {offsets = [0], sizes = [1], strides = [1]} : vector<16xi32> to vector<1xi32>
          %squeeze3A_326 = vector.extract %slice3A_325[0] : i32 from vector<1xi32>
          %gt3A_327 = arith.constant 0 : i32
          %gt3A_328 = arith.cmpi sgt, %squeeze3A_326, %gt3A_327 : i32
          %convert_element_type3A_329 = arith.extui %gt3A_328 : i1 to i32
          %cond3A_330 = arith.constant 0 : i32
          %cond3A_331 = arith.cmpi ne, %convert_element_type3A_329, %cond3A_330 : i32
          scf.if %cond3A_331 {
            %mul3A_333 = arith.constant 5120 : i32
            %mul3A_334 = arith.muli %mul3A_213, %mul3A_333 : i32
            %add3A_335 = arith.addi %mul3A_334, %mul3A_243 : i32
            %gt3A_336 = arith.cmpf ogt, %get3A_249, %get3A_245 : vector<16xf32>
            %get3A_337 = arith.constant 0 : index
            %get3A_338 = tpu.vector_load %arg16[%get3A_337] {strides = array<i32>} : memref<16xi32, #tpu.memory_space<vmem>>, vector<16xi32>,
            %convert_element_type3A_339 = arith.extui %gt3A_336 : vector<16xi1> to vector<16xi32>
            %broadcast_in_dim3A_340 = arith.constant true
            %broadcast_in_dim3A_341 = vector.broadcast %broadcast_in_dim3A_340 : i1 to vector<16xi1>
            %masked_cumsum3A = tpu.scan <sum>, %convert_element_type3A_339 masked %broadcast_in_dim3A_341 : vector<16xi32>, vector<16xi1> -> vector<16xi32>
            %add3A_342 = arith.addi %get3A_338, %masked_cumsum3A : vector<16xi32>
            %sub3A_343 = arith.constant 1 : i32
            %sub3A_344 = vector.broadcast %sub3A_343 : i32 to vector<16xi32>
            %sub3A_345 = arith.subi %add3A_342, %sub3A_344 : vector<16xi32>
            tpu.vector_store_idx %arg8[%sub3A_345], %get3A_249 masked %gt3A_336 : memref<512xf32, #tpu.memory_space<vmem>>[vector<16xi32>], vector<16xf32>, vector<16xi1>
            %bitcast3A_346 = vector.bitcast %get3A_249 : vector<16xf32> to vector<16xi32>
            %lt3A_347 = arith.constant 0 : i32
            %lt3A_348 = vector.broadcast %lt3A_347 : i32 to vector<16xi32>
            %lt3A_349 = arith.cmpi slt, %bitcast3A_346, %lt3A_348 : vector<16xi32>
            %not3A = arith.constant dense<-1> : vector<16xi32>
            %not3A_350 = arith.xori %bitcast3A_346, %not3A : vector<16xi32>
            %xor3A_351 = arith.constant -2147483648 : i32
            %xor3A_352 = vector.broadcast %xor3A_351 : i32 to vector<16xi32>
            %xor3A_353 = arith.xori %not3A_350, %xor3A_352 : vector<16xi32>
            %select_n3A_354 = arith.select %lt3A_349, %xor3A_353, %bitcast3A_346 : vector<16xi1>, vector<16xi32>
            tpu.vector_store_idx %arg7[%sub3A_345], %select_n3A_354 masked %gt3A_336 : memref<512xi32, #tpu.memory_space<vmem>>[vector<16xi32>], vector<16xi32>, vector<16xi1>
            %add3A_355 = arith.constant 0 : i32
            %add3A_356 = arith.addi %add3A_335, %add3A_355 : i32
            %add3A_357 = vector.broadcast %add3A_356 : i32 to vector<16xi32>
            %add3A_358 = arith.addi %add3A_357, %iota3A : vector<16xi32>
            tpu.vector_store_idx %arg9[%sub3A_345], %add3A_358 masked %gt3A_336 : memref<512xi32, #tpu.memory_space<vmem>>[vector<16xi32>], vector<16xi32>, vector<16xi1>
            %all_reduce_population_count3A_359 = tpu.all_reduce %gt3A_336 {dim = 0 : i64, kind = #tpu.reduction_kind<sum>} : vector<16xi1> -> vector<16xi32>
            %add3A_360 = arith.addi %get3A_338, %all_reduce_population_count3A_359 : vector<16xi32>
            %swap3A_361 = arith.constant 0 : index
            %swap3A_362 = tpu.vector_load %arg16[%swap3A_361] {strides = array<i32>} : memref<16xi32, #tpu.memory_space<vmem>>, vector<16xi32>,
            tpu.vector_store %arg16[%swap3A_361], %add3A_360 {strides = array<i32>} : memref<16xi32, #tpu.memory_space<vmem>>, vector<16xi32>,
            %gt3A_363 = arith.cmpf ogt, %get3A_253, %get3A_245 : vector<16xf32>
            %get3A_364 = arith.constant 0 : index
            %get3A_365 = tpu.vector_load %arg16[%get3A_364] {strides = array<i32>} : memref<16xi32, #tpu.memory_space<vmem>>, vector<16xi32>,
            %convert_element_type3A_366 = arith.extui %gt3A_363 : vector<16xi1> to vector<16xi32>
            %broadcast_in_dim3A_367 = arith.constant true
            %broadcast_in_dim3A_368 = vector.broadcast %broadcast_in_dim3A_367 : i1 to vector<16xi1>
            %masked_cumsum3A_369 = tpu.scan <sum>, %convert_element_type3A_366 masked %broadcast_in_dim3A_368 : vector<16xi32>, vector<16xi1> -> vector<16xi32>
            %add3A_370 = arith.addi %get3A_365, %masked_cumsum3A_369 : vector<16xi32>
            %sub3A_371 = arith.constant 1 : i32
            %sub3A_372 = vector.broadcast %sub3A_371 : i32 to vector<16xi32>
            %sub3A_373 = arith.subi %add3A_370, %sub3A_372 : vector<16xi32>
            tpu.vector_store_idx %arg8[%sub3A_373], %get3A_253 masked %gt3A_363 : memref<512xf32, #tpu.memory_space<vmem>>[vector<16xi32>], vector<16xf32>, vector<16xi1>
            %bitcast3A_374 = vector.bitcast %get3A_253 : vector<16xf32> to vector<16xi32>
            %lt3A_375 = arith.constant 0 : i32
            %lt3A_376 = vector.broadcast %lt3A_375 : i32 to vector<16xi32>
            %lt3A_377 = arith.cmpi slt, %bitcast3A_374, %lt3A_376 : vector<16xi32>
            %not3A_378 = arith.constant dense<-1> : vector<16xi32>
            %not3A_379 = arith.xori %bitcast3A_374, %not3A_378 : vector<16xi32>
            %xor3A_380 = arith.constant -2147483648 : i32
            %xor3A_381 = vector.broadcast %xor3A_380 : i32 to vector<16xi32>
            %xor3A_382 = arith.xori %not3A_379, %xor3A_381 : vector<16xi32>
            %select_n3A_383 = arith.select %lt3A_377, %xor3A_382, %bitcast3A_374 : vector<16xi1>, vector<16xi32>
            tpu.vector_store_idx %arg7[%sub3A_373], %select_n3A_383 masked %gt3A_363 : memref<512xi32, #tpu.memory_space<vmem>>[vector<16xi32>], vector<16xi32>, vector<16xi1>
            %add3A_384 = arith.constant 16 : i32
            %add3A_385 = arith.addi %add3A_335, %add3A_384 : i32
            %add3A_386 = vector.broadcast %add3A_385 : i32 to vector<16xi32>
            %add3A_387 = arith.addi %add3A_386, %iota3A : vector<16xi32>
            tpu.vector_store_idx %arg9[%sub3A_373], %add3A_387 masked %gt3A_363 : memref<512xi32, #tpu.memory_space<vmem>>[vector<16xi32>], vector<16xi32>, vector<16xi1>
            %all_reduce_population_count3A_388 = tpu.all_reduce %gt3A_363 {dim = 0 : i64, kind = #tpu.reduction_kind<sum>} : vector<16xi1> -> vector<16xi32>
            %add3A_389 = arith.addi %get3A_365, %all_reduce_population_count3A_388 : vector<16xi32>
            %swap3A_390 = arith.constant 0 : index
            %swap3A_391 = tpu.vector_load %arg16[%swap3A_390] {strides = array<i32>} : memref<16xi32, #tpu.memory_space<vmem>>, vector<16xi32>,
            tpu.vector_store %arg16[%swap3A_390], %add3A_389 {strides = array<i32>} : memref<16xi32, #tpu.memory_space<vmem>>, vector<16xi32>,
            %gt3A_392 = arith.cmpf ogt, %get3A_257, %get3A_245 : vector<16xf32>
            %get3A_393 = arith.constant 0 : index
            %get3A_394 = tpu.vector_load %arg16[%get3A_393] {strides = array<i32>} : memref<16xi32, #tpu.memory_space<vmem>>, vector<16xi32>,
            %convert_element_type3A_395 = arith.extui %gt3A_392 : vector<16xi1> to vector<16xi32>
            %broadcast_in_dim3A_396 = arith.constant true
            %broadcast_in_dim3A_397 = vector.broadcast %broadcast_in_dim3A_396 : i1 to vector<16xi1>
            %masked_cumsum3A_398 = tpu.scan <sum>, %convert_element_type3A_395 masked %broadcast_in_dim3A_397 : vector<16xi32>, vector<16xi1> -> vector<16xi32>
            %add3A_399 = arith.addi %get3A_394, %masked_cumsum3A_398 : vector<16xi32>
            %sub3A_400 = arith.constant 1 : i32
            %sub3A_401 = vector.broadcast %sub3A_400 : i32 to vector<16xi32>
            %sub3A_402 = arith.subi %add3A_399, %sub3A_401 : vector<16xi32>
            tpu.vector_store_idx %arg8[%sub3A_402], %get3A_257 masked %gt3A_392 : memref<512xf32, #tpu.memory_space<vmem>>[vector<16xi32>], vector<16xf32>, vector<16xi1>
            %bitcast3A_403 = vector.bitcast %get3A_257 : vector<16xf32> to vector<16xi32>
            %lt3A_404 = arith.constant 0 : i32
            %lt3A_405 = vector.broadcast %lt3A_404 : i32 to vector<16xi32>
            %lt3A_406 = arith.cmpi slt, %bitcast3A_403, %lt3A_405 : vector<16xi32>
            %not3A_407 = arith.constant dense<-1> : vector<16xi32>
            %not3A_408 = arith.xori %bitcast3A_403, %not3A_407 : vector<16xi32>
            %xor3A_409 = arith.constant -2147483648 : i32
            %xor3A_410 = vector.broadcast %xor3A_409 : i32 to vector<16xi32>
            %xor3A_411 = arith.xori %not3A_408, %xor3A_410 : vector<16xi32>
            %select_n3A_412 = arith.select %lt3A_406, %xor3A_411, %bitcast3A_403 : vector<16xi1>, vector<16xi32>
            tpu.vector_store_idx %arg7[%sub3A_402], %select_n3A_412 masked %gt3A_392 : memref<512xi32, #tpu.memory_space<vmem>>[vector<16xi32>], vector<16xi32>, vector<16xi1>
            %add3A_413 = arith.constant 32 : i32
            %add3A_414 = arith.addi %add3A_335, %add3A_413 : i32
            %add3A_415 = vector.broadcast %add3A_414 : i32 to vector<16xi32>
            %add3A_416 = arith.addi %add3A_415, %iota3A : vector<16xi32>
            tpu.vector_store_idx %arg9[%sub3A_402], %add3A_416 masked %gt3A_392 : memref<512xi32, #tpu.memory_space<vmem>>[vector<16xi32>], vector<16xi32>, vector<16xi1>
            %all_reduce_population_count3A_417 = tpu.all_reduce %gt3A_392 {dim = 0 : i64, kind = #tpu.reduction_kind<sum>} : vector<16xi1> -> vector<16xi32>
            %add3A_418 = arith.addi %get3A_394, %all_reduce_population_count3A_417 : vector<16xi32>
            %swap3A_419 = arith.constant 0 : index
            %swap3A_420 = tpu.vector_load %arg16[%swap3A_419] {strides = array<i32>} : memref<16xi32, #tpu.memory_space<vmem>>, vector<16xi32>,
            tpu.vector_store %arg16[%swap3A_419], %add3A_418 {strides = array<i32>} : memref<16xi32, #tpu.memory_space<vmem>>, vector<16xi32>,
            %gt3A_421 = arith.cmpf ogt, %get3A_261, %get3A_245 : vector<16xf32>
            %get3A_422 = arith.constant 0 : index
            %get3A_423 = tpu.vector_load %arg16[%get3A_422] {strides = array<i32>} : memref<16xi32, #tpu.memory_space<vmem>>, vector<16xi32>,
            %convert_element_type3A_424 = arith.extui %gt3A_421 : vector<16xi1> to vector<16xi32>
            %broadcast_in_dim3A_425 = arith.constant true
            %broadcast_in_dim3A_426 = vector.broadcast %broadcast_in_dim3A_425 : i1 to vector<16xi1>
            %masked_cumsum3A_427 = tpu.scan <sum>, %convert_element_type3A_424 masked %broadcast_in_dim3A_426 : vector<16xi32>, vector<16xi1> -> vector<16xi32>
            %add3A_428 = arith.addi %get3A_423, %masked_cumsum3A_427 : vector<16xi32>
            %sub3A_429 = arith.constant 1 : i32
            %sub3A_430 = vector.broadcast %sub3A_429 : i32 to vector<16xi32>
            %sub3A_431 = arith.subi %add3A_428, %sub3A_430 : vector<16xi32>
            tpu.vector_store_idx %arg8[%sub3A_431], %get3A_261 masked %gt3A_421 : memref<512xf32, #tpu.memory_space<vmem>>[vector<16xi32>], vector<16xf32>, vector<16xi1>
            %bitcast3A_432 = vector.bitcast %get3A_261 : vector<16xf32> to vector<16xi32>
            %lt3A_433 = arith.constant 0 : i32
            %lt3A_434 = vector.broadcast %lt3A_433 : i32 to vector<16xi32>
            %lt3A_435 = arith.cmpi slt, %bitcast3A_432, %lt3A_434 : vector<16xi32>
            %not3A_436 = arith.constant dense<-1> : vector<16xi32>
            %not3A_437 = arith.xori %bitcast3A_432, %not3A_436 : vector<16xi32>
            %xor3A_438 = arith.constant -2147483648 : i32
            %xor3A_439 = vector.broadcast %xor3A_438 : i32 to vector<16xi32>
            %xor3A_440 = arith.xori %not3A_437, %xor3A_439 : vector<16xi32>
            %select_n3A_441 = arith.select %lt3A_435, %xor3A_440, %bitcast3A_432 : vector<16xi1>, vector<16xi32>
            tpu.vector_store_idx %arg7[%sub3A_431], %select_n3A_441 masked %gt3A_421 : memref<512xi32, #tpu.memory_space<vmem>>[vector<16xi32>], vector<16xi32>, vector<16xi1>
            %add3A_442 = arith.constant 48 : i32
            %add3A_443 = arith.addi %add3A_335, %add3A_442 : i32
            %add3A_444 = vector.broadcast %add3A_443 : i32 to vector<16xi32>
            %add3A_445 = arith.addi %add3A_444, %iota3A : vector<16xi32>
            tpu.vector_store_idx %arg9[%sub3A_431], %add3A_445 masked %gt3A_421 : memref<512xi32, #tpu.memory_space<vmem>>[vector<16xi32>], vector<16xi32>, vector<16xi1>
            %all_reduce_population_count3A_446 = tpu.all_reduce %gt3A_421 {dim = 0 : i64, kind = #tpu.reduction_kind<sum>} : vector<16xi1> -> vector<16xi32>
            %add3A_447 = arith.addi %get3A_423, %all_reduce_population_count3A_446 : vector<16xi32>
            %swap3A_448 = arith.constant 0 : index
            %swap3A_449 = tpu.vector_load %arg16[%swap3A_448] {strides = array<i32>} : memref<16xi32, #tpu.memory_space<vmem>>, vector<16xi32>,
            tpu.vector_store %arg16[%swap3A_448], %add3A_447 {strides = array<i32>} : memref<16xi32, #tpu.memory_space<vmem>>, vector<16xi32>,
            %gt3A_450 = arith.cmpf ogt, %get3A_265, %get3A_245 : vector<16xf32>
            %get3A_451 = arith.constant 0 : index
            %get3A_452 = tpu.vector_load %arg16[%get3A_451] {strides = array<i32>} : memref<16xi32, #tpu.memory_space<vmem>>, vector<16xi32>,
            %convert_element_type3A_453 = arith.extui %gt3A_450 : vector<16xi1> to vector<16xi32>
            %broadcast_in_dim3A_454 = arith.constant true
            %broadcast_in_dim3A_455 = vector.broadcast %broadcast_in_dim3A_454 : i1 to vector<16xi1>
            %masked_cumsum3A_456 = tpu.scan <sum>, %convert_element_type3A_453 masked %broadcast_in_dim3A_455 : vector<16xi32>, vector<16xi1> -> vector<16xi32>
            %add3A_457 = arith.addi %get3A_452, %masked_cumsum3A_456 : vector<16xi32>
            %sub3A_458 = arith.constant 1 : i32
            %sub3A_459 = vector.broadcast %sub3A_458 : i32 to vector<16xi32>
            %sub3A_460 = arith.subi %add3A_457, %sub3A_459 : vector<16xi32>
            tpu.vector_store_idx %arg8[%sub3A_460], %get3A_265 masked %gt3A_450 : memref<512xf32, #tpu.memory_space<vmem>>[vector<16xi32>], vector<16xf32>, vector<16xi1>
            %bitcast3A_461 = vector.bitcast %get3A_265 : vector<16xf32> to vector<16xi32>
            %lt3A_462 = arith.constant 0 : i32
            %lt3A_463 = vector.broadcast %lt3A_462 : i32 to vector<16xi32>
            %lt3A_464 = arith.cmpi slt, %bitcast3A_461, %lt3A_463 : vector<16xi32>
            %not3A_465 = arith.constant dense<-1> : vector<16xi32>
            %not3A_466 = arith.xori %bitcast3A_461, %not3A_465 : vector<16xi32>
            %xor3A_467 = arith.constant -2147483648 : i32
            %xor3A_468 = vector.broadcast %xor3A_467 : i32 to vector<16xi32>
            %xor3A_469 = arith.xori %not3A_466, %xor3A_468 : vector<16xi32>
            %select_n3A_470 = arith.select %lt3A_464, %xor3A_469, %bitcast3A_461 : vector<16xi1>, vector<16xi32>
            tpu.vector_store_idx %arg7[%sub3A_460], %select_n3A_470 masked %gt3A_450 : memref<512xi32, #tpu.memory_space<vmem>>[vector<16xi32>], vector<16xi32>, vector<16xi1>
            %add3A_471 = arith.constant 64 : i32
            %add3A_472 = arith.addi %add3A_335, %add3A_471 : i32
            %add3A_473 = vector.broadcast %add3A_472 : i32 to vector<16xi32>
            %add3A_474 = arith.addi %add3A_473, %iota3A : vector<16xi32>
            tpu.vector_store_idx %arg9[%sub3A_460], %add3A_474 masked %gt3A_450 : memref<512xi32, #tpu.memory_space<vmem>>[vector<16xi32>], vector<16xi32>, vector<16xi1>
            %all_reduce_population_count3A_475 = tpu.all_reduce %gt3A_450 {dim = 0 : i64, kind = #tpu.reduction_kind<sum>} : vector<16xi1> -> vector<16xi32>
            %add3A_476 = arith.addi %get3A_452, %all_reduce_population_count3A_475 : vector<16xi32>
            %swap3A_477 = arith.constant 0 : index
            %swap3A_478 = tpu.vector_load %arg16[%swap3A_477] {strides = array<i32>} : memref<16xi32, #tpu.memory_space<vmem>>, vector<16xi32>,
            tpu.vector_store %arg16[%swap3A_477], %add3A_476 {strides = array<i32>} : memref<16xi32, #tpu.memory_space<vmem>>, vector<16xi32>,
            %gt3A_479 = arith.cmpf ogt, %get3A_269, %get3A_245 : vector<16xf32>
            %get3A_480 = arith.constant 0 : index
            %get3A_481 = tpu.vector_load %arg16[%get3A_480] {strides = array<i32>} : memref<16xi32, #tpu.memory_space<vmem>>, vector<16xi32>,
            %convert_element_type3A_482 = arith.extui %gt3A_479 : vector<16xi1> to vector<16xi32>
            %broadcast_in_dim3A_483 = arith.constant true
            %broadcast_in_dim3A_484 = vector.broadcast %broadcast_in_dim3A_483 : i1 to vector<16xi1>
            %masked_cumsum3A_485 = tpu.scan <sum>, %convert_element_type3A_482 masked %broadcast_in_dim3A_484 : vector<16xi32>, vector<16xi1> -> vector<16xi32>
            %add3A_486 = arith.addi %get3A_481, %masked_cumsum3A_485 : vector<16xi32>
            %sub3A_487 = arith.constant 1 : i32
            %sub3A_488 = vector.broadcast %sub3A_487 : i32 to vector<16xi32>
            %sub3A_489 = arith.subi %add3A_486, %sub3A_488 : vector<16xi32>
            tpu.vector_store_idx %arg8[%sub3A_489], %get3A_269 masked %gt3A_479 : memref<512xf32, #tpu.memory_space<vmem>>[vector<16xi32>], vector<16xf32>, vector<16xi1>
            %bitcast3A_490 = vector.bitcast %get3A_269 : vector<16xf32> to vector<16xi32>
            %lt3A_491 = arith.constant 0 : i32
            %lt3A_492 = vector.broadcast %lt3A_491 : i32 to vector<16xi32>
            %lt3A_493 = arith.cmpi slt, %bitcast3A_490, %lt3A_492 : vector<16xi32>
            %not3A_494 = arith.constant dense<-1> : vector<16xi32>
            %not3A_495 = arith.xori %bitcast3A_490, %not3A_494 : vector<16xi32>
            %xor3A_496 = arith.constant -2147483648 : i32
            %xor3A_497 = vector.broadcast %xor3A_496 : i32 to vector<16xi32>
            %xor3A_498 = arith.xori %not3A_495, %xor3A_497 : vector<16xi32>
            %select_n3A_499 = arith.select %lt3A_493, %xor3A_498, %bitcast3A_490 : vector<16xi1>, vector<16xi32>
            tpu.vector_store_idx %arg7[%sub3A_489], %select_n3A_499 masked %gt3A_479 : memref<512xi32, #tpu.memory_space<vmem>>[vector<16xi32>], vector<16xi32>, vector<16xi1>
            %add3A_500 = arith.constant 80 : i32
            %add3A_501 = arith.addi %add3A_335, %add3A_500 : i32
            %add3A_502 = vector.broadcast %add3A_501 : i32 to vector<16xi32>
            %add3A_503 = arith.addi %add3A_502, %iota3A : vector<16xi32>
            tpu.vector_store_idx %arg9[%sub3A_489], %add3A_503 masked %gt3A_479 : memref<512xi32, #tpu.memory_space<vmem>>[vector<16xi32>], vector<16xi32>, vector<16xi1>
            %all_reduce_population_count3A_504 = tpu.all_reduce %gt3A_479 {dim = 0 : i64, kind = #tpu.reduction_kind<sum>} : vector<16xi1> -> vector<16xi32>
            %add3A_505 = arith.addi %get3A_481, %all_reduce_population_count3A_504 : vector<16xi32>
            %swap3A_506 = arith.constant 0 : index
            %swap3A_507 = tpu.vector_load %arg16[%swap3A_506] {strides = array<i32>} : memref<16xi32, #tpu.memory_space<vmem>>, vector<16xi32>,
            tpu.vector_store %arg16[%swap3A_506], %add3A_505 {strides = array<i32>} : memref<16xi32, #tpu.memory_space<vmem>>, vector<16xi32>,
            %gt3A_508 = arith.cmpf ogt, %get3A_273, %get3A_245 : vector<16xf32>
            %get3A_509 = arith.constant 0 : index
            %get3A_510 = tpu.vector_load %arg16[%get3A_509] {strides = array<i32>} : memref<16xi32, #tpu.memory_space<vmem>>, vector<16xi32>,
            %convert_element_type3A_511 = arith.extui %gt3A_508 : vector<16xi1> to vector<16xi32>
            %broadcast_in_dim3A_512 = arith.constant true
            %broadcast_in_dim3A_513 = vector.broadcast %broadcast_in_dim3A_512 : i1 to vector<16xi1>
            %masked_cumsum3A_514 = tpu.scan <sum>, %convert_element_type3A_511 masked %broadcast_in_dim3A_513 : vector<16xi32>, vector<16xi1> -> vector<16xi32>
            %add3A_515 = arith.addi %get3A_510, %masked_cumsum3A_514 : vector<16xi32>
            %sub3A_516 = arith.constant 1 : i32
            %sub3A_517 = vector.broadcast %sub3A_516 : i32 to vector<16xi32>
            %sub3A_518 = arith.subi %add3A_515, %sub3A_517 : vector<16xi32>
            tpu.vector_store_idx %arg8[%sub3A_518], %get3A_273 masked %gt3A_508 : memref<512xf32, #tpu.memory_space<vmem>>[vector<16xi32>], vector<16xf32>, vector<16xi1>
            %bitcast3A_519 = vector.bitcast %get3A_273 : vector<16xf32> to vector<16xi32>
            %lt3A_520 = arith.constant 0 : i32
            %lt3A_521 = vector.broadcast %lt3A_520 : i32 to vector<16xi32>
            %lt3A_522 = arith.cmpi slt, %bitcast3A_519, %lt3A_521 : vector<16xi32>
            %not3A_523 = arith.constant dense<-1> : vector<16xi32>
            %not3A_524 = arith.xori %bitcast3A_519, %not3A_523 : vector<16xi32>
            %xor3A_525 = arith.constant -2147483648 : i32
            %xor3A_526 = vector.broadcast %xor3A_525 : i32 to vector<16xi32>
            %xor3A_527 = arith.xori %not3A_524, %xor3A_526 : vector<16xi32>
            %select_n3A_528 = arith.select %lt3A_522, %xor3A_527, %bitcast3A_519 : vector<16xi1>, vector<16xi32>
            tpu.vector_store_idx %arg7[%sub3A_518], %select_n3A_528 masked %gt3A_508 : memref<512xi32, #tpu.memory_space<vmem>>[vector<16xi32>], vector<16xi32>, vector<16xi1>
            %add3A_529 = arith.constant 96 : i32
            %add3A_530 = arith.addi %add3A_335, %add3A_529 : i32
            %add3A_531 = vector.broadcast %add3A_530 : i32 to vector<16xi32>
            %add3A_532 = arith.addi %add3A_531, %iota3A : vector<16xi32>
            tpu.vector_store_idx %arg9[%sub3A_518], %add3A_532 masked %gt3A_508 : memref<512xi32, #tpu.memory_space<vmem>>[vector<16xi32>], vector<16xi32>, vector<16xi1>
            %all_reduce_population_count3A_533 = tpu.all_reduce %gt3A_508 {dim = 0 : i64, kind = #tpu.reduction_kind<sum>} : vector<16xi1> -> vector<16xi32>
            %add3A_534 = arith.addi %get3A_510, %all_reduce_population_count3A_533 : vector<16xi32>
            %swap3A_535 = arith.constant 0 : index
            %swap3A_536 = tpu.vector_load %arg16[%swap3A_535] {strides = array<i32>} : memref<16xi32, #tpu.memory_space<vmem>>, vector<16xi32>,
            tpu.vector_store %arg16[%swap3A_535], %add3A_534 {strides = array<i32>} : memref<16xi32, #tpu.memory_space<vmem>>, vector<16xi32>,
            %gt3A_537 = arith.cmpf ogt, %get3A_277, %get3A_245 : vector<16xf32>
            %get3A_538 = arith.constant 0 : index
            %get3A_539 = tpu.vector_load %arg16[%get3A_538] {strides = array<i32>} : memref<16xi32, #tpu.memory_space<vmem>>, vector<16xi32>,
            %convert_element_type3A_540 = arith.extui %gt3A_537 : vector<16xi1> to vector<16xi32>
            %broadcast_in_dim3A_541 = arith.constant true
            %broadcast_in_dim3A_542 = vector.broadcast %broadcast_in_dim3A_541 : i1 to vector<16xi1>
            %masked_cumsum3A_543 = tpu.scan <sum>, %convert_element_type3A_540 masked %broadcast_in_dim3A_542 : vector<16xi32>, vector<16xi1> -> vector<16xi32>
            %add3A_544 = arith.addi %get3A_539, %masked_cumsum3A_543 : vector<16xi32>
            %sub3A_545 = arith.constant 1 : i32
            %sub3A_546 = vector.broadcast %sub3A_545 : i32 to vector<16xi32>
            %sub3A_547 = arith.subi %add3A_544, %sub3A_546 : vector<16xi32>
            tpu.vector_store_idx %arg8[%sub3A_547], %get3A_277 masked %gt3A_537 : memref<512xf32, #tpu.memory_space<vmem>>[vector<16xi32>], vector<16xf32>, vector<16xi1>
            %bitcast3A_548 = vector.bitcast %get3A_277 : vector<16xf32> to vector<16xi32>
            %lt3A_549 = arith.constant 0 : i32
            %lt3A_550 = vector.broadcast %lt3A_549 : i32 to vector<16xi32>
            %lt3A_551 = arith.cmpi slt, %bitcast3A_548, %lt3A_550 : vector<16xi32>
            %not3A_552 = arith.constant dense<-1> : vector<16xi32>
            %not3A_553 = arith.xori %bitcast3A_548, %not3A_552 : vector<16xi32>
            %xor3A_554 = arith.constant -2147483648 : i32
            %xor3A_555 = vector.broadcast %xor3A_554 : i32 to vector<16xi32>
            %xor3A_556 = arith.xori %not3A_553, %xor3A_555 : vector<16xi32>
            %select_n3A_557 = arith.select %lt3A_551, %xor3A_556, %bitcast3A_548 : vector<16xi1>, vector<16xi32>
            tpu.vector_store_idx %arg7[%sub3A_547], %select_n3A_557 masked %gt3A_537 : memref<512xi32, #tpu.memory_space<vmem>>[vector<16xi32>], vector<16xi32>, vector<16xi1>
            %add3A_558 = arith.constant 112 : i32
            %add3A_559 = arith.addi %add3A_335, %add3A_558 : i32
            %add3A_560 = vector.broadcast %add3A_559 : i32 to vector<16xi32>
            %add3A_561 = arith.addi %add3A_560, %iota3A : vector<16xi32>
            tpu.vector_store_idx %arg9[%sub3A_547], %add3A_561 masked %gt3A_537 : memref<512xi32, #tpu.memory_space<vmem>>[vector<16xi32>], vector<16xi32>, vector<16xi1>
            %all_reduce_population_count3A_562 = tpu.all_reduce %gt3A_537 {dim = 0 : i64, kind = #tpu.reduction_kind<sum>} : vector<16xi1> -> vector<16xi32>
            %add3A_563 = arith.addi %get3A_539, %all_reduce_population_count3A_562 : vector<16xi32>
            %swap3A_564 = arith.constant 0 : index
            %swap3A_565 = tpu.vector_load %arg16[%swap3A_564] {strides = array<i32>} : memref<16xi32, #tpu.memory_space<vmem>>, vector<16xi32>,
            tpu.vector_store %arg16[%swap3A_564], %add3A_563 {strides = array<i32>} : memref<16xi32, #tpu.memory_space<vmem>>, vector<16xi32>,
            %gt3A_566 = arith.cmpf ogt, %get3A_281, %get3A_245 : vector<16xf32>
            %get3A_567 = arith.constant 0 : index
            %get3A_568 = tpu.vector_load %arg16[%get3A_567] {strides = array<i32>} : memref<16xi32, #tpu.memory_space<vmem>>, vector<16xi32>,
            %convert_element_type3A_569 = arith.extui %gt3A_566 : vector<16xi1> to vector<16xi32>
            %broadcast_in_dim3A_570 = arith.constant true
            %broadcast_in_dim3A_571 = vector.broadcast %broadcast_in_dim3A_570 : i1 to vector<16xi1>
            %masked_cumsum3A_572 = tpu.scan <sum>, %convert_element_type3A_569 masked %broadcast_in_dim3A_571 : vector<16xi32>, vector<16xi1> -> vector<16xi32>
            %add3A_573 = arith.addi %get3A_568, %masked_cumsum3A_572 : vector<16xi32>
            %sub3A_574 = arith.constant 1 : i32
            %sub3A_575 = vector.broadcast %sub3A_574 : i32 to vector<16xi32>
            %sub3A_576 = arith.subi %add3A_573, %sub3A_575 : vector<16xi32>
            tpu.vector_store_idx %arg8[%sub3A_576], %get3A_281 masked %gt3A_566 : memref<512xf32, #tpu.memory_space<vmem>>[vector<16xi32>], vector<16xf32>, vector<16xi1>
            %bitcast3A_577 = vector.bitcast %get3A_281 : vector<16xf32> to vector<16xi32>
            %lt3A_578 = arith.constant 0 : i32
            %lt3A_579 = vector.broadcast %lt3A_578 : i32 to vector<16xi32>
            %lt3A_580 = arith.cmpi slt, %bitcast3A_577, %lt3A_579 : vector<16xi32>
            %not3A_581 = arith.constant dense<-1> : vector<16xi32>
            %not3A_582 = arith.xori %bitcast3A_577, %not3A_581 : vector<16xi32>
            %xor3A_583 = arith.constant -2147483648 : i32
            %xor3A_584 = vector.broadcast %xor3A_583 : i32 to vector<16xi32>
            %xor3A_585 = arith.xori %not3A_582, %xor3A_584 : vector<16xi32>
            %select_n3A_586 = arith.select %lt3A_580, %xor3A_585, %bitcast3A_577 : vector<16xi1>, vector<16xi32>
            tpu.vector_store_idx %arg7[%sub3A_576], %select_n3A_586 masked %gt3A_566 : memref<512xi32, #tpu.memory_space<vmem>>[vector<16xi32>], vector<16xi32>, vector<16xi1>
            %add3A_587 = arith.constant 128 : i32
            %add3A_588 = arith.addi %add3A_335, %add3A_587 : i32
            %add3A_589 = vector.broadcast %add3A_588 : i32 to vector<16xi32>
            %add3A_590 = arith.addi %add3A_589, %iota3A : vector<16xi32>
            tpu.vector_store_idx %arg9[%sub3A_576], %add3A_590 masked %gt3A_566 : memref<512xi32, #tpu.memory_space<vmem>>[vector<16xi32>], vector<16xi32>, vector<16xi1>
            %all_reduce_population_count3A_591 = tpu.all_reduce %gt3A_566 {dim = 0 : i64, kind = #tpu.reduction_kind<sum>} : vector<16xi1> -> vector<16xi32>
            %add3A_592 = arith.addi %get3A_568, %all_reduce_population_count3A_591 : vector<16xi32>
            %swap3A_593 = arith.constant 0 : index
            %swap3A_594 = tpu.vector_load %arg16[%swap3A_593] {strides = array<i32>} : memref<16xi32, #tpu.memory_space<vmem>>, vector<16xi32>,
            tpu.vector_store %arg16[%swap3A_593], %add3A_592 {strides = array<i32>} : memref<16xi32, #tpu.memory_space<vmem>>, vector<16xi32>,
            %gt3A_595 = arith.cmpf ogt, %get3A_285, %get3A_245 : vector<16xf32>
            %get3A_596 = arith.constant 0 : index
            %get3A_597 = tpu.vector_load %arg16[%get3A_596] {strides = array<i32>} : memref<16xi32, #tpu.memory_space<vmem>>, vector<16xi32>,
            %convert_element_type3A_598 = arith.extui %gt3A_595 : vector<16xi1> to vector<16xi32>
            %broadcast_in_dim3A_599 = arith.constant true
            %broadcast_in_dim3A_600 = vector.broadcast %broadcast_in_dim3A_599 : i1 to vector<16xi1>
            %masked_cumsum3A_601 = tpu.scan <sum>, %convert_element_type3A_598 masked %broadcast_in_dim3A_600 : vector<16xi32>, vector<16xi1> -> vector<16xi32>
            %add3A_602 = arith.addi %get3A_597, %masked_cumsum3A_601 : vector<16xi32>
            %sub3A_603 = arith.constant 1 : i32
            %sub3A_604 = vector.broadcast %sub3A_603 : i32 to vector<16xi32>
            %sub3A_605 = arith.subi %add3A_602, %sub3A_604 : vector<16xi32>
            tpu.vector_store_idx %arg8[%sub3A_605], %get3A_285 masked %gt3A_595 : memref<512xf32, #tpu.memory_space<vmem>>[vector<16xi32>], vector<16xf32>, vector<16xi1>
            %bitcast3A_606 = vector.bitcast %get3A_285 : vector<16xf32> to vector<16xi32>
            %lt3A_607 = arith.constant 0 : i32
            %lt3A_608 = vector.broadcast %lt3A_607 : i32 to vector<16xi32>
            %lt3A_609 = arith.cmpi slt, %bitcast3A_606, %lt3A_608 : vector<16xi32>
            %not3A_610 = arith.constant dense<-1> : vector<16xi32>
            %not3A_611 = arith.xori %bitcast3A_606, %not3A_610 : vector<16xi32>
            %xor3A_612 = arith.constant -2147483648 : i32
            %xor3A_613 = vector.broadcast %xor3A_612 : i32 to vector<16xi32>
            %xor3A_614 = arith.xori %not3A_611, %xor3A_613 : vector<16xi32>
            %select_n3A_615 = arith.select %lt3A_609, %xor3A_614, %bitcast3A_606 : vector<16xi1>, vector<16xi32>
            tpu.vector_store_idx %arg7[%sub3A_605], %select_n3A_615 masked %gt3A_595 : memref<512xi32, #tpu.memory_space<vmem>>[vector<16xi32>], vector<16xi32>, vector<16xi1>
            %add3A_616 = arith.constant 144 : i32
            %add3A_617 = arith.addi %add3A_335, %add3A_616 : i32
            %add3A_618 = vector.broadcast %add3A_617 : i32 to vector<16xi32>
            %add3A_619 = arith.addi %add3A_618, %iota3A : vector<16xi32>
            tpu.vector_store_idx %arg9[%sub3A_605], %add3A_619 masked %gt3A_595 : memref<512xi32, #tpu.memory_space<vmem>>[vector<16xi32>], vector<16xi32>, vector<16xi1>
            %all_reduce_population_count3A_620 = tpu.all_reduce %gt3A_595 {dim = 0 : i64, kind = #tpu.reduction_kind<sum>} : vector<16xi1> -> vector<16xi32>
            %add3A_621 = arith.addi %get3A_597, %all_reduce_population_count3A_620 : vector<16xi32>
            %swap3A_622 = arith.constant 0 : index
            %swap3A_623 = tpu.vector_load %arg16[%swap3A_622] {strides = array<i32>} : memref<16xi32, #tpu.memory_space<vmem>>, vector<16xi32>,
            tpu.vector_store %arg16[%swap3A_622], %add3A_621 {strides = array<i32>} : memref<16xi32, #tpu.memory_space<vmem>>, vector<16xi32>,
            %gt3A_624 = arith.cmpf ogt, %get3A_289, %get3A_245 : vector<16xf32>
            %get3A_625 = arith.constant 0 : index
            %get3A_626 = tpu.vector_load %arg16[%get3A_625] {strides = array<i32>} : memref<16xi32, #tpu.memory_space<vmem>>, vector<16xi32>,
            %convert_element_type3A_627 = arith.extui %gt3A_624 : vector<16xi1> to vector<16xi32>
            %broadcast_in_dim3A_628 = arith.constant true
            %broadcast_in_dim3A_629 = vector.broadcast %broadcast_in_dim3A_628 : i1 to vector<16xi1>
            %masked_cumsum3A_630 = tpu.scan <sum>, %convert_element_type3A_627 masked %broadcast_in_dim3A_629 : vector<16xi32>, vector<16xi1> -> vector<16xi32>
            %add3A_631 = arith.addi %get3A_626, %masked_cumsum3A_630 : vector<16xi32>
            %sub3A_632 = arith.constant 1 : i32
            %sub3A_633 = vector.broadcast %sub3A_632 : i32 to vector<16xi32>
            %sub3A_634 = arith.subi %add3A_631, %sub3A_633 : vector<16xi32>
            tpu.vector_store_idx %arg8[%sub3A_634], %get3A_289 masked %gt3A_624 : memref<512xf32, #tpu.memory_space<vmem>>[vector<16xi32>], vector<16xf32>, vector<16xi1>
            %bitcast3A_635 = vector.bitcast %get3A_289 : vector<16xf32> to vector<16xi32>
            %lt3A_636 = arith.constant 0 : i32
            %lt3A_637 = vector.broadcast %lt3A_636 : i32 to vector<16xi32>
            %lt3A_638 = arith.cmpi slt, %bitcast3A_635, %lt3A_637 : vector<16xi32>
            %not3A_639 = arith.constant dense<-1> : vector<16xi32>
            %not3A_640 = arith.xori %bitcast3A_635, %not3A_639 : vector<16xi32>
            %xor3A_641 = arith.constant -2147483648 : i32
            %xor3A_642 = vector.broadcast %xor3A_641 : i32 to vector<16xi32>
            %xor3A_643 = arith.xori %not3A_640, %xor3A_642 : vector<16xi32>
            %select_n3A_644 = arith.select %lt3A_638, %xor3A_643, %bitcast3A_635 : vector<16xi1>, vector<16xi32>
            tpu.vector_store_idx %arg7[%sub3A_634], %select_n3A_644 masked %gt3A_624 : memref<512xi32, #tpu.memory_space<vmem>>[vector<16xi32>], vector<16xi32>, vector<16xi1>
            %add3A_645 = arith.constant 160 : i32
            %add3A_646 = arith.addi %add3A_335, %add3A_645 : i32
            %add3A_647 = vector.broadcast %add3A_646 : i32 to vector<16xi32>
            %add3A_648 = arith.addi %add3A_647, %iota3A : vector<16xi32>
            tpu.vector_store_idx %arg9[%sub3A_634], %add3A_648 masked %gt3A_624 : memref<512xi32, #tpu.memory_space<vmem>>[vector<16xi32>], vector<16xi32>, vector<16xi1>
            %all_reduce_population_count3A_649 = tpu.all_reduce %gt3A_624 {dim = 0 : i64, kind = #tpu.reduction_kind<sum>} : vector<16xi1> -> vector<16xi32>
            %add3A_650 = arith.addi %get3A_626, %all_reduce_population_count3A_649 : vector<16xi32>
            %swap3A_651 = arith.constant 0 : index
            %swap3A_652 = tpu.vector_load %arg16[%swap3A_651] {strides = array<i32>} : memref<16xi32, #tpu.memory_space<vmem>>, vector<16xi32>,
            tpu.vector_store %arg16[%swap3A_651], %add3A_650 {strides = array<i32>} : memref<16xi32, #tpu.memory_space<vmem>>, vector<16xi32>,
            %gt3A_653 = arith.cmpf ogt, %get3A_293, %get3A_245 : vector<16xf32>
            %get3A_654 = arith.constant 0 : index
            %get3A_655 = tpu.vector_load %arg16[%get3A_654] {strides = array<i32>} : memref<16xi32, #tpu.memory_space<vmem>>, vector<16xi32>,
            %convert_element_type3A_656 = arith.extui %gt3A_653 : vector<16xi1> to vector<16xi32>
            %broadcast_in_dim3A_657 = arith.constant true
            %broadcast_in_dim3A_658 = vector.broadcast %broadcast_in_dim3A_657 : i1 to vector<16xi1>
            %masked_cumsum3A_659 = tpu.scan <sum>, %convert_element_type3A_656 masked %broadcast_in_dim3A_658 : vector<16xi32>, vector<16xi1> -> vector<16xi32>
            %add3A_660 = arith.addi %get3A_655, %masked_cumsum3A_659 : vector<16xi32>
            %sub3A_661 = arith.constant 1 : i32
            %sub3A_662 = vector.broadcast %sub3A_661 : i32 to vector<16xi32>
            %sub3A_663 = arith.subi %add3A_660, %sub3A_662 : vector<16xi32>
            tpu.vector_store_idx %arg8[%sub3A_663], %get3A_293 masked %gt3A_653 : memref<512xf32, #tpu.memory_space<vmem>>[vector<16xi32>], vector<16xf32>, vector<16xi1>
            %bitcast3A_664 = vector.bitcast %get3A_293 : vector<16xf32> to vector<16xi32>
            %lt3A_665 = arith.constant 0 : i32
            %lt3A_666 = vector.broadcast %lt3A_665 : i32 to vector<16xi32>
            %lt3A_667 = arith.cmpi slt, %bitcast3A_664, %lt3A_666 : vector<16xi32>
            %not3A_668 = arith.constant dense<-1> : vector<16xi32>
            %not3A_669 = arith.xori %bitcast3A_664, %not3A_668 : vector<16xi32>
            %xor3A_670 = arith.constant -2147483648 : i32
            %xor3A_671 = vector.broadcast %xor3A_670 : i32 to vector<16xi32>
            %xor3A_672 = arith.xori %not3A_669, %xor3A_671 : vector<16xi32>
            %select_n3A_673 = arith.select %lt3A_667, %xor3A_672, %bitcast3A_664 : vector<16xi1>, vector<16xi32>
            tpu.vector_store_idx %arg7[%sub3A_663], %select_n3A_673 masked %gt3A_653 : memref<512xi32, #tpu.memory_space<vmem>>[vector<16xi32>], vector<16xi32>, vector<16xi1>
            %add3A_674 = arith.constant 176 : i32
            %add3A_675 = arith.addi %add3A_335, %add3A_674 : i32
            %add3A_676 = vector.broadcast %add3A_675 : i32 to vector<16xi32>
            %add3A_677 = arith.addi %add3A_676, %iota3A : vector<16xi32>
            tpu.vector_store_idx %arg9[%sub3A_663], %add3A_677 masked %gt3A_653 : memref<512xi32, #tpu.memory_space<vmem>>[vector<16xi32>], vector<16xi32>, vector<16xi1>
            %all_reduce_population_count3A_678 = tpu.all_reduce %gt3A_653 {dim = 0 : i64, kind = #tpu.reduction_kind<sum>} : vector<16xi1> -> vector<16xi32>
            %add3A_679 = arith.addi %get3A_655, %all_reduce_population_count3A_678 : vector<16xi32>
            %swap3A_680 = arith.constant 0 : index
            %swap3A_681 = tpu.vector_load %arg16[%swap3A_680] {strides = array<i32>} : memref<16xi32, #tpu.memory_space<vmem>>, vector<16xi32>,
            tpu.vector_store %arg16[%swap3A_680], %add3A_679 {strides = array<i32>} : memref<16xi32, #tpu.memory_space<vmem>>, vector<16xi32>,
            %gt3A_682 = arith.cmpf ogt, %get3A_297, %get3A_245 : vector<16xf32>
            %get3A_683 = arith.constant 0 : index
            %get3A_684 = tpu.vector_load %arg16[%get3A_683] {strides = array<i32>} : memref<16xi32, #tpu.memory_space<vmem>>, vector<16xi32>,
            %convert_element_type3A_685 = arith.extui %gt3A_682 : vector<16xi1> to vector<16xi32>
            %broadcast_in_dim3A_686 = arith.constant true
            %broadcast_in_dim3A_687 = vector.broadcast %broadcast_in_dim3A_686 : i1 to vector<16xi1>
            %masked_cumsum3A_688 = tpu.scan <sum>, %convert_element_type3A_685 masked %broadcast_in_dim3A_687 : vector<16xi32>, vector<16xi1> -> vector<16xi32>
            %add3A_689 = arith.addi %get3A_684, %masked_cumsum3A_688 : vector<16xi32>
            %sub3A_690 = arith.constant 1 : i32
            %sub3A_691 = vector.broadcast %sub3A_690 : i32 to vector<16xi32>
            %sub3A_692 = arith.subi %add3A_689, %sub3A_691 : vector<16xi32>
            tpu.vector_store_idx %arg8[%sub3A_692], %get3A_297 masked %gt3A_682 : memref<512xf32, #tpu.memory_space<vmem>>[vector<16xi32>], vector<16xf32>, vector<16xi1>
            %bitcast3A_693 = vector.bitcast %get3A_297 : vector<16xf32> to vector<16xi32>
            %lt3A_694 = arith.constant 0 : i32
            %lt3A_695 = vector.broadcast %lt3A_694 : i32 to vector<16xi32>
            %lt3A_696 = arith.cmpi slt, %bitcast3A_693, %lt3A_695 : vector<16xi32>
            %not3A_697 = arith.constant dense<-1> : vector<16xi32>
            %not3A_698 = arith.xori %bitcast3A_693, %not3A_697 : vector<16xi32>
            %xor3A_699 = arith.constant -2147483648 : i32
            %xor3A_700 = vector.broadcast %xor3A_699 : i32 to vector<16xi32>
            %xor3A_701 = arith.xori %not3A_698, %xor3A_700 : vector<16xi32>
            %select_n3A_702 = arith.select %lt3A_696, %xor3A_701, %bitcast3A_693 : vector<16xi1>, vector<16xi32>
            tpu.vector_store_idx %arg7[%sub3A_692], %select_n3A_702 masked %gt3A_682 : memref<512xi32, #tpu.memory_space<vmem>>[vector<16xi32>], vector<16xi32>, vector<16xi1>
            %add3A_703 = arith.constant 192 : i32
            %add3A_704 = arith.addi %add3A_335, %add3A_703 : i32
            %add3A_705 = vector.broadcast %add3A_704 : i32 to vector<16xi32>
            %add3A_706 = arith.addi %add3A_705, %iota3A : vector<16xi32>
            tpu.vector_store_idx %arg9[%sub3A_692], %add3A_706 masked %gt3A_682 : memref<512xi32, #tpu.memory_space<vmem>>[vector<16xi32>], vector<16xi32>, vector<16xi1>
            %all_reduce_population_count3A_707 = tpu.all_reduce %gt3A_682 {dim = 0 : i64, kind = #tpu.reduction_kind<sum>} : vector<16xi1> -> vector<16xi32>
            %add3A_708 = arith.addi %get3A_684, %all_reduce_population_count3A_707 : vector<16xi32>
            %swap3A_709 = arith.constant 0 : index
            %swap3A_710 = tpu.vector_load %arg16[%swap3A_709] {strides = array<i32>} : memref<16xi32, #tpu.memory_space<vmem>>, vector<16xi32>,
            tpu.vector_store %arg16[%swap3A_709], %add3A_708 {strides = array<i32>} : memref<16xi32, #tpu.memory_space<vmem>>, vector<16xi32>,
            %gt3A_711 = arith.cmpf ogt, %get3A_301, %get3A_245 : vector<16xf32>
            %get3A_712 = arith.constant 0 : index
            %get3A_713 = tpu.vector_load %arg16[%get3A_712] {strides = array<i32>} : memref<16xi32, #tpu.memory_space<vmem>>, vector<16xi32>,
            %convert_element_type3A_714 = arith.extui %gt3A_711 : vector<16xi1> to vector<16xi32>
            %broadcast_in_dim3A_715 = arith.constant true
            %broadcast_in_dim3A_716 = vector.broadcast %broadcast_in_dim3A_715 : i1 to vector<16xi1>
            %masked_cumsum3A_717 = tpu.scan <sum>, %convert_element_type3A_714 masked %broadcast_in_dim3A_716 : vector<16xi32>, vector<16xi1> -> vector<16xi32>
            %add3A_718 = arith.addi %get3A_713, %masked_cumsum3A_717 : vector<16xi32>
            %sub3A_719 = arith.constant 1 : i32
            %sub3A_720 = vector.broadcast %sub3A_719 : i32 to vector<16xi32>
            %sub3A_721 = arith.subi %add3A_718, %sub3A_720 : vector<16xi32>
            tpu.vector_store_idx %arg8[%sub3A_721], %get3A_301 masked %gt3A_711 : memref<512xf32, #tpu.memory_space<vmem>>[vector<16xi32>], vector<16xf32>, vector<16xi1>
            %bitcast3A_722 = vector.bitcast %get3A_301 : vector<16xf32> to vector<16xi32>
            %lt3A_723 = arith.constant 0 : i32
            %lt3A_724 = vector.broadcast %lt3A_723 : i32 to vector<16xi32>
            %lt3A_725 = arith.cmpi slt, %bitcast3A_722, %lt3A_724 : vector<16xi32>
            %not3A_726 = arith.constant dense<-1> : vector<16xi32>
            %not3A_727 = arith.xori %bitcast3A_722, %not3A_726 : vector<16xi32>
            %xor3A_728 = arith.constant -2147483648 : i32
            %xor3A_729 = vector.broadcast %xor3A_728 : i32 to vector<16xi32>
            %xor3A_730 = arith.xori %not3A_727, %xor3A_729 : vector<16xi32>
            %select_n3A_731 = arith.select %lt3A_725, %xor3A_730, %bitcast3A_722 : vector<16xi1>, vector<16xi32>
            tpu.vector_store_idx %arg7[%sub3A_721], %select_n3A_731 masked %gt3A_711 : memref<512xi32, #tpu.memory_space<vmem>>[vector<16xi32>], vector<16xi32>, vector<16xi1>
            %add3A_732 = arith.constant 208 : i32
            %add3A_733 = arith.addi %add3A_335, %add3A_732 : i32
            %add3A_734 = vector.broadcast %add3A_733 : i32 to vector<16xi32>
            %add3A_735 = arith.addi %add3A_734, %iota3A : vector<16xi32>
            tpu.vector_store_idx %arg9[%sub3A_721], %add3A_735 masked %gt3A_711 : memref<512xi32, #tpu.memory_space<vmem>>[vector<16xi32>], vector<16xi32>, vector<16xi1>
            %all_reduce_population_count3A_736 = tpu.all_reduce %gt3A_711 {dim = 0 : i64, kind = #tpu.reduction_kind<sum>} : vector<16xi1> -> vector<16xi32>
            %add3A_737 = arith.addi %get3A_713, %all_reduce_population_count3A_736 : vector<16xi32>
            %swap3A_738 = arith.constant 0 : index
            %swap3A_739 = tpu.vector_load %arg16[%swap3A_738] {strides = array<i32>} : memref<16xi32, #tpu.memory_space<vmem>>, vector<16xi32>,
            tpu.vector_store %arg16[%swap3A_738], %add3A_737 {strides = array<i32>} : memref<16xi32, #tpu.memory_space<vmem>>, vector<16xi32>,
            %gt3A_740 = arith.cmpf ogt, %get3A_305, %get3A_245 : vector<16xf32>
            %get3A_741 = arith.constant 0 : index
            %get3A_742 = tpu.vector_load %arg16[%get3A_741] {strides = array<i32>} : memref<16xi32, #tpu.memory_space<vmem>>, vector<16xi32>,
            %convert_element_type3A_743 = arith.extui %gt3A_740 : vector<16xi1> to vector<16xi32>
            %broadcast_in_dim3A_744 = arith.constant true
            %broadcast_in_dim3A_745 = vector.broadcast %broadcast_in_dim3A_744 : i1 to vector<16xi1>
            %masked_cumsum3A_746 = tpu.scan <sum>, %convert_element_type3A_743 masked %broadcast_in_dim3A_745 : vector<16xi32>, vector<16xi1> -> vector<16xi32>
            %add3A_747 = arith.addi %get3A_742, %masked_cumsum3A_746 : vector<16xi32>
            %sub3A_748 = arith.constant 1 : i32
            %sub3A_749 = vector.broadcast %sub3A_748 : i32 to vector<16xi32>
            %sub3A_750 = arith.subi %add3A_747, %sub3A_749 : vector<16xi32>
            tpu.vector_store_idx %arg8[%sub3A_750], %get3A_305 masked %gt3A_740 : memref<512xf32, #tpu.memory_space<vmem>>[vector<16xi32>], vector<16xf32>, vector<16xi1>
            %bitcast3A_751 = vector.bitcast %get3A_305 : vector<16xf32> to vector<16xi32>
            %lt3A_752 = arith.constant 0 : i32
            %lt3A_753 = vector.broadcast %lt3A_752 : i32 to vector<16xi32>
            %lt3A_754 = arith.cmpi slt, %bitcast3A_751, %lt3A_753 : vector<16xi32>
            %not3A_755 = arith.constant dense<-1> : vector<16xi32>
            %not3A_756 = arith.xori %bitcast3A_751, %not3A_755 : vector<16xi32>
            %xor3A_757 = arith.constant -2147483648 : i32
            %xor3A_758 = vector.broadcast %xor3A_757 : i32 to vector<16xi32>
            %xor3A_759 = arith.xori %not3A_756, %xor3A_758 : vector<16xi32>
            %select_n3A_760 = arith.select %lt3A_754, %xor3A_759, %bitcast3A_751 : vector<16xi1>, vector<16xi32>
            tpu.vector_store_idx %arg7[%sub3A_750], %select_n3A_760 masked %gt3A_740 : memref<512xi32, #tpu.memory_space<vmem>>[vector<16xi32>], vector<16xi32>, vector<16xi1>
            %add3A_761 = arith.constant 224 : i32
            %add3A_762 = arith.addi %add3A_335, %add3A_761 : i32
            %add3A_763 = vector.broadcast %add3A_762 : i32 to vector<16xi32>
            %add3A_764 = arith.addi %add3A_763, %iota3A : vector<16xi32>
            tpu.vector_store_idx %arg9[%sub3A_750], %add3A_764 masked %gt3A_740 : memref<512xi32, #tpu.memory_space<vmem>>[vector<16xi32>], vector<16xi32>, vector<16xi1>
            %all_reduce_population_count3A_765 = tpu.all_reduce %gt3A_740 {dim = 0 : i64, kind = #tpu.reduction_kind<sum>} : vector<16xi1> -> vector<16xi32>
            %add3A_766 = arith.addi %get3A_742, %all_reduce_population_count3A_765 : vector<16xi32>
            %swap3A_767 = arith.constant 0 : index
            %swap3A_768 = tpu.vector_load %arg16[%swap3A_767] {strides = array<i32>} : memref<16xi32, #tpu.memory_space<vmem>>, vector<16xi32>,
            tpu.vector_store %arg16[%swap3A_767], %add3A_766 {strides = array<i32>} : memref<16xi32, #tpu.memory_space<vmem>>, vector<16xi32>,
            %gt3A_769 = arith.cmpf ogt, %get3A_309, %get3A_245 : vector<16xf32>
            %get3A_770 = arith.constant 0 : index
            %get3A_771 = tpu.vector_load %arg16[%get3A_770] {strides = array<i32>} : memref<16xi32, #tpu.memory_space<vmem>>, vector<16xi32>,
            %convert_element_type3A_772 = arith.extui %gt3A_769 : vector<16xi1> to vector<16xi32>
            %broadcast_in_dim3A_773 = arith.constant true
            %broadcast_in_dim3A_774 = vector.broadcast %broadcast_in_dim3A_773 : i1 to vector<16xi1>
            %masked_cumsum3A_775 = tpu.scan <sum>, %convert_element_type3A_772 masked %broadcast_in_dim3A_774 : vector<16xi32>, vector<16xi1> -> vector<16xi32>
            %add3A_776 = arith.addi %get3A_771, %masked_cumsum3A_775 : vector<16xi32>
            %sub3A_777 = arith.constant 1 : i32
            %sub3A_778 = vector.broadcast %sub3A_777 : i32 to vector<16xi32>
            %sub3A_779 = arith.subi %add3A_776, %sub3A_778 : vector<16xi32>
            tpu.vector_store_idx %arg8[%sub3A_779], %get3A_309 masked %gt3A_769 : memref<512xf32, #tpu.memory_space<vmem>>[vector<16xi32>], vector<16xf32>, vector<16xi1>
            %bitcast3A_780 = vector.bitcast %get3A_309 : vector<16xf32> to vector<16xi32>
            %lt3A_781 = arith.constant 0 : i32
            %lt3A_782 = vector.broadcast %lt3A_781 : i32 to vector<16xi32>
            %lt3A_783 = arith.cmpi slt, %bitcast3A_780, %lt3A_782 : vector<16xi32>
            %not3A_784 = arith.constant dense<-1> : vector<16xi32>
            %not3A_785 = arith.xori %bitcast3A_780, %not3A_784 : vector<16xi32>
            %xor3A_786 = arith.constant -2147483648 : i32
            %xor3A_787 = vector.broadcast %xor3A_786 : i32 to vector<16xi32>
            %xor3A_788 = arith.xori %not3A_785, %xor3A_787 : vector<16xi32>
            %select_n3A_789 = arith.select %lt3A_783, %xor3A_788, %bitcast3A_780 : vector<16xi1>, vector<16xi32>
            tpu.vector_store_idx %arg7[%sub3A_779], %select_n3A_789 masked %gt3A_769 : memref<512xi32, #tpu.memory_space<vmem>>[vector<16xi32>], vector<16xi32>, vector<16xi1>
            %add3A_790 = arith.constant 240 : i32
            %add3A_791 = arith.addi %add3A_335, %add3A_790 : i32
            %add3A_792 = vector.broadcast %add3A_791 : i32 to vector<16xi32>
            %add3A_793 = arith.addi %add3A_792, %iota3A : vector<16xi32>
            tpu.vector_store_idx %arg9[%sub3A_779], %add3A_793 masked %gt3A_769 : memref<512xi32, #tpu.memory_space<vmem>>[vector<16xi32>], vector<16xi32>, vector<16xi1>
            %all_reduce_population_count3A_794 = tpu.all_reduce %gt3A_769 {dim = 0 : i64, kind = #tpu.reduction_kind<sum>} : vector<16xi1> -> vector<16xi32>
            %add3A_795 = arith.addi %get3A_771, %all_reduce_population_count3A_794 : vector<16xi32>
            %swap3A_796 = arith.constant 0 : index
            %swap3A_797 = tpu.vector_load %arg16[%swap3A_796] {strides = array<i32>} : memref<16xi32, #tpu.memory_space<vmem>>, vector<16xi32>,
            tpu.vector_store %arg16[%swap3A_796], %add3A_795 {strides = array<i32>} : memref<16xi32, #tpu.memory_space<vmem>>, vector<16xi32>,
            %get3A_798 = arith.constant 0 : index
            %get3A_799 = tpu.vector_load %arg16[%get3A_798] {strides = array<i32>} : memref<16xi32, #tpu.memory_space<vmem>>, vector<16xi32>,
            %slice3A_800 = vector.extract_strided_slice %get3A_799 {offsets = [0], sizes = [1], strides = [1]} : vector<16xi32> to vector<1xi32>
            %squeeze3A_801 = vector.extract %slice3A_800[0] : i32 from vector<1xi32>
            %ge3A = arith.constant 256 : i32
            %ge3A_802 = arith.cmpi sge, %squeeze3A_801, %ge3A : i32
            %convert_element_type3A_803 = arith.extui %ge3A_802 : i1 to i32
            %cond3A_804 = arith.constant 0 : i32
            %cond3A_805 = arith.cmpi ne, %convert_element_type3A_803, %cond3A_804 : i32
            scf.if %cond3A_805 {
              %get3A_806 = arith.constant 0 : index
              %get3A_807 = tpu.vector_load %arg16[%get3A_806] {strides = array<i32>} : memref<16xi32, #tpu.memory_space<vmem>>, vector<16xi32>,
              %slice3A_808 = vector.extract_strided_slice %get3A_807 {offsets = [0], sizes = [1], strides = [1]} : vector<16xi32> to vector<1xi32>
              %squeeze3A_809 = vector.extract %slice3A_808[0] : i32 from vector<1xi32>
              %add3A_810 = arith.constant 15 : i32
              %add3A_811 = arith.addi %squeeze3A_809, %add3A_810 : i32
              %shift_right_arithmetic3A_812 = arith.constant 4 : i32
              %shift_right_arithmetic3A_813 = arith.shrsi %add3A_811, %shift_right_arithmetic3A_812 : i32
              %broadcast_in_dim3A_814 = arith.constant 0 : i32
              %broadcast_in_dim3A_815 = vector.broadcast %broadcast_in_dim3A_814 : i32 to vector<16xi32>
              %scan3A_816 = arith.constant 0 : i32
              %scan3A_817 = arith.constant 32 : i32
              %scan3A_818 = arith.addi %scan3A_816, %scan3A_817 : i32
              %scan3A_819 = arith.constant 1 : i32
              %scan3A_820 = scf.for %scan3A_972 = %scan3A_816 to %scan3A_818 step %scan3A_819 iter_args(%scan3A_973 = %broadcast_in_dim3A_815) -> (vector<16xi32>)  : i32 {
                %sub3A_974 = arith.constant 31 : i32
                %sub3A_975 = arith.subi %sub3A_974, %scan3A_972 : i32
                %shift_left3A = arith.constant 1 : i32
                %shift_left3A_976 = arith.shli %shift_left3A, %sub3A_975 : i32
                %broadcast_in_dim3A_977 = vector.broadcast %shift_left3A_976 : i32 to vector<16xi32>
                %or3A = arith.ori %scan3A_973, %broadcast_in_dim3A_977 : vector<16xi32>
                %while3A_978 = arith.constant 0 : i32
                %while3A_979 = arith.subi %shift_right_arithmetic3A_813, %while3A_978 : i32
                %while3A_980 = arith.addi %while3A_978, %while3A_979 : i32
                %while3A_981 = arith.constant 1 : i32
                %while3A_982 = arith.divsi %while3A_979, %while3A_981 : i32
                %while3A_983 = arith.muli %while3A_982, %while3A_981 : i32
                %while3A_984 = arith.addi %while3A_978, %while3A_983 : i32
                %while3A_985 = arith.constant 1 : i32
                %while3A_986 = scf.for %while3A_993 = %while3A_978 to %while3A_984 step %while3A_985 iter_args(%while3A_994 = %broadcast_in_dim3A_1) -> (vector<16xi32>)  : i32 {
                  %mul3A_995 = arith.constant 16 : i32
                  %mul3A_996 = arith.muli %while3A_993, %mul3A_995 : i32
                  %get3A_997 = arith.index_cast %mul3A_996 : i32 to index
                  %get3A_998 = tpu.vector_load %arg7[%get3A_997] {strides = array<i32>} : memref<512xi32, #tpu.memory_space<vmem>>, vector<16xi32>,
                  %xor3A_999 = arith.constant -2147483648 : i32
                  %xor3A_1000 = vector.broadcast %xor3A_999 : i32 to vector<16xi32>
                  %xor3A_1001 = arith.xori %get3A_998, %xor3A_1000 : vector<16xi32>
                  %bitcast3A_1002 = vector.bitcast %xor3A_1001 : vector<16xi32> to vector<16xi32>
                  %ge3A_1003 = arith.cmpi uge, %bitcast3A_1002, %or3A : vector<16xi32>
                  %all_reduce_population_count3A_1004 = tpu.all_reduce %ge3A_1003 {dim = 0 : i64, kind = #tpu.reduction_kind<sum>} : vector<16xi1> -> vector<16xi32>
                  %add3A_1005 = arith.addi %while3A_994, %all_reduce_population_count3A_1004 : vector<16xi32>
                  scf.yield %add3A_1005 : vector<16xi32>
                }
                %while3A_987 = arith.constant 1 : i32
                %while3A_988 = scf.for %while3A_993 = %while3A_984 to %while3A_980 step %while3A_987 iter_args(%while3A_994 = %while3A_986) -> (vector<16xi32>)  : i32 {
                  %mul3A_995 = arith.constant 16 : i32
                  %mul3A_996 = arith.muli %while3A_993, %mul3A_995 : i32
                  %get3A_997 = arith.index_cast %mul3A_996 : i32 to index
                  %get3A_998 = tpu.vector_load %arg7[%get3A_997] {strides = array<i32>} : memref<512xi32, #tpu.memory_space<vmem>>, vector<16xi32>,
                  %xor3A_999 = arith.constant -2147483648 : i32
                  %xor3A_1000 = vector.broadcast %xor3A_999 : i32 to vector<16xi32>
                  %xor3A_1001 = arith.xori %get3A_998, %xor3A_1000 : vector<16xi32>
                  %bitcast3A_1002 = vector.bitcast %xor3A_1001 : vector<16xi32> to vector<16xi32>
                  %ge3A_1003 = arith.cmpi uge, %bitcast3A_1002, %or3A : vector<16xi32>
                  %all_reduce_population_count3A_1004 = tpu.all_reduce %ge3A_1003 {dim = 0 : i64, kind = #tpu.reduction_kind<sum>} : vector<16xi1> -> vector<16xi32>
                  %add3A_1005 = arith.addi %while3A_994, %all_reduce_population_count3A_1004 : vector<16xi32>
                  scf.yield %add3A_1005 : vector<16xi32>
                }
                %ge3A_989 = arith.constant 50 : i32
                %ge3A_990 = vector.broadcast %ge3A_989 : i32 to vector<16xi32>
                %ge3A_991 = arith.cmpi sge, %while3A_988, %ge3A_990 : vector<16xi32>
                %select_n3A_992 = arith.select %ge3A_991, %or3A, %scan3A_973 : vector<16xi1>, vector<16xi32>
                scf.yield %select_n3A_992 : vector<16xi32>
              }
              %scan3A_821 = arith.constant 32 : i32
              %xor3A_822 = arith.constant -2147483648 : i32
              %xor3A_823 = vector.broadcast %xor3A_822 : i32 to vector<16xi32>
              %xor3A_824 = arith.xori %scan3A_820, %xor3A_823 : vector<16xi32>
              %bitcast3A_825 = vector.bitcast %xor3A_824 : vector<16xi32> to vector<16xi32>
              %swap3A_826 = arith.constant 48 : index
              %swap3A_827 = tpu.vector_load %arg10[%swap3A_826] {strides = array<i32>} : memref<64xf32, #tpu.memory_space<vmem>>, vector<16xf32>,
              tpu.vector_store %arg10[%swap3A_826], %broadcast_in_dim3A_5 {strides = array<i32>} : memref<64xf32, #tpu.memory_space<vmem>>, vector<16xf32>,
              %swap3A_828 = arith.constant 48 : index
              %swap3A_829 = tpu.vector_load %arg11[%swap3A_828] {strides = array<i32>} : memref<64xi32, #tpu.memory_space<vmem>>, vector<16xi32>,
              tpu.vector_store %arg11[%swap3A_828], %broadcast_in_dim3A_3 {strides = array<i32>} : memref<64xi32, #tpu.memory_space<vmem>>, vector<16xi32>,
              %while3A_830 = arith.constant 0 : i32
              %while3A_831 = arith.subi %shift_right_arithmetic3A_813, %while3A_830 : i32
              %while3A_832 = arith.addi %while3A_830, %while3A_831 : i32
              %while3A_833 = arith.constant 1 : i32
              %while3A_834 = arith.divsi %while3A_831, %while3A_833 : i32
              %while3A_835 = arith.muli %while3A_834, %while3A_833 : i32
              %while3A_836 = arith.addi %while3A_830, %while3A_835 : i32
              %while3A_837 = arith.constant 1 : i32
              %while3A_838 = scf.for %while3A_972 = %while3A_830 to %while3A_836 step %while3A_837 iter_args(%while3A_973 = %broadcast_in_dim3A_1) -> (vector<16xi32>)  : i32 {
                %mul3A_974 = arith.constant 16 : i32
                %mul3A_975 = arith.muli %while3A_972, %mul3A_974 : i32
                %get3A_976 = arith.index_cast %mul3A_975 : i32 to index
                %get3A_977 = tpu.vector_load %arg7[%get3A_976] {strides = array<i32>} : memref<512xi32, #tpu.memory_space<vmem>>, vector<16xi32>,
                %gt3A_978 = arith.cmpi sgt, %get3A_977, %bitcast3A_825 : vector<16xi32>
                %convert_element_type3A_979 = arith.extui %gt3A_978 : vector<16xi1> to vector<16xi32>
                %broadcast_in_dim3A_980 = arith.constant true
                %broadcast_in_dim3A_981 = vector.broadcast %broadcast_in_dim3A_980 : i1 to vector<16xi1>
                %masked_cumsum3A_982 = tpu.scan <sum>, %convert_element_type3A_979 masked %broadcast_in_dim3A_981 : vector<16xi32>, vector<16xi1> -> vector<16xi32>
                %add3A_983 = arith.addi %while3A_973, %masked_cumsum3A_982 : vector<16xi32>
                %sub3A_984 = arith.constant 1 : i32
                %sub3A_985 = vector.broadcast %sub3A_984 : i32 to vector<16xi32>
                %sub3A_986 = arith.subi %add3A_983, %sub3A_985 : vector<16xi32>
                %mul3A_987 = arith.constant 16 : i32
                %mul3A_988 = arith.muli %while3A_972, %mul3A_987 : i32
                %get3A_989 = arith.index_cast %mul3A_988 : i32 to index
                %get3A_990 = tpu.vector_load %arg8[%get3A_989] {strides = array<i32>} : memref<512xf32, #tpu.memory_space<vmem>>, vector<16xf32>,
                tpu.vector_store_idx %arg10[%sub3A_986], %get3A_990 masked %gt3A_978 : memref<64xf32, #tpu.memory_space<vmem>>[vector<16xi32>], vector<16xf32>, vector<16xi1>
                %mul3A_991 = arith.constant 16 : i32
                %mul3A_992 = arith.muli %while3A_972, %mul3A_991 : i32
                %get3A_993 = arith.index_cast %mul3A_992 : i32 to index
                %get3A_994 = tpu.vector_load %arg9[%get3A_993] {strides = array<i32>} : memref<512xi32, #tpu.memory_space<vmem>>, vector<16xi32>,
                tpu.vector_store_idx %arg12[%sub3A_986], %get3A_994 masked %gt3A_978 : memref<64xi32, #tpu.memory_space<vmem>>[vector<16xi32>], vector<16xi32>, vector<16xi1>
                tpu.vector_store_idx %arg11[%sub3A_986], %get3A_977 masked %gt3A_978 : memref<64xi32, #tpu.memory_space<vmem>>[vector<16xi32>], vector<16xi32>, vector<16xi1>
                %all_reduce_population_count3A_995 = tpu.all_reduce %gt3A_978 {dim = 0 : i64, kind = #tpu.reduction_kind<sum>} : vector<16xi1> -> vector<16xi32>
                %add3A_996 = arith.addi %while3A_973, %all_reduce_population_count3A_995 : vector<16xi32>
                scf.yield %add3A_996 : vector<16xi32>
              }
              %while3A_839 = arith.constant 1 : i32
              %while3A_840 = scf.for %while3A_972 = %while3A_836 to %while3A_832 step %while3A_839 iter_args(%while3A_973 = %while3A_838) -> (vector<16xi32>)  : i32 {
                %mul3A_974 = arith.constant 16 : i32
                %mul3A_975 = arith.muli %while3A_972, %mul3A_974 : i32
                %get3A_976 = arith.index_cast %mul3A_975 : i32 to index
                %get3A_977 = tpu.vector_load %arg7[%get3A_976] {strides = array<i32>} : memref<512xi32, #tpu.memory_space<vmem>>, vector<16xi32>,
                %gt3A_978 = arith.cmpi sgt, %get3A_977, %bitcast3A_825 : vector<16xi32>
                %convert_element_type3A_979 = arith.extui %gt3A_978 : vector<16xi1> to vector<16xi32>
                %broadcast_in_dim3A_980 = arith.constant true
                %broadcast_in_dim3A_981 = vector.broadcast %broadcast_in_dim3A_980 : i1 to vector<16xi1>
                %masked_cumsum3A_982 = tpu.scan <sum>, %convert_element_type3A_979 masked %broadcast_in_dim3A_981 : vector<16xi32>, vector<16xi1> -> vector<16xi32>
                %add3A_983 = arith.addi %while3A_973, %masked_cumsum3A_982 : vector<16xi32>
                %sub3A_984 = arith.constant 1 : i32
                %sub3A_985 = vector.broadcast %sub3A_984 : i32 to vector<16xi32>
                %sub3A_986 = arith.subi %add3A_983, %sub3A_985 : vector<16xi32>
                %mul3A_987 = arith.constant 16 : i32
                %mul3A_988 = arith.muli %while3A_972, %mul3A_987 : i32
                %get3A_989 = arith.index_cast %mul3A_988 : i32 to index
                %get3A_990 = tpu.vector_load %arg8[%get3A_989] {strides = array<i32>} : memref<512xf32, #tpu.memory_space<vmem>>, vector<16xf32>,
                tpu.vector_store_idx %arg10[%sub3A_986], %get3A_990 masked %gt3A_978 : memref<64xf32, #tpu.memory_space<vmem>>[vector<16xi32>], vector<16xf32>, vector<16xi1>
                %mul3A_991 = arith.constant 16 : i32
                %mul3A_992 = arith.muli %while3A_972, %mul3A_991 : i32
                %get3A_993 = arith.index_cast %mul3A_992 : i32 to index
                %get3A_994 = tpu.vector_load %arg9[%get3A_993] {strides = array<i32>} : memref<512xi32, #tpu.memory_space<vmem>>, vector<16xi32>,
                tpu.vector_store_idx %arg12[%sub3A_986], %get3A_994 masked %gt3A_978 : memref<64xi32, #tpu.memory_space<vmem>>[vector<16xi32>], vector<16xi32>, vector<16xi1>
                tpu.vector_store_idx %arg11[%sub3A_986], %get3A_977 masked %gt3A_978 : memref<64xi32, #tpu.memory_space<vmem>>[vector<16xi32>], vector<16xi32>, vector<16xi1>
                %all_reduce_population_count3A_995 = tpu.all_reduce %gt3A_978 {dim = 0 : i64, kind = #tpu.reduction_kind<sum>} : vector<16xi1> -> vector<16xi32>
                %add3A_996 = arith.addi %while3A_973, %all_reduce_population_count3A_995 : vector<16xi32>
                scf.yield %add3A_996 : vector<16xi32>
              }
              %while3A_841 = arith.constant 0 : i32
              %while3A_842 = arith.subi %shift_right_arithmetic3A_813, %while3A_841 : i32
              %while3A_843 = arith.addi %while3A_841, %while3A_842 : i32
              %while3A_844 = arith.constant 1 : i32
              %while3A_845 = arith.divsi %while3A_842, %while3A_844 : i32
              %while3A_846 = arith.muli %while3A_845, %while3A_844 : i32
              %while3A_847 = arith.addi %while3A_841, %while3A_846 : i32
              %while3A_848 = arith.constant 1 : i32
              %while3A_849 = scf.for %while3A_972 = %while3A_841 to %while3A_847 step %while3A_848 iter_args(%while3A_973 = %while3A_840) -> (vector<16xi32>)  : i32 {
                %mul3A_974 = arith.constant 16 : i32
                %mul3A_975 = arith.muli %while3A_972, %mul3A_974 : i32
                %get3A_976 = arith.index_cast %mul3A_975 : i32 to index
                %get3A_977 = tpu.vector_load %arg7[%get3A_976] {strides = array<i32>} : memref<512xi32, #tpu.memory_space<vmem>>, vector<16xi32>,
                %eq3A = arith.cmpi eq, %get3A_977, %bitcast3A_825 : vector<16xi32>
                %convert_element_type3A_978 = arith.extui %eq3A : vector<16xi1> to vector<16xi32>
                %broadcast_in_dim3A_979 = arith.constant true
                %broadcast_in_dim3A_980 = vector.broadcast %broadcast_in_dim3A_979 : i1 to vector<16xi1>
                %masked_cumsum3A_981 = tpu.scan <sum>, %convert_element_type3A_978 masked %broadcast_in_dim3A_980 : vector<16xi32>, vector<16xi1> -> vector<16xi32>
                %add3A_982 = arith.addi %while3A_973, %masked_cumsum3A_981 : vector<16xi32>
                %sub3A_983 = arith.constant 1 : i32
                %sub3A_984 = vector.broadcast %sub3A_983 : i32 to vector<16xi32>
                %sub3A_985 = arith.subi %add3A_982, %sub3A_984 : vector<16xi32>
                %lt3A_986 = arith.constant 50 : i32
                %lt3A_987 = vector.broadcast %lt3A_986 : i32 to vector<16xi32>
                %lt3A_988 = arith.cmpi slt, %sub3A_985, %lt3A_987 : vector<16xi32>
                %and3A = arith.andi %eq3A, %lt3A_988 : vector<16xi1>
                %mul3A_989 = arith.constant 16 : i32
                %mul3A_990 = arith.muli %while3A_972, %mul3A_989 : i32
                %get3A_991 = arith.index_cast %mul3A_990 : i32 to index
                %get3A_992 = tpu.vector_load %arg8[%get3A_991] {strides = array<i32>} : memref<512xf32, #tpu.memory_space<vmem>>, vector<16xf32>,
                tpu.vector_store_idx %arg10[%sub3A_985], %get3A_992 masked %and3A : memref<64xf32, #tpu.memory_space<vmem>>[vector<16xi32>], vector<16xf32>, vector<16xi1>
                %mul3A_993 = arith.constant 16 : i32
                %mul3A_994 = arith.muli %while3A_972, %mul3A_993 : i32
                %get3A_995 = arith.index_cast %mul3A_994 : i32 to index
                %get3A_996 = tpu.vector_load %arg9[%get3A_995] {strides = array<i32>} : memref<512xi32, #tpu.memory_space<vmem>>, vector<16xi32>,
                tpu.vector_store_idx %arg12[%sub3A_985], %get3A_996 masked %and3A : memref<64xi32, #tpu.memory_space<vmem>>[vector<16xi32>], vector<16xi32>, vector<16xi1>
                tpu.vector_store_idx %arg11[%sub3A_985], %get3A_977 masked %and3A : memref<64xi32, #tpu.memory_space<vmem>>[vector<16xi32>], vector<16xi32>, vector<16xi1>
                %all_reduce_population_count3A_997 = tpu.all_reduce %eq3A {dim = 0 : i64, kind = #tpu.reduction_kind<sum>} : vector<16xi1> -> vector<16xi32>
                %add3A_998 = arith.addi %while3A_973, %all_reduce_population_count3A_997 : vector<16xi32>
                scf.yield %add3A_998 : vector<16xi32>
              }
              %while3A_850 = arith.constant 1 : i32
              %while3A_851 = scf.for %while3A_972 = %while3A_847 to %while3A_843 step %while3A_850 iter_args(%while3A_973 = %while3A_849) -> (vector<16xi32>)  : i32 {
                %mul3A_974 = arith.constant 16 : i32
                %mul3A_975 = arith.muli %while3A_972, %mul3A_974 : i32
                %get3A_976 = arith.index_cast %mul3A_975 : i32 to index
                %get3A_977 = tpu.vector_load %arg7[%get3A_976] {strides = array<i32>} : memref<512xi32, #tpu.memory_space<vmem>>, vector<16xi32>,
                %eq3A = arith.cmpi eq, %get3A_977, %bitcast3A_825 : vector<16xi32>
                %convert_element_type3A_978 = arith.extui %eq3A : vector<16xi1> to vector<16xi32>
                %broadcast_in_dim3A_979 = arith.constant true
                %broadcast_in_dim3A_980 = vector.broadcast %broadcast_in_dim3A_979 : i1 to vector<16xi1>
                %masked_cumsum3A_981 = tpu.scan <sum>, %convert_element_type3A_978 masked %broadcast_in_dim3A_980 : vector<16xi32>, vector<16xi1> -> vector<16xi32>
                %add3A_982 = arith.addi %while3A_973, %masked_cumsum3A_981 : vector<16xi32>
                %sub3A_983 = arith.constant 1 : i32
                %sub3A_984 = vector.broadcast %sub3A_983 : i32 to vector<16xi32>
                %sub3A_985 = arith.subi %add3A_982, %sub3A_984 : vector<16xi32>
                %lt3A_986 = arith.constant 50 : i32
                %lt3A_987 = vector.broadcast %lt3A_986 : i32 to vector<16xi32>
                %lt3A_988 = arith.cmpi slt, %sub3A_985, %lt3A_987 : vector<16xi32>
                %and3A = arith.andi %eq3A, %lt3A_988 : vector<16xi1>
                %mul3A_989 = arith.constant 16 : i32
                %mul3A_990 = arith.muli %while3A_972, %mul3A_989 : i32
                %get3A_991 = arith.index_cast %mul3A_990 : i32 to index
                %get3A_992 = tpu.vector_load %arg8[%get3A_991] {strides = array<i32>} : memref<512xf32, #tpu.memory_space<vmem>>, vector<16xf32>,
                tpu.vector_store_idx %arg10[%sub3A_985], %get3A_992 masked %and3A : memref<64xf32, #tpu.memory_space<vmem>>[vector<16xi32>], vector<16xf32>, vector<16xi1>
                %mul3A_993 = arith.constant 16 : i32
                %mul3A_994 = arith.muli %while3A_972, %mul3A_993 : i32
                %get3A_995 = arith.index_cast %mul3A_994 : i32 to index
                %get3A_996 = tpu.vector_load %arg9[%get3A_995] {strides = array<i32>} : memref<512xi32, #tpu.memory_space<vmem>>, vector<16xi32>,
                tpu.vector_store_idx %arg12[%sub3A_985], %get3A_996 masked %and3A : memref<64xi32, #tpu.memory_space<vmem>>[vector<16xi32>], vector<16xi32>, vector<16xi1>
                tpu.vector_store_idx %arg11[%sub3A_985], %get3A_977 masked %and3A : memref<64xi32, #tpu.memory_space<vmem>>[vector<16xi32>], vector<16xi32>, vector<16xi1>
                %all_reduce_population_count3A_997 = tpu.all_reduce %eq3A {dim = 0 : i64, kind = #tpu.reduction_kind<sum>} : vector<16xi1> -> vector<16xi32>
                %add3A_998 = arith.addi %while3A_973, %all_reduce_population_count3A_997 : vector<16xi32>
                scf.yield %add3A_998 : vector<16xi32>
              }
              %get3A_852 = arith.constant 0 : index
              %get3A_853 = tpu.vector_load %arg11[%get3A_852] {strides = array<i32>} : memref<64xi32, #tpu.memory_space<vmem>>, vector<16xi32>,
              %swap3A_854 = arith.constant 0 : index
              %swap3A_855 = tpu.vector_load %arg7[%swap3A_854] {strides = array<i32>} : memref<512xi32, #tpu.memory_space<vmem>>, vector<16xi32>,
              tpu.vector_store %arg7[%swap3A_854], %get3A_853 {strides = array<i32>} : memref<512xi32, #tpu.memory_space<vmem>>, vector<16xi32>,
              %get3A_856 = arith.constant 0 : index
              %get3A_857 = tpu.vector_load %arg10[%get3A_856] {strides = array<i32>} : memref<64xf32, #tpu.memory_space<vmem>>, vector<16xf32>,
              %swap3A_858 = arith.constant 0 : index
              %swap3A_859 = tpu.vector_load %arg8[%swap3A_858] {strides = array<i32>} : memref<512xf32, #tpu.memory_space<vmem>>, vector<16xf32>,
              tpu.vector_store %arg8[%swap3A_858], %get3A_857 {strides = array<i32>} : memref<512xf32, #tpu.memory_space<vmem>>, vector<16xf32>,
              %get3A_860 = arith.constant 0 : index
              %get3A_861 = tpu.vector_load %arg12[%get3A_860] {strides = array<i32>} : memref<64xi32, #tpu.memory_space<vmem>>, vector<16xi32>,
              %swap3A_862 = arith.constant 0 : index
              %swap3A_863 = tpu.vector_load %arg9[%swap3A_862] {strides = array<i32>} : memref<512xi32, #tpu.memory_space<vmem>>, vector<16xi32>,
              tpu.vector_store %arg9[%swap3A_862], %get3A_861 {strides = array<i32>} : memref<512xi32, #tpu.memory_space<vmem>>, vector<16xi32>,
              %get3A_864 = arith.constant 16 : index
              %get3A_865 = tpu.vector_load %arg11[%get3A_864] {strides = array<i32>} : memref<64xi32, #tpu.memory_space<vmem>>, vector<16xi32>,
              %swap3A_866 = arith.constant 16 : index
              %swap3A_867 = tpu.vector_load %arg7[%swap3A_866] {strides = array<i32>} : memref<512xi32, #tpu.memory_space<vmem>>, vector<16xi32>,
              tpu.vector_store %arg7[%swap3A_866], %get3A_865 {strides = array<i32>} : memref<512xi32, #tpu.memory_space<vmem>>, vector<16xi32>,
              %get3A_868 = arith.constant 16 : index
              %get3A_869 = tpu.vector_load %arg10[%get3A_868] {strides = array<i32>} : memref<64xf32, #tpu.memory_space<vmem>>, vector<16xf32>,
              %swap3A_870 = arith.constant 16 : index
              %swap3A_871 = tpu.vector_load %arg8[%swap3A_870] {strides = array<i32>} : memref<512xf32, #tpu.memory_space<vmem>>, vector<16xf32>,
              tpu.vector_store %arg8[%swap3A_870], %get3A_869 {strides = array<i32>} : memref<512xf32, #tpu.memory_space<vmem>>, vector<16xf32>,
              %get3A_872 = arith.constant 16 : index
              %get3A_873 = tpu.vector_load %arg12[%get3A_872] {strides = array<i32>} : memref<64xi32, #tpu.memory_space<vmem>>, vector<16xi32>,
              %swap3A_874 = arith.constant 16 : index
              %swap3A_875 = tpu.vector_load %arg9[%swap3A_874] {strides = array<i32>} : memref<512xi32, #tpu.memory_space<vmem>>, vector<16xi32>,
              tpu.vector_store %arg9[%swap3A_874], %get3A_873 {strides = array<i32>} : memref<512xi32, #tpu.memory_space<vmem>>, vector<16xi32>,
              %get3A_876 = arith.constant 32 : index
              %get3A_877 = tpu.vector_load %arg11[%get3A_876] {strides = array<i32>} : memref<64xi32, #tpu.memory_space<vmem>>, vector<16xi32>,
              %swap3A_878 = arith.constant 32 : index
              %swap3A_879 = tpu.vector_load %arg7[%swap3A_878] {strides = array<i32>} : memref<512xi32, #tpu.memory_space<vmem>>, vector<16xi32>,
              tpu.vector_store %arg7[%swap3A_878], %get3A_877 {strides = array<i32>} : memref<512xi32, #tpu.memory_space<vmem>>, vector<16xi32>,
              %get3A_880 = arith.constant 32 : index
              %get3A_881 = tpu.vector_load %arg10[%get3A_880] {strides = array<i32>} : memref<64xf32, #tpu.memory_space<vmem>>, vector<16xf32>,
              %swap3A_882 = arith.constant 32 : index
              %swap3A_883 = tpu.vector_load %arg8[%swap3A_882] {strides = array<i32>} : memref<512xf32, #tpu.memory_space<vmem>>, vector<16xf32>,
              tpu.vector_store %arg8[%swap3A_882], %get3A_881 {strides = array<i32>} : memref<512xf32, #tpu.memory_space<vmem>>, vector<16xf32>,
              %get3A_884 = arith.constant 32 : index
              %get3A_885 = tpu.vector_load %arg12[%get3A_884] {strides = array<i32>} : memref<64xi32, #tpu.memory_space<vmem>>, vector<16xi32>,
              %swap3A_886 = arith.constant 32 : index
              %swap3A_887 = tpu.vector_load %arg9[%swap3A_886] {strides = array<i32>} : memref<512xi32, #tpu.memory_space<vmem>>, vector<16xi32>,
              tpu.vector_store %arg9[%swap3A_886], %get3A_885 {strides = array<i32>} : memref<512xi32, #tpu.memory_space<vmem>>, vector<16xi32>,
              %get3A_888 = arith.constant 48 : index
              %get3A_889 = tpu.vector_load %arg11[%get3A_888] {strides = array<i32>} : memref<64xi32, #tpu.memory_space<vmem>>, vector<16xi32>,
              %swap3A_890 = arith.constant 48 : index
              %swap3A_891 = tpu.vector_load %arg7[%swap3A_890] {strides = array<i32>} : memref<512xi32, #tpu.memory_space<vmem>>, vector<16xi32>,
              tpu.vector_store %arg7[%swap3A_890], %get3A_889 {strides = array<i32>} : memref<512xi32, #tpu.memory_space<vmem>>, vector<16xi32>,
              %get3A_892 = arith.constant 48 : index
              %get3A_893 = tpu.vector_load %arg10[%get3A_892] {strides = array<i32>} : memref<64xf32, #tpu.memory_space<vmem>>, vector<16xf32>,
              %swap3A_894 = arith.constant 48 : index
              %swap3A_895 = tpu.vector_load %arg8[%swap3A_894] {strides = array<i32>} : memref<512xf32, #tpu.memory_space<vmem>>, vector<16xf32>,
              tpu.vector_store %arg8[%swap3A_894], %get3A_893 {strides = array<i32>} : memref<512xf32, #tpu.memory_space<vmem>>, vector<16xf32>,
              %get3A_896 = arith.constant 48 : index
              %get3A_897 = tpu.vector_load %arg12[%get3A_896] {strides = array<i32>} : memref<64xi32, #tpu.memory_space<vmem>>, vector<16xi32>,
              %swap3A_898 = arith.constant 48 : index
              %swap3A_899 = tpu.vector_load %arg9[%swap3A_898] {strides = array<i32>} : memref<512xi32, #tpu.memory_space<vmem>>, vector<16xi32>,
              tpu.vector_store %arg9[%swap3A_898], %get3A_897 {strides = array<i32>} : memref<512xi32, #tpu.memory_space<vmem>>, vector<16xi32>,
              %swap3A_900 = arith.constant 64 : index
              %swap3A_901 = tpu.vector_load %arg7[%swap3A_900] {strides = array<i32>} : memref<512xi32, #tpu.memory_space<vmem>>, vector<16xi32>,
              tpu.vector_store %arg7[%swap3A_900], %broadcast_in_dim3A_3 {strides = array<i32>} : memref<512xi32, #tpu.memory_space<vmem>>, vector<16xi32>,
              %swap3A_902 = arith.constant 80 : index
              %swap3A_903 = tpu.vector_load %arg7[%swap3A_902] {strides = array<i32>} : memref<512xi32, #tpu.memory_space<vmem>>, vector<16xi32>,
              tpu.vector_store %arg7[%swap3A_902], %broadcast_in_dim3A_3 {strides = array<i32>} : memref<512xi32, #tpu.memory_space<vmem>>, vector<16xi32>,
              %swap3A_904 = arith.constant 96 : index
              %swap3A_905 = tpu.vector_load %arg7[%swap3A_904] {strides = array<i32>} : memref<512xi32, #tpu.memory_space<vmem>>, vector<16xi32>,
              tpu.vector_store %arg7[%swap3A_904], %broadcast_in_dim3A_3 {strides = array<i32>} : memref<512xi32, #tpu.memory_space<vmem>>, vector<16xi32>,
              %swap3A_906 = arith.constant 112 : index
              %swap3A_907 = tpu.vector_load %arg7[%swap3A_906] {strides = array<i32>} : memref<512xi32, #tpu.memory_space<vmem>>, vector<16xi32>,
              tpu.vector_store %arg7[%swap3A_906], %broadcast_in_dim3A_3 {strides = array<i32>} : memref<512xi32, #tpu.memory_space<vmem>>, vector<16xi32>,
              %swap3A_908 = arith.constant 128 : index
              %swap3A_909 = tpu.vector_load %arg7[%swap3A_908] {strides = array<i32>} : memref<512xi32, #tpu.memory_space<vmem>>, vector<16xi32>,
              tpu.vector_store %arg7[%swap3A_908], %broadcast_in_dim3A_3 {strides = array<i32>} : memref<512xi32, #tpu.memory_space<vmem>>, vector<16xi32>,
              %swap3A_910 = arith.constant 144 : index
              %swap3A_911 = tpu.vector_load %arg7[%swap3A_910] {strides = array<i32>} : memref<512xi32, #tpu.memory_space<vmem>>, vector<16xi32>,
              tpu.vector_store %arg7[%swap3A_910], %broadcast_in_dim3A_3 {strides = array<i32>} : memref<512xi32, #tpu.memory_space<vmem>>, vector<16xi32>,
              %swap3A_912 = arith.constant 160 : index
              %swap3A_913 = tpu.vector_load %arg7[%swap3A_912] {strides = array<i32>} : memref<512xi32, #tpu.memory_space<vmem>>, vector<16xi32>,
              tpu.vector_store %arg7[%swap3A_912], %broadcast_in_dim3A_3 {strides = array<i32>} : memref<512xi32, #tpu.memory_space<vmem>>, vector<16xi32>,
              %swap3A_914 = arith.constant 176 : index
              %swap3A_915 = tpu.vector_load %arg7[%swap3A_914] {strides = array<i32>} : memref<512xi32, #tpu.memory_space<vmem>>, vector<16xi32>,
              tpu.vector_store %arg7[%swap3A_914], %broadcast_in_dim3A_3 {strides = array<i32>} : memref<512xi32, #tpu.memory_space<vmem>>, vector<16xi32>,
              %swap3A_916 = arith.constant 192 : index
              %swap3A_917 = tpu.vector_load %arg7[%swap3A_916] {strides = array<i32>} : memref<512xi32, #tpu.memory_space<vmem>>, vector<16xi32>,
              tpu.vector_store %arg7[%swap3A_916], %broadcast_in_dim3A_3 {strides = array<i32>} : memref<512xi32, #tpu.memory_space<vmem>>, vector<16xi32>,
              %swap3A_918 = arith.constant 208 : index
              %swap3A_919 = tpu.vector_load %arg7[%swap3A_918] {strides = array<i32>} : memref<512xi32, #tpu.memory_space<vmem>>, vector<16xi32>,
              tpu.vector_store %arg7[%swap3A_918], %broadcast_in_dim3A_3 {strides = array<i32>} : memref<512xi32, #tpu.memory_space<vmem>>, vector<16xi32>,
              %swap3A_920 = arith.constant 224 : index
              %swap3A_921 = tpu.vector_load %arg7[%swap3A_920] {strides = array<i32>} : memref<512xi32, #tpu.memory_space<vmem>>, vector<16xi32>,
              tpu.vector_store %arg7[%swap3A_920], %broadcast_in_dim3A_3 {strides = array<i32>} : memref<512xi32, #tpu.memory_space<vmem>>, vector<16xi32>,
              %swap3A_922 = arith.constant 240 : index
              %swap3A_923 = tpu.vector_load %arg7[%swap3A_922] {strides = array<i32>} : memref<512xi32, #tpu.memory_space<vmem>>, vector<16xi32>,
              tpu.vector_store %arg7[%swap3A_922], %broadcast_in_dim3A_3 {strides = array<i32>} : memref<512xi32, #tpu.memory_space<vmem>>, vector<16xi32>,
              %swap3A_924 = arith.constant 256 : index
              %swap3A_925 = tpu.vector_load %arg7[%swap3A_924] {strides = array<i32>} : memref<512xi32, #tpu.memory_space<vmem>>, vector<16xi32>,
              tpu.vector_store %arg7[%swap3A_924], %broadcast_in_dim3A_3 {strides = array<i32>} : memref<512xi32, #tpu.memory_space<vmem>>, vector<16xi32>,
              %swap3A_926 = arith.constant 272 : index
              %swap3A_927 = tpu.vector_load %arg7[%swap3A_926] {strides = array<i32>} : memref<512xi32, #tpu.memory_space<vmem>>, vector<16xi32>,
              tpu.vector_store %arg7[%swap3A_926], %broadcast_in_dim3A_3 {strides = array<i32>} : memref<512xi32, #tpu.memory_space<vmem>>, vector<16xi32>,
              %swap3A_928 = arith.constant 288 : index
              %swap3A_929 = tpu.vector_load %arg7[%swap3A_928] {strides = array<i32>} : memref<512xi32, #tpu.memory_space<vmem>>, vector<16xi32>,
              tpu.vector_store %arg7[%swap3A_928], %broadcast_in_dim3A_3 {strides = array<i32>} : memref<512xi32, #tpu.memory_space<vmem>>, vector<16xi32>,
              %swap3A_930 = arith.constant 304 : index
              %swap3A_931 = tpu.vector_load %arg7[%swap3A_930] {strides = array<i32>} : memref<512xi32, #tpu.memory_space<vmem>>, vector<16xi32>,
              tpu.vector_store %arg7[%swap3A_930], %broadcast_in_dim3A_3 {strides = array<i32>} : memref<512xi32, #tpu.memory_space<vmem>>, vector<16xi32>,
              %swap3A_932 = arith.constant 320 : index
              %swap3A_933 = tpu.vector_load %arg7[%swap3A_932] {strides = array<i32>} : memref<512xi32, #tpu.memory_space<vmem>>, vector<16xi32>,
              tpu.vector_store %arg7[%swap3A_932], %broadcast_in_dim3A_3 {strides = array<i32>} : memref<512xi32, #tpu.memory_space<vmem>>, vector<16xi32>,
              %swap3A_934 = arith.constant 336 : index
              %swap3A_935 = tpu.vector_load %arg7[%swap3A_934] {strides = array<i32>} : memref<512xi32, #tpu.memory_space<vmem>>, vector<16xi32>,
              tpu.vector_store %arg7[%swap3A_934], %broadcast_in_dim3A_3 {strides = array<i32>} : memref<512xi32, #tpu.memory_space<vmem>>, vector<16xi32>,
              %swap3A_936 = arith.constant 352 : index
              %swap3A_937 = tpu.vector_load %arg7[%swap3A_936] {strides = array<i32>} : memref<512xi32, #tpu.memory_space<vmem>>, vector<16xi32>,
              tpu.vector_store %arg7[%swap3A_936], %broadcast_in_dim3A_3 {strides = array<i32>} : memref<512xi32, #tpu.memory_space<vmem>>, vector<16xi32>,
              %swap3A_938 = arith.constant 368 : index
              %swap3A_939 = tpu.vector_load %arg7[%swap3A_938] {strides = array<i32>} : memref<512xi32, #tpu.memory_space<vmem>>, vector<16xi32>,
              tpu.vector_store %arg7[%swap3A_938], %broadcast_in_dim3A_3 {strides = array<i32>} : memref<512xi32, #tpu.memory_space<vmem>>, vector<16xi32>,
              %swap3A_940 = arith.constant 384 : index
              %swap3A_941 = tpu.vector_load %arg7[%swap3A_940] {strides = array<i32>} : memref<512xi32, #tpu.memory_space<vmem>>, vector<16xi32>,
              tpu.vector_store %arg7[%swap3A_940], %broadcast_in_dim3A_3 {strides = array<i32>} : memref<512xi32, #tpu.memory_space<vmem>>, vector<16xi32>,
              %swap3A_942 = arith.constant 400 : index
              %swap3A_943 = tpu.vector_load %arg7[%swap3A_942] {strides = array<i32>} : memref<512xi32, #tpu.memory_space<vmem>>, vector<16xi32>,
              tpu.vector_store %arg7[%swap3A_942], %broadcast_in_dim3A_3 {strides = array<i32>} : memref<512xi32, #tpu.memory_space<vmem>>, vector<16xi32>,
              %swap3A_944 = arith.constant 416 : index
              %swap3A_945 = tpu.vector_load %arg7[%swap3A_944] {strides = array<i32>} : memref<512xi32, #tpu.memory_space<vmem>>, vector<16xi32>,
              tpu.vector_store %arg7[%swap3A_944], %broadcast_in_dim3A_3 {strides = array<i32>} : memref<512xi32, #tpu.memory_space<vmem>>, vector<16xi32>,
              %swap3A_946 = arith.constant 432 : index
              %swap3A_947 = tpu.vector_load %arg7[%swap3A_946] {strides = array<i32>} : memref<512xi32, #tpu.memory_space<vmem>>, vector<16xi32>,
              tpu.vector_store %arg7[%swap3A_946], %broadcast_in_dim3A_3 {strides = array<i32>} : memref<512xi32, #tpu.memory_space<vmem>>, vector<16xi32>,
              %swap3A_948 = arith.constant 448 : index
              %swap3A_949 = tpu.vector_load %arg7[%swap3A_948] {strides = array<i32>} : memref<512xi32, #tpu.memory_space<vmem>>, vector<16xi32>,
              tpu.vector_store %arg7[%swap3A_948], %broadcast_in_dim3A_3 {strides = array<i32>} : memref<512xi32, #tpu.memory_space<vmem>>, vector<16xi32>,
              %swap3A_950 = arith.constant 464 : index
              %swap3A_951 = tpu.vector_load %arg7[%swap3A_950] {strides = array<i32>} : memref<512xi32, #tpu.memory_space<vmem>>, vector<16xi32>,
              tpu.vector_store %arg7[%swap3A_950], %broadcast_in_dim3A_3 {strides = array<i32>} : memref<512xi32, #tpu.memory_space<vmem>>, vector<16xi32>,
              %swap3A_952 = arith.constant 480 : index
              %swap3A_953 = tpu.vector_load %arg7[%swap3A_952] {strides = array<i32>} : memref<512xi32, #tpu.memory_space<vmem>>, vector<16xi32>,
              tpu.vector_store %arg7[%swap3A_952], %broadcast_in_dim3A_3 {strides = array<i32>} : memref<512xi32, #tpu.memory_space<vmem>>, vector<16xi32>,
              %swap3A_954 = arith.constant 496 : index
              %swap3A_955 = tpu.vector_load %arg7[%swap3A_954] {strides = array<i32>} : memref<512xi32, #tpu.memory_space<vmem>>, vector<16xi32>,
              tpu.vector_store %arg7[%swap3A_954], %broadcast_in_dim3A_3 {strides = array<i32>} : memref<512xi32, #tpu.memory_space<vmem>>, vector<16xi32>,
              %broadcast_in_dim3A_956 = arith.constant 50 : i32
              %broadcast_in_dim3A_957 = vector.broadcast %broadcast_in_dim3A_956 : i32 to vector<16xi32>
              %swap3A_958 = arith.constant 0 : index
              %swap3A_959 = tpu.vector_load %arg16[%swap3A_958] {strides = array<i32>} : memref<16xi32, #tpu.memory_space<vmem>>, vector<16xi32>,
              tpu.vector_store %arg16[%swap3A_958], %broadcast_in_dim3A_957 {strides = array<i32>} : memref<16xi32, #tpu.memory_space<vmem>>, vector<16xi32>,
              %lt3A_960 = arith.constant 0 : i32
              %lt3A_961 = vector.broadcast %lt3A_960 : i32 to vector<16xi32>
              %lt3A_962 = arith.cmpi slt, %bitcast3A_825, %lt3A_961 : vector<16xi32>
              %xor3A_963 = arith.constant -2147483648 : i32
              %xor3A_964 = vector.broadcast %xor3A_963 : i32 to vector<16xi32>
              %xor3A_965 = arith.xori %bitcast3A_825, %xor3A_964 : vector<16xi32>
              %not3A_966 = arith.constant dense<-1> : vector<16xi32>
              %not3A_967 = arith.xori %xor3A_965, %not3A_966 : vector<16xi32>
              %select_n3A_968 = arith.select %lt3A_962, %not3A_967, %bitcast3A_825 : vector<16xi1>, vector<16xi32>
              %bitcast3A_969 = vector.bitcast %select_n3A_968 : vector<16xi32> to vector<16xf32>
              %swap3A_970 = arith.constant 0 : index
              %swap3A_971 = tpu.vector_load %arg17[%swap3A_970] {strides = array<i32>} : memref<16xf32, #tpu.memory_space<vmem>>, vector<16xf32>,
              tpu.vector_store %arg17[%swap3A_970], %bitcast3A_969 {strides = array<i32>} : memref<16xf32, #tpu.memory_space<vmem>>, vector<16xf32>,
            } else {
            }
          } else {
          }
          %scan3A_332 = arith.constant 0 : i32
          scf.yield %scan3A_332 : i32
        }
        %scan3A_226 = arith.constant 20 : i32
        %add3A_227 = arith.constant 2 : i32
        %add3A_228 = arith.addi %mul3A_213, %add3A_227 : i32
        %lt3A_229 = arith.constant 25 : i32
        %lt3A_230 = arith.cmpi slt, %add3A_228, %lt3A_229 : i32
        %convert_element_type3A = arith.extui %lt3A_230 : i1 to i32
        %cond3A = arith.constant 0 : i32
        %cond3A_231 = arith.cmpi ne, %convert_element_type3A, %cond3A : i32
        scf.if %cond3A_231 {
          %add3A_240 = arith.constant 2 : i32
          %add3A_241 = arith.addi %mul3A_213, %add3A_240 : i32
          %mul3A_242 = arith.constant 5120 : i32
          %mul3A_243 = arith.muli %add3A_241, %mul3A_242 : i32
          %dma_start3A_244 = tpu.memref_slice %arg2[%add3A_16, %mul3A_243] : memref<64x128000xf32, #tpu.memory_space<hbm>> -> memref<1x5120xf32, #tpu.memory_space<hbm>>
          %dma_start3A_245 = tpu.memref_squeeze %dma_start3A_244 : memref<1x5120xf32, #tpu.memory_space<hbm>> -> memref<5120xf32, #tpu.memory_space<hbm>>
          %dma_start3A_246 = tpu.memref_slice %arg2[%add3A_16, %mul3A_243] : memref<64x128000xf32, #tpu.memory_space<hbm>> -> memref<1x5120xf32, #tpu.memory_space<hbm>>
          %dma_start3A_247 = tpu.memref_squeeze %dma_start3A_246 : memref<1x5120xf32, #tpu.memory_space<hbm>> -> memref<5120xf32, #tpu.memory_space<hbm>>
          tpu.enqueue_dma source(%dma_start3A_247 : memref<5120xf32, #tpu.memory_space<hbm>>) target(%arg5 : memref<5120xf32, #tpu.memory_space<vmem>>) target_semaphore(%arg19 : memref<!tpu.dma_semaphore, #tpu.memory_space<semaphore_mem>>)
        } else {
        }
        %add3A_232 = arith.constant 1 : i32
        %add3A_233 = arith.addi %mul3A_213, %add3A_232 : i32
        %lt3A_234 = arith.constant 25 : i32
        %lt3A_235 = arith.cmpi slt, %add3A_233, %lt3A_234 : i32
        %convert_element_type3A_236 = arith.extui %lt3A_235 : i1 to i32
        %cond3A_237 = arith.constant 0 : i32
        %cond3A_238 = arith.cmpi ne, %convert_element_type3A_236, %cond3A_237 : i32
        scf.if %cond3A_238 {
          %dma_wait3A_240 = arith.constant 0 : i32
          %dma_wait3A_241 = tpu.memref_slice %arg2[%add3A_16, %dma_wait3A_240] : memref<64x128000xf32, #tpu.memory_space<hbm>> -> memref<1x5120xf32, #tpu.memory_space<hbm>>
          %dma_wait3A_242 = tpu.memref_squeeze %dma_wait3A_241 : memref<1x5120xf32, #tpu.memory_space<hbm>> -> memref<5120xf32, #tpu.memory_space<hbm>>
          %dma_wait3A_243 = arith.constant 0 : i32
          %dma_wait3A_244 = tpu.memref_slice %arg2[%add3A_16, %dma_wait3A_243] : memref<64x128000xf32, #tpu.memory_space<hbm>> -> memref<1x5120xf32, #tpu.memory_space<hbm>>
          %dma_wait3A_245 = tpu.memref_squeeze %dma_wait3A_244 : memref<1x5120xf32, #tpu.memory_space<hbm>> -> memref<5120xf32, #tpu.memory_space<hbm>>
          tpu.wait_dma2 semaphore(%arg20 : memref<!tpu.dma_semaphore, #tpu.memory_space<semaphore_mem>>) src(%dma_wait3A_245 : memref<5120xf32, #tpu.memory_space<hbm>>) dst(%arg6 : memref<5120xf32, #tpu.memory_space<vmem>>)
          %add3A_246 = arith.constant 1 : i32
          %add3A_247 = arith.addi %mul3A_213, %add3A_246 : i32
          %scan3A_248 = arith.constant 0 : i32
          %scan3A_249 = arith.constant 0 : i32
          %scan3A_250 = arith.constant 20 : i32
          %scan3A_251 = arith.addi %scan3A_249, %scan3A_250 : i32
          %scan3A_252 = arith.constant 1 : i32
          %scan3A_253 = scf.for %scan3A_262 = %scan3A_249 to %scan3A_251 step %scan3A_252 iter_args(%scan3A_263 = %scan3A_248) -> (i32)  : i32 {
            %mul3A_264 = arith.constant 256 : i32
            %mul3A_265 = arith.muli %scan3A_262, %mul3A_264 : i32
            %get3A_266 = arith.constant 0 : index
            %get3A_267 = tpu.vector_load %arg17[%get3A_266] {strides = array<i32>} : memref<16xf32, #tpu.memory_space<vmem>>, vector<16xf32>,
            %add3A_268 = arith.constant 0 : i32
            %add3A_269 = arith.addi %mul3A_265, %add3A_268 : i32
            %get3A_270 = arith.index_cast %add3A_269 : i32 to index
            %get3A_271 = tpu.vector_load %arg6[%get3A_270] {strides = array<i32>} : memref<5120xf32, #tpu.memory_space<vmem>>, vector<16xf32>,
            %add3A_272 = arith.constant 16 : i32
            %add3A_273 = arith.addi %mul3A_265, %add3A_272 : i32
            %get3A_274 = arith.index_cast %add3A_273 : i32 to index
            %get3A_275 = tpu.vector_load %arg6[%get3A_274] {strides = array<i32>} : memref<5120xf32, #tpu.memory_space<vmem>>, vector<16xf32>,
            %add3A_276 = arith.constant 32 : i32
            %add3A_277 = arith.addi %mul3A_265, %add3A_276 : i32
            %get3A_278 = arith.index_cast %add3A_277 : i32 to index
            %get3A_279 = tpu.vector_load %arg6[%get3A_278] {strides = array<i32>} : memref<5120xf32, #tpu.memory_space<vmem>>, vector<16xf32>,
            %add3A_280 = arith.constant 48 : i32
            %add3A_281 = arith.addi %mul3A_265, %add3A_280 : i32
            %get3A_282 = arith.index_cast %add3A_281 : i32 to index
            %get3A_283 = tpu.vector_load %arg6[%get3A_282] {strides = array<i32>} : memref<5120xf32, #tpu.memory_space<vmem>>, vector<16xf32>,
            %add3A_284 = arith.constant 64 : i32
            %add3A_285 = arith.addi %mul3A_265, %add3A_284 : i32
            %get3A_286 = arith.index_cast %add3A_285 : i32 to index
            %get3A_287 = tpu.vector_load %arg6[%get3A_286] {strides = array<i32>} : memref<5120xf32, #tpu.memory_space<vmem>>, vector<16xf32>,
            %add3A_288 = arith.constant 80 : i32
            %add3A_289 = arith.addi %mul3A_265, %add3A_288 : i32
            %get3A_290 = arith.index_cast %add3A_289 : i32 to index
            %get3A_291 = tpu.vector_load %arg6[%get3A_290] {strides = array<i32>} : memref<5120xf32, #tpu.memory_space<vmem>>, vector<16xf32>,
            %add3A_292 = arith.constant 96 : i32
            %add3A_293 = arith.addi %mul3A_265, %add3A_292 : i32
            %get3A_294 = arith.index_cast %add3A_293 : i32 to index
            %get3A_295 = tpu.vector_load %arg6[%get3A_294] {strides = array<i32>} : memref<5120xf32, #tpu.memory_space<vmem>>, vector<16xf32>,
            %add3A_296 = arith.constant 112 : i32
            %add3A_297 = arith.addi %mul3A_265, %add3A_296 : i32
            %get3A_298 = arith.index_cast %add3A_297 : i32 to index
            %get3A_299 = tpu.vector_load %arg6[%get3A_298] {strides = array<i32>} : memref<5120xf32, #tpu.memory_space<vmem>>, vector<16xf32>,
            %add3A_300 = arith.constant 128 : i32
            %add3A_301 = arith.addi %mul3A_265, %add3A_300 : i32
            %get3A_302 = arith.index_cast %add3A_301 : i32 to index
            %get3A_303 = tpu.vector_load %arg6[%get3A_302] {strides = array<i32>} : memref<5120xf32, #tpu.memory_space<vmem>>, vector<16xf32>,
            %add3A_304 = arith.constant 144 : i32
            %add3A_305 = arith.addi %mul3A_265, %add3A_304 : i32
            %get3A_306 = arith.index_cast %add3A_305 : i32 to index
            %get3A_307 = tpu.vector_load %arg6[%get3A_306] {strides = array<i32>} : memref<5120xf32, #tpu.memory_space<vmem>>, vector<16xf32>,
            %add3A_308 = arith.constant 160 : i32
            %add3A_309 = arith.addi %mul3A_265, %add3A_308 : i32
            %get3A_310 = arith.index_cast %add3A_309 : i32 to index
            %get3A_311 = tpu.vector_load %arg6[%get3A_310] {strides = array<i32>} : memref<5120xf32, #tpu.memory_space<vmem>>, vector<16xf32>,
            %add3A_312 = arith.constant 176 : i32
            %add3A_313 = arith.addi %mul3A_265, %add3A_312 : i32
            %get3A_314 = arith.index_cast %add3A_313 : i32 to index
            %get3A_315 = tpu.vector_load %arg6[%get3A_314] {strides = array<i32>} : memref<5120xf32, #tpu.memory_space<vmem>>, vector<16xf32>,
            %add3A_316 = arith.constant 192 : i32
            %add3A_317 = arith.addi %mul3A_265, %add3A_316 : i32
            %get3A_318 = arith.index_cast %add3A_317 : i32 to index
            %get3A_319 = tpu.vector_load %arg6[%get3A_318] {strides = array<i32>} : memref<5120xf32, #tpu.memory_space<vmem>>, vector<16xf32>,
            %add3A_320 = arith.constant 208 : i32
            %add3A_321 = arith.addi %mul3A_265, %add3A_320 : i32
            %get3A_322 = arith.index_cast %add3A_321 : i32 to index
            %get3A_323 = tpu.vector_load %arg6[%get3A_322] {strides = array<i32>} : memref<5120xf32, #tpu.memory_space<vmem>>, vector<16xf32>,
            %add3A_324 = arith.constant 224 : i32
            %add3A_325 = arith.addi %mul3A_265, %add3A_324 : i32
            %get3A_326 = arith.index_cast %add3A_325 : i32 to index
            %get3A_327 = tpu.vector_load %arg6[%get3A_326] {strides = array<i32>} : memref<5120xf32, #tpu.memory_space<vmem>>, vector<16xf32>,
            %add3A_328 = arith.constant 240 : i32
            %add3A_329 = arith.addi %mul3A_265, %add3A_328 : i32
            %get3A_330 = arith.index_cast %add3A_329 : i32 to index
            %get3A_331 = tpu.vector_load %arg6[%get3A_330] {strides = array<i32>} : memref<5120xf32, #tpu.memory_space<vmem>>, vector<16xf32>,
            %max3A_332 = arith.maximumf %get3A_271, %get3A_275 : vector<16xf32>
            %max3A_333 = arith.maximumf %max3A_332, %get3A_279 : vector<16xf32>
            %max3A_334 = arith.maximumf %max3A_333, %get3A_283 : vector<16xf32>
            %max3A_335 = arith.maximumf %max3A_334, %get3A_287 : vector<16xf32>
            %max3A_336 = arith.maximumf %max3A_335, %get3A_291 : vector<16xf32>
            %max3A_337 = arith.maximumf %max3A_336, %get3A_295 : vector<16xf32>
            %max3A_338 = arith.maximumf %max3A_337, %get3A_299 : vector<16xf32>
            %max3A_339 = arith.maximumf %max3A_338, %get3A_303 : vector<16xf32>
            %max3A_340 = arith.maximumf %max3A_339, %get3A_307 : vector<16xf32>
            %max3A_341 = arith.maximumf %max3A_340, %get3A_311 : vector<16xf32>
            %max3A_342 = arith.maximumf %max3A_341, %get3A_315 : vector<16xf32>
            %max3A_343 = arith.maximumf %max3A_342, %get3A_319 : vector<16xf32>
            %max3A_344 = arith.maximumf %max3A_343, %get3A_323 : vector<16xf32>
            %max3A_345 = arith.maximumf %max3A_344, %get3A_327 : vector<16xf32>
            %max3A_346 = arith.maximumf %max3A_345, %get3A_331 : vector<16xf32>
            %gt3A = arith.cmpf ogt, %max3A_346, %get3A_267 : vector<16xf32>
            %all_reduce_population_count3A = tpu.all_reduce %gt3A {dim = 0 : i64, kind = #tpu.reduction_kind<sum>} : vector<16xi1> -> vector<16xi32>
            %slice3A_347 = vector.extract_strided_slice %all_reduce_population_count3A {offsets = [0], sizes = [1], strides = [1]} : vector<16xi32> to vector<1xi32>
            %squeeze3A_348 = vector.extract %slice3A_347[0] : i32 from vector<1xi32>
            %gt3A_349 = arith.constant 0 : i32
            %gt3A_350 = arith.cmpi sgt, %squeeze3A_348, %gt3A_349 : i32
            %convert_element_type3A_351 = arith.extui %gt3A_350 : i1 to i32
            %cond3A_352 = arith.constant 0 : i32
            %cond3A_353 = arith.cmpi ne, %convert_element_type3A_351, %cond3A_352 : i32
            scf.if %cond3A_353 {
              %mul3A_355 = arith.constant 5120 : i32
              %mul3A_356 = arith.muli %add3A_247, %mul3A_355 : i32
              %add3A_357 = arith.addi %mul3A_356, %mul3A_265 : i32
              %gt3A_358 = arith.cmpf ogt, %get3A_271, %get3A_267 : vector<16xf32>
              %get3A_359 = arith.constant 0 : index
              %get3A_360 = tpu.vector_load %arg16[%get3A_359] {strides = array<i32>} : memref<16xi32, #tpu.memory_space<vmem>>, vector<16xi32>,
              %convert_element_type3A_361 = arith.extui %gt3A_358 : vector<16xi1> to vector<16xi32>
              %broadcast_in_dim3A_362 = arith.constant true
              %broadcast_in_dim3A_363 = vector.broadcast %broadcast_in_dim3A_362 : i1 to vector<16xi1>
              %masked_cumsum3A = tpu.scan <sum>, %convert_element_type3A_361 masked %broadcast_in_dim3A_363 : vector<16xi32>, vector<16xi1> -> vector<16xi32>
              %add3A_364 = arith.addi %get3A_360, %masked_cumsum3A : vector<16xi32>
              %sub3A_365 = arith.constant 1 : i32
              %sub3A_366 = vector.broadcast %sub3A_365 : i32 to vector<16xi32>
              %sub3A_367 = arith.subi %add3A_364, %sub3A_366 : vector<16xi32>
              tpu.vector_store_idx %arg8[%sub3A_367], %get3A_271 masked %gt3A_358 : memref<512xf32, #tpu.memory_space<vmem>>[vector<16xi32>], vector<16xf32>, vector<16xi1>
              %bitcast3A_368 = vector.bitcast %get3A_271 : vector<16xf32> to vector<16xi32>
              %lt3A_369 = arith.constant 0 : i32
              %lt3A_370 = vector.broadcast %lt3A_369 : i32 to vector<16xi32>
              %lt3A_371 = arith.cmpi slt, %bitcast3A_368, %lt3A_370 : vector<16xi32>
              %not3A = arith.constant dense<-1> : vector<16xi32>
              %not3A_372 = arith.xori %bitcast3A_368, %not3A : vector<16xi32>
              %xor3A_373 = arith.constant -2147483648 : i32
              %xor3A_374 = vector.broadcast %xor3A_373 : i32 to vector<16xi32>
              %xor3A_375 = arith.xori %not3A_372, %xor3A_374 : vector<16xi32>
              %select_n3A_376 = arith.select %lt3A_371, %xor3A_375, %bitcast3A_368 : vector<16xi1>, vector<16xi32>
              tpu.vector_store_idx %arg7[%sub3A_367], %select_n3A_376 masked %gt3A_358 : memref<512xi32, #tpu.memory_space<vmem>>[vector<16xi32>], vector<16xi32>, vector<16xi1>
              %add3A_377 = arith.constant 0 : i32
              %add3A_378 = arith.addi %add3A_357, %add3A_377 : i32
              %add3A_379 = vector.broadcast %add3A_378 : i32 to vector<16xi32>
              %add3A_380 = arith.addi %add3A_379, %iota3A : vector<16xi32>
              tpu.vector_store_idx %arg9[%sub3A_367], %add3A_380 masked %gt3A_358 : memref<512xi32, #tpu.memory_space<vmem>>[vector<16xi32>], vector<16xi32>, vector<16xi1>
              %all_reduce_population_count3A_381 = tpu.all_reduce %gt3A_358 {dim = 0 : i64, kind = #tpu.reduction_kind<sum>} : vector<16xi1> -> vector<16xi32>
              %add3A_382 = arith.addi %get3A_360, %all_reduce_population_count3A_381 : vector<16xi32>
              %swap3A_383 = arith.constant 0 : index
              %swap3A_384 = tpu.vector_load %arg16[%swap3A_383] {strides = array<i32>} : memref<16xi32, #tpu.memory_space<vmem>>, vector<16xi32>,
              tpu.vector_store %arg16[%swap3A_383], %add3A_382 {strides = array<i32>} : memref<16xi32, #tpu.memory_space<vmem>>, vector<16xi32>,
              %gt3A_385 = arith.cmpf ogt, %get3A_275, %get3A_267 : vector<16xf32>
              %get3A_386 = arith.constant 0 : index
              %get3A_387 = tpu.vector_load %arg16[%get3A_386] {strides = array<i32>} : memref<16xi32, #tpu.memory_space<vmem>>, vector<16xi32>,
              %convert_element_type3A_388 = arith.extui %gt3A_385 : vector<16xi1> to vector<16xi32>
              %broadcast_in_dim3A_389 = arith.constant true
              %broadcast_in_dim3A_390 = vector.broadcast %broadcast_in_dim3A_389 : i1 to vector<16xi1>
              %masked_cumsum3A_391 = tpu.scan <sum>, %convert_element_type3A_388 masked %broadcast_in_dim3A_390 : vector<16xi32>, vector<16xi1> -> vector<16xi32>
              %add3A_392 = arith.addi %get3A_387, %masked_cumsum3A_391 : vector<16xi32>
              %sub3A_393 = arith.constant 1 : i32
              %sub3A_394 = vector.broadcast %sub3A_393 : i32 to vector<16xi32>
              %sub3A_395 = arith.subi %add3A_392, %sub3A_394 : vector<16xi32>
              tpu.vector_store_idx %arg8[%sub3A_395], %get3A_275 masked %gt3A_385 : memref<512xf32, #tpu.memory_space<vmem>>[vector<16xi32>], vector<16xf32>, vector<16xi1>
              %bitcast3A_396 = vector.bitcast %get3A_275 : vector<16xf32> to vector<16xi32>
              %lt3A_397 = arith.constant 0 : i32
              %lt3A_398 = vector.broadcast %lt3A_397 : i32 to vector<16xi32>
              %lt3A_399 = arith.cmpi slt, %bitcast3A_396, %lt3A_398 : vector<16xi32>
              %not3A_400 = arith.constant dense<-1> : vector<16xi32>
              %not3A_401 = arith.xori %bitcast3A_396, %not3A_400 : vector<16xi32>
              %xor3A_402 = arith.constant -2147483648 : i32
              %xor3A_403 = vector.broadcast %xor3A_402 : i32 to vector<16xi32>
              %xor3A_404 = arith.xori %not3A_401, %xor3A_403 : vector<16xi32>
              %select_n3A_405 = arith.select %lt3A_399, %xor3A_404, %bitcast3A_396 : vector<16xi1>, vector<16xi32>
              tpu.vector_store_idx %arg7[%sub3A_395], %select_n3A_405 masked %gt3A_385 : memref<512xi32, #tpu.memory_space<vmem>>[vector<16xi32>], vector<16xi32>, vector<16xi1>
              %add3A_406 = arith.constant 16 : i32
              %add3A_407 = arith.addi %add3A_357, %add3A_406 : i32
              %add3A_408 = vector.broadcast %add3A_407 : i32 to vector<16xi32>
              %add3A_409 = arith.addi %add3A_408, %iota3A : vector<16xi32>
              tpu.vector_store_idx %arg9[%sub3A_395], %add3A_409 masked %gt3A_385 : memref<512xi32, #tpu.memory_space<vmem>>[vector<16xi32>], vector<16xi32>, vector<16xi1>
              %all_reduce_population_count3A_410 = tpu.all_reduce %gt3A_385 {dim = 0 : i64, kind = #tpu.reduction_kind<sum>} : vector<16xi1> -> vector<16xi32>
              %add3A_411 = arith.addi %get3A_387, %all_reduce_population_count3A_410 : vector<16xi32>
              %swap3A_412 = arith.constant 0 : index
              %swap3A_413 = tpu.vector_load %arg16[%swap3A_412] {strides = array<i32>} : memref<16xi32, #tpu.memory_space<vmem>>, vector<16xi32>,
              tpu.vector_store %arg16[%swap3A_412], %add3A_411 {strides = array<i32>} : memref<16xi32, #tpu.memory_space<vmem>>, vector<16xi32>,
              %gt3A_414 = arith.cmpf ogt, %get3A_279, %get3A_267 : vector<16xf32>
              %get3A_415 = arith.constant 0 : index
              %get3A_416 = tpu.vector_load %arg16[%get3A_415] {strides = array<i32>} : memref<16xi32, #tpu.memory_space<vmem>>, vector<16xi32>,
              %convert_element_type3A_417 = arith.extui %gt3A_414 : vector<16xi1> to vector<16xi32>
              %broadcast_in_dim3A_418 = arith.constant true
              %broadcast_in_dim3A_419 = vector.broadcast %broadcast_in_dim3A_418 : i1 to vector<16xi1>
              %masked_cumsum3A_420 = tpu.scan <sum>, %convert_element_type3A_417 masked %broadcast_in_dim3A_419 : vector<16xi32>, vector<16xi1> -> vector<16xi32>
              %add3A_421 = arith.addi %get3A_416, %masked_cumsum3A_420 : vector<16xi32>
              %sub3A_422 = arith.constant 1 : i32
              %sub3A_423 = vector.broadcast %sub3A_422 : i32 to vector<16xi32>
              %sub3A_424 = arith.subi %add3A_421, %sub3A_423 : vector<16xi32>
              tpu.vector_store_idx %arg8[%sub3A_424], %get3A_279 masked %gt3A_414 : memref<512xf32, #tpu.memory_space<vmem>>[vector<16xi32>], vector<16xf32>, vector<16xi1>
              %bitcast3A_425 = vector.bitcast %get3A_279 : vector<16xf32> to vector<16xi32>
              %lt3A_426 = arith.constant 0 : i32
              %lt3A_427 = vector.broadcast %lt3A_426 : i32 to vector<16xi32>
              %lt3A_428 = arith.cmpi slt, %bitcast3A_425, %lt3A_427 : vector<16xi32>
              %not3A_429 = arith.constant dense<-1> : vector<16xi32>
              %not3A_430 = arith.xori %bitcast3A_425, %not3A_429 : vector<16xi32>
              %xor3A_431 = arith.constant -2147483648 : i32
              %xor3A_432 = vector.broadcast %xor3A_431 : i32 to vector<16xi32>
              %xor3A_433 = arith.xori %not3A_430, %xor3A_432 : vector<16xi32>
              %select_n3A_434 = arith.select %lt3A_428, %xor3A_433, %bitcast3A_425 : vector<16xi1>, vector<16xi32>
              tpu.vector_store_idx %arg7[%sub3A_424], %select_n3A_434 masked %gt3A_414 : memref<512xi32, #tpu.memory_space<vmem>>[vector<16xi32>], vector<16xi32>, vector<16xi1>
              %add3A_435 = arith.constant 32 : i32
              %add3A_436 = arith.addi %add3A_357, %add3A_435 : i32
              %add3A_437 = vector.broadcast %add3A_436 : i32 to vector<16xi32>
              %add3A_438 = arith.addi %add3A_437, %iota3A : vector<16xi32>
              tpu.vector_store_idx %arg9[%sub3A_424], %add3A_438 masked %gt3A_414 : memref<512xi32, #tpu.memory_space<vmem>>[vector<16xi32>], vector<16xi32>, vector<16xi1>
              %all_reduce_population_count3A_439 = tpu.all_reduce %gt3A_414 {dim = 0 : i64, kind = #tpu.reduction_kind<sum>} : vector<16xi1> -> vector<16xi32>
              %add3A_440 = arith.addi %get3A_416, %all_reduce_population_count3A_439 : vector<16xi32>
              %swap3A_441 = arith.constant 0 : index
              %swap3A_442 = tpu.vector_load %arg16[%swap3A_441] {strides = array<i32>} : memref<16xi32, #tpu.memory_space<vmem>>, vector<16xi32>,
              tpu.vector_store %arg16[%swap3A_441], %add3A_440 {strides = array<i32>} : memref<16xi32, #tpu.memory_space<vmem>>, vector<16xi32>,
              %gt3A_443 = arith.cmpf ogt, %get3A_283, %get3A_267 : vector<16xf32>
              %get3A_444 = arith.constant 0 : index
              %get3A_445 = tpu.vector_load %arg16[%get3A_444] {strides = array<i32>} : memref<16xi32, #tpu.memory_space<vmem>>, vector<16xi32>,
              %convert_element_type3A_446 = arith.extui %gt3A_443 : vector<16xi1> to vector<16xi32>
              %broadcast_in_dim3A_447 = arith.constant true
              %broadcast_in_dim3A_448 = vector.broadcast %broadcast_in_dim3A_447 : i1 to vector<16xi1>
              %masked_cumsum3A_449 = tpu.scan <sum>, %convert_element_type3A_446 masked %broadcast_in_dim3A_448 : vector<16xi32>, vector<16xi1> -> vector<16xi32>
              %add3A_450 = arith.addi %get3A_445, %masked_cumsum3A_449 : vector<16xi32>
              %sub3A_451 = arith.constant 1 : i32
              %sub3A_452 = vector.broadcast %sub3A_451 : i32 to vector<16xi32>
              %sub3A_453 = arith.subi %add3A_450, %sub3A_452 : vector<16xi32>
              tpu.vector_store_idx %arg8[%sub3A_453], %get3A_283 masked %gt3A_443 : memref<512xf32, #tpu.memory_space<vmem>>[vector<16xi32>], vector<16xf32>, vector<16xi1>
              %bitcast3A_454 = vector.bitcast %get3A_283 : vector<16xf32> to vector<16xi32>
              %lt3A_455 = arith.constant 0 : i32
              %lt3A_456 = vector.broadcast %lt3A_455 : i32 to vector<16xi32>
              %lt3A_457 = arith.cmpi slt, %bitcast3A_454, %lt3A_456 : vector<16xi32>
              %not3A_458 = arith.constant dense<-1> : vector<16xi32>
              %not3A_459 = arith.xori %bitcast3A_454, %not3A_458 : vector<16xi32>
              %xor3A_460 = arith.constant -2147483648 : i32
              %xor3A_461 = vector.broadcast %xor3A_460 : i32 to vector<16xi32>
              %xor3A_462 = arith.xori %not3A_459, %xor3A_461 : vector<16xi32>
              %select_n3A_463 = arith.select %lt3A_457, %xor3A_462, %bitcast3A_454 : vector<16xi1>, vector<16xi32>
              tpu.vector_store_idx %arg7[%sub3A_453], %select_n3A_463 masked %gt3A_443 : memref<512xi32, #tpu.memory_space<vmem>>[vector<16xi32>], vector<16xi32>, vector<16xi1>
              %add3A_464 = arith.constant 48 : i32
              %add3A_465 = arith.addi %add3A_357, %add3A_464 : i32
              %add3A_466 = vector.broadcast %add3A_465 : i32 to vector<16xi32>
              %add3A_467 = arith.addi %add3A_466, %iota3A : vector<16xi32>
              tpu.vector_store_idx %arg9[%sub3A_453], %add3A_467 masked %gt3A_443 : memref<512xi32, #tpu.memory_space<vmem>>[vector<16xi32>], vector<16xi32>, vector<16xi1>
              %all_reduce_population_count3A_468 = tpu.all_reduce %gt3A_443 {dim = 0 : i64, kind = #tpu.reduction_kind<sum>} : vector<16xi1> -> vector<16xi32>
              %add3A_469 = arith.addi %get3A_445, %all_reduce_population_count3A_468 : vector<16xi32>
              %swap3A_470 = arith.constant 0 : index
              %swap3A_471 = tpu.vector_load %arg16[%swap3A_470] {strides = array<i32>} : memref<16xi32, #tpu.memory_space<vmem>>, vector<16xi32>,
              tpu.vector_store %arg16[%swap3A_470], %add3A_469 {strides = array<i32>} : memref<16xi32, #tpu.memory_space<vmem>>, vector<16xi32>,
              %gt3A_472 = arith.cmpf ogt, %get3A_287, %get3A_267 : vector<16xf32>
              %get3A_473 = arith.constant 0 : index
              %get3A_474 = tpu.vector_load %arg16[%get3A_473] {strides = array<i32>} : memref<16xi32, #tpu.memory_space<vmem>>, vector<16xi32>,
              %convert_element_type3A_475 = arith.extui %gt3A_472 : vector<16xi1> to vector<16xi32>
              %broadcast_in_dim3A_476 = arith.constant true
              %broadcast_in_dim3A_477 = vector.broadcast %broadcast_in_dim3A_476 : i1 to vector<16xi1>
              %masked_cumsum3A_478 = tpu.scan <sum>, %convert_element_type3A_475 masked %broadcast_in_dim3A_477 : vector<16xi32>, vector<16xi1> -> vector<16xi32>
              %add3A_479 = arith.addi %get3A_474, %masked_cumsum3A_478 : vector<16xi32>
              %sub3A_480 = arith.constant 1 : i32
              %sub3A_481 = vector.broadcast %sub3A_480 : i32 to vector<16xi32>
              %sub3A_482 = arith.subi %add3A_479, %sub3A_481 : vector<16xi32>
              tpu.vector_store_idx %arg8[%sub3A_482], %get3A_287 masked %gt3A_472 : memref<512xf32, #tpu.memory_space<vmem>>[vector<16xi32>], vector<16xf32>, vector<16xi1>
              %bitcast3A_483 = vector.bitcast %get3A_287 : vector<16xf32> to vector<16xi32>
              %lt3A_484 = arith.constant 0 : i32
              %lt3A_485 = vector.broadcast %lt3A_484 : i32 to vector<16xi32>
              %lt3A_486 = arith.cmpi slt, %bitcast3A_483, %lt3A_485 : vector<16xi32>
              %not3A_487 = arith.constant dense<-1> : vector<16xi32>
              %not3A_488 = arith.xori %bitcast3A_483, %not3A_487 : vector<16xi32>
              %xor3A_489 = arith.constant -2147483648 : i32
              %xor3A_490 = vector.broadcast %xor3A_489 : i32 to vector<16xi32>
              %xor3A_491 = arith.xori %not3A_488, %xor3A_490 : vector<16xi32>
              %select_n3A_492 = arith.select %lt3A_486, %xor3A_491, %bitcast3A_483 : vector<16xi1>, vector<16xi32>
              tpu.vector_store_idx %arg7[%sub3A_482], %select_n3A_492 masked %gt3A_472 : memref<512xi32, #tpu.memory_space<vmem>>[vector<16xi32>], vector<16xi32>, vector<16xi1>
              %add3A_493 = arith.constant 64 : i32
              %add3A_494 = arith.addi %add3A_357, %add3A_493 : i32
              %add3A_495 = vector.broadcast %add3A_494 : i32 to vector<16xi32>
              %add3A_496 = arith.addi %add3A_495, %iota3A : vector<16xi32>
              tpu.vector_store_idx %arg9[%sub3A_482], %add3A_496 masked %gt3A_472 : memref<512xi32, #tpu.memory_space<vmem>>[vector<16xi32>], vector<16xi32>, vector<16xi1>
              %all_reduce_population_count3A_497 = tpu.all_reduce %gt3A_472 {dim = 0 : i64, kind = #tpu.reduction_kind<sum>} : vector<16xi1> -> vector<16xi32>
              %add3A_498 = arith.addi %get3A_474, %all_reduce_population_count3A_497 : vector<16xi32>
              %swap3A_499 = arith.constant 0 : index
              %swap3A_500 = tpu.vector_load %arg16[%swap3A_499] {strides = array<i32>} : memref<16xi32, #tpu.memory_space<vmem>>, vector<16xi32>,
              tpu.vector_store %arg16[%swap3A_499], %add3A_498 {strides = array<i32>} : memref<16xi32, #tpu.memory_space<vmem>>, vector<16xi32>,
              %gt3A_501 = arith.cmpf ogt, %get3A_291, %get3A_267 : vector<16xf32>
              %get3A_502 = arith.constant 0 : index
              %get3A_503 = tpu.vector_load %arg16[%get3A_502] {strides = array<i32>} : memref<16xi32, #tpu.memory_space<vmem>>, vector<16xi32>,
              %convert_element_type3A_504 = arith.extui %gt3A_501 : vector<16xi1> to vector<16xi32>
              %broadcast_in_dim3A_505 = arith.constant true
              %broadcast_in_dim3A_506 = vector.broadcast %broadcast_in_dim3A_505 : i1 to vector<16xi1>
              %masked_cumsum3A_507 = tpu.scan <sum>, %convert_element_type3A_504 masked %broadcast_in_dim3A_506 : vector<16xi32>, vector<16xi1> -> vector<16xi32>
              %add3A_508 = arith.addi %get3A_503, %masked_cumsum3A_507 : vector<16xi32>
              %sub3A_509 = arith.constant 1 : i32
              %sub3A_510 = vector.broadcast %sub3A_509 : i32 to vector<16xi32>
              %sub3A_511 = arith.subi %add3A_508, %sub3A_510 : vector<16xi32>
              tpu.vector_store_idx %arg8[%sub3A_511], %get3A_291 masked %gt3A_501 : memref<512xf32, #tpu.memory_space<vmem>>[vector<16xi32>], vector<16xf32>, vector<16xi1>
              %bitcast3A_512 = vector.bitcast %get3A_291 : vector<16xf32> to vector<16xi32>
              %lt3A_513 = arith.constant 0 : i32
              %lt3A_514 = vector.broadcast %lt3A_513 : i32 to vector<16xi32>
              %lt3A_515 = arith.cmpi slt, %bitcast3A_512, %lt3A_514 : vector<16xi32>
              %not3A_516 = arith.constant dense<-1> : vector<16xi32>
              %not3A_517 = arith.xori %bitcast3A_512, %not3A_516 : vector<16xi32>
              %xor3A_518 = arith.constant -2147483648 : i32
              %xor3A_519 = vector.broadcast %xor3A_518 : i32 to vector<16xi32>
              %xor3A_520 = arith.xori %not3A_517, %xor3A_519 : vector<16xi32>
              %select_n3A_521 = arith.select %lt3A_515, %xor3A_520, %bitcast3A_512 : vector<16xi1>, vector<16xi32>
              tpu.vector_store_idx %arg7[%sub3A_511], %select_n3A_521 masked %gt3A_501 : memref<512xi32, #tpu.memory_space<vmem>>[vector<16xi32>], vector<16xi32>, vector<16xi1>
              %add3A_522 = arith.constant 80 : i32
              %add3A_523 = arith.addi %add3A_357, %add3A_522 : i32
              %add3A_524 = vector.broadcast %add3A_523 : i32 to vector<16xi32>
              %add3A_525 = arith.addi %add3A_524, %iota3A : vector<16xi32>
              tpu.vector_store_idx %arg9[%sub3A_511], %add3A_525 masked %gt3A_501 : memref<512xi32, #tpu.memory_space<vmem>>[vector<16xi32>], vector<16xi32>, vector<16xi1>
              %all_reduce_population_count3A_526 = tpu.all_reduce %gt3A_501 {dim = 0 : i64, kind = #tpu.reduction_kind<sum>} : vector<16xi1> -> vector<16xi32>
              %add3A_527 = arith.addi %get3A_503, %all_reduce_population_count3A_526 : vector<16xi32>
              %swap3A_528 = arith.constant 0 : index
              %swap3A_529 = tpu.vector_load %arg16[%swap3A_528] {strides = array<i32>} : memref<16xi32, #tpu.memory_space<vmem>>, vector<16xi32>,
              tpu.vector_store %arg16[%swap3A_528], %add3A_527 {strides = array<i32>} : memref<16xi32, #tpu.memory_space<vmem>>, vector<16xi32>,
              %gt3A_530 = arith.cmpf ogt, %get3A_295, %get3A_267 : vector<16xf32>
              %get3A_531 = arith.constant 0 : index
              %get3A_532 = tpu.vector_load %arg16[%get3A_531] {strides = array<i32>} : memref<16xi32, #tpu.memory_space<vmem>>, vector<16xi32>,
              %convert_element_type3A_533 = arith.extui %gt3A_530 : vector<16xi1> to vector<16xi32>
              %broadcast_in_dim3A_534 = arith.constant true
              %broadcast_in_dim3A_535 = vector.broadcast %broadcast_in_dim3A_534 : i1 to vector<16xi1>
              %masked_cumsum3A_536 = tpu.scan <sum>, %convert_element_type3A_533 masked %broadcast_in_dim3A_535 : vector<16xi32>, vector<16xi1> -> vector<16xi32>
              %add3A_537 = arith.addi %get3A_532, %masked_cumsum3A_536 : vector<16xi32>
              %sub3A_538 = arith.constant 1 : i32
              %sub3A_539 = vector.broadcast %sub3A_538 : i32 to vector<16xi32>
              %sub3A_540 = arith.subi %add3A_537, %sub3A_539 : vector<16xi32>
              tpu.vector_store_idx %arg8[%sub3A_540], %get3A_295 masked %gt3A_530 : memref<512xf32, #tpu.memory_space<vmem>>[vector<16xi32>], vector<16xf32>, vector<16xi1>
              %bitcast3A_541 = vector.bitcast %get3A_295 : vector<16xf32> to vector<16xi32>
              %lt3A_542 = arith.constant 0 : i32
              %lt3A_543 = vector.broadcast %lt3A_542 : i32 to vector<16xi32>
              %lt3A_544 = arith.cmpi slt, %bitcast3A_541, %lt3A_543 : vector<16xi32>
              %not3A_545 = arith.constant dense<-1> : vector<16xi32>
              %not3A_546 = arith.xori %bitcast3A_541, %not3A_545 : vector<16xi32>
              %xor3A_547 = arith.constant -2147483648 : i32
              %xor3A_548 = vector.broadcast %xor3A_547 : i32 to vector<16xi32>
              %xor3A_549 = arith.xori %not3A_546, %xor3A_548 : vector<16xi32>
              %select_n3A_550 = arith.select %lt3A_544, %xor3A_549, %bitcast3A_541 : vector<16xi1>, vector<16xi32>
              tpu.vector_store_idx %arg7[%sub3A_540], %select_n3A_550 masked %gt3A_530 : memref<512xi32, #tpu.memory_space<vmem>>[vector<16xi32>], vector<16xi32>, vector<16xi1>
              %add3A_551 = arith.constant 96 : i32
              %add3A_552 = arith.addi %add3A_357, %add3A_551 : i32
              %add3A_553 = vector.broadcast %add3A_552 : i32 to vector<16xi32>
              %add3A_554 = arith.addi %add3A_553, %iota3A : vector<16xi32>
              tpu.vector_store_idx %arg9[%sub3A_540], %add3A_554 masked %gt3A_530 : memref<512xi32, #tpu.memory_space<vmem>>[vector<16xi32>], vector<16xi32>, vector<16xi1>
              %all_reduce_population_count3A_555 = tpu.all_reduce %gt3A_530 {dim = 0 : i64, kind = #tpu.reduction_kind<sum>} : vector<16xi1> -> vector<16xi32>
              %add3A_556 = arith.addi %get3A_532, %all_reduce_population_count3A_555 : vector<16xi32>
              %swap3A_557 = arith.constant 0 : index
              %swap3A_558 = tpu.vector_load %arg16[%swap3A_557] {strides = array<i32>} : memref<16xi32, #tpu.memory_space<vmem>>, vector<16xi32>,
              tpu.vector_store %arg16[%swap3A_557], %add3A_556 {strides = array<i32>} : memref<16xi32, #tpu.memory_space<vmem>>, vector<16xi32>,
              %gt3A_559 = arith.cmpf ogt, %get3A_299, %get3A_267 : vector<16xf32>
              %get3A_560 = arith.constant 0 : index
              %get3A_561 = tpu.vector_load %arg16[%get3A_560] {strides = array<i32>} : memref<16xi32, #tpu.memory_space<vmem>>, vector<16xi32>,
              %convert_element_type3A_562 = arith.extui %gt3A_559 : vector<16xi1> to vector<16xi32>
              %broadcast_in_dim3A_563 = arith.constant true
              %broadcast_in_dim3A_564 = vector.broadcast %broadcast_in_dim3A_563 : i1 to vector<16xi1>
              %masked_cumsum3A_565 = tpu.scan <sum>, %convert_element_type3A_562 masked %broadcast_in_dim3A_564 : vector<16xi32>, vector<16xi1> -> vector<16xi32>
              %add3A_566 = arith.addi %get3A_561, %masked_cumsum3A_565 : vector<16xi32>
              %sub3A_567 = arith.constant 1 : i32
              %sub3A_568 = vector.broadcast %sub3A_567 : i32 to vector<16xi32>
              %sub3A_569 = arith.subi %add3A_566, %sub3A_568 : vector<16xi32>
              tpu.vector_store_idx %arg8[%sub3A_569], %get3A_299 masked %gt3A_559 : memref<512xf32, #tpu.memory_space<vmem>>[vector<16xi32>], vector<16xf32>, vector<16xi1>
              %bitcast3A_570 = vector.bitcast %get3A_299 : vector<16xf32> to vector<16xi32>
              %lt3A_571 = arith.constant 0 : i32
              %lt3A_572 = vector.broadcast %lt3A_571 : i32 to vector<16xi32>
              %lt3A_573 = arith.cmpi slt, %bitcast3A_570, %lt3A_572 : vector<16xi32>
              %not3A_574 = arith.constant dense<-1> : vector<16xi32>
              %not3A_575 = arith.xori %bitcast3A_570, %not3A_574 : vector<16xi32>
              %xor3A_576 = arith.constant -2147483648 : i32
              %xor3A_577 = vector.broadcast %xor3A_576 : i32 to vector<16xi32>
              %xor3A_578 = arith.xori %not3A_575, %xor3A_577 : vector<16xi32>
              %select_n3A_579 = arith.select %lt3A_573, %xor3A_578, %bitcast3A_570 : vector<16xi1>, vector<16xi32>
              tpu.vector_store_idx %arg7[%sub3A_569], %select_n3A_579 masked %gt3A_559 : memref<512xi32, #tpu.memory_space<vmem>>[vector<16xi32>], vector<16xi32>, vector<16xi1>
              %add3A_580 = arith.constant 112 : i32
              %add3A_581 = arith.addi %add3A_357, %add3A_580 : i32
              %add3A_582 = vector.broadcast %add3A_581 : i32 to vector<16xi32>
              %add3A_583 = arith.addi %add3A_582, %iota3A : vector<16xi32>
              tpu.vector_store_idx %arg9[%sub3A_569], %add3A_583 masked %gt3A_559 : memref<512xi32, #tpu.memory_space<vmem>>[vector<16xi32>], vector<16xi32>, vector<16xi1>
              %all_reduce_population_count3A_584 = tpu.all_reduce %gt3A_559 {dim = 0 : i64, kind = #tpu.reduction_kind<sum>} : vector<16xi1> -> vector<16xi32>
              %add3A_585 = arith.addi %get3A_561, %all_reduce_population_count3A_584 : vector<16xi32>
              %swap3A_586 = arith.constant 0 : index
              %swap3A_587 = tpu.vector_load %arg16[%swap3A_586] {strides = array<i32>} : memref<16xi32, #tpu.memory_space<vmem>>, vector<16xi32>,
              tpu.vector_store %arg16[%swap3A_586], %add3A_585 {strides = array<i32>} : memref<16xi32, #tpu.memory_space<vmem>>, vector<16xi32>,
              %gt3A_588 = arith.cmpf ogt, %get3A_303, %get3A_267 : vector<16xf32>
              %get3A_589 = arith.constant 0 : index
              %get3A_590 = tpu.vector_load %arg16[%get3A_589] {strides = array<i32>} : memref<16xi32, #tpu.memory_space<vmem>>, vector<16xi32>,
              %convert_element_type3A_591 = arith.extui %gt3A_588 : vector<16xi1> to vector<16xi32>
              %broadcast_in_dim3A_592 = arith.constant true
              %broadcast_in_dim3A_593 = vector.broadcast %broadcast_in_dim3A_592 : i1 to vector<16xi1>
              %masked_cumsum3A_594 = tpu.scan <sum>, %convert_element_type3A_591 masked %broadcast_in_dim3A_593 : vector<16xi32>, vector<16xi1> -> vector<16xi32>
              %add3A_595 = arith.addi %get3A_590, %masked_cumsum3A_594 : vector<16xi32>
              %sub3A_596 = arith.constant 1 : i32
              %sub3A_597 = vector.broadcast %sub3A_596 : i32 to vector<16xi32>
              %sub3A_598 = arith.subi %add3A_595, %sub3A_597 : vector<16xi32>
              tpu.vector_store_idx %arg8[%sub3A_598], %get3A_303 masked %gt3A_588 : memref<512xf32, #tpu.memory_space<vmem>>[vector<16xi32>], vector<16xf32>, vector<16xi1>
              %bitcast3A_599 = vector.bitcast %get3A_303 : vector<16xf32> to vector<16xi32>
              %lt3A_600 = arith.constant 0 : i32
              %lt3A_601 = vector.broadcast %lt3A_600 : i32 to vector<16xi32>
              %lt3A_602 = arith.cmpi slt, %bitcast3A_599, %lt3A_601 : vector<16xi32>
              %not3A_603 = arith.constant dense<-1> : vector<16xi32>
              %not3A_604 = arith.xori %bitcast3A_599, %not3A_603 : vector<16xi32>
              %xor3A_605 = arith.constant -2147483648 : i32
              %xor3A_606 = vector.broadcast %xor3A_605 : i32 to vector<16xi32>
              %xor3A_607 = arith.xori %not3A_604, %xor3A_606 : vector<16xi32>
              %select_n3A_608 = arith.select %lt3A_602, %xor3A_607, %bitcast3A_599 : vector<16xi1>, vector<16xi32>
              tpu.vector_store_idx %arg7[%sub3A_598], %select_n3A_608 masked %gt3A_588 : memref<512xi32, #tpu.memory_space<vmem>>[vector<16xi32>], vector<16xi32>, vector<16xi1>
              %add3A_609 = arith.constant 128 : i32
              %add3A_610 = arith.addi %add3A_357, %add3A_609 : i32
              %add3A_611 = vector.broadcast %add3A_610 : i32 to vector<16xi32>
              %add3A_612 = arith.addi %add3A_611, %iota3A : vector<16xi32>
              tpu.vector_store_idx %arg9[%sub3A_598], %add3A_612 masked %gt3A_588 : memref<512xi32, #tpu.memory_space<vmem>>[vector<16xi32>], vector<16xi32>, vector<16xi1>
              %all_reduce_population_count3A_613 = tpu.all_reduce %gt3A_588 {dim = 0 : i64, kind = #tpu.reduction_kind<sum>} : vector<16xi1> -> vector<16xi32>
              %add3A_614 = arith.addi %get3A_590, %all_reduce_population_count3A_613 : vector<16xi32>
              %swap3A_615 = arith.constant 0 : index
              %swap3A_616 = tpu.vector_load %arg16[%swap3A_615] {strides = array<i32>} : memref<16xi32, #tpu.memory_space<vmem>>, vector<16xi32>,
              tpu.vector_store %arg16[%swap3A_615], %add3A_614 {strides = array<i32>} : memref<16xi32, #tpu.memory_space<vmem>>, vector<16xi32>,
              %gt3A_617 = arith.cmpf ogt, %get3A_307, %get3A_267 : vector<16xf32>
              %get3A_618 = arith.constant 0 : index
              %get3A_619 = tpu.vector_load %arg16[%get3A_618] {strides = array<i32>} : memref<16xi32, #tpu.memory_space<vmem>>, vector<16xi32>,
              %convert_element_type3A_620 = arith.extui %gt3A_617 : vector<16xi1> to vector<16xi32>
              %broadcast_in_dim3A_621 = arith.constant true
              %broadcast_in_dim3A_622 = vector.broadcast %broadcast_in_dim3A_621 : i1 to vector<16xi1>
              %masked_cumsum3A_623 = tpu.scan <sum>, %convert_element_type3A_620 masked %broadcast_in_dim3A_622 : vector<16xi32>, vector<16xi1> -> vector<16xi32>
              %add3A_624 = arith.addi %get3A_619, %masked_cumsum3A_623 : vector<16xi32>
              %sub3A_625 = arith.constant 1 : i32
              %sub3A_626 = vector.broadcast %sub3A_625 : i32 to vector<16xi32>
              %sub3A_627 = arith.subi %add3A_624, %sub3A_626 : vector<16xi32>
              tpu.vector_store_idx %arg8[%sub3A_627], %get3A_307 masked %gt3A_617 : memref<512xf32, #tpu.memory_space<vmem>>[vector<16xi32>], vector<16xf32>, vector<16xi1>
              %bitcast3A_628 = vector.bitcast %get3A_307 : vector<16xf32> to vector<16xi32>
              %lt3A_629 = arith.constant 0 : i32
              %lt3A_630 = vector.broadcast %lt3A_629 : i32 to vector<16xi32>
              %lt3A_631 = arith.cmpi slt, %bitcast3A_628, %lt3A_630 : vector<16xi32>
              %not3A_632 = arith.constant dense<-1> : vector<16xi32>
              %not3A_633 = arith.xori %bitcast3A_628, %not3A_632 : vector<16xi32>
              %xor3A_634 = arith.constant -2147483648 : i32
              %xor3A_635 = vector.broadcast %xor3A_634 : i32 to vector<16xi32>
              %xor3A_636 = arith.xori %not3A_633, %xor3A_635 : vector<16xi32>
              %select_n3A_637 = arith.select %lt3A_631, %xor3A_636, %bitcast3A_628 : vector<16xi1>, vector<16xi32>
              tpu.vector_store_idx %arg7[%sub3A_627], %select_n3A_637 masked %gt3A_617 : memref<512xi32, #tpu.memory_space<vmem>>[vector<16xi32>], vector<16xi32>, vector<16xi1>
              %add3A_638 = arith.constant 144 : i32
              %add3A_639 = arith.addi %add3A_357, %add3A_638 : i32
              %add3A_640 = vector.broadcast %add3A_639 : i32 to vector<16xi32>
              %add3A_641 = arith.addi %add3A_640, %iota3A : vector<16xi32>
              tpu.vector_store_idx %arg9[%sub3A_627], %add3A_641 masked %gt3A_617 : memref<512xi32, #tpu.memory_space<vmem>>[vector<16xi32>], vector<16xi32>, vector<16xi1>
              %all_reduce_population_count3A_642 = tpu.all_reduce %gt3A_617 {dim = 0 : i64, kind = #tpu.reduction_kind<sum>} : vector<16xi1> -> vector<16xi32>
              %add3A_643 = arith.addi %get3A_619, %all_reduce_population_count3A_642 : vector<16xi32>
              %swap3A_644 = arith.constant 0 : index
              %swap3A_645 = tpu.vector_load %arg16[%swap3A_644] {strides = array<i32>} : memref<16xi32, #tpu.memory_space<vmem>>, vector<16xi32>,
              tpu.vector_store %arg16[%swap3A_644], %add3A_643 {strides = array<i32>} : memref<16xi32, #tpu.memory_space<vmem>>, vector<16xi32>,
              %gt3A_646 = arith.cmpf ogt, %get3A_311, %get3A_267 : vector<16xf32>
              %get3A_647 = arith.constant 0 : index
              %get3A_648 = tpu.vector_load %arg16[%get3A_647] {strides = array<i32>} : memref<16xi32, #tpu.memory_space<vmem>>, vector<16xi32>,
              %convert_element_type3A_649 = arith.extui %gt3A_646 : vector<16xi1> to vector<16xi32>
              %broadcast_in_dim3A_650 = arith.constant true
              %broadcast_in_dim3A_651 = vector.broadcast %broadcast_in_dim3A_650 : i1 to vector<16xi1>
              %masked_cumsum3A_652 = tpu.scan <sum>, %convert_element_type3A_649 masked %broadcast_in_dim3A_651 : vector<16xi32>, vector<16xi1> -> vector<16xi32>
              %add3A_653 = arith.addi %get3A_648, %masked_cumsum3A_652 : vector<16xi32>
              %sub3A_654 = arith.constant 1 : i32
              %sub3A_655 = vector.broadcast %sub3A_654 : i32 to vector<16xi32>
              %sub3A_656 = arith.subi %add3A_653, %sub3A_655 : vector<16xi32>
              tpu.vector_store_idx %arg8[%sub3A_656], %get3A_311 masked %gt3A_646 : memref<512xf32, #tpu.memory_space<vmem>>[vector<16xi32>], vector<16xf32>, vector<16xi1>
              %bitcast3A_657 = vector.bitcast %get3A_311 : vector<16xf32> to vector<16xi32>
              %lt3A_658 = arith.constant 0 : i32
              %lt3A_659 = vector.broadcast %lt3A_658 : i32 to vector<16xi32>
              %lt3A_660 = arith.cmpi slt, %bitcast3A_657, %lt3A_659 : vector<16xi32>
              %not3A_661 = arith.constant dense<-1> : vector<16xi32>
              %not3A_662 = arith.xori %bitcast3A_657, %not3A_661 : vector<16xi32>
              %xor3A_663 = arith.constant -2147483648 : i32
              %xor3A_664 = vector.broadcast %xor3A_663 : i32 to vector<16xi32>
              %xor3A_665 = arith.xori %not3A_662, %xor3A_664 : vector<16xi32>
              %select_n3A_666 = arith.select %lt3A_660, %xor3A_665, %bitcast3A_657 : vector<16xi1>, vector<16xi32>
              tpu.vector_store_idx %arg7[%sub3A_656], %select_n3A_666 masked %gt3A_646 : memref<512xi32, #tpu.memory_space<vmem>>[vector<16xi32>], vector<16xi32>, vector<16xi1>
              %add3A_667 = arith.constant 160 : i32
              %add3A_668 = arith.addi %add3A_357, %add3A_667 : i32
              %add3A_669 = vector.broadcast %add3A_668 : i32 to vector<16xi32>
              %add3A_670 = arith.addi %add3A_669, %iota3A : vector<16xi32>
              tpu.vector_store_idx %arg9[%sub3A_656], %add3A_670 masked %gt3A_646 : memref<512xi32, #tpu.memory_space<vmem>>[vector<16xi32>], vector<16xi32>, vector<16xi1>
              %all_reduce_population_count3A_671 = tpu.all_reduce %gt3A_646 {dim = 0 : i64, kind = #tpu.reduction_kind<sum>} : vector<16xi1> -> vector<16xi32>
              %add3A_672 = arith.addi %get3A_648, %all_reduce_population_count3A_671 : vector<16xi32>
              %swap3A_673 = arith.constant 0 : index
              %swap3A_674 = tpu.vector_load %arg16[%swap3A_673] {strides = array<i32>} : memref<16xi32, #tpu.memory_space<vmem>>, vector<16xi32>,
              tpu.vector_store %arg16[%swap3A_673], %add3A_672 {strides = array<i32>} : memref<16xi32, #tpu.memory_space<vmem>>, vector<16xi32>,
              %gt3A_675 = arith.cmpf ogt, %get3A_315, %get3A_267 : vector<16xf32>
              %get3A_676 = arith.constant 0 : index
              %get3A_677 = tpu.vector_load %arg16[%get3A_676] {strides = array<i32>} : memref<16xi32, #tpu.memory_space<vmem>>, vector<16xi32>,
              %convert_element_type3A_678 = arith.extui %gt3A_675 : vector<16xi1> to vector<16xi32>
              %broadcast_in_dim3A_679 = arith.constant true
              %broadcast_in_dim3A_680 = vector.broadcast %broadcast_in_dim3A_679 : i1 to vector<16xi1>
              %masked_cumsum3A_681 = tpu.scan <sum>, %convert_element_type3A_678 masked %broadcast_in_dim3A_680 : vector<16xi32>, vector<16xi1> -> vector<16xi32>
              %add3A_682 = arith.addi %get3A_677, %masked_cumsum3A_681 : vector<16xi32>
              %sub3A_683 = arith.constant 1 : i32
              %sub3A_684 = vector.broadcast %sub3A_683 : i32 to vector<16xi32>
              %sub3A_685 = arith.subi %add3A_682, %sub3A_684 : vector<16xi32>
              tpu.vector_store_idx %arg8[%sub3A_685], %get3A_315 masked %gt3A_675 : memref<512xf32, #tpu.memory_space<vmem>>[vector<16xi32>], vector<16xf32>, vector<16xi1>
              %bitcast3A_686 = vector.bitcast %get3A_315 : vector<16xf32> to vector<16xi32>
              %lt3A_687 = arith.constant 0 : i32
              %lt3A_688 = vector.broadcast %lt3A_687 : i32 to vector<16xi32>
              %lt3A_689 = arith.cmpi slt, %bitcast3A_686, %lt3A_688 : vector<16xi32>
              %not3A_690 = arith.constant dense<-1> : vector<16xi32>
              %not3A_691 = arith.xori %bitcast3A_686, %not3A_690 : vector<16xi32>
              %xor3A_692 = arith.constant -2147483648 : i32
              %xor3A_693 = vector.broadcast %xor3A_692 : i32 to vector<16xi32>
              %xor3A_694 = arith.xori %not3A_691, %xor3A_693 : vector<16xi32>
              %select_n3A_695 = arith.select %lt3A_689, %xor3A_694, %bitcast3A_686 : vector<16xi1>, vector<16xi32>
              tpu.vector_store_idx %arg7[%sub3A_685], %select_n3A_695 masked %gt3A_675 : memref<512xi32, #tpu.memory_space<vmem>>[vector<16xi32>], vector<16xi32>, vector<16xi1>
              %add3A_696 = arith.constant 176 : i32
              %add3A_697 = arith.addi %add3A_357, %add3A_696 : i32
              %add3A_698 = vector.broadcast %add3A_697 : i32 to vector<16xi32>
              %add3A_699 = arith.addi %add3A_698, %iota3A : vector<16xi32>
              tpu.vector_store_idx %arg9[%sub3A_685], %add3A_699 masked %gt3A_675 : memref<512xi32, #tpu.memory_space<vmem>>[vector<16xi32>], vector<16xi32>, vector<16xi1>
              %all_reduce_population_count3A_700 = tpu.all_reduce %gt3A_675 {dim = 0 : i64, kind = #tpu.reduction_kind<sum>} : vector<16xi1> -> vector<16xi32>
              %add3A_701 = arith.addi %get3A_677, %all_reduce_population_count3A_700 : vector<16xi32>
              %swap3A_702 = arith.constant 0 : index
              %swap3A_703 = tpu.vector_load %arg16[%swap3A_702] {strides = array<i32>} : memref<16xi32, #tpu.memory_space<vmem>>, vector<16xi32>,
              tpu.vector_store %arg16[%swap3A_702], %add3A_701 {strides = array<i32>} : memref<16xi32, #tpu.memory_space<vmem>>, vector<16xi32>,
              %gt3A_704 = arith.cmpf ogt, %get3A_319, %get3A_267 : vector<16xf32>
              %get3A_705 = arith.constant 0 : index
              %get3A_706 = tpu.vector_load %arg16[%get3A_705] {strides = array<i32>} : memref<16xi32, #tpu.memory_space<vmem>>, vector<16xi32>,
              %convert_element_type3A_707 = arith.extui %gt3A_704 : vector<16xi1> to vector<16xi32>
              %broadcast_in_dim3A_708 = arith.constant true
              %broadcast_in_dim3A_709 = vector.broadcast %broadcast_in_dim3A_708 : i1 to vector<16xi1>
              %masked_cumsum3A_710 = tpu.scan <sum>, %convert_element_type3A_707 masked %broadcast_in_dim3A_709 : vector<16xi32>, vector<16xi1> -> vector<16xi32>
              %add3A_711 = arith.addi %get3A_706, %masked_cumsum3A_710 : vector<16xi32>
              %sub3A_712 = arith.constant 1 : i32
              %sub3A_713 = vector.broadcast %sub3A_712 : i32 to vector<16xi32>
              %sub3A_714 = arith.subi %add3A_711, %sub3A_713 : vector<16xi32>
              tpu.vector_store_idx %arg8[%sub3A_714], %get3A_319 masked %gt3A_704 : memref<512xf32, #tpu.memory_space<vmem>>[vector<16xi32>], vector<16xf32>, vector<16xi1>
              %bitcast3A_715 = vector.bitcast %get3A_319 : vector<16xf32> to vector<16xi32>
              %lt3A_716 = arith.constant 0 : i32
              %lt3A_717 = vector.broadcast %lt3A_716 : i32 to vector<16xi32>
              %lt3A_718 = arith.cmpi slt, %bitcast3A_715, %lt3A_717 : vector<16xi32>
              %not3A_719 = arith.constant dense<-1> : vector<16xi32>
              %not3A_720 = arith.xori %bitcast3A_715, %not3A_719 : vector<16xi32>
              %xor3A_721 = arith.constant -2147483648 : i32
              %xor3A_722 = vector.broadcast %xor3A_721 : i32 to vector<16xi32>
              %xor3A_723 = arith.xori %not3A_720, %xor3A_722 : vector<16xi32>
              %select_n3A_724 = arith.select %lt3A_718, %xor3A_723, %bitcast3A_715 : vector<16xi1>, vector<16xi32>
              tpu.vector_store_idx %arg7[%sub3A_714], %select_n3A_724 masked %gt3A_704 : memref<512xi32, #tpu.memory_space<vmem>>[vector<16xi32>], vector<16xi32>, vector<16xi1>
              %add3A_725 = arith.constant 192 : i32
              %add3A_726 = arith.addi %add3A_357, %add3A_725 : i32
              %add3A_727 = vector.broadcast %add3A_726 : i32 to vector<16xi32>
              %add3A_728 = arith.addi %add3A_727, %iota3A : vector<16xi32>
              tpu.vector_store_idx %arg9[%sub3A_714], %add3A_728 masked %gt3A_704 : memref<512xi32, #tpu.memory_space<vmem>>[vector<16xi32>], vector<16xi32>, vector<16xi1>
              %all_reduce_population_count3A_729 = tpu.all_reduce %gt3A_704 {dim = 0 : i64, kind = #tpu.reduction_kind<sum>} : vector<16xi1> -> vector<16xi32>
              %add3A_730 = arith.addi %get3A_706, %all_reduce_population_count3A_729 : vector<16xi32>
              %swap3A_731 = arith.constant 0 : index
              %swap3A_732 = tpu.vector_load %arg16[%swap3A_731] {strides = array<i32>} : memref<16xi32, #tpu.memory_space<vmem>>, vector<16xi32>,
              tpu.vector_store %arg16[%swap3A_731], %add3A_730 {strides = array<i32>} : memref<16xi32, #tpu.memory_space<vmem>>, vector<16xi32>,
              %gt3A_733 = arith.cmpf ogt, %get3A_323, %get3A_267 : vector<16xf32>
              %get3A_734 = arith.constant 0 : index
              %get3A_735 = tpu.vector_load %arg16[%get3A_734] {strides = array<i32>} : memref<16xi32, #tpu.memory_space<vmem>>, vector<16xi32>,
              %convert_element_type3A_736 = arith.extui %gt3A_733 : vector<16xi1> to vector<16xi32>
              %broadcast_in_dim3A_737 = arith.constant true
              %broadcast_in_dim3A_738 = vector.broadcast %broadcast_in_dim3A_737 : i1 to vector<16xi1>
              %masked_cumsum3A_739 = tpu.scan <sum>, %convert_element_type3A_736 masked %broadcast_in_dim3A_738 : vector<16xi32>, vector<16xi1> -> vector<16xi32>
              %add3A_740 = arith.addi %get3A_735, %masked_cumsum3A_739 : vector<16xi32>
              %sub3A_741 = arith.constant 1 : i32
              %sub3A_742 = vector.broadcast %sub3A_741 : i32 to vector<16xi32>
              %sub3A_743 = arith.subi %add3A_740, %sub3A_742 : vector<16xi32>
              tpu.vector_store_idx %arg8[%sub3A_743], %get3A_323 masked %gt3A_733 : memref<512xf32, #tpu.memory_space<vmem>>[vector<16xi32>], vector<16xf32>, vector<16xi1>
              %bitcast3A_744 = vector.bitcast %get3A_323 : vector<16xf32> to vector<16xi32>
              %lt3A_745 = arith.constant 0 : i32
              %lt3A_746 = vector.broadcast %lt3A_745 : i32 to vector<16xi32>
              %lt3A_747 = arith.cmpi slt, %bitcast3A_744, %lt3A_746 : vector<16xi32>
              %not3A_748 = arith.constant dense<-1> : vector<16xi32>
              %not3A_749 = arith.xori %bitcast3A_744, %not3A_748 : vector<16xi32>
              %xor3A_750 = arith.constant -2147483648 : i32
              %xor3A_751 = vector.broadcast %xor3A_750 : i32 to vector<16xi32>
              %xor3A_752 = arith.xori %not3A_749, %xor3A_751 : vector<16xi32>
              %select_n3A_753 = arith.select %lt3A_747, %xor3A_752, %bitcast3A_744 : vector<16xi1>, vector<16xi32>
              tpu.vector_store_idx %arg7[%sub3A_743], %select_n3A_753 masked %gt3A_733 : memref<512xi32, #tpu.memory_space<vmem>>[vector<16xi32>], vector<16xi32>, vector<16xi1>
              %add3A_754 = arith.constant 208 : i32
              %add3A_755 = arith.addi %add3A_357, %add3A_754 : i32
              %add3A_756 = vector.broadcast %add3A_755 : i32 to vector<16xi32>
              %add3A_757 = arith.addi %add3A_756, %iota3A : vector<16xi32>
              tpu.vector_store_idx %arg9[%sub3A_743], %add3A_757 masked %gt3A_733 : memref<512xi32, #tpu.memory_space<vmem>>[vector<16xi32>], vector<16xi32>, vector<16xi1>
              %all_reduce_population_count3A_758 = tpu.all_reduce %gt3A_733 {dim = 0 : i64, kind = #tpu.reduction_kind<sum>} : vector<16xi1> -> vector<16xi32>
              %add3A_759 = arith.addi %get3A_735, %all_reduce_population_count3A_758 : vector<16xi32>
              %swap3A_760 = arith.constant 0 : index
              %swap3A_761 = tpu.vector_load %arg16[%swap3A_760] {strides = array<i32>} : memref<16xi32, #tpu.memory_space<vmem>>, vector<16xi32>,
              tpu.vector_store %arg16[%swap3A_760], %add3A_759 {strides = array<i32>} : memref<16xi32, #tpu.memory_space<vmem>>, vector<16xi32>,
              %gt3A_762 = arith.cmpf ogt, %get3A_327, %get3A_267 : vector<16xf32>
              %get3A_763 = arith.constant 0 : index
              %get3A_764 = tpu.vector_load %arg16[%get3A_763] {strides = array<i32>} : memref<16xi32, #tpu.memory_space<vmem>>, vector<16xi32>,
              %convert_element_type3A_765 = arith.extui %gt3A_762 : vector<16xi1> to vector<16xi32>
              %broadcast_in_dim3A_766 = arith.constant true
              %broadcast_in_dim3A_767 = vector.broadcast %broadcast_in_dim3A_766 : i1 to vector<16xi1>
              %masked_cumsum3A_768 = tpu.scan <sum>, %convert_element_type3A_765 masked %broadcast_in_dim3A_767 : vector<16xi32>, vector<16xi1> -> vector<16xi32>
              %add3A_769 = arith.addi %get3A_764, %masked_cumsum3A_768 : vector<16xi32>
              %sub3A_770 = arith.constant 1 : i32
              %sub3A_771 = vector.broadcast %sub3A_770 : i32 to vector<16xi32>
              %sub3A_772 = arith.subi %add3A_769, %sub3A_771 : vector<16xi32>
              tpu.vector_store_idx %arg8[%sub3A_772], %get3A_327 masked %gt3A_762 : memref<512xf32, #tpu.memory_space<vmem>>[vector<16xi32>], vector<16xf32>, vector<16xi1>
              %bitcast3A_773 = vector.bitcast %get3A_327 : vector<16xf32> to vector<16xi32>
              %lt3A_774 = arith.constant 0 : i32
              %lt3A_775 = vector.broadcast %lt3A_774 : i32 to vector<16xi32>
              %lt3A_776 = arith.cmpi slt, %bitcast3A_773, %lt3A_775 : vector<16xi32>
              %not3A_777 = arith.constant dense<-1> : vector<16xi32>
              %not3A_778 = arith.xori %bitcast3A_773, %not3A_777 : vector<16xi32>
              %xor3A_779 = arith.constant -2147483648 : i32
              %xor3A_780 = vector.broadcast %xor3A_779 : i32 to vector<16xi32>
              %xor3A_781 = arith.xori %not3A_778, %xor3A_780 : vector<16xi32>
              %select_n3A_782 = arith.select %lt3A_776, %xor3A_781, %bitcast3A_773 : vector<16xi1>, vector<16xi32>
              tpu.vector_store_idx %arg7[%sub3A_772], %select_n3A_782 masked %gt3A_762 : memref<512xi32, #tpu.memory_space<vmem>>[vector<16xi32>], vector<16xi32>, vector<16xi1>
              %add3A_783 = arith.constant 224 : i32
              %add3A_784 = arith.addi %add3A_357, %add3A_783 : i32
              %add3A_785 = vector.broadcast %add3A_784 : i32 to vector<16xi32>
              %add3A_786 = arith.addi %add3A_785, %iota3A : vector<16xi32>
              tpu.vector_store_idx %arg9[%sub3A_772], %add3A_786 masked %gt3A_762 : memref<512xi32, #tpu.memory_space<vmem>>[vector<16xi32>], vector<16xi32>, vector<16xi1>
              %all_reduce_population_count3A_787 = tpu.all_reduce %gt3A_762 {dim = 0 : i64, kind = #tpu.reduction_kind<sum>} : vector<16xi1> -> vector<16xi32>
              %add3A_788 = arith.addi %get3A_764, %all_reduce_population_count3A_787 : vector<16xi32>
              %swap3A_789 = arith.constant 0 : index
              %swap3A_790 = tpu.vector_load %arg16[%swap3A_789] {strides = array<i32>} : memref<16xi32, #tpu.memory_space<vmem>>, vector<16xi32>,
              tpu.vector_store %arg16[%swap3A_789], %add3A_788 {strides = array<i32>} : memref<16xi32, #tpu.memory_space<vmem>>, vector<16xi32>,
              %gt3A_791 = arith.cmpf ogt, %get3A_331, %get3A_267 : vector<16xf32>
              %get3A_792 = arith.constant 0 : index
              %get3A_793 = tpu.vector_load %arg16[%get3A_792] {strides = array<i32>} : memref<16xi32, #tpu.memory_space<vmem>>, vector<16xi32>,
              %convert_element_type3A_794 = arith.extui %gt3A_791 : vector<16xi1> to vector<16xi32>
              %broadcast_in_dim3A_795 = arith.constant true
              %broadcast_in_dim3A_796 = vector.broadcast %broadcast_in_dim3A_795 : i1 to vector<16xi1>
              %masked_cumsum3A_797 = tpu.scan <sum>, %convert_element_type3A_794 masked %broadcast_in_dim3A_796 : vector<16xi32>, vector<16xi1> -> vector<16xi32>
              %add3A_798 = arith.addi %get3A_793, %masked_cumsum3A_797 : vector<16xi32>
              %sub3A_799 = arith.constant 1 : i32
              %sub3A_800 = vector.broadcast %sub3A_799 : i32 to vector<16xi32>
              %sub3A_801 = arith.subi %add3A_798, %sub3A_800 : vector<16xi32>
              tpu.vector_store_idx %arg8[%sub3A_801], %get3A_331 masked %gt3A_791 : memref<512xf32, #tpu.memory_space<vmem>>[vector<16xi32>], vector<16xf32>, vector<16xi1>
              %bitcast3A_802 = vector.bitcast %get3A_331 : vector<16xf32> to vector<16xi32>
              %lt3A_803 = arith.constant 0 : i32
              %lt3A_804 = vector.broadcast %lt3A_803 : i32 to vector<16xi32>
              %lt3A_805 = arith.cmpi slt, %bitcast3A_802, %lt3A_804 : vector<16xi32>
              %not3A_806 = arith.constant dense<-1> : vector<16xi32>
              %not3A_807 = arith.xori %bitcast3A_802, %not3A_806 : vector<16xi32>
              %xor3A_808 = arith.constant -2147483648 : i32
              %xor3A_809 = vector.broadcast %xor3A_808 : i32 to vector<16xi32>
              %xor3A_810 = arith.xori %not3A_807, %xor3A_809 : vector<16xi32>
              %select_n3A_811 = arith.select %lt3A_805, %xor3A_810, %bitcast3A_802 : vector<16xi1>, vector<16xi32>
              tpu.vector_store_idx %arg7[%sub3A_801], %select_n3A_811 masked %gt3A_791 : memref<512xi32, #tpu.memory_space<vmem>>[vector<16xi32>], vector<16xi32>, vector<16xi1>
              %add3A_812 = arith.constant 240 : i32
              %add3A_813 = arith.addi %add3A_357, %add3A_812 : i32
              %add3A_814 = vector.broadcast %add3A_813 : i32 to vector<16xi32>
              %add3A_815 = arith.addi %add3A_814, %iota3A : vector<16xi32>
              tpu.vector_store_idx %arg9[%sub3A_801], %add3A_815 masked %gt3A_791 : memref<512xi32, #tpu.memory_space<vmem>>[vector<16xi32>], vector<16xi32>, vector<16xi1>
              %all_reduce_population_count3A_816 = tpu.all_reduce %gt3A_791 {dim = 0 : i64, kind = #tpu.reduction_kind<sum>} : vector<16xi1> -> vector<16xi32>
              %add3A_817 = arith.addi %get3A_793, %all_reduce_population_count3A_816 : vector<16xi32>
              %swap3A_818 = arith.constant 0 : index
              %swap3A_819 = tpu.vector_load %arg16[%swap3A_818] {strides = array<i32>} : memref<16xi32, #tpu.memory_space<vmem>>, vector<16xi32>,
              tpu.vector_store %arg16[%swap3A_818], %add3A_817 {strides = array<i32>} : memref<16xi32, #tpu.memory_space<vmem>>, vector<16xi32>,
              %get3A_820 = arith.constant 0 : index
              %get3A_821 = tpu.vector_load %arg16[%get3A_820] {strides = array<i32>} : memref<16xi32, #tpu.memory_space<vmem>>, vector<16xi32>,
              %slice3A_822 = vector.extract_strided_slice %get3A_821 {offsets = [0], sizes = [1], strides = [1]} : vector<16xi32> to vector<1xi32>
              %squeeze3A_823 = vector.extract %slice3A_822[0] : i32 from vector<1xi32>
              %ge3A = arith.constant 256 : i32
              %ge3A_824 = arith.cmpi sge, %squeeze3A_823, %ge3A : i32
              %convert_element_type3A_825 = arith.extui %ge3A_824 : i1 to i32
              %cond3A_826 = arith.constant 0 : i32
              %cond3A_827 = arith.cmpi ne, %convert_element_type3A_825, %cond3A_826 : i32
              scf.if %cond3A_827 {
                %get3A_828 = arith.constant 0 : index
                %get3A_829 = tpu.vector_load %arg16[%get3A_828] {strides = array<i32>} : memref<16xi32, #tpu.memory_space<vmem>>, vector<16xi32>,
                %slice3A_830 = vector.extract_strided_slice %get3A_829 {offsets = [0], sizes = [1], strides = [1]} : vector<16xi32> to vector<1xi32>
                %squeeze3A_831 = vector.extract %slice3A_830[0] : i32 from vector<1xi32>
                %add3A_832 = arith.constant 15 : i32
                %add3A_833 = arith.addi %squeeze3A_831, %add3A_832 : i32
                %shift_right_arithmetic3A_834 = arith.constant 4 : i32
                %shift_right_arithmetic3A_835 = arith.shrsi %add3A_833, %shift_right_arithmetic3A_834 : i32
                %broadcast_in_dim3A_836 = arith.constant 0 : i32
                %broadcast_in_dim3A_837 = vector.broadcast %broadcast_in_dim3A_836 : i32 to vector<16xi32>
                %scan3A_838 = arith.constant 0 : i32
                %scan3A_839 = arith.constant 32 : i32
                %scan3A_840 = arith.addi %scan3A_838, %scan3A_839 : i32
                %scan3A_841 = arith.constant 1 : i32
                %scan3A_842 = scf.for %scan3A_994 = %scan3A_838 to %scan3A_840 step %scan3A_841 iter_args(%scan3A_995 = %broadcast_in_dim3A_837) -> (vector<16xi32>)  : i32 {
                  %sub3A_996 = arith.constant 31 : i32
                  %sub3A_997 = arith.subi %sub3A_996, %scan3A_994 : i32
                  %shift_left3A = arith.constant 1 : i32
                  %shift_left3A_998 = arith.shli %shift_left3A, %sub3A_997 : i32
                  %broadcast_in_dim3A_999 = vector.broadcast %shift_left3A_998 : i32 to vector<16xi32>
                  %or3A = arith.ori %scan3A_995, %broadcast_in_dim3A_999 : vector<16xi32>
                  %while3A_1000 = arith.constant 0 : i32
                  %while3A_1001 = arith.subi %shift_right_arithmetic3A_835, %while3A_1000 : i32
                  %while3A_1002 = arith.addi %while3A_1000, %while3A_1001 : i32
                  %while3A_1003 = arith.constant 1 : i32
                  %while3A_1004 = arith.divsi %while3A_1001, %while3A_1003 : i32
                  %while3A_1005 = arith.muli %while3A_1004, %while3A_1003 : i32
                  %while3A_1006 = arith.addi %while3A_1000, %while3A_1005 : i32
                  %while3A_1007 = arith.constant 1 : i32
                  %while3A_1008 = scf.for %while3A_1015 = %while3A_1000 to %while3A_1006 step %while3A_1007 iter_args(%while3A_1016 = %broadcast_in_dim3A_1) -> (vector<16xi32>)  : i32 {
                    %mul3A_1017 = arith.constant 16 : i32
                    %mul3A_1018 = arith.muli %while3A_1015, %mul3A_1017 : i32
                    %get3A_1019 = arith.index_cast %mul3A_1018 : i32 to index
                    %get3A_1020 = tpu.vector_load %arg7[%get3A_1019] {strides = array<i32>} : memref<512xi32, #tpu.memory_space<vmem>>, vector<16xi32>,
                    %xor3A_1021 = arith.constant -2147483648 : i32
                    %xor3A_1022 = vector.broadcast %xor3A_1021 : i32 to vector<16xi32>
                    %xor3A_1023 = arith.xori %get3A_1020, %xor3A_1022 : vector<16xi32>
                    %bitcast3A_1024 = vector.bitcast %xor3A_1023 : vector<16xi32> to vector<16xi32>
                    %ge3A_1025 = arith.cmpi uge, %bitcast3A_1024, %or3A : vector<16xi32>
                    %all_reduce_population_count3A_1026 = tpu.all_reduce %ge3A_1025 {dim = 0 : i64, kind = #tpu.reduction_kind<sum>} : vector<16xi1> -> vector<16xi32>
                    %add3A_1027 = arith.addi %while3A_1016, %all_reduce_population_count3A_1026 : vector<16xi32>
                    scf.yield %add3A_1027 : vector<16xi32>
                  }
                  %while3A_1009 = arith.constant 1 : i32
                  %while3A_1010 = scf.for %while3A_1015 = %while3A_1006 to %while3A_1002 step %while3A_1009 iter_args(%while3A_1016 = %while3A_1008) -> (vector<16xi32>)  : i32 {
                    %mul3A_1017 = arith.constant 16 : i32
                    %mul3A_1018 = arith.muli %while3A_1015, %mul3A_1017 : i32
                    %get3A_1019 = arith.index_cast %mul3A_1018 : i32 to index
                    %get3A_1020 = tpu.vector_load %arg7[%get3A_1019] {strides = array<i32>} : memref<512xi32, #tpu.memory_space<vmem>>, vector<16xi32>,
                    %xor3A_1021 = arith.constant -2147483648 : i32
                    %xor3A_1022 = vector.broadcast %xor3A_1021 : i32 to vector<16xi32>
                    %xor3A_1023 = arith.xori %get3A_1020, %xor3A_1022 : vector<16xi32>
                    %bitcast3A_1024 = vector.bitcast %xor3A_1023 : vector<16xi32> to vector<16xi32>
                    %ge3A_1025 = arith.cmpi uge, %bitcast3A_1024, %or3A : vector<16xi32>
                    %all_reduce_population_count3A_1026 = tpu.all_reduce %ge3A_1025 {dim = 0 : i64, kind = #tpu.reduction_kind<sum>} : vector<16xi1> -> vector<16xi32>
                    %add3A_1027 = arith.addi %while3A_1016, %all_reduce_population_count3A_1026 : vector<16xi32>
                    scf.yield %add3A_1027 : vector<16xi32>
                  }
                  %ge3A_1011 = arith.constant 50 : i32
                  %ge3A_1012 = vector.broadcast %ge3A_1011 : i32 to vector<16xi32>
                  %ge3A_1013 = arith.cmpi sge, %while3A_1010, %ge3A_1012 : vector<16xi32>
                  %select_n3A_1014 = arith.select %ge3A_1013, %or3A, %scan3A_995 : vector<16xi1>, vector<16xi32>
                  scf.yield %select_n3A_1014 : vector<16xi32>
                }
                %scan3A_843 = arith.constant 32 : i32
                %xor3A_844 = arith.constant -2147483648 : i32
                %xor3A_845 = vector.broadcast %xor3A_844 : i32 to vector<16xi32>
                %xor3A_846 = arith.xori %scan3A_842, %xor3A_845 : vector<16xi32>
                %bitcast3A_847 = vector.bitcast %xor3A_846 : vector<16xi32> to vector<16xi32>
                %swap3A_848 = arith.constant 48 : index
                %swap3A_849 = tpu.vector_load %arg10[%swap3A_848] {strides = array<i32>} : memref<64xf32, #tpu.memory_space<vmem>>, vector<16xf32>,
                tpu.vector_store %arg10[%swap3A_848], %broadcast_in_dim3A_5 {strides = array<i32>} : memref<64xf32, #tpu.memory_space<vmem>>, vector<16xf32>,
                %swap3A_850 = arith.constant 48 : index
                %swap3A_851 = tpu.vector_load %arg11[%swap3A_850] {strides = array<i32>} : memref<64xi32, #tpu.memory_space<vmem>>, vector<16xi32>,
                tpu.vector_store %arg11[%swap3A_850], %broadcast_in_dim3A_3 {strides = array<i32>} : memref<64xi32, #tpu.memory_space<vmem>>, vector<16xi32>,
                %while3A_852 = arith.constant 0 : i32
                %while3A_853 = arith.subi %shift_right_arithmetic3A_835, %while3A_852 : i32
                %while3A_854 = arith.addi %while3A_852, %while3A_853 : i32
                %while3A_855 = arith.constant 1 : i32
                %while3A_856 = arith.divsi %while3A_853, %while3A_855 : i32
                %while3A_857 = arith.muli %while3A_856, %while3A_855 : i32
                %while3A_858 = arith.addi %while3A_852, %while3A_857 : i32
                %while3A_859 = arith.constant 1 : i32
                %while3A_860 = scf.for %while3A_994 = %while3A_852 to %while3A_858 step %while3A_859 iter_args(%while3A_995 = %broadcast_in_dim3A_1) -> (vector<16xi32>)  : i32 {
                  %mul3A_996 = arith.constant 16 : i32
                  %mul3A_997 = arith.muli %while3A_994, %mul3A_996 : i32
                  %get3A_998 = arith.index_cast %mul3A_997 : i32 to index
                  %get3A_999 = tpu.vector_load %arg7[%get3A_998] {strides = array<i32>} : memref<512xi32, #tpu.memory_space<vmem>>, vector<16xi32>,
                  %gt3A_1000 = arith.cmpi sgt, %get3A_999, %bitcast3A_847 : vector<16xi32>
                  %convert_element_type3A_1001 = arith.extui %gt3A_1000 : vector<16xi1> to vector<16xi32>
                  %broadcast_in_dim3A_1002 = arith.constant true
                  %broadcast_in_dim3A_1003 = vector.broadcast %broadcast_in_dim3A_1002 : i1 to vector<16xi1>
                  %masked_cumsum3A_1004 = tpu.scan <sum>, %convert_element_type3A_1001 masked %broadcast_in_dim3A_1003 : vector<16xi32>, vector<16xi1> -> vector<16xi32>
                  %add3A_1005 = arith.addi %while3A_995, %masked_cumsum3A_1004 : vector<16xi32>
                  %sub3A_1006 = arith.constant 1 : i32
                  %sub3A_1007 = vector.broadcast %sub3A_1006 : i32 to vector<16xi32>
                  %sub3A_1008 = arith.subi %add3A_1005, %sub3A_1007 : vector<16xi32>
                  %mul3A_1009 = arith.constant 16 : i32
                  %mul3A_1010 = arith.muli %while3A_994, %mul3A_1009 : i32
                  %get3A_1011 = arith.index_cast %mul3A_1010 : i32 to index
                  %get3A_1012 = tpu.vector_load %arg8[%get3A_1011] {strides = array<i32>} : memref<512xf32, #tpu.memory_space<vmem>>, vector<16xf32>,
                  tpu.vector_store_idx %arg10[%sub3A_1008], %get3A_1012 masked %gt3A_1000 : memref<64xf32, #tpu.memory_space<vmem>>[vector<16xi32>], vector<16xf32>, vector<16xi1>
                  %mul3A_1013 = arith.constant 16 : i32
                  %mul3A_1014 = arith.muli %while3A_994, %mul3A_1013 : i32
                  %get3A_1015 = arith.index_cast %mul3A_1014 : i32 to index
                  %get3A_1016 = tpu.vector_load %arg9[%get3A_1015] {strides = array<i32>} : memref<512xi32, #tpu.memory_space<vmem>>, vector<16xi32>,
                  tpu.vector_store_idx %arg12[%sub3A_1008], %get3A_1016 masked %gt3A_1000 : memref<64xi32, #tpu.memory_space<vmem>>[vector<16xi32>], vector<16xi32>, vector<16xi1>
                  tpu.vector_store_idx %arg11[%sub3A_1008], %get3A_999 masked %gt3A_1000 : memref<64xi32, #tpu.memory_space<vmem>>[vector<16xi32>], vector<16xi32>, vector<16xi1>
                  %all_reduce_population_count3A_1017 = tpu.all_reduce %gt3A_1000 {dim = 0 : i64, kind = #tpu.reduction_kind<sum>} : vector<16xi1> -> vector<16xi32>
                  %add3A_1018 = arith.addi %while3A_995, %all_reduce_population_count3A_1017 : vector<16xi32>
                  scf.yield %add3A_1018 : vector<16xi32>
                }
                %while3A_861 = arith.constant 1 : i32
                %while3A_862 = scf.for %while3A_994 = %while3A_858 to %while3A_854 step %while3A_861 iter_args(%while3A_995 = %while3A_860) -> (vector<16xi32>)  : i32 {
                  %mul3A_996 = arith.constant 16 : i32
                  %mul3A_997 = arith.muli %while3A_994, %mul3A_996 : i32
                  %get3A_998 = arith.index_cast %mul3A_997 : i32 to index
                  %get3A_999 = tpu.vector_load %arg7[%get3A_998] {strides = array<i32>} : memref<512xi32, #tpu.memory_space<vmem>>, vector<16xi32>,
                  %gt3A_1000 = arith.cmpi sgt, %get3A_999, %bitcast3A_847 : vector<16xi32>
                  %convert_element_type3A_1001 = arith.extui %gt3A_1000 : vector<16xi1> to vector<16xi32>
                  %broadcast_in_dim3A_1002 = arith.constant true
                  %broadcast_in_dim3A_1003 = vector.broadcast %broadcast_in_dim3A_1002 : i1 to vector<16xi1>
                  %masked_cumsum3A_1004 = tpu.scan <sum>, %convert_element_type3A_1001 masked %broadcast_in_dim3A_1003 : vector<16xi32>, vector<16xi1> -> vector<16xi32>
                  %add3A_1005 = arith.addi %while3A_995, %masked_cumsum3A_1004 : vector<16xi32>
                  %sub3A_1006 = arith.constant 1 : i32
                  %sub3A_1007 = vector.broadcast %sub3A_1006 : i32 to vector<16xi32>
                  %sub3A_1008 = arith.subi %add3A_1005, %sub3A_1007 : vector<16xi32>
                  %mul3A_1009 = arith.constant 16 : i32
                  %mul3A_1010 = arith.muli %while3A_994, %mul3A_1009 : i32
                  %get3A_1011 = arith.index_cast %mul3A_1010 : i32 to index
                  %get3A_1012 = tpu.vector_load %arg8[%get3A_1011] {strides = array<i32>} : memref<512xf32, #tpu.memory_space<vmem>>, vector<16xf32>,
                  tpu.vector_store_idx %arg10[%sub3A_1008], %get3A_1012 masked %gt3A_1000 : memref<64xf32, #tpu.memory_space<vmem>>[vector<16xi32>], vector<16xf32>, vector<16xi1>
                  %mul3A_1013 = arith.constant 16 : i32
                  %mul3A_1014 = arith.muli %while3A_994, %mul3A_1013 : i32
                  %get3A_1015 = arith.index_cast %mul3A_1014 : i32 to index
                  %get3A_1016 = tpu.vector_load %arg9[%get3A_1015] {strides = array<i32>} : memref<512xi32, #tpu.memory_space<vmem>>, vector<16xi32>,
                  tpu.vector_store_idx %arg12[%sub3A_1008], %get3A_1016 masked %gt3A_1000 : memref<64xi32, #tpu.memory_space<vmem>>[vector<16xi32>], vector<16xi32>, vector<16xi1>
                  tpu.vector_store_idx %arg11[%sub3A_1008], %get3A_999 masked %gt3A_1000 : memref<64xi32, #tpu.memory_space<vmem>>[vector<16xi32>], vector<16xi32>, vector<16xi1>
                  %all_reduce_population_count3A_1017 = tpu.all_reduce %gt3A_1000 {dim = 0 : i64, kind = #tpu.reduction_kind<sum>} : vector<16xi1> -> vector<16xi32>
                  %add3A_1018 = arith.addi %while3A_995, %all_reduce_population_count3A_1017 : vector<16xi32>
                  scf.yield %add3A_1018 : vector<16xi32>
                }
                %while3A_863 = arith.constant 0 : i32
                %while3A_864 = arith.subi %shift_right_arithmetic3A_835, %while3A_863 : i32
                %while3A_865 = arith.addi %while3A_863, %while3A_864 : i32
                %while3A_866 = arith.constant 1 : i32
                %while3A_867 = arith.divsi %while3A_864, %while3A_866 : i32
                %while3A_868 = arith.muli %while3A_867, %while3A_866 : i32
                %while3A_869 = arith.addi %while3A_863, %while3A_868 : i32
                %while3A_870 = arith.constant 1 : i32
                %while3A_871 = scf.for %while3A_994 = %while3A_863 to %while3A_869 step %while3A_870 iter_args(%while3A_995 = %while3A_862) -> (vector<16xi32>)  : i32 {
                  %mul3A_996 = arith.constant 16 : i32
                  %mul3A_997 = arith.muli %while3A_994, %mul3A_996 : i32
                  %get3A_998 = arith.index_cast %mul3A_997 : i32 to index
                  %get3A_999 = tpu.vector_load %arg7[%get3A_998] {strides = array<i32>} : memref<512xi32, #tpu.memory_space<vmem>>, vector<16xi32>,
                  %eq3A = arith.cmpi eq, %get3A_999, %bitcast3A_847 : vector<16xi32>
                  %convert_element_type3A_1000 = arith.extui %eq3A : vector<16xi1> to vector<16xi32>
                  %broadcast_in_dim3A_1001 = arith.constant true
                  %broadcast_in_dim3A_1002 = vector.broadcast %broadcast_in_dim3A_1001 : i1 to vector<16xi1>
                  %masked_cumsum3A_1003 = tpu.scan <sum>, %convert_element_type3A_1000 masked %broadcast_in_dim3A_1002 : vector<16xi32>, vector<16xi1> -> vector<16xi32>
                  %add3A_1004 = arith.addi %while3A_995, %masked_cumsum3A_1003 : vector<16xi32>
                  %sub3A_1005 = arith.constant 1 : i32
                  %sub3A_1006 = vector.broadcast %sub3A_1005 : i32 to vector<16xi32>
                  %sub3A_1007 = arith.subi %add3A_1004, %sub3A_1006 : vector<16xi32>
                  %lt3A_1008 = arith.constant 50 : i32
                  %lt3A_1009 = vector.broadcast %lt3A_1008 : i32 to vector<16xi32>
                  %lt3A_1010 = arith.cmpi slt, %sub3A_1007, %lt3A_1009 : vector<16xi32>
                  %and3A = arith.andi %eq3A, %lt3A_1010 : vector<16xi1>
                  %mul3A_1011 = arith.constant 16 : i32
                  %mul3A_1012 = arith.muli %while3A_994, %mul3A_1011 : i32
                  %get3A_1013 = arith.index_cast %mul3A_1012 : i32 to index
                  %get3A_1014 = tpu.vector_load %arg8[%get3A_1013] {strides = array<i32>} : memref<512xf32, #tpu.memory_space<vmem>>, vector<16xf32>,
                  tpu.vector_store_idx %arg10[%sub3A_1007], %get3A_1014 masked %and3A : memref<64xf32, #tpu.memory_space<vmem>>[vector<16xi32>], vector<16xf32>, vector<16xi1>
                  %mul3A_1015 = arith.constant 16 : i32
                  %mul3A_1016 = arith.muli %while3A_994, %mul3A_1015 : i32
                  %get3A_1017 = arith.index_cast %mul3A_1016 : i32 to index
                  %get3A_1018 = tpu.vector_load %arg9[%get3A_1017] {strides = array<i32>} : memref<512xi32, #tpu.memory_space<vmem>>, vector<16xi32>,
                  tpu.vector_store_idx %arg12[%sub3A_1007], %get3A_1018 masked %and3A : memref<64xi32, #tpu.memory_space<vmem>>[vector<16xi32>], vector<16xi32>, vector<16xi1>
                  tpu.vector_store_idx %arg11[%sub3A_1007], %get3A_999 masked %and3A : memref<64xi32, #tpu.memory_space<vmem>>[vector<16xi32>], vector<16xi32>, vector<16xi1>
                  %all_reduce_population_count3A_1019 = tpu.all_reduce %eq3A {dim = 0 : i64, kind = #tpu.reduction_kind<sum>} : vector<16xi1> -> vector<16xi32>
                  %add3A_1020 = arith.addi %while3A_995, %all_reduce_population_count3A_1019 : vector<16xi32>
                  scf.yield %add3A_1020 : vector<16xi32>
                }
                %while3A_872 = arith.constant 1 : i32
                %while3A_873 = scf.for %while3A_994 = %while3A_869 to %while3A_865 step %while3A_872 iter_args(%while3A_995 = %while3A_871) -> (vector<16xi32>)  : i32 {
                  %mul3A_996 = arith.constant 16 : i32
                  %mul3A_997 = arith.muli %while3A_994, %mul3A_996 : i32
                  %get3A_998 = arith.index_cast %mul3A_997 : i32 to index
                  %get3A_999 = tpu.vector_load %arg7[%get3A_998] {strides = array<i32>} : memref<512xi32, #tpu.memory_space<vmem>>, vector<16xi32>,
                  %eq3A = arith.cmpi eq, %get3A_999, %bitcast3A_847 : vector<16xi32>
                  %convert_element_type3A_1000 = arith.extui %eq3A : vector<16xi1> to vector<16xi32>
                  %broadcast_in_dim3A_1001 = arith.constant true
                  %broadcast_in_dim3A_1002 = vector.broadcast %broadcast_in_dim3A_1001 : i1 to vector<16xi1>
                  %masked_cumsum3A_1003 = tpu.scan <sum>, %convert_element_type3A_1000 masked %broadcast_in_dim3A_1002 : vector<16xi32>, vector<16xi1> -> vector<16xi32>
                  %add3A_1004 = arith.addi %while3A_995, %masked_cumsum3A_1003 : vector<16xi32>
                  %sub3A_1005 = arith.constant 1 : i32
                  %sub3A_1006 = vector.broadcast %sub3A_1005 : i32 to vector<16xi32>
                  %sub3A_1007 = arith.subi %add3A_1004, %sub3A_1006 : vector<16xi32>
                  %lt3A_1008 = arith.constant 50 : i32
                  %lt3A_1009 = vector.broadcast %lt3A_1008 : i32 to vector<16xi32>
                  %lt3A_1010 = arith.cmpi slt, %sub3A_1007, %lt3A_1009 : vector<16xi32>
                  %and3A = arith.andi %eq3A, %lt3A_1010 : vector<16xi1>
                  %mul3A_1011 = arith.constant 16 : i32
                  %mul3A_1012 = arith.muli %while3A_994, %mul3A_1011 : i32
                  %get3A_1013 = arith.index_cast %mul3A_1012 : i32 to index
                  %get3A_1014 = tpu.vector_load %arg8[%get3A_1013] {strides = array<i32>} : memref<512xf32, #tpu.memory_space<vmem>>, vector<16xf32>,
                  tpu.vector_store_idx %arg10[%sub3A_1007], %get3A_1014 masked %and3A : memref<64xf32, #tpu.memory_space<vmem>>[vector<16xi32>], vector<16xf32>, vector<16xi1>
                  %mul3A_1015 = arith.constant 16 : i32
                  %mul3A_1016 = arith.muli %while3A_994, %mul3A_1015 : i32
                  %get3A_1017 = arith.index_cast %mul3A_1016 : i32 to index
                  %get3A_1018 = tpu.vector_load %arg9[%get3A_1017] {strides = array<i32>} : memref<512xi32, #tpu.memory_space<vmem>>, vector<16xi32>,
                  tpu.vector_store_idx %arg12[%sub3A_1007], %get3A_1018 masked %and3A : memref<64xi32, #tpu.memory_space<vmem>>[vector<16xi32>], vector<16xi32>, vector<16xi1>
                  tpu.vector_store_idx %arg11[%sub3A_1007], %get3A_999 masked %and3A : memref<64xi32, #tpu.memory_space<vmem>>[vector<16xi32>], vector<16xi32>, vector<16xi1>
                  %all_reduce_population_count3A_1019 = tpu.all_reduce %eq3A {dim = 0 : i64, kind = #tpu.reduction_kind<sum>} : vector<16xi1> -> vector<16xi32>
                  %add3A_1020 = arith.addi %while3A_995, %all_reduce_population_count3A_1019 : vector<16xi32>
                  scf.yield %add3A_1020 : vector<16xi32>
                }
                %get3A_874 = arith.constant 0 : index
                %get3A_875 = tpu.vector_load %arg11[%get3A_874] {strides = array<i32>} : memref<64xi32, #tpu.memory_space<vmem>>, vector<16xi32>,
                %swap3A_876 = arith.constant 0 : index
                %swap3A_877 = tpu.vector_load %arg7[%swap3A_876] {strides = array<i32>} : memref<512xi32, #tpu.memory_space<vmem>>, vector<16xi32>,
                tpu.vector_store %arg7[%swap3A_876], %get3A_875 {strides = array<i32>} : memref<512xi32, #tpu.memory_space<vmem>>, vector<16xi32>,
                %get3A_878 = arith.constant 0 : index
                %get3A_879 = tpu.vector_load %arg10[%get3A_878] {strides = array<i32>} : memref<64xf32, #tpu.memory_space<vmem>>, vector<16xf32>,
                %swap3A_880 = arith.constant 0 : index
                %swap3A_881 = tpu.vector_load %arg8[%swap3A_880] {strides = array<i32>} : memref<512xf32, #tpu.memory_space<vmem>>, vector<16xf32>,
                tpu.vector_store %arg8[%swap3A_880], %get3A_879 {strides = array<i32>} : memref<512xf32, #tpu.memory_space<vmem>>, vector<16xf32>,
                %get3A_882 = arith.constant 0 : index
                %get3A_883 = tpu.vector_load %arg12[%get3A_882] {strides = array<i32>} : memref<64xi32, #tpu.memory_space<vmem>>, vector<16xi32>,
                %swap3A_884 = arith.constant 0 : index
                %swap3A_885 = tpu.vector_load %arg9[%swap3A_884] {strides = array<i32>} : memref<512xi32, #tpu.memory_space<vmem>>, vector<16xi32>,
                tpu.vector_store %arg9[%swap3A_884], %get3A_883 {strides = array<i32>} : memref<512xi32, #tpu.memory_space<vmem>>, vector<16xi32>,
                %get3A_886 = arith.constant 16 : index
                %get3A_887 = tpu.vector_load %arg11[%get3A_886] {strides = array<i32>} : memref<64xi32, #tpu.memory_space<vmem>>, vector<16xi32>,
                %swap3A_888 = arith.constant 16 : index
                %swap3A_889 = tpu.vector_load %arg7[%swap3A_888] {strides = array<i32>} : memref<512xi32, #tpu.memory_space<vmem>>, vector<16xi32>,
                tpu.vector_store %arg7[%swap3A_888], %get3A_887 {strides = array<i32>} : memref<512xi32, #tpu.memory_space<vmem>>, vector<16xi32>,
                %get3A_890 = arith.constant 16 : index
                %get3A_891 = tpu.vector_load %arg10[%get3A_890] {strides = array<i32>} : memref<64xf32, #tpu.memory_space<vmem>>, vector<16xf32>,
                %swap3A_892 = arith.constant 16 : index
                %swap3A_893 = tpu.vector_load %arg8[%swap3A_892] {strides = array<i32>} : memref<512xf32, #tpu.memory_space<vmem>>, vector<16xf32>,
                tpu.vector_store %arg8[%swap3A_892], %get3A_891 {strides = array<i32>} : memref<512xf32, #tpu.memory_space<vmem>>, vector<16xf32>,
                %get3A_894 = arith.constant 16 : index
                %get3A_895 = tpu.vector_load %arg12[%get3A_894] {strides = array<i32>} : memref<64xi32, #tpu.memory_space<vmem>>, vector<16xi32>,
                %swap3A_896 = arith.constant 16 : index
                %swap3A_897 = tpu.vector_load %arg9[%swap3A_896] {strides = array<i32>} : memref<512xi32, #tpu.memory_space<vmem>>, vector<16xi32>,
                tpu.vector_store %arg9[%swap3A_896], %get3A_895 {strides = array<i32>} : memref<512xi32, #tpu.memory_space<vmem>>, vector<16xi32>,
                %get3A_898 = arith.constant 32 : index
                %get3A_899 = tpu.vector_load %arg11[%get3A_898] {strides = array<i32>} : memref<64xi32, #tpu.memory_space<vmem>>, vector<16xi32>,
                %swap3A_900 = arith.constant 32 : index
                %swap3A_901 = tpu.vector_load %arg7[%swap3A_900] {strides = array<i32>} : memref<512xi32, #tpu.memory_space<vmem>>, vector<16xi32>,
                tpu.vector_store %arg7[%swap3A_900], %get3A_899 {strides = array<i32>} : memref<512xi32, #tpu.memory_space<vmem>>, vector<16xi32>,
                %get3A_902 = arith.constant 32 : index
                %get3A_903 = tpu.vector_load %arg10[%get3A_902] {strides = array<i32>} : memref<64xf32, #tpu.memory_space<vmem>>, vector<16xf32>,
                %swap3A_904 = arith.constant 32 : index
                %swap3A_905 = tpu.vector_load %arg8[%swap3A_904] {strides = array<i32>} : memref<512xf32, #tpu.memory_space<vmem>>, vector<16xf32>,
                tpu.vector_store %arg8[%swap3A_904], %get3A_903 {strides = array<i32>} : memref<512xf32, #tpu.memory_space<vmem>>, vector<16xf32>,
                %get3A_906 = arith.constant 32 : index
                %get3A_907 = tpu.vector_load %arg12[%get3A_906] {strides = array<i32>} : memref<64xi32, #tpu.memory_space<vmem>>, vector<16xi32>,
                %swap3A_908 = arith.constant 32 : index
                %swap3A_909 = tpu.vector_load %arg9[%swap3A_908] {strides = array<i32>} : memref<512xi32, #tpu.memory_space<vmem>>, vector<16xi32>,
                tpu.vector_store %arg9[%swap3A_908], %get3A_907 {strides = array<i32>} : memref<512xi32, #tpu.memory_space<vmem>>, vector<16xi32>,
                %get3A_910 = arith.constant 48 : index
                %get3A_911 = tpu.vector_load %arg11[%get3A_910] {strides = array<i32>} : memref<64xi32, #tpu.memory_space<vmem>>, vector<16xi32>,
                %swap3A_912 = arith.constant 48 : index
                %swap3A_913 = tpu.vector_load %arg7[%swap3A_912] {strides = array<i32>} : memref<512xi32, #tpu.memory_space<vmem>>, vector<16xi32>,
                tpu.vector_store %arg7[%swap3A_912], %get3A_911 {strides = array<i32>} : memref<512xi32, #tpu.memory_space<vmem>>, vector<16xi32>,
                %get3A_914 = arith.constant 48 : index
                %get3A_915 = tpu.vector_load %arg10[%get3A_914] {strides = array<i32>} : memref<64xf32, #tpu.memory_space<vmem>>, vector<16xf32>,
                %swap3A_916 = arith.constant 48 : index
                %swap3A_917 = tpu.vector_load %arg8[%swap3A_916] {strides = array<i32>} : memref<512xf32, #tpu.memory_space<vmem>>, vector<16xf32>,
                tpu.vector_store %arg8[%swap3A_916], %get3A_915 {strides = array<i32>} : memref<512xf32, #tpu.memory_space<vmem>>, vector<16xf32>,
                %get3A_918 = arith.constant 48 : index
                %get3A_919 = tpu.vector_load %arg12[%get3A_918] {strides = array<i32>} : memref<64xi32, #tpu.memory_space<vmem>>, vector<16xi32>,
                %swap3A_920 = arith.constant 48 : index
                %swap3A_921 = tpu.vector_load %arg9[%swap3A_920] {strides = array<i32>} : memref<512xi32, #tpu.memory_space<vmem>>, vector<16xi32>,
                tpu.vector_store %arg9[%swap3A_920], %get3A_919 {strides = array<i32>} : memref<512xi32, #tpu.memory_space<vmem>>, vector<16xi32>,
                %swap3A_922 = arith.constant 64 : index
                %swap3A_923 = tpu.vector_load %arg7[%swap3A_922] {strides = array<i32>} : memref<512xi32, #tpu.memory_space<vmem>>, vector<16xi32>,
                tpu.vector_store %arg7[%swap3A_922], %broadcast_in_dim3A_3 {strides = array<i32>} : memref<512xi32, #tpu.memory_space<vmem>>, vector<16xi32>,
                %swap3A_924 = arith.constant 80 : index
                %swap3A_925 = tpu.vector_load %arg7[%swap3A_924] {strides = array<i32>} : memref<512xi32, #tpu.memory_space<vmem>>, vector<16xi32>,
                tpu.vector_store %arg7[%swap3A_924], %broadcast_in_dim3A_3 {strides = array<i32>} : memref<512xi32, #tpu.memory_space<vmem>>, vector<16xi32>,
                %swap3A_926 = arith.constant 96 : index
                %swap3A_927 = tpu.vector_load %arg7[%swap3A_926] {strides = array<i32>} : memref<512xi32, #tpu.memory_space<vmem>>, vector<16xi32>,
                tpu.vector_store %arg7[%swap3A_926], %broadcast_in_dim3A_3 {strides = array<i32>} : memref<512xi32, #tpu.memory_space<vmem>>, vector<16xi32>,
                %swap3A_928 = arith.constant 112 : index
                %swap3A_929 = tpu.vector_load %arg7[%swap3A_928] {strides = array<i32>} : memref<512xi32, #tpu.memory_space<vmem>>, vector<16xi32>,
                tpu.vector_store %arg7[%swap3A_928], %broadcast_in_dim3A_3 {strides = array<i32>} : memref<512xi32, #tpu.memory_space<vmem>>, vector<16xi32>,
                %swap3A_930 = arith.constant 128 : index
                %swap3A_931 = tpu.vector_load %arg7[%swap3A_930] {strides = array<i32>} : memref<512xi32, #tpu.memory_space<vmem>>, vector<16xi32>,
                tpu.vector_store %arg7[%swap3A_930], %broadcast_in_dim3A_3 {strides = array<i32>} : memref<512xi32, #tpu.memory_space<vmem>>, vector<16xi32>,
                %swap3A_932 = arith.constant 144 : index
                %swap3A_933 = tpu.vector_load %arg7[%swap3A_932] {strides = array<i32>} : memref<512xi32, #tpu.memory_space<vmem>>, vector<16xi32>,
                tpu.vector_store %arg7[%swap3A_932], %broadcast_in_dim3A_3 {strides = array<i32>} : memref<512xi32, #tpu.memory_space<vmem>>, vector<16xi32>,
                %swap3A_934 = arith.constant 160 : index
                %swap3A_935 = tpu.vector_load %arg7[%swap3A_934] {strides = array<i32>} : memref<512xi32, #tpu.memory_space<vmem>>, vector<16xi32>,
                tpu.vector_store %arg7[%swap3A_934], %broadcast_in_dim3A_3 {strides = array<i32>} : memref<512xi32, #tpu.memory_space<vmem>>, vector<16xi32>,
                %swap3A_936 = arith.constant 176 : index
                %swap3A_937 = tpu.vector_load %arg7[%swap3A_936] {strides = array<i32>} : memref<512xi32, #tpu.memory_space<vmem>>, vector<16xi32>,
                tpu.vector_store %arg7[%swap3A_936], %broadcast_in_dim3A_3 {strides = array<i32>} : memref<512xi32, #tpu.memory_space<vmem>>, vector<16xi32>,
                %swap3A_938 = arith.constant 192 : index
                %swap3A_939 = tpu.vector_load %arg7[%swap3A_938] {strides = array<i32>} : memref<512xi32, #tpu.memory_space<vmem>>, vector<16xi32>,
                tpu.vector_store %arg7[%swap3A_938], %broadcast_in_dim3A_3 {strides = array<i32>} : memref<512xi32, #tpu.memory_space<vmem>>, vector<16xi32>,
                %swap3A_940 = arith.constant 208 : index
                %swap3A_941 = tpu.vector_load %arg7[%swap3A_940] {strides = array<i32>} : memref<512xi32, #tpu.memory_space<vmem>>, vector<16xi32>,
                tpu.vector_store %arg7[%swap3A_940], %broadcast_in_dim3A_3 {strides = array<i32>} : memref<512xi32, #tpu.memory_space<vmem>>, vector<16xi32>,
                %swap3A_942 = arith.constant 224 : index
                %swap3A_943 = tpu.vector_load %arg7[%swap3A_942] {strides = array<i32>} : memref<512xi32, #tpu.memory_space<vmem>>, vector<16xi32>,
                tpu.vector_store %arg7[%swap3A_942], %broadcast_in_dim3A_3 {strides = array<i32>} : memref<512xi32, #tpu.memory_space<vmem>>, vector<16xi32>,
                %swap3A_944 = arith.constant 240 : index
                %swap3A_945 = tpu.vector_load %arg7[%swap3A_944] {strides = array<i32>} : memref<512xi32, #tpu.memory_space<vmem>>, vector<16xi32>,
                tpu.vector_store %arg7[%swap3A_944], %broadcast_in_dim3A_3 {strides = array<i32>} : memref<512xi32, #tpu.memory_space<vmem>>, vector<16xi32>,
                %swap3A_946 = arith.constant 256 : index
                %swap3A_947 = tpu.vector_load %arg7[%swap3A_946] {strides = array<i32>} : memref<512xi32, #tpu.memory_space<vmem>>, vector<16xi32>,
                tpu.vector_store %arg7[%swap3A_946], %broadcast_in_dim3A_3 {strides = array<i32>} : memref<512xi32, #tpu.memory_space<vmem>>, vector<16xi32>,
                %swap3A_948 = arith.constant 272 : index
                %swap3A_949 = tpu.vector_load %arg7[%swap3A_948] {strides = array<i32>} : memref<512xi32, #tpu.memory_space<vmem>>, vector<16xi32>,
                tpu.vector_store %arg7[%swap3A_948], %broadcast_in_dim3A_3 {strides = array<i32>} : memref<512xi32, #tpu.memory_space<vmem>>, vector<16xi32>,
                %swap3A_950 = arith.constant 288 : index
                %swap3A_951 = tpu.vector_load %arg7[%swap3A_950] {strides = array<i32>} : memref<512xi32, #tpu.memory_space<vmem>>, vector<16xi32>,
                tpu.vector_store %arg7[%swap3A_950], %broadcast_in_dim3A_3 {strides = array<i32>} : memref<512xi32, #tpu.memory_space<vmem>>, vector<16xi32>,
                %swap3A_952 = arith.constant 304 : index
                %swap3A_953 = tpu.vector_load %arg7[%swap3A_952] {strides = array<i32>} : memref<512xi32, #tpu.memory_space<vmem>>, vector<16xi32>,
                tpu.vector_store %arg7[%swap3A_952], %broadcast_in_dim3A_3 {strides = array<i32>} : memref<512xi32, #tpu.memory_space<vmem>>, vector<16xi32>,
                %swap3A_954 = arith.constant 320 : index
                %swap3A_955 = tpu.vector_load %arg7[%swap3A_954] {strides = array<i32>} : memref<512xi32, #tpu.memory_space<vmem>>, vector<16xi32>,
                tpu.vector_store %arg7[%swap3A_954], %broadcast_in_dim3A_3 {strides = array<i32>} : memref<512xi32, #tpu.memory_space<vmem>>, vector<16xi32>,
                %swap3A_956 = arith.constant 336 : index
                %swap3A_957 = tpu.vector_load %arg7[%swap3A_956] {strides = array<i32>} : memref<512xi32, #tpu.memory_space<vmem>>, vector<16xi32>,
                tpu.vector_store %arg7[%swap3A_956], %broadcast_in_dim3A_3 {strides = array<i32>} : memref<512xi32, #tpu.memory_space<vmem>>, vector<16xi32>,
                %swap3A_958 = arith.constant 352 : index
                %swap3A_959 = tpu.vector_load %arg7[%swap3A_958] {strides = array<i32>} : memref<512xi32, #tpu.memory_space<vmem>>, vector<16xi32>,
                tpu.vector_store %arg7[%swap3A_958], %broadcast_in_dim3A_3 {strides = array<i32>} : memref<512xi32, #tpu.memory_space<vmem>>, vector<16xi32>,
                %swap3A_960 = arith.constant 368 : index
                %swap3A_961 = tpu.vector_load %arg7[%swap3A_960] {strides = array<i32>} : memref<512xi32, #tpu.memory_space<vmem>>, vector<16xi32>,
                tpu.vector_store %arg7[%swap3A_960], %broadcast_in_dim3A_3 {strides = array<i32>} : memref<512xi32, #tpu.memory_space<vmem>>, vector<16xi32>,
                %swap3A_962 = arith.constant 384 : index
                %swap3A_963 = tpu.vector_load %arg7[%swap3A_962] {strides = array<i32>} : memref<512xi32, #tpu.memory_space<vmem>>, vector<16xi32>,
                tpu.vector_store %arg7[%swap3A_962], %broadcast_in_dim3A_3 {strides = array<i32>} : memref<512xi32, #tpu.memory_space<vmem>>, vector<16xi32>,
                %swap3A_964 = arith.constant 400 : index
                %swap3A_965 = tpu.vector_load %arg7[%swap3A_964] {strides = array<i32>} : memref<512xi32, #tpu.memory_space<vmem>>, vector<16xi32>,
                tpu.vector_store %arg7[%swap3A_964], %broadcast_in_dim3A_3 {strides = array<i32>} : memref<512xi32, #tpu.memory_space<vmem>>, vector<16xi32>,
                %swap3A_966 = arith.constant 416 : index
                %swap3A_967 = tpu.vector_load %arg7[%swap3A_966] {strides = array<i32>} : memref<512xi32, #tpu.memory_space<vmem>>, vector<16xi32>,
                tpu.vector_store %arg7[%swap3A_966], %broadcast_in_dim3A_3 {strides = array<i32>} : memref<512xi32, #tpu.memory_space<vmem>>, vector<16xi32>,
                %swap3A_968 = arith.constant 432 : index
                %swap3A_969 = tpu.vector_load %arg7[%swap3A_968] {strides = array<i32>} : memref<512xi32, #tpu.memory_space<vmem>>, vector<16xi32>,
                tpu.vector_store %arg7[%swap3A_968], %broadcast_in_dim3A_3 {strides = array<i32>} : memref<512xi32, #tpu.memory_space<vmem>>, vector<16xi32>,
                %swap3A_970 = arith.constant 448 : index
                %swap3A_971 = tpu.vector_load %arg7[%swap3A_970] {strides = array<i32>} : memref<512xi32, #tpu.memory_space<vmem>>, vector<16xi32>,
                tpu.vector_store %arg7[%swap3A_970], %broadcast_in_dim3A_3 {strides = array<i32>} : memref<512xi32, #tpu.memory_space<vmem>>, vector<16xi32>,
                %swap3A_972 = arith.constant 464 : index
                %swap3A_973 = tpu.vector_load %arg7[%swap3A_972] {strides = array<i32>} : memref<512xi32, #tpu.memory_space<vmem>>, vector<16xi32>,
                tpu.vector_store %arg7[%swap3A_972], %broadcast_in_dim3A_3 {strides = array<i32>} : memref<512xi32, #tpu.memory_space<vmem>>, vector<16xi32>,
                %swap3A_974 = arith.constant 480 : index
                %swap3A_975 = tpu.vector_load %arg7[%swap3A_974] {strides = array<i32>} : memref<512xi32, #tpu.memory_space<vmem>>, vector<16xi32>,
                tpu.vector_store %arg7[%swap3A_974], %broadcast_in_dim3A_3 {strides = array<i32>} : memref<512xi32, #tpu.memory_space<vmem>>, vector<16xi32>,
                %swap3A_976 = arith.constant 496 : index
                %swap3A_977 = tpu.vector_load %arg7[%swap3A_976] {strides = array<i32>} : memref<512xi32, #tpu.memory_space<vmem>>, vector<16xi32>,
                tpu.vector_store %arg7[%swap3A_976], %broadcast_in_dim3A_3 {strides = array<i32>} : memref<512xi32, #tpu.memory_space<vmem>>, vector<16xi32>,
                %broadcast_in_dim3A_978 = arith.constant 50 : i32
                %broadcast_in_dim3A_979 = vector.broadcast %broadcast_in_dim3A_978 : i32 to vector<16xi32>
                %swap3A_980 = arith.constant 0 : index
                %swap3A_981 = tpu.vector_load %arg16[%swap3A_980] {strides = array<i32>} : memref<16xi32, #tpu.memory_space<vmem>>, vector<16xi32>,
                tpu.vector_store %arg16[%swap3A_980], %broadcast_in_dim3A_979 {strides = array<i32>} : memref<16xi32, #tpu.memory_space<vmem>>, vector<16xi32>,
                %lt3A_982 = arith.constant 0 : i32
                %lt3A_983 = vector.broadcast %lt3A_982 : i32 to vector<16xi32>
                %lt3A_984 = arith.cmpi slt, %bitcast3A_847, %lt3A_983 : vector<16xi32>
                %xor3A_985 = arith.constant -2147483648 : i32
                %xor3A_986 = vector.broadcast %xor3A_985 : i32 to vector<16xi32>
                %xor3A_987 = arith.xori %bitcast3A_847, %xor3A_986 : vector<16xi32>
                %not3A_988 = arith.constant dense<-1> : vector<16xi32>
                %not3A_989 = arith.xori %xor3A_987, %not3A_988 : vector<16xi32>
                %select_n3A_990 = arith.select %lt3A_984, %not3A_989, %bitcast3A_847 : vector<16xi1>, vector<16xi32>
                %bitcast3A_991 = vector.bitcast %select_n3A_990 : vector<16xi32> to vector<16xf32>
                %swap3A_992 = arith.constant 0 : index
                %swap3A_993 = tpu.vector_load %arg17[%swap3A_992] {strides = array<i32>} : memref<16xf32, #tpu.memory_space<vmem>>, vector<16xf32>,
                tpu.vector_store %arg17[%swap3A_992], %bitcast3A_991 {strides = array<i32>} : memref<16xf32, #tpu.memory_space<vmem>>, vector<16xf32>,
              } else {
              }
            } else {
            }
            %scan3A_354 = arith.constant 0 : i32
            scf.yield %scan3A_354 : i32
          }
          %scan3A_254 = arith.constant 20 : i32
          %add3A_255 = arith.constant 3 : i32
          %add3A_256 = arith.addi %mul3A_213, %add3A_255 : i32
          %lt3A_257 = arith.constant 25 : i32
          %lt3A_258 = arith.cmpi slt, %add3A_256, %lt3A_257 : i32
          %convert_element_type3A_259 = arith.extui %lt3A_258 : i1 to i32
          %cond3A_260 = arith.constant 0 : i32
          %cond3A_261 = arith.cmpi ne, %convert_element_type3A_259, %cond3A_260 : i32
          scf.if %cond3A_261 {
            %add3A_262 = arith.constant 3 : i32
            %add3A_263 = arith.addi %mul3A_213, %add3A_262 : i32
            %mul3A_264 = arith.constant 5120 : i32
            %mul3A_265 = arith.muli %add3A_263, %mul3A_264 : i32
            %dma_start3A_266 = tpu.memref_slice %arg2[%add3A_16, %mul3A_265] : memref<64x128000xf32, #tpu.memory_space<hbm>> -> memref<1x5120xf32, #tpu.memory_space<hbm>>
            %dma_start3A_267 = tpu.memref_squeeze %dma_start3A_266 : memref<1x5120xf32, #tpu.memory_space<hbm>> -> memref<5120xf32, #tpu.memory_space<hbm>>
            %dma_start3A_268 = tpu.memref_slice %arg2[%add3A_16, %mul3A_265] : memref<64x128000xf32, #tpu.memory_space<hbm>> -> memref<1x5120xf32, #tpu.memory_space<hbm>>
            %dma_start3A_269 = tpu.memref_squeeze %dma_start3A_268 : memref<1x5120xf32, #tpu.memory_space<hbm>> -> memref<5120xf32, #tpu.memory_space<hbm>>
            tpu.enqueue_dma source(%dma_start3A_269 : memref<5120xf32, #tpu.memory_space<hbm>>) target(%arg6 : memref<5120xf32, #tpu.memory_space<vmem>>) target_semaphore(%arg20 : memref<!tpu.dma_semaphore, #tpu.memory_space<semaphore_mem>>)
          } else {
          }
        } else {
        }
        %scan3A_239 = arith.constant 0 : i32
        scf.yield %scan3A_239 : i32
      }
      %scan3A_101 = arith.constant 13 : i32
      %get3A = arith.constant 0 : index
      %get3A_102 = tpu.vector_load %arg16[%get3A] {strides = array<i32>} : memref<16xi32, #tpu.memory_space<vmem>>, vector<16xi32>,
      %slice3A = vector.extract_strided_slice %get3A_102 {offsets = [0], sizes = [1], strides = [1]} : vector<16xi32> to vector<1xi32>
      %squeeze3A = vector.extract %slice3A[0] : i32 from vector<1xi32>
      %add3A_103 = arith.constant 15 : i32
      %add3A_104 = arith.addi %squeeze3A, %add3A_103 : i32
      %shift_right_arithmetic3A = arith.constant 4 : i32
      %shift_right_arithmetic3A_105 = arith.shrsi %add3A_104, %shift_right_arithmetic3A : i32
      %broadcast_in_dim3A_106 = arith.constant 0 : i32
      %broadcast_in_dim3A_107 = vector.broadcast %broadcast_in_dim3A_106 : i32 to vector<16xi32>
      %scan3A_108 = arith.constant 0 : i32
      %scan3A_109 = arith.constant 32 : i32
      %scan3A_110 = arith.addi %scan3A_108, %scan3A_109 : i32
      %scan3A_111 = arith.constant 1 : i32
      %scan3A_112 = scf.for %scan3A_210 = %scan3A_108 to %scan3A_110 step %scan3A_111 iter_args(%scan3A_211 = %broadcast_in_dim3A_107) -> (vector<16xi32>)  : i32 {
        %sub3A_212 = arith.constant 31 : i32
        %sub3A_213 = arith.subi %sub3A_212, %scan3A_210 : i32
        %shift_left3A = arith.constant 1 : i32
        %shift_left3A_214 = arith.shli %shift_left3A, %sub3A_213 : i32
        %broadcast_in_dim3A_215 = vector.broadcast %shift_left3A_214 : i32 to vector<16xi32>
        %or3A = arith.ori %scan3A_211, %broadcast_in_dim3A_215 : vector<16xi32>
        %while3A_216 = arith.constant 0 : i32
        %while3A_217 = arith.subi %shift_right_arithmetic3A_105, %while3A_216 : i32
        %while3A_218 = arith.addi %while3A_216, %while3A_217 : i32
        %while3A_219 = arith.constant 1 : i32
        %while3A_220 = arith.divsi %while3A_217, %while3A_219 : i32
        %while3A_221 = arith.muli %while3A_220, %while3A_219 : i32
        %while3A_222 = arith.addi %while3A_216, %while3A_221 : i32
        %while3A_223 = arith.constant 1 : i32
        %while3A_224 = scf.for %while3A_230 = %while3A_216 to %while3A_222 step %while3A_223 iter_args(%while3A_231 = %broadcast_in_dim3A_1) -> (vector<16xi32>)  : i32 {
          %mul3A_232 = arith.constant 16 : i32
          %mul3A_233 = arith.muli %while3A_230, %mul3A_232 : i32
          %get3A_234 = arith.index_cast %mul3A_233 : i32 to index
          %get3A_235 = tpu.vector_load %arg7[%get3A_234] {strides = array<i32>} : memref<512xi32, #tpu.memory_space<vmem>>, vector<16xi32>,
          %xor3A_236 = arith.constant -2147483648 : i32
          %xor3A_237 = vector.broadcast %xor3A_236 : i32 to vector<16xi32>
          %xor3A_238 = arith.xori %get3A_235, %xor3A_237 : vector<16xi32>
          %bitcast3A_239 = vector.bitcast %xor3A_238 : vector<16xi32> to vector<16xi32>
          %ge3A_240 = arith.cmpi uge, %bitcast3A_239, %or3A : vector<16xi32>
          %all_reduce_population_count3A = tpu.all_reduce %ge3A_240 {dim = 0 : i64, kind = #tpu.reduction_kind<sum>} : vector<16xi1> -> vector<16xi32>
          %add3A_241 = arith.addi %while3A_231, %all_reduce_population_count3A : vector<16xi32>
          scf.yield %add3A_241 : vector<16xi32>
        }
        %while3A_225 = arith.constant 1 : i32
        %while3A_226 = scf.for %while3A_230 = %while3A_222 to %while3A_218 step %while3A_225 iter_args(%while3A_231 = %while3A_224) -> (vector<16xi32>)  : i32 {
          %mul3A_232 = arith.constant 16 : i32
          %mul3A_233 = arith.muli %while3A_230, %mul3A_232 : i32
          %get3A_234 = arith.index_cast %mul3A_233 : i32 to index
          %get3A_235 = tpu.vector_load %arg7[%get3A_234] {strides = array<i32>} : memref<512xi32, #tpu.memory_space<vmem>>, vector<16xi32>,
          %xor3A_236 = arith.constant -2147483648 : i32
          %xor3A_237 = vector.broadcast %xor3A_236 : i32 to vector<16xi32>
          %xor3A_238 = arith.xori %get3A_235, %xor3A_237 : vector<16xi32>
          %bitcast3A_239 = vector.bitcast %xor3A_238 : vector<16xi32> to vector<16xi32>
          %ge3A_240 = arith.cmpi uge, %bitcast3A_239, %or3A : vector<16xi32>
          %all_reduce_population_count3A = tpu.all_reduce %ge3A_240 {dim = 0 : i64, kind = #tpu.reduction_kind<sum>} : vector<16xi1> -> vector<16xi32>
          %add3A_241 = arith.addi %while3A_231, %all_reduce_population_count3A : vector<16xi32>
          scf.yield %add3A_241 : vector<16xi32>
        }
        %ge3A = arith.constant 50 : i32
        %ge3A_227 = vector.broadcast %ge3A : i32 to vector<16xi32>
        %ge3A_228 = arith.cmpi sge, %while3A_226, %ge3A_227 : vector<16xi32>
        %select_n3A_229 = arith.select %ge3A_228, %or3A, %scan3A_211 : vector<16xi1>, vector<16xi32>
        scf.yield %select_n3A_229 : vector<16xi32>
      }
      %scan3A_113 = arith.constant 32 : i32
      %xor3A = arith.constant -2147483648 : i32
      %xor3A_114 = vector.broadcast %xor3A : i32 to vector<16xi32>
      %xor3A_115 = arith.xori %scan3A_112, %xor3A_114 : vector<16xi32>
      %bitcast3A = vector.bitcast %xor3A_115 : vector<16xi32> to vector<16xi32>
      %swap3A_116 = arith.constant 48 : index
      %swap3A_117 = tpu.vector_load %arg10[%swap3A_116] {strides = array<i32>} : memref<64xf32, #tpu.memory_space<vmem>>, vector<16xf32>,
      tpu.vector_store %arg10[%swap3A_116], %broadcast_in_dim3A_5 {strides = array<i32>} : memref<64xf32, #tpu.memory_space<vmem>>, vector<16xf32>,
      %swap3A_118 = arith.constant 48 : index
      %swap3A_119 = tpu.vector_load %arg11[%swap3A_118] {strides = array<i32>} : memref<64xi32, #tpu.memory_space<vmem>>, vector<16xi32>,
      tpu.vector_store %arg11[%swap3A_118], %broadcast_in_dim3A_3 {strides = array<i32>} : memref<64xi32, #tpu.memory_space<vmem>>, vector<16xi32>,
      %while3A = arith.constant 0 : i32
      %while3A_120 = arith.subi %shift_right_arithmetic3A_105, %while3A : i32
      %while3A_121 = arith.addi %while3A, %while3A_120 : i32
      %while3A_122 = arith.constant 1 : i32
      %while3A_123 = arith.divsi %while3A_120, %while3A_122 : i32
      %while3A_124 = arith.muli %while3A_123, %while3A_122 : i32
      %while3A_125 = arith.addi %while3A, %while3A_124 : i32
      %while3A_126 = arith.constant 1 : i32
      %while3A_127 = scf.for %while3A_210 = %while3A to %while3A_125 step %while3A_126 iter_args(%while3A_211 = %broadcast_in_dim3A_1) -> (vector<16xi32>)  : i32 {
        %mul3A_212 = arith.constant 16 : i32
        %mul3A_213 = arith.muli %while3A_210, %mul3A_212 : i32
        %get3A_214 = arith.index_cast %mul3A_213 : i32 to index
        %get3A_215 = tpu.vector_load %arg7[%get3A_214] {strides = array<i32>} : memref<512xi32, #tpu.memory_space<vmem>>, vector<16xi32>,
        %gt3A = arith.cmpi sgt, %get3A_215, %bitcast3A : vector<16xi32>
        %convert_element_type3A = arith.extui %gt3A : vector<16xi1> to vector<16xi32>
        %broadcast_in_dim3A_216 = arith.constant true
        %broadcast_in_dim3A_217 = vector.broadcast %broadcast_in_dim3A_216 : i1 to vector<16xi1>
        %masked_cumsum3A = tpu.scan <sum>, %convert_element_type3A masked %broadcast_in_dim3A_217 : vector<16xi32>, vector<16xi1> -> vector<16xi32>
        %add3A_218 = arith.addi %while3A_211, %masked_cumsum3A : vector<16xi32>
        %sub3A_219 = arith.constant 1 : i32
        %sub3A_220 = vector.broadcast %sub3A_219 : i32 to vector<16xi32>
        %sub3A_221 = arith.subi %add3A_218, %sub3A_220 : vector<16xi32>
        %mul3A_222 = arith.constant 16 : i32
        %mul3A_223 = arith.muli %while3A_210, %mul3A_222 : i32
        %get3A_224 = arith.index_cast %mul3A_223 : i32 to index
        %get3A_225 = tpu.vector_load %arg8[%get3A_224] {strides = array<i32>} : memref<512xf32, #tpu.memory_space<vmem>>, vector<16xf32>,
        tpu.vector_store_idx %arg10[%sub3A_221], %get3A_225 masked %gt3A : memref<64xf32, #tpu.memory_space<vmem>>[vector<16xi32>], vector<16xf32>, vector<16xi1>
        %mul3A_226 = arith.constant 16 : i32
        %mul3A_227 = arith.muli %while3A_210, %mul3A_226 : i32
        %get3A_228 = arith.index_cast %mul3A_227 : i32 to index
        %get3A_229 = tpu.vector_load %arg9[%get3A_228] {strides = array<i32>} : memref<512xi32, #tpu.memory_space<vmem>>, vector<16xi32>,
        tpu.vector_store_idx %arg12[%sub3A_221], %get3A_229 masked %gt3A : memref<64xi32, #tpu.memory_space<vmem>>[vector<16xi32>], vector<16xi32>, vector<16xi1>
        tpu.vector_store_idx %arg11[%sub3A_221], %get3A_215 masked %gt3A : memref<64xi32, #tpu.memory_space<vmem>>[vector<16xi32>], vector<16xi32>, vector<16xi1>
        %all_reduce_population_count3A = tpu.all_reduce %gt3A {dim = 0 : i64, kind = #tpu.reduction_kind<sum>} : vector<16xi1> -> vector<16xi32>
        %add3A_230 = arith.addi %while3A_211, %all_reduce_population_count3A : vector<16xi32>
        scf.yield %add3A_230 : vector<16xi32>
      }
      %while3A_128 = arith.constant 1 : i32
      %while3A_129 = scf.for %while3A_210 = %while3A_125 to %while3A_121 step %while3A_128 iter_args(%while3A_211 = %while3A_127) -> (vector<16xi32>)  : i32 {
        %mul3A_212 = arith.constant 16 : i32
        %mul3A_213 = arith.muli %while3A_210, %mul3A_212 : i32
        %get3A_214 = arith.index_cast %mul3A_213 : i32 to index
        %get3A_215 = tpu.vector_load %arg7[%get3A_214] {strides = array<i32>} : memref<512xi32, #tpu.memory_space<vmem>>, vector<16xi32>,
        %gt3A = arith.cmpi sgt, %get3A_215, %bitcast3A : vector<16xi32>
        %convert_element_type3A = arith.extui %gt3A : vector<16xi1> to vector<16xi32>
        %broadcast_in_dim3A_216 = arith.constant true
        %broadcast_in_dim3A_217 = vector.broadcast %broadcast_in_dim3A_216 : i1 to vector<16xi1>
        %masked_cumsum3A = tpu.scan <sum>, %convert_element_type3A masked %broadcast_in_dim3A_217 : vector<16xi32>, vector<16xi1> -> vector<16xi32>
        %add3A_218 = arith.addi %while3A_211, %masked_cumsum3A : vector<16xi32>
        %sub3A_219 = arith.constant 1 : i32
        %sub3A_220 = vector.broadcast %sub3A_219 : i32 to vector<16xi32>
        %sub3A_221 = arith.subi %add3A_218, %sub3A_220 : vector<16xi32>
        %mul3A_222 = arith.constant 16 : i32
        %mul3A_223 = arith.muli %while3A_210, %mul3A_222 : i32
        %get3A_224 = arith.index_cast %mul3A_223 : i32 to index
        %get3A_225 = tpu.vector_load %arg8[%get3A_224] {strides = array<i32>} : memref<512xf32, #tpu.memory_space<vmem>>, vector<16xf32>,
        tpu.vector_store_idx %arg10[%sub3A_221], %get3A_225 masked %gt3A : memref<64xf32, #tpu.memory_space<vmem>>[vector<16xi32>], vector<16xf32>, vector<16xi1>
        %mul3A_226 = arith.constant 16 : i32
        %mul3A_227 = arith.muli %while3A_210, %mul3A_226 : i32
        %get3A_228 = arith.index_cast %mul3A_227 : i32 to index
        %get3A_229 = tpu.vector_load %arg9[%get3A_228] {strides = array<i32>} : memref<512xi32, #tpu.memory_space<vmem>>, vector<16xi32>,
        tpu.vector_store_idx %arg12[%sub3A_221], %get3A_229 masked %gt3A : memref<64xi32, #tpu.memory_space<vmem>>[vector<16xi32>], vector<16xi32>, vector<16xi1>
        tpu.vector_store_idx %arg11[%sub3A_221], %get3A_215 masked %gt3A : memref<64xi32, #tpu.memory_space<vmem>>[vector<16xi32>], vector<16xi32>, vector<16xi1>
        %all_reduce_population_count3A = tpu.all_reduce %gt3A {dim = 0 : i64, kind = #tpu.reduction_kind<sum>} : vector<16xi1> -> vector<16xi32>
        %add3A_230 = arith.addi %while3A_211, %all_reduce_population_count3A : vector<16xi32>
        scf.yield %add3A_230 : vector<16xi32>
      }
      %while3A_130 = arith.constant 0 : i32
      %while3A_131 = arith.subi %shift_right_arithmetic3A_105, %while3A_130 : i32
      %while3A_132 = arith.addi %while3A_130, %while3A_131 : i32
      %while3A_133 = arith.constant 1 : i32
      %while3A_134 = arith.divsi %while3A_131, %while3A_133 : i32
      %while3A_135 = arith.muli %while3A_134, %while3A_133 : i32
      %while3A_136 = arith.addi %while3A_130, %while3A_135 : i32
      %while3A_137 = arith.constant 1 : i32
      %while3A_138 = scf.for %while3A_210 = %while3A_130 to %while3A_136 step %while3A_137 iter_args(%while3A_211 = %while3A_129) -> (vector<16xi32>)  : i32 {
        %mul3A_212 = arith.constant 16 : i32
        %mul3A_213 = arith.muli %while3A_210, %mul3A_212 : i32
        %get3A_214 = arith.index_cast %mul3A_213 : i32 to index
        %get3A_215 = tpu.vector_load %arg7[%get3A_214] {strides = array<i32>} : memref<512xi32, #tpu.memory_space<vmem>>, vector<16xi32>,
        %eq3A = arith.cmpi eq, %get3A_215, %bitcast3A : vector<16xi32>
        %convert_element_type3A = arith.extui %eq3A : vector<16xi1> to vector<16xi32>
        %broadcast_in_dim3A_216 = arith.constant true
        %broadcast_in_dim3A_217 = vector.broadcast %broadcast_in_dim3A_216 : i1 to vector<16xi1>
        %masked_cumsum3A = tpu.scan <sum>, %convert_element_type3A masked %broadcast_in_dim3A_217 : vector<16xi32>, vector<16xi1> -> vector<16xi32>
        %add3A_218 = arith.addi %while3A_211, %masked_cumsum3A : vector<16xi32>
        %sub3A_219 = arith.constant 1 : i32
        %sub3A_220 = vector.broadcast %sub3A_219 : i32 to vector<16xi32>
        %sub3A_221 = arith.subi %add3A_218, %sub3A_220 : vector<16xi32>
        %lt3A_222 = arith.constant 50 : i32
        %lt3A_223 = vector.broadcast %lt3A_222 : i32 to vector<16xi32>
        %lt3A_224 = arith.cmpi slt, %sub3A_221, %lt3A_223 : vector<16xi32>
        %and3A = arith.andi %eq3A, %lt3A_224 : vector<16xi1>
        %mul3A_225 = arith.constant 16 : i32
        %mul3A_226 = arith.muli %while3A_210, %mul3A_225 : i32
        %get3A_227 = arith.index_cast %mul3A_226 : i32 to index
        %get3A_228 = tpu.vector_load %arg8[%get3A_227] {strides = array<i32>} : memref<512xf32, #tpu.memory_space<vmem>>, vector<16xf32>,
        tpu.vector_store_idx %arg10[%sub3A_221], %get3A_228 masked %and3A : memref<64xf32, #tpu.memory_space<vmem>>[vector<16xi32>], vector<16xf32>, vector<16xi1>
        %mul3A_229 = arith.constant 16 : i32
        %mul3A_230 = arith.muli %while3A_210, %mul3A_229 : i32
        %get3A_231 = arith.index_cast %mul3A_230 : i32 to index
        %get3A_232 = tpu.vector_load %arg9[%get3A_231] {strides = array<i32>} : memref<512xi32, #tpu.memory_space<vmem>>, vector<16xi32>,
        tpu.vector_store_idx %arg12[%sub3A_221], %get3A_232 masked %and3A : memref<64xi32, #tpu.memory_space<vmem>>[vector<16xi32>], vector<16xi32>, vector<16xi1>
        tpu.vector_store_idx %arg11[%sub3A_221], %get3A_215 masked %and3A : memref<64xi32, #tpu.memory_space<vmem>>[vector<16xi32>], vector<16xi32>, vector<16xi1>
        %all_reduce_population_count3A = tpu.all_reduce %eq3A {dim = 0 : i64, kind = #tpu.reduction_kind<sum>} : vector<16xi1> -> vector<16xi32>
        %add3A_233 = arith.addi %while3A_211, %all_reduce_population_count3A : vector<16xi32>
        scf.yield %add3A_233 : vector<16xi32>
      }
      %while3A_139 = arith.constant 1 : i32
      %while3A_140 = scf.for %while3A_210 = %while3A_136 to %while3A_132 step %while3A_139 iter_args(%while3A_211 = %while3A_138) -> (vector<16xi32>)  : i32 {
        %mul3A_212 = arith.constant 16 : i32
        %mul3A_213 = arith.muli %while3A_210, %mul3A_212 : i32
        %get3A_214 = arith.index_cast %mul3A_213 : i32 to index
        %get3A_215 = tpu.vector_load %arg7[%get3A_214] {strides = array<i32>} : memref<512xi32, #tpu.memory_space<vmem>>, vector<16xi32>,
        %eq3A = arith.cmpi eq, %get3A_215, %bitcast3A : vector<16xi32>
        %convert_element_type3A = arith.extui %eq3A : vector<16xi1> to vector<16xi32>
        %broadcast_in_dim3A_216 = arith.constant true
        %broadcast_in_dim3A_217 = vector.broadcast %broadcast_in_dim3A_216 : i1 to vector<16xi1>
        %masked_cumsum3A = tpu.scan <sum>, %convert_element_type3A masked %broadcast_in_dim3A_217 : vector<16xi32>, vector<16xi1> -> vector<16xi32>
        %add3A_218 = arith.addi %while3A_211, %masked_cumsum3A : vector<16xi32>
        %sub3A_219 = arith.constant 1 : i32
        %sub3A_220 = vector.broadcast %sub3A_219 : i32 to vector<16xi32>
        %sub3A_221 = arith.subi %add3A_218, %sub3A_220 : vector<16xi32>
        %lt3A_222 = arith.constant 50 : i32
        %lt3A_223 = vector.broadcast %lt3A_222 : i32 to vector<16xi32>
        %lt3A_224 = arith.cmpi slt, %sub3A_221, %lt3A_223 : vector<16xi32>
        %and3A = arith.andi %eq3A, %lt3A_224 : vector<16xi1>
        %mul3A_225 = arith.constant 16 : i32
        %mul3A_226 = arith.muli %while3A_210, %mul3A_225 : i32
        %get3A_227 = arith.index_cast %mul3A_226 : i32 to index
        %get3A_228 = tpu.vector_load %arg8[%get3A_227] {strides = array<i32>} : memref<512xf32, #tpu.memory_space<vmem>>, vector<16xf32>,
        tpu.vector_store_idx %arg10[%sub3A_221], %get3A_228 masked %and3A : memref<64xf32, #tpu.memory_space<vmem>>[vector<16xi32>], vector<16xf32>, vector<16xi1>
        %mul3A_229 = arith.constant 16 : i32
        %mul3A_230 = arith.muli %while3A_210, %mul3A_229 : i32
        %get3A_231 = arith.index_cast %mul3A_230 : i32 to index
        %get3A_232 = tpu.vector_load %arg9[%get3A_231] {strides = array<i32>} : memref<512xi32, #tpu.memory_space<vmem>>, vector<16xi32>,
        tpu.vector_store_idx %arg12[%sub3A_221], %get3A_232 masked %and3A : memref<64xi32, #tpu.memory_space<vmem>>[vector<16xi32>], vector<16xi32>, vector<16xi1>
        tpu.vector_store_idx %arg11[%sub3A_221], %get3A_215 masked %and3A : memref<64xi32, #tpu.memory_space<vmem>>[vector<16xi32>], vector<16xi32>, vector<16xi1>
        %all_reduce_population_count3A = tpu.all_reduce %eq3A {dim = 0 : i64, kind = #tpu.reduction_kind<sum>} : vector<16xi1> -> vector<16xi32>
        %add3A_233 = arith.addi %while3A_211, %all_reduce_population_count3A : vector<16xi32>
        scf.yield %add3A_233 : vector<16xi32>
      }
      %get3A_141 = arith.constant 0 : index
      %get3A_142 = tpu.vector_load %arg12[%get3A_141] {strides = array<i32>} : memref<64xi32, #tpu.memory_space<vmem>>, vector<16xi32>,
      %swap3A_143 = arith.constant 0 : index
      %swap3A_144 = tpu.vector_load %arg13[%swap3A_143] {strides = array<i32>} : memref<56xi32, #tpu.memory_space<vmem>>, vector<16xi32>,
      tpu.vector_store %arg13[%swap3A_143], %get3A_142 {strides = array<i32>} : memref<56xi32, #tpu.memory_space<vmem>>, vector<16xi32>,
      %get3A_145 = arith.constant 16 : index
      %get3A_146 = tpu.vector_load %arg12[%get3A_145] {strides = array<i32>} : memref<64xi32, #tpu.memory_space<vmem>>, vector<16xi32>,
      %swap3A_147 = arith.constant 16 : index
      %swap3A_148 = tpu.vector_load %arg13[%swap3A_147] {strides = array<i32>} : memref<56xi32, #tpu.memory_space<vmem>>, vector<16xi32>,
      tpu.vector_store %arg13[%swap3A_147], %get3A_146 {strides = array<i32>} : memref<56xi32, #tpu.memory_space<vmem>>, vector<16xi32>,
      %get3A_149 = arith.constant 32 : index
      %get3A_150 = tpu.vector_load %arg12[%get3A_149] {strides = array<i32>} : memref<64xi32, #tpu.memory_space<vmem>>, vector<16xi32>,
      %swap3A_151 = arith.constant 32 : index
      %swap3A_152 = tpu.vector_load %arg13[%swap3A_151] {strides = array<i32>} : memref<56xi32, #tpu.memory_space<vmem>>, vector<16xi32>,
      tpu.vector_store %arg13[%swap3A_151], %get3A_150 {strides = array<i32>} : memref<56xi32, #tpu.memory_space<vmem>>, vector<16xi32>,
      %broadcast_in_dim3A_153 = arith.constant 48 : i32
      %broadcast_in_dim3A_154 = vector.broadcast %broadcast_in_dim3A_153 : i32 to vector<16xi32>
      %add3A_155 = arith.addi %broadcast_in_dim3A_154, %iota3A : vector<16xi32>
      %lt3A = arith.constant 2 : i32
      %lt3A_156 = vector.broadcast %lt3A : i32 to vector<16xi32>
      %lt3A_157 = arith.cmpi slt, %iota3A, %lt3A_156 : vector<16xi32>
      %get3A_158 = arith.constant 48 : index
      %get3A_159 = tpu.vector_load %arg12[%get3A_158] {strides = array<i32>} : memref<64xi32, #tpu.memory_space<vmem>>, vector<16xi32>,
      %jit3A = arith.constant 0 : i32
      %broadcast_in_dim3A_160 = vector.broadcast %jit3A : i32 to vector<16xi32>
      %select_n3A = arith.select %lt3A_157, %get3A_159, %broadcast_in_dim3A_160 : vector<16xi1>, vector<16xi32>
      %lt3A_161 = arith.constant 8 : i32
      %lt3A_162 = vector.broadcast %lt3A_161 : i32 to vector<16xi32>
      %lt3A_163 = arith.cmpi slt, %iota3A, %lt3A_162 : vector<16xi32>
      tpu.vector_store_idx %arg13[%add3A_155], %select_n3A masked %lt3A_163 : memref<56xi32, #tpu.memory_space<vmem>>[vector<16xi32>], vector<16xi32>, vector<16xi1>
      %dma_start3A_164 = arith.constant 0 : i32
      %dma_start3A_165 = arith.constant 0 : i32
      %dma_start3A_166 = tpu.memref_slice %arg3[%dma_start3A_164, %dma_start3A_165] : memref<128000x2048xf32, #tpu.memory_space<hbm>> -> memref<128000x2048xf32, #tpu.memory_space<hbm>>
      tpu.enqueue_indirect_dma source(%dma_start3A_166 : memref<128000x2048xf32, #tpu.memory_space<hbm>>) target(%arg14 : memref<56x2048xf32, #tpu.memory_space<vmem>>) offsets(%arg13 : memref<56xi32, #tpu.memory_space<vmem>>) semaphore(%arg18 : memref<!tpu.dma_semaphore, #tpu.memory_space<semaphore_mem>>)
      %get3A_167 = arith.constant 0 : index
      %get3A_168 = tpu.vector_load %arg10[%get3A_167] {strides = array<i32>} : memref<64xf32, #tpu.memory_space<vmem>>, vector<16xf32>,
      %get3A_169 = arith.constant 16 : index
      %get3A_170 = tpu.vector_load %arg10[%get3A_169] {strides = array<i32>} : memref<64xf32, #tpu.memory_space<vmem>>, vector<16xf32>,
      %get3A_171 = arith.constant 32 : index
      %get3A_172 = tpu.vector_load %arg10[%get3A_171] {strides = array<i32>} : memref<64xf32, #tpu.memory_space<vmem>>, vector<16xf32>,
      %get3A_173 = arith.constant 48 : index
      %get3A_174 = tpu.vector_load %arg10[%get3A_173] {strides = array<i32>} : memref<64xf32, #tpu.memory_space<vmem>>, vector<16xf32>,
      %max3A = arith.maximumf %get3A_168, %get3A_170 : vector<16xf32>
      %max3A_175 = arith.maximumf %max3A, %get3A_172 : vector<16xf32>
      %max3A_176 = arith.maximumf %max3A_175, %get3A_174 : vector<16xf32>
      %reduce_max3A = arith.constant true
      %reduce_max3A_177 = vector.broadcast %reduce_max3A : i1 to vector<16xi1>
      %reduce_max3A_178 = tpu.scan <max>, %max3A_176 masked %reduce_max3A_177 : vector<16xf32>, vector<16xi1> -> vector<16xf32>
      %reduce_max3A_179 = vector.extract %reduce_max3A_178[15] : f32 from vector<16xf32>
      %sub3A = vector.broadcast %reduce_max3A_179 : f32 to vector<16xf32>
      %sub3A_180 = arith.subf %get3A_168, %sub3A : vector<16xf32>
      %exp3A = math.exp %sub3A_180 : vector<16xf32>
      %sub3A_181 = vector.broadcast %reduce_max3A_179 : f32 to vector<16xf32>
      %sub3A_182 = arith.subf %get3A_170, %sub3A_181 : vector<16xf32>
      %exp3A_183 = math.exp %sub3A_182 : vector<16xf32>
      %sub3A_184 = vector.broadcast %reduce_max3A_179 : f32 to vector<16xf32>
      %sub3A_185 = arith.subf %get3A_172, %sub3A_184 : vector<16xf32>
      %exp3A_186 = math.exp %sub3A_185 : vector<16xf32>
      %sub3A_187 = vector.broadcast %reduce_max3A_179 : f32 to vector<16xf32>
      %sub3A_188 = arith.subf %get3A_174, %sub3A_187 : vector<16xf32>
      %exp3A_189 = math.exp %sub3A_188 : vector<16xf32>
      %add3A_190 = arith.addf %exp3A, %exp3A_183 : vector<16xf32>
      %add3A_191 = arith.addf %add3A_190, %exp3A_186 : vector<16xf32>
      %add3A_192 = arith.addf %add3A_191, %exp3A_189 : vector<16xf32>
      %reduce_sum3A = arith.constant true
      %reduce_sum3A_193 = vector.broadcast %reduce_sum3A : i1 to vector<16xi1>
      %reduce_sum3A_194 = tpu.scan <sum>, %add3A_192 masked %reduce_sum3A_193 : vector<16xf32>, vector<16xi1> -> vector<16xf32>
      %reduce_sum3A_195 = vector.extract %reduce_sum3A_194[15] : f32 from vector<16xf32>
      %broadcast_in_dim3A_196 = vector.broadcast %reduce_sum3A_195 : f32 to vector<16xf32>
      %div3A = arith.divf %exp3A, %broadcast_in_dim3A_196 : vector<16xf32>
      %div3A_197 = arith.divf %exp3A_183, %broadcast_in_dim3A_196 : vector<16xf32>
      %div3A_198 = arith.divf %exp3A_186, %broadcast_in_dim3A_196 : vector<16xf32>
      %div3A_199 = arith.divf %exp3A_189, %broadcast_in_dim3A_196 : vector<16xf32>
      %dma_wait3A = arith.constant 0 : i32
      %dma_wait3A_200 = arith.constant 0 : i32
      %dma_wait3A_201 = tpu.memref_slice %arg3[%dma_wait3A, %dma_wait3A_200] : memref<128000x2048xf32, #tpu.memory_space<hbm>> -> memref<128000x2048xf32, #tpu.memory_space<hbm>>
      tpu.wait_indirect_dma semaphore(%arg18 : memref<!tpu.dma_semaphore, #tpu.memory_space<semaphore_mem>>) src(%dma_wait3A_201 : memref<128000x2048xf32, #tpu.memory_space<hbm>>) dst(%arg14 : memref<56x2048xf32, #tpu.memory_space<vmem>>)
      %scan3A_202 = arith.constant 0 : i32
      %scan3A_203 = arith.constant 0 : i32
      %scan3A_204 = arith.constant 128 : i32
      %scan3A_205 = arith.addi %scan3A_203, %scan3A_204 : i32
      %scan3A_206 = arith.constant 1 : i32
      %scan3A_207 = scf.for %scan3A_210 = %scan3A_203 to %scan3A_205 step %scan3A_206 iter_args(%scan3A_211 = %scan3A_202) -> (i32)  : i32 {
        %mul3A_212 = arith.constant 16 : i32
        %mul3A_213 = arith.muli %scan3A_210, %mul3A_212 : i32
        %broadcast_in_dim3A_214 = arith.constant 0.000000e+00 : f32
        %broadcast_in_dim3A_215 = vector.broadcast %broadcast_in_dim3A_214 : f32 to vector<16xf32>
        %broadcast_in_dim3A_216 = arith.constant 0 : i32
        %broadcast_in_dim3A_217 = vector.broadcast %broadcast_in_dim3A_216 : i32 to vector<16xi32>
        %lt3A_218 = arith.constant 0 : i32
        %lt3A_219 = vector.broadcast %lt3A_218 : i32 to vector<16xi32>
        %lt3A_220 = arith.cmpi slt, %broadcast_in_dim3A_217, %lt3A_219 : vector<16xi32>
        %add3A_221 = arith.constant 16 : i32
        %add3A_222 = vector.broadcast %add3A_221 : i32 to vector<16xi32>
        %add3A_223 = arith.addi %broadcast_in_dim3A_217, %add3A_222 : vector<16xi32>
        %select_n3A_224 = arith.select %lt3A_220, %add3A_223, %broadcast_in_dim3A_217 : vector<16xi1>, vector<16xi32>
        %broadcast_in_dim3A_225 = vector.shape_cast %select_n3A_224 : vector<16xi32> to vector<16x1xi32>
        %gather3A = vector.shape_cast %broadcast_in_dim3A_225 : vector<16x1xi32> to vector<16xi32>
        %gather3A_226 = tpu.dynamic_gather %div3A[%gather3A] in [0] : vector<16xf32>, vector<16xi32> -> vector<16xf32>
        %get3A_227 = arith.constant 0 : i32
        %get3A_228 = arith.index_cast %get3A_227 : i32 to index
        %get3A_229 = arith.index_cast %mul3A_213 : i32 to index
        %get3A_230 = tpu.vector_load %arg14[%get3A_228, %get3A_229] {strides = array<i32>} : memref<56x2048xf32, #tpu.memory_space<vmem>>, vector<16xf32>,
        %mul3A_231 = arith.mulf %gather3A_226, %get3A_230 : vector<16xf32>
        %add3A_232 = arith.addf %broadcast_in_dim3A_215, %mul3A_231 : vector<16xf32>
        %broadcast_in_dim3A_233 = arith.constant 1 : i32
        %broadcast_in_dim3A_234 = vector.broadcast %broadcast_in_dim3A_233 : i32 to vector<16xi32>
        %lt3A_235 = arith.constant 0 : i32
        %lt3A_236 = vector.broadcast %lt3A_235 : i32 to vector<16xi32>
        %lt3A_237 = arith.cmpi slt, %broadcast_in_dim3A_234, %lt3A_236 : vector<16xi32>
        %add3A_238 = arith.constant 16 : i32
        %add3A_239 = vector.broadcast %add3A_238 : i32 to vector<16xi32>
        %add3A_240 = arith.addi %broadcast_in_dim3A_234, %add3A_239 : vector<16xi32>
        %select_n3A_241 = arith.select %lt3A_237, %add3A_240, %broadcast_in_dim3A_234 : vector<16xi1>, vector<16xi32>
        %broadcast_in_dim3A_242 = vector.shape_cast %select_n3A_241 : vector<16xi32> to vector<16x1xi32>
        %gather3A_243 = vector.shape_cast %broadcast_in_dim3A_242 : vector<16x1xi32> to vector<16xi32>
        %gather3A_244 = tpu.dynamic_gather %div3A[%gather3A_243] in [0] : vector<16xf32>, vector<16xi32> -> vector<16xf32>
        %get3A_245 = arith.constant 1 : i32
        %get3A_246 = arith.index_cast %get3A_245 : i32 to index
        %get3A_247 = arith.index_cast %mul3A_213 : i32 to index
        %get3A_248 = tpu.vector_load %arg14[%get3A_246, %get3A_247] {strides = array<i32>} : memref<56x2048xf32, #tpu.memory_space<vmem>>, vector<16xf32>,
        %mul3A_249 = arith.mulf %gather3A_244, %get3A_248 : vector<16xf32>
        %add3A_250 = arith.addf %add3A_232, %mul3A_249 : vector<16xf32>
        %broadcast_in_dim3A_251 = arith.constant 2 : i32
        %broadcast_in_dim3A_252 = vector.broadcast %broadcast_in_dim3A_251 : i32 to vector<16xi32>
        %lt3A_253 = arith.constant 0 : i32
        %lt3A_254 = vector.broadcast %lt3A_253 : i32 to vector<16xi32>
        %lt3A_255 = arith.cmpi slt, %broadcast_in_dim3A_252, %lt3A_254 : vector<16xi32>
        %add3A_256 = arith.constant 16 : i32
        %add3A_257 = vector.broadcast %add3A_256 : i32 to vector<16xi32>
        %add3A_258 = arith.addi %broadcast_in_dim3A_252, %add3A_257 : vector<16xi32>
        %select_n3A_259 = arith.select %lt3A_255, %add3A_258, %broadcast_in_dim3A_252 : vector<16xi1>, vector<16xi32>
        %broadcast_in_dim3A_260 = vector.shape_cast %select_n3A_259 : vector<16xi32> to vector<16x1xi32>
        %gather3A_261 = vector.shape_cast %broadcast_in_dim3A_260 : vector<16x1xi32> to vector<16xi32>
        %gather3A_262 = tpu.dynamic_gather %div3A[%gather3A_261] in [0] : vector<16xf32>, vector<16xi32> -> vector<16xf32>
        %get3A_263 = arith.constant 2 : i32
        %get3A_264 = arith.index_cast %get3A_263 : i32 to index
        %get3A_265 = arith.index_cast %mul3A_213 : i32 to index
        %get3A_266 = tpu.vector_load %arg14[%get3A_264, %get3A_265] {strides = array<i32>} : memref<56x2048xf32, #tpu.memory_space<vmem>>, vector<16xf32>,
        %mul3A_267 = arith.mulf %gather3A_262, %get3A_266 : vector<16xf32>
        %add3A_268 = arith.addf %add3A_250, %mul3A_267 : vector<16xf32>
        %broadcast_in_dim3A_269 = arith.constant 3 : i32
        %broadcast_in_dim3A_270 = vector.broadcast %broadcast_in_dim3A_269 : i32 to vector<16xi32>
        %lt3A_271 = arith.constant 0 : i32
        %lt3A_272 = vector.broadcast %lt3A_271 : i32 to vector<16xi32>
        %lt3A_273 = arith.cmpi slt, %broadcast_in_dim3A_270, %lt3A_272 : vector<16xi32>
        %add3A_274 = arith.constant 16 : i32
        %add3A_275 = vector.broadcast %add3A_274 : i32 to vector<16xi32>
        %add3A_276 = arith.addi %broadcast_in_dim3A_270, %add3A_275 : vector<16xi32>
        %select_n3A_277 = arith.select %lt3A_273, %add3A_276, %broadcast_in_dim3A_270 : vector<16xi1>, vector<16xi32>
        %broadcast_in_dim3A_278 = vector.shape_cast %select_n3A_277 : vector<16xi32> to vector<16x1xi32>
        %gather3A_279 = vector.shape_cast %broadcast_in_dim3A_278 : vector<16x1xi32> to vector<16xi32>
        %gather3A_280 = tpu.dynamic_gather %div3A[%gather3A_279] in [0] : vector<16xf32>, vector<16xi32> -> vector<16xf32>
        %get3A_281 = arith.constant 3 : i32
        %get3A_282 = arith.index_cast %get3A_281 : i32 to index
        %get3A_283 = arith.index_cast %mul3A_213 : i32 to index
        %get3A_284 = tpu.vector_load %arg14[%get3A_282, %get3A_283] {strides = array<i32>} : memref<56x2048xf32, #tpu.memory_space<vmem>>, vector<16xf32>,
        %mul3A_285 = arith.mulf %gather3A_280, %get3A_284 : vector<16xf32>
        %add3A_286 = arith.addf %add3A_268, %mul3A_285 : vector<16xf32>
        %broadcast_in_dim3A_287 = arith.constant 4 : i32
        %broadcast_in_dim3A_288 = vector.broadcast %broadcast_in_dim3A_287 : i32 to vector<16xi32>
        %lt3A_289 = arith.constant 0 : i32
        %lt3A_290 = vector.broadcast %lt3A_289 : i32 to vector<16xi32>
        %lt3A_291 = arith.cmpi slt, %broadcast_in_dim3A_288, %lt3A_290 : vector<16xi32>
        %add3A_292 = arith.constant 16 : i32
        %add3A_293 = vector.broadcast %add3A_292 : i32 to vector<16xi32>
        %add3A_294 = arith.addi %broadcast_in_dim3A_288, %add3A_293 : vector<16xi32>
        %select_n3A_295 = arith.select %lt3A_291, %add3A_294, %broadcast_in_dim3A_288 : vector<16xi1>, vector<16xi32>
        %broadcast_in_dim3A_296 = vector.shape_cast %select_n3A_295 : vector<16xi32> to vector<16x1xi32>
        %gather3A_297 = vector.shape_cast %broadcast_in_dim3A_296 : vector<16x1xi32> to vector<16xi32>
        %gather3A_298 = tpu.dynamic_gather %div3A[%gather3A_297] in [0] : vector<16xf32>, vector<16xi32> -> vector<16xf32>
        %get3A_299 = arith.constant 4 : i32
        %get3A_300 = arith.index_cast %get3A_299 : i32 to index
        %get3A_301 = arith.index_cast %mul3A_213 : i32 to index
        %get3A_302 = tpu.vector_load %arg14[%get3A_300, %get3A_301] {strides = array<i32>} : memref<56x2048xf32, #tpu.memory_space<vmem>>, vector<16xf32>,
        %mul3A_303 = arith.mulf %gather3A_298, %get3A_302 : vector<16xf32>
        %add3A_304 = arith.addf %add3A_286, %mul3A_303 : vector<16xf32>
        %broadcast_in_dim3A_305 = arith.constant 5 : i32
        %broadcast_in_dim3A_306 = vector.broadcast %broadcast_in_dim3A_305 : i32 to vector<16xi32>
        %lt3A_307 = arith.constant 0 : i32
        %lt3A_308 = vector.broadcast %lt3A_307 : i32 to vector<16xi32>
        %lt3A_309 = arith.cmpi slt, %broadcast_in_dim3A_306, %lt3A_308 : vector<16xi32>
        %add3A_310 = arith.constant 16 : i32
        %add3A_311 = vector.broadcast %add3A_310 : i32 to vector<16xi32>
        %add3A_312 = arith.addi %broadcast_in_dim3A_306, %add3A_311 : vector<16xi32>
        %select_n3A_313 = arith.select %lt3A_309, %add3A_312, %broadcast_in_dim3A_306 : vector<16xi1>, vector<16xi32>
        %broadcast_in_dim3A_314 = vector.shape_cast %select_n3A_313 : vector<16xi32> to vector<16x1xi32>
        %gather3A_315 = vector.shape_cast %broadcast_in_dim3A_314 : vector<16x1xi32> to vector<16xi32>
        %gather3A_316 = tpu.dynamic_gather %div3A[%gather3A_315] in [0] : vector<16xf32>, vector<16xi32> -> vector<16xf32>
        %get3A_317 = arith.constant 5 : i32
        %get3A_318 = arith.index_cast %get3A_317 : i32 to index
        %get3A_319 = arith.index_cast %mul3A_213 : i32 to index
        %get3A_320 = tpu.vector_load %arg14[%get3A_318, %get3A_319] {strides = array<i32>} : memref<56x2048xf32, #tpu.memory_space<vmem>>, vector<16xf32>,
        %mul3A_321 = arith.mulf %gather3A_316, %get3A_320 : vector<16xf32>
        %add3A_322 = arith.addf %add3A_304, %mul3A_321 : vector<16xf32>
        %broadcast_in_dim3A_323 = arith.constant 6 : i32
        %broadcast_in_dim3A_324 = vector.broadcast %broadcast_in_dim3A_323 : i32 to vector<16xi32>
        %lt3A_325 = arith.constant 0 : i32
        %lt3A_326 = vector.broadcast %lt3A_325 : i32 to vector<16xi32>
        %lt3A_327 = arith.cmpi slt, %broadcast_in_dim3A_324, %lt3A_326 : vector<16xi32>
        %add3A_328 = arith.constant 16 : i32
        %add3A_329 = vector.broadcast %add3A_328 : i32 to vector<16xi32>
        %add3A_330 = arith.addi %broadcast_in_dim3A_324, %add3A_329 : vector<16xi32>
        %select_n3A_331 = arith.select %lt3A_327, %add3A_330, %broadcast_in_dim3A_324 : vector<16xi1>, vector<16xi32>
        %broadcast_in_dim3A_332 = vector.shape_cast %select_n3A_331 : vector<16xi32> to vector<16x1xi32>
        %gather3A_333 = vector.shape_cast %broadcast_in_dim3A_332 : vector<16x1xi32> to vector<16xi32>
        %gather3A_334 = tpu.dynamic_gather %div3A[%gather3A_333] in [0] : vector<16xf32>, vector<16xi32> -> vector<16xf32>
        %get3A_335 = arith.constant 6 : i32
        %get3A_336 = arith.index_cast %get3A_335 : i32 to index
        %get3A_337 = arith.index_cast %mul3A_213 : i32 to index
        %get3A_338 = tpu.vector_load %arg14[%get3A_336, %get3A_337] {strides = array<i32>} : memref<56x2048xf32, #tpu.memory_space<vmem>>, vector<16xf32>,
        %mul3A_339 = arith.mulf %gather3A_334, %get3A_338 : vector<16xf32>
        %add3A_340 = arith.addf %add3A_322, %mul3A_339 : vector<16xf32>
        %broadcast_in_dim3A_341 = arith.constant 7 : i32
        %broadcast_in_dim3A_342 = vector.broadcast %broadcast_in_dim3A_341 : i32 to vector<16xi32>
        %lt3A_343 = arith.constant 0 : i32
        %lt3A_344 = vector.broadcast %lt3A_343 : i32 to vector<16xi32>
        %lt3A_345 = arith.cmpi slt, %broadcast_in_dim3A_342, %lt3A_344 : vector<16xi32>
        %add3A_346 = arith.constant 16 : i32
        %add3A_347 = vector.broadcast %add3A_346 : i32 to vector<16xi32>
        %add3A_348 = arith.addi %broadcast_in_dim3A_342, %add3A_347 : vector<16xi32>
        %select_n3A_349 = arith.select %lt3A_345, %add3A_348, %broadcast_in_dim3A_342 : vector<16xi1>, vector<16xi32>
        %broadcast_in_dim3A_350 = vector.shape_cast %select_n3A_349 : vector<16xi32> to vector<16x1xi32>
        %gather3A_351 = vector.shape_cast %broadcast_in_dim3A_350 : vector<16x1xi32> to vector<16xi32>
        %gather3A_352 = tpu.dynamic_gather %div3A[%gather3A_351] in [0] : vector<16xf32>, vector<16xi32> -> vector<16xf32>
        %get3A_353 = arith.constant 7 : i32
        %get3A_354 = arith.index_cast %get3A_353 : i32 to index
        %get3A_355 = arith.index_cast %mul3A_213 : i32 to index
        %get3A_356 = tpu.vector_load %arg14[%get3A_354, %get3A_355] {strides = array<i32>} : memref<56x2048xf32, #tpu.memory_space<vmem>>, vector<16xf32>,
        %mul3A_357 = arith.mulf %gather3A_352, %get3A_356 : vector<16xf32>
        %add3A_358 = arith.addf %add3A_340, %mul3A_357 : vector<16xf32>
        %broadcast_in_dim3A_359 = arith.constant 8 : i32
        %broadcast_in_dim3A_360 = vector.broadcast %broadcast_in_dim3A_359 : i32 to vector<16xi32>
        %lt3A_361 = arith.constant 0 : i32
        %lt3A_362 = vector.broadcast %lt3A_361 : i32 to vector<16xi32>
        %lt3A_363 = arith.cmpi slt, %broadcast_in_dim3A_360, %lt3A_362 : vector<16xi32>
        %add3A_364 = arith.constant 16 : i32
        %add3A_365 = vector.broadcast %add3A_364 : i32 to vector<16xi32>
        %add3A_366 = arith.addi %broadcast_in_dim3A_360, %add3A_365 : vector<16xi32>
        %select_n3A_367 = arith.select %lt3A_363, %add3A_366, %broadcast_in_dim3A_360 : vector<16xi1>, vector<16xi32>
        %broadcast_in_dim3A_368 = vector.shape_cast %select_n3A_367 : vector<16xi32> to vector<16x1xi32>
        %gather3A_369 = vector.shape_cast %broadcast_in_dim3A_368 : vector<16x1xi32> to vector<16xi32>
        %gather3A_370 = tpu.dynamic_gather %div3A[%gather3A_369] in [0] : vector<16xf32>, vector<16xi32> -> vector<16xf32>
        %get3A_371 = arith.constant 8 : i32
        %get3A_372 = arith.index_cast %get3A_371 : i32 to index
        %get3A_373 = arith.index_cast %mul3A_213 : i32 to index
        %get3A_374 = tpu.vector_load %arg14[%get3A_372, %get3A_373] {strides = array<i32>} : memref<56x2048xf32, #tpu.memory_space<vmem>>, vector<16xf32>,
        %mul3A_375 = arith.mulf %gather3A_370, %get3A_374 : vector<16xf32>
        %add3A_376 = arith.addf %add3A_358, %mul3A_375 : vector<16xf32>
        %broadcast_in_dim3A_377 = arith.constant 9 : i32
        %broadcast_in_dim3A_378 = vector.broadcast %broadcast_in_dim3A_377 : i32 to vector<16xi32>
        %lt3A_379 = arith.constant 0 : i32
        %lt3A_380 = vector.broadcast %lt3A_379 : i32 to vector<16xi32>
        %lt3A_381 = arith.cmpi slt, %broadcast_in_dim3A_378, %lt3A_380 : vector<16xi32>
        %add3A_382 = arith.constant 16 : i32
        %add3A_383 = vector.broadcast %add3A_382 : i32 to vector<16xi32>
        %add3A_384 = arith.addi %broadcast_in_dim3A_378, %add3A_383 : vector<16xi32>
        %select_n3A_385 = arith.select %lt3A_381, %add3A_384, %broadcast_in_dim3A_378 : vector<16xi1>, vector<16xi32>
        %broadcast_in_dim3A_386 = vector.shape_cast %select_n3A_385 : vector<16xi32> to vector<16x1xi32>
        %gather3A_387 = vector.shape_cast %broadcast_in_dim3A_386 : vector<16x1xi32> to vector<16xi32>
        %gather3A_388 = tpu.dynamic_gather %div3A[%gather3A_387] in [0] : vector<16xf32>, vector<16xi32> -> vector<16xf32>
        %get3A_389 = arith.constant 9 : i32
        %get3A_390 = arith.index_cast %get3A_389 : i32 to index
        %get3A_391 = arith.index_cast %mul3A_213 : i32 to index
        %get3A_392 = tpu.vector_load %arg14[%get3A_390, %get3A_391] {strides = array<i32>} : memref<56x2048xf32, #tpu.memory_space<vmem>>, vector<16xf32>,
        %mul3A_393 = arith.mulf %gather3A_388, %get3A_392 : vector<16xf32>
        %add3A_394 = arith.addf %add3A_376, %mul3A_393 : vector<16xf32>
        %broadcast_in_dim3A_395 = arith.constant 10 : i32
        %broadcast_in_dim3A_396 = vector.broadcast %broadcast_in_dim3A_395 : i32 to vector<16xi32>
        %lt3A_397 = arith.constant 0 : i32
        %lt3A_398 = vector.broadcast %lt3A_397 : i32 to vector<16xi32>
        %lt3A_399 = arith.cmpi slt, %broadcast_in_dim3A_396, %lt3A_398 : vector<16xi32>
        %add3A_400 = arith.constant 16 : i32
        %add3A_401 = vector.broadcast %add3A_400 : i32 to vector<16xi32>
        %add3A_402 = arith.addi %broadcast_in_dim3A_396, %add3A_401 : vector<16xi32>
        %select_n3A_403 = arith.select %lt3A_399, %add3A_402, %broadcast_in_dim3A_396 : vector<16xi1>, vector<16xi32>
        %broadcast_in_dim3A_404 = vector.shape_cast %select_n3A_403 : vector<16xi32> to vector<16x1xi32>
        %gather3A_405 = vector.shape_cast %broadcast_in_dim3A_404 : vector<16x1xi32> to vector<16xi32>
        %gather3A_406 = tpu.dynamic_gather %div3A[%gather3A_405] in [0] : vector<16xf32>, vector<16xi32> -> vector<16xf32>
        %get3A_407 = arith.constant 10 : i32
        %get3A_408 = arith.index_cast %get3A_407 : i32 to index
        %get3A_409 = arith.index_cast %mul3A_213 : i32 to index
        %get3A_410 = tpu.vector_load %arg14[%get3A_408, %get3A_409] {strides = array<i32>} : memref<56x2048xf32, #tpu.memory_space<vmem>>, vector<16xf32>,
        %mul3A_411 = arith.mulf %gather3A_406, %get3A_410 : vector<16xf32>
        %add3A_412 = arith.addf %add3A_394, %mul3A_411 : vector<16xf32>
        %broadcast_in_dim3A_413 = arith.constant 11 : i32
        %broadcast_in_dim3A_414 = vector.broadcast %broadcast_in_dim3A_413 : i32 to vector<16xi32>
        %lt3A_415 = arith.constant 0 : i32
        %lt3A_416 = vector.broadcast %lt3A_415 : i32 to vector<16xi32>
        %lt3A_417 = arith.cmpi slt, %broadcast_in_dim3A_414, %lt3A_416 : vector<16xi32>
        %add3A_418 = arith.constant 16 : i32
        %add3A_419 = vector.broadcast %add3A_418 : i32 to vector<16xi32>
        %add3A_420 = arith.addi %broadcast_in_dim3A_414, %add3A_419 : vector<16xi32>
        %select_n3A_421 = arith.select %lt3A_417, %add3A_420, %broadcast_in_dim3A_414 : vector<16xi1>, vector<16xi32>
        %broadcast_in_dim3A_422 = vector.shape_cast %select_n3A_421 : vector<16xi32> to vector<16x1xi32>
        %gather3A_423 = vector.shape_cast %broadcast_in_dim3A_422 : vector<16x1xi32> to vector<16xi32>
        %gather3A_424 = tpu.dynamic_gather %div3A[%gather3A_423] in [0] : vector<16xf32>, vector<16xi32> -> vector<16xf32>
        %get3A_425 = arith.constant 11 : i32
        %get3A_426 = arith.index_cast %get3A_425 : i32 to index
        %get3A_427 = arith.index_cast %mul3A_213 : i32 to index
        %get3A_428 = tpu.vector_load %arg14[%get3A_426, %get3A_427] {strides = array<i32>} : memref<56x2048xf32, #tpu.memory_space<vmem>>, vector<16xf32>,
        %mul3A_429 = arith.mulf %gather3A_424, %get3A_428 : vector<16xf32>
        %add3A_430 = arith.addf %add3A_412, %mul3A_429 : vector<16xf32>
        %broadcast_in_dim3A_431 = arith.constant 12 : i32
        %broadcast_in_dim3A_432 = vector.broadcast %broadcast_in_dim3A_431 : i32 to vector<16xi32>
        %lt3A_433 = arith.constant 0 : i32
        %lt3A_434 = vector.broadcast %lt3A_433 : i32 to vector<16xi32>
        %lt3A_435 = arith.cmpi slt, %broadcast_in_dim3A_432, %lt3A_434 : vector<16xi32>
        %add3A_436 = arith.constant 16 : i32
        %add3A_437 = vector.broadcast %add3A_436 : i32 to vector<16xi32>
        %add3A_438 = arith.addi %broadcast_in_dim3A_432, %add3A_437 : vector<16xi32>
        %select_n3A_439 = arith.select %lt3A_435, %add3A_438, %broadcast_in_dim3A_432 : vector<16xi1>, vector<16xi32>
        %broadcast_in_dim3A_440 = vector.shape_cast %select_n3A_439 : vector<16xi32> to vector<16x1xi32>
        %gather3A_441 = vector.shape_cast %broadcast_in_dim3A_440 : vector<16x1xi32> to vector<16xi32>
        %gather3A_442 = tpu.dynamic_gather %div3A[%gather3A_441] in [0] : vector<16xf32>, vector<16xi32> -> vector<16xf32>
        %get3A_443 = arith.constant 12 : i32
        %get3A_444 = arith.index_cast %get3A_443 : i32 to index
        %get3A_445 = arith.index_cast %mul3A_213 : i32 to index
        %get3A_446 = tpu.vector_load %arg14[%get3A_444, %get3A_445] {strides = array<i32>} : memref<56x2048xf32, #tpu.memory_space<vmem>>, vector<16xf32>,
        %mul3A_447 = arith.mulf %gather3A_442, %get3A_446 : vector<16xf32>
        %add3A_448 = arith.addf %add3A_430, %mul3A_447 : vector<16xf32>
        %broadcast_in_dim3A_449 = arith.constant 13 : i32
        %broadcast_in_dim3A_450 = vector.broadcast %broadcast_in_dim3A_449 : i32 to vector<16xi32>
        %lt3A_451 = arith.constant 0 : i32
        %lt3A_452 = vector.broadcast %lt3A_451 : i32 to vector<16xi32>
        %lt3A_453 = arith.cmpi slt, %broadcast_in_dim3A_450, %lt3A_452 : vector<16xi32>
        %add3A_454 = arith.constant 16 : i32
        %add3A_455 = vector.broadcast %add3A_454 : i32 to vector<16xi32>
        %add3A_456 = arith.addi %broadcast_in_dim3A_450, %add3A_455 : vector<16xi32>
        %select_n3A_457 = arith.select %lt3A_453, %add3A_456, %broadcast_in_dim3A_450 : vector<16xi1>, vector<16xi32>
        %broadcast_in_dim3A_458 = vector.shape_cast %select_n3A_457 : vector<16xi32> to vector<16x1xi32>
        %gather3A_459 = vector.shape_cast %broadcast_in_dim3A_458 : vector<16x1xi32> to vector<16xi32>
        %gather3A_460 = tpu.dynamic_gather %div3A[%gather3A_459] in [0] : vector<16xf32>, vector<16xi32> -> vector<16xf32>
        %get3A_461 = arith.constant 13 : i32
        %get3A_462 = arith.index_cast %get3A_461 : i32 to index
        %get3A_463 = arith.index_cast %mul3A_213 : i32 to index
        %get3A_464 = tpu.vector_load %arg14[%get3A_462, %get3A_463] {strides = array<i32>} : memref<56x2048xf32, #tpu.memory_space<vmem>>, vector<16xf32>,
        %mul3A_465 = arith.mulf %gather3A_460, %get3A_464 : vector<16xf32>
        %add3A_466 = arith.addf %add3A_448, %mul3A_465 : vector<16xf32>
        %broadcast_in_dim3A_467 = arith.constant 14 : i32
        %broadcast_in_dim3A_468 = vector.broadcast %broadcast_in_dim3A_467 : i32 to vector<16xi32>
        %lt3A_469 = arith.constant 0 : i32
        %lt3A_470 = vector.broadcast %lt3A_469 : i32 to vector<16xi32>
        %lt3A_471 = arith.cmpi slt, %broadcast_in_dim3A_468, %lt3A_470 : vector<16xi32>
        %add3A_472 = arith.constant 16 : i32
        %add3A_473 = vector.broadcast %add3A_472 : i32 to vector<16xi32>
        %add3A_474 = arith.addi %broadcast_in_dim3A_468, %add3A_473 : vector<16xi32>
        %select_n3A_475 = arith.select %lt3A_471, %add3A_474, %broadcast_in_dim3A_468 : vector<16xi1>, vector<16xi32>
        %broadcast_in_dim3A_476 = vector.shape_cast %select_n3A_475 : vector<16xi32> to vector<16x1xi32>
        %gather3A_477 = vector.shape_cast %broadcast_in_dim3A_476 : vector<16x1xi32> to vector<16xi32>
        %gather3A_478 = tpu.dynamic_gather %div3A[%gather3A_477] in [0] : vector<16xf32>, vector<16xi32> -> vector<16xf32>
        %get3A_479 = arith.constant 14 : i32
        %get3A_480 = arith.index_cast %get3A_479 : i32 to index
        %get3A_481 = arith.index_cast %mul3A_213 : i32 to index
        %get3A_482 = tpu.vector_load %arg14[%get3A_480, %get3A_481] {strides = array<i32>} : memref<56x2048xf32, #tpu.memory_space<vmem>>, vector<16xf32>,
        %mul3A_483 = arith.mulf %gather3A_478, %get3A_482 : vector<16xf32>
        %add3A_484 = arith.addf %add3A_466, %mul3A_483 : vector<16xf32>
        %broadcast_in_dim3A_485 = arith.constant 15 : i32
        %broadcast_in_dim3A_486 = vector.broadcast %broadcast_in_dim3A_485 : i32 to vector<16xi32>
        %lt3A_487 = arith.constant 0 : i32
        %lt3A_488 = vector.broadcast %lt3A_487 : i32 to vector<16xi32>
        %lt3A_489 = arith.cmpi slt, %broadcast_in_dim3A_486, %lt3A_488 : vector<16xi32>
        %add3A_490 = arith.constant 16 : i32
        %add3A_491 = vector.broadcast %add3A_490 : i32 to vector<16xi32>
        %add3A_492 = arith.addi %broadcast_in_dim3A_486, %add3A_491 : vector<16xi32>
        %select_n3A_493 = arith.select %lt3A_489, %add3A_492, %broadcast_in_dim3A_486 : vector<16xi1>, vector<16xi32>
        %broadcast_in_dim3A_494 = vector.shape_cast %select_n3A_493 : vector<16xi32> to vector<16x1xi32>
        %gather3A_495 = vector.shape_cast %broadcast_in_dim3A_494 : vector<16x1xi32> to vector<16xi32>
        %gather3A_496 = tpu.dynamic_gather %div3A[%gather3A_495] in [0] : vector<16xf32>, vector<16xi32> -> vector<16xf32>
        %get3A_497 = arith.constant 15 : i32
        %get3A_498 = arith.index_cast %get3A_497 : i32 to index
        %get3A_499 = arith.index_cast %mul3A_213 : i32 to index
        %get3A_500 = tpu.vector_load %arg14[%get3A_498, %get3A_499] {strides = array<i32>} : memref<56x2048xf32, #tpu.memory_space<vmem>>, vector<16xf32>,
        %mul3A_501 = arith.mulf %gather3A_496, %get3A_500 : vector<16xf32>
        %add3A_502 = arith.addf %add3A_484, %mul3A_501 : vector<16xf32>
        %broadcast_in_dim3A_503 = arith.constant 0 : i32
        %broadcast_in_dim3A_504 = vector.broadcast %broadcast_in_dim3A_503 : i32 to vector<16xi32>
        %lt3A_505 = arith.constant 0 : i32
        %lt3A_506 = vector.broadcast %lt3A_505 : i32 to vector<16xi32>
        %lt3A_507 = arith.cmpi slt, %broadcast_in_dim3A_504, %lt3A_506 : vector<16xi32>
        %add3A_508 = arith.constant 16 : i32
        %add3A_509 = vector.broadcast %add3A_508 : i32 to vector<16xi32>
        %add3A_510 = arith.addi %broadcast_in_dim3A_504, %add3A_509 : vector<16xi32>
        %select_n3A_511 = arith.select %lt3A_507, %add3A_510, %broadcast_in_dim3A_504 : vector<16xi1>, vector<16xi32>
        %broadcast_in_dim3A_512 = vector.shape_cast %select_n3A_511 : vector<16xi32> to vector<16x1xi32>
        %gather3A_513 = vector.shape_cast %broadcast_in_dim3A_512 : vector<16x1xi32> to vector<16xi32>
        %gather3A_514 = tpu.dynamic_gather %div3A_197[%gather3A_513] in [0] : vector<16xf32>, vector<16xi32> -> vector<16xf32>
        %get3A_515 = arith.constant 16 : i32
        %get3A_516 = arith.index_cast %get3A_515 : i32 to index
        %get3A_517 = arith.index_cast %mul3A_213 : i32 to index
        %get3A_518 = tpu.vector_load %arg14[%get3A_516, %get3A_517] {strides = array<i32>} : memref<56x2048xf32, #tpu.memory_space<vmem>>, vector<16xf32>,
        %mul3A_519 = arith.mulf %gather3A_514, %get3A_518 : vector<16xf32>
        %add3A_520 = arith.addf %add3A_502, %mul3A_519 : vector<16xf32>
        %broadcast_in_dim3A_521 = arith.constant 1 : i32
        %broadcast_in_dim3A_522 = vector.broadcast %broadcast_in_dim3A_521 : i32 to vector<16xi32>
        %lt3A_523 = arith.constant 0 : i32
        %lt3A_524 = vector.broadcast %lt3A_523 : i32 to vector<16xi32>
        %lt3A_525 = arith.cmpi slt, %broadcast_in_dim3A_522, %lt3A_524 : vector<16xi32>
        %add3A_526 = arith.constant 16 : i32
        %add3A_527 = vector.broadcast %add3A_526 : i32 to vector<16xi32>
        %add3A_528 = arith.addi %broadcast_in_dim3A_522, %add3A_527 : vector<16xi32>
        %select_n3A_529 = arith.select %lt3A_525, %add3A_528, %broadcast_in_dim3A_522 : vector<16xi1>, vector<16xi32>
        %broadcast_in_dim3A_530 = vector.shape_cast %select_n3A_529 : vector<16xi32> to vector<16x1xi32>
        %gather3A_531 = vector.shape_cast %broadcast_in_dim3A_530 : vector<16x1xi32> to vector<16xi32>
        %gather3A_532 = tpu.dynamic_gather %div3A_197[%gather3A_531] in [0] : vector<16xf32>, vector<16xi32> -> vector<16xf32>
        %get3A_533 = arith.constant 17 : i32
        %get3A_534 = arith.index_cast %get3A_533 : i32 to index
        %get3A_535 = arith.index_cast %mul3A_213 : i32 to index
        %get3A_536 = tpu.vector_load %arg14[%get3A_534, %get3A_535] {strides = array<i32>} : memref<56x2048xf32, #tpu.memory_space<vmem>>, vector<16xf32>,
        %mul3A_537 = arith.mulf %gather3A_532, %get3A_536 : vector<16xf32>
        %add3A_538 = arith.addf %add3A_520, %mul3A_537 : vector<16xf32>
        %broadcast_in_dim3A_539 = arith.constant 2 : i32
        %broadcast_in_dim3A_540 = vector.broadcast %broadcast_in_dim3A_539 : i32 to vector<16xi32>
        %lt3A_541 = arith.constant 0 : i32
        %lt3A_542 = vector.broadcast %lt3A_541 : i32 to vector<16xi32>
        %lt3A_543 = arith.cmpi slt, %broadcast_in_dim3A_540, %lt3A_542 : vector<16xi32>
        %add3A_544 = arith.constant 16 : i32
        %add3A_545 = vector.broadcast %add3A_544 : i32 to vector<16xi32>
        %add3A_546 = arith.addi %broadcast_in_dim3A_540, %add3A_545 : vector<16xi32>
        %select_n3A_547 = arith.select %lt3A_543, %add3A_546, %broadcast_in_dim3A_540 : vector<16xi1>, vector<16xi32>
        %broadcast_in_dim3A_548 = vector.shape_cast %select_n3A_547 : vector<16xi32> to vector<16x1xi32>
        %gather3A_549 = vector.shape_cast %broadcast_in_dim3A_548 : vector<16x1xi32> to vector<16xi32>
        %gather3A_550 = tpu.dynamic_gather %div3A_197[%gather3A_549] in [0] : vector<16xf32>, vector<16xi32> -> vector<16xf32>
        %get3A_551 = arith.constant 18 : i32
        %get3A_552 = arith.index_cast %get3A_551 : i32 to index
        %get3A_553 = arith.index_cast %mul3A_213 : i32 to index
        %get3A_554 = tpu.vector_load %arg14[%get3A_552, %get3A_553] {strides = array<i32>} : memref<56x2048xf32, #tpu.memory_space<vmem>>, vector<16xf32>,
        %mul3A_555 = arith.mulf %gather3A_550, %get3A_554 : vector<16xf32>
        %add3A_556 = arith.addf %add3A_538, %mul3A_555 : vector<16xf32>
        %broadcast_in_dim3A_557 = arith.constant 3 : i32
        %broadcast_in_dim3A_558 = vector.broadcast %broadcast_in_dim3A_557 : i32 to vector<16xi32>
        %lt3A_559 = arith.constant 0 : i32
        %lt3A_560 = vector.broadcast %lt3A_559 : i32 to vector<16xi32>
        %lt3A_561 = arith.cmpi slt, %broadcast_in_dim3A_558, %lt3A_560 : vector<16xi32>
        %add3A_562 = arith.constant 16 : i32
        %add3A_563 = vector.broadcast %add3A_562 : i32 to vector<16xi32>
        %add3A_564 = arith.addi %broadcast_in_dim3A_558, %add3A_563 : vector<16xi32>
        %select_n3A_565 = arith.select %lt3A_561, %add3A_564, %broadcast_in_dim3A_558 : vector<16xi1>, vector<16xi32>
        %broadcast_in_dim3A_566 = vector.shape_cast %select_n3A_565 : vector<16xi32> to vector<16x1xi32>
        %gather3A_567 = vector.shape_cast %broadcast_in_dim3A_566 : vector<16x1xi32> to vector<16xi32>
        %gather3A_568 = tpu.dynamic_gather %div3A_197[%gather3A_567] in [0] : vector<16xf32>, vector<16xi32> -> vector<16xf32>
        %get3A_569 = arith.constant 19 : i32
        %get3A_570 = arith.index_cast %get3A_569 : i32 to index
        %get3A_571 = arith.index_cast %mul3A_213 : i32 to index
        %get3A_572 = tpu.vector_load %arg14[%get3A_570, %get3A_571] {strides = array<i32>} : memref<56x2048xf32, #tpu.memory_space<vmem>>, vector<16xf32>,
        %mul3A_573 = arith.mulf %gather3A_568, %get3A_572 : vector<16xf32>
        %add3A_574 = arith.addf %add3A_556, %mul3A_573 : vector<16xf32>
        %broadcast_in_dim3A_575 = arith.constant 4 : i32
        %broadcast_in_dim3A_576 = vector.broadcast %broadcast_in_dim3A_575 : i32 to vector<16xi32>
        %lt3A_577 = arith.constant 0 : i32
        %lt3A_578 = vector.broadcast %lt3A_577 : i32 to vector<16xi32>
        %lt3A_579 = arith.cmpi slt, %broadcast_in_dim3A_576, %lt3A_578 : vector<16xi32>
        %add3A_580 = arith.constant 16 : i32
        %add3A_581 = vector.broadcast %add3A_580 : i32 to vector<16xi32>
        %add3A_582 = arith.addi %broadcast_in_dim3A_576, %add3A_581 : vector<16xi32>
        %select_n3A_583 = arith.select %lt3A_579, %add3A_582, %broadcast_in_dim3A_576 : vector<16xi1>, vector<16xi32>
        %broadcast_in_dim3A_584 = vector.shape_cast %select_n3A_583 : vector<16xi32> to vector<16x1xi32>
        %gather3A_585 = vector.shape_cast %broadcast_in_dim3A_584 : vector<16x1xi32> to vector<16xi32>
        %gather3A_586 = tpu.dynamic_gather %div3A_197[%gather3A_585] in [0] : vector<16xf32>, vector<16xi32> -> vector<16xf32>
        %get3A_587 = arith.constant 20 : i32
        %get3A_588 = arith.index_cast %get3A_587 : i32 to index
        %get3A_589 = arith.index_cast %mul3A_213 : i32 to index
        %get3A_590 = tpu.vector_load %arg14[%get3A_588, %get3A_589] {strides = array<i32>} : memref<56x2048xf32, #tpu.memory_space<vmem>>, vector<16xf32>,
        %mul3A_591 = arith.mulf %gather3A_586, %get3A_590 : vector<16xf32>
        %add3A_592 = arith.addf %add3A_574, %mul3A_591 : vector<16xf32>
        %broadcast_in_dim3A_593 = arith.constant 5 : i32
        %broadcast_in_dim3A_594 = vector.broadcast %broadcast_in_dim3A_593 : i32 to vector<16xi32>
        %lt3A_595 = arith.constant 0 : i32
        %lt3A_596 = vector.broadcast %lt3A_595 : i32 to vector<16xi32>
        %lt3A_597 = arith.cmpi slt, %broadcast_in_dim3A_594, %lt3A_596 : vector<16xi32>
        %add3A_598 = arith.constant 16 : i32
        %add3A_599 = vector.broadcast %add3A_598 : i32 to vector<16xi32>
        %add3A_600 = arith.addi %broadcast_in_dim3A_594, %add3A_599 : vector<16xi32>
        %select_n3A_601 = arith.select %lt3A_597, %add3A_600, %broadcast_in_dim3A_594 : vector<16xi1>, vector<16xi32>
        %broadcast_in_dim3A_602 = vector.shape_cast %select_n3A_601 : vector<16xi32> to vector<16x1xi32>
        %gather3A_603 = vector.shape_cast %broadcast_in_dim3A_602 : vector<16x1xi32> to vector<16xi32>
        %gather3A_604 = tpu.dynamic_gather %div3A_197[%gather3A_603] in [0] : vector<16xf32>, vector<16xi32> -> vector<16xf32>
        %get3A_605 = arith.constant 21 : i32
        %get3A_606 = arith.index_cast %get3A_605 : i32 to index
        %get3A_607 = arith.index_cast %mul3A_213 : i32 to index
        %get3A_608 = tpu.vector_load %arg14[%get3A_606, %get3A_607] {strides = array<i32>} : memref<56x2048xf32, #tpu.memory_space<vmem>>, vector<16xf32>,
        %mul3A_609 = arith.mulf %gather3A_604, %get3A_608 : vector<16xf32>
        %add3A_610 = arith.addf %add3A_592, %mul3A_609 : vector<16xf32>
        %broadcast_in_dim3A_611 = arith.constant 6 : i32
        %broadcast_in_dim3A_612 = vector.broadcast %broadcast_in_dim3A_611 : i32 to vector<16xi32>
        %lt3A_613 = arith.constant 0 : i32
        %lt3A_614 = vector.broadcast %lt3A_613 : i32 to vector<16xi32>
        %lt3A_615 = arith.cmpi slt, %broadcast_in_dim3A_612, %lt3A_614 : vector<16xi32>
        %add3A_616 = arith.constant 16 : i32
        %add3A_617 = vector.broadcast %add3A_616 : i32 to vector<16xi32>
        %add3A_618 = arith.addi %broadcast_in_dim3A_612, %add3A_617 : vector<16xi32>
        %select_n3A_619 = arith.select %lt3A_615, %add3A_618, %broadcast_in_dim3A_612 : vector<16xi1>, vector<16xi32>
        %broadcast_in_dim3A_620 = vector.shape_cast %select_n3A_619 : vector<16xi32> to vector<16x1xi32>
        %gather3A_621 = vector.shape_cast %broadcast_in_dim3A_620 : vector<16x1xi32> to vector<16xi32>
        %gather3A_622 = tpu.dynamic_gather %div3A_197[%gather3A_621] in [0] : vector<16xf32>, vector<16xi32> -> vector<16xf32>
        %get3A_623 = arith.constant 22 : i32
        %get3A_624 = arith.index_cast %get3A_623 : i32 to index
        %get3A_625 = arith.index_cast %mul3A_213 : i32 to index
        %get3A_626 = tpu.vector_load %arg14[%get3A_624, %get3A_625] {strides = array<i32>} : memref<56x2048xf32, #tpu.memory_space<vmem>>, vector<16xf32>,
        %mul3A_627 = arith.mulf %gather3A_622, %get3A_626 : vector<16xf32>
        %add3A_628 = arith.addf %add3A_610, %mul3A_627 : vector<16xf32>
        %broadcast_in_dim3A_629 = arith.constant 7 : i32
        %broadcast_in_dim3A_630 = vector.broadcast %broadcast_in_dim3A_629 : i32 to vector<16xi32>
        %lt3A_631 = arith.constant 0 : i32
        %lt3A_632 = vector.broadcast %lt3A_631 : i32 to vector<16xi32>
        %lt3A_633 = arith.cmpi slt, %broadcast_in_dim3A_630, %lt3A_632 : vector<16xi32>
        %add3A_634 = arith.constant 16 : i32
        %add3A_635 = vector.broadcast %add3A_634 : i32 to vector<16xi32>
        %add3A_636 = arith.addi %broadcast_in_dim3A_630, %add3A_635 : vector<16xi32>
        %select_n3A_637 = arith.select %lt3A_633, %add3A_636, %broadcast_in_dim3A_630 : vector<16xi1>, vector<16xi32>
        %broadcast_in_dim3A_638 = vector.shape_cast %select_n3A_637 : vector<16xi32> to vector<16x1xi32>
        %gather3A_639 = vector.shape_cast %broadcast_in_dim3A_638 : vector<16x1xi32> to vector<16xi32>
        %gather3A_640 = tpu.dynamic_gather %div3A_197[%gather3A_639] in [0] : vector<16xf32>, vector<16xi32> -> vector<16xf32>
        %get3A_641 = arith.constant 23 : i32
        %get3A_642 = arith.index_cast %get3A_641 : i32 to index
        %get3A_643 = arith.index_cast %mul3A_213 : i32 to index
        %get3A_644 = tpu.vector_load %arg14[%get3A_642, %get3A_643] {strides = array<i32>} : memref<56x2048xf32, #tpu.memory_space<vmem>>, vector<16xf32>,
        %mul3A_645 = arith.mulf %gather3A_640, %get3A_644 : vector<16xf32>
        %add3A_646 = arith.addf %add3A_628, %mul3A_645 : vector<16xf32>
        %broadcast_in_dim3A_647 = arith.constant 8 : i32
        %broadcast_in_dim3A_648 = vector.broadcast %broadcast_in_dim3A_647 : i32 to vector<16xi32>
        %lt3A_649 = arith.constant 0 : i32
        %lt3A_650 = vector.broadcast %lt3A_649 : i32 to vector<16xi32>
        %lt3A_651 = arith.cmpi slt, %broadcast_in_dim3A_648, %lt3A_650 : vector<16xi32>
        %add3A_652 = arith.constant 16 : i32
        %add3A_653 = vector.broadcast %add3A_652 : i32 to vector<16xi32>
        %add3A_654 = arith.addi %broadcast_in_dim3A_648, %add3A_653 : vector<16xi32>
        %select_n3A_655 = arith.select %lt3A_651, %add3A_654, %broadcast_in_dim3A_648 : vector<16xi1>, vector<16xi32>
        %broadcast_in_dim3A_656 = vector.shape_cast %select_n3A_655 : vector<16xi32> to vector<16x1xi32>
        %gather3A_657 = vector.shape_cast %broadcast_in_dim3A_656 : vector<16x1xi32> to vector<16xi32>
        %gather3A_658 = tpu.dynamic_gather %div3A_197[%gather3A_657] in [0] : vector<16xf32>, vector<16xi32> -> vector<16xf32>
        %get3A_659 = arith.constant 24 : i32
        %get3A_660 = arith.index_cast %get3A_659 : i32 to index
        %get3A_661 = arith.index_cast %mul3A_213 : i32 to index
        %get3A_662 = tpu.vector_load %arg14[%get3A_660, %get3A_661] {strides = array<i32>} : memref<56x2048xf32, #tpu.memory_space<vmem>>, vector<16xf32>,
        %mul3A_663 = arith.mulf %gather3A_658, %get3A_662 : vector<16xf32>
        %add3A_664 = arith.addf %add3A_646, %mul3A_663 : vector<16xf32>
        %broadcast_in_dim3A_665 = arith.constant 9 : i32
        %broadcast_in_dim3A_666 = vector.broadcast %broadcast_in_dim3A_665 : i32 to vector<16xi32>
        %lt3A_667 = arith.constant 0 : i32
        %lt3A_668 = vector.broadcast %lt3A_667 : i32 to vector<16xi32>
        %lt3A_669 = arith.cmpi slt, %broadcast_in_dim3A_666, %lt3A_668 : vector<16xi32>
        %add3A_670 = arith.constant 16 : i32
        %add3A_671 = vector.broadcast %add3A_670 : i32 to vector<16xi32>
        %add3A_672 = arith.addi %broadcast_in_dim3A_666, %add3A_671 : vector<16xi32>
        %select_n3A_673 = arith.select %lt3A_669, %add3A_672, %broadcast_in_dim3A_666 : vector<16xi1>, vector<16xi32>
        %broadcast_in_dim3A_674 = vector.shape_cast %select_n3A_673 : vector<16xi32> to vector<16x1xi32>
        %gather3A_675 = vector.shape_cast %broadcast_in_dim3A_674 : vector<16x1xi32> to vector<16xi32>
        %gather3A_676 = tpu.dynamic_gather %div3A_197[%gather3A_675] in [0] : vector<16xf32>, vector<16xi32> -> vector<16xf32>
        %get3A_677 = arith.constant 25 : i32
        %get3A_678 = arith.index_cast %get3A_677 : i32 to index
        %get3A_679 = arith.index_cast %mul3A_213 : i32 to index
        %get3A_680 = tpu.vector_load %arg14[%get3A_678, %get3A_679] {strides = array<i32>} : memref<56x2048xf32, #tpu.memory_space<vmem>>, vector<16xf32>,
        %mul3A_681 = arith.mulf %gather3A_676, %get3A_680 : vector<16xf32>
        %add3A_682 = arith.addf %add3A_664, %mul3A_681 : vector<16xf32>
        %broadcast_in_dim3A_683 = arith.constant 10 : i32
        %broadcast_in_dim3A_684 = vector.broadcast %broadcast_in_dim3A_683 : i32 to vector<16xi32>
        %lt3A_685 = arith.constant 0 : i32
        %lt3A_686 = vector.broadcast %lt3A_685 : i32 to vector<16xi32>
        %lt3A_687 = arith.cmpi slt, %broadcast_in_dim3A_684, %lt3A_686 : vector<16xi32>
        %add3A_688 = arith.constant 16 : i32
        %add3A_689 = vector.broadcast %add3A_688 : i32 to vector<16xi32>
        %add3A_690 = arith.addi %broadcast_in_dim3A_684, %add3A_689 : vector<16xi32>
        %select_n3A_691 = arith.select %lt3A_687, %add3A_690, %broadcast_in_dim3A_684 : vector<16xi1>, vector<16xi32>
        %broadcast_in_dim3A_692 = vector.shape_cast %select_n3A_691 : vector<16xi32> to vector<16x1xi32>
        %gather3A_693 = vector.shape_cast %broadcast_in_dim3A_692 : vector<16x1xi32> to vector<16xi32>
        %gather3A_694 = tpu.dynamic_gather %div3A_197[%gather3A_693] in [0] : vector<16xf32>, vector<16xi32> -> vector<16xf32>
        %get3A_695 = arith.constant 26 : i32
        %get3A_696 = arith.index_cast %get3A_695 : i32 to index
        %get3A_697 = arith.index_cast %mul3A_213 : i32 to index
        %get3A_698 = tpu.vector_load %arg14[%get3A_696, %get3A_697] {strides = array<i32>} : memref<56x2048xf32, #tpu.memory_space<vmem>>, vector<16xf32>,
        %mul3A_699 = arith.mulf %gather3A_694, %get3A_698 : vector<16xf32>
        %add3A_700 = arith.addf %add3A_682, %mul3A_699 : vector<16xf32>
        %broadcast_in_dim3A_701 = arith.constant 11 : i32
        %broadcast_in_dim3A_702 = vector.broadcast %broadcast_in_dim3A_701 : i32 to vector<16xi32>
        %lt3A_703 = arith.constant 0 : i32
        %lt3A_704 = vector.broadcast %lt3A_703 : i32 to vector<16xi32>
        %lt3A_705 = arith.cmpi slt, %broadcast_in_dim3A_702, %lt3A_704 : vector<16xi32>
        %add3A_706 = arith.constant 16 : i32
        %add3A_707 = vector.broadcast %add3A_706 : i32 to vector<16xi32>
        %add3A_708 = arith.addi %broadcast_in_dim3A_702, %add3A_707 : vector<16xi32>
        %select_n3A_709 = arith.select %lt3A_705, %add3A_708, %broadcast_in_dim3A_702 : vector<16xi1>, vector<16xi32>
        %broadcast_in_dim3A_710 = vector.shape_cast %select_n3A_709 : vector<16xi32> to vector<16x1xi32>
        %gather3A_711 = vector.shape_cast %broadcast_in_dim3A_710 : vector<16x1xi32> to vector<16xi32>
        %gather3A_712 = tpu.dynamic_gather %div3A_197[%gather3A_711] in [0] : vector<16xf32>, vector<16xi32> -> vector<16xf32>
        %get3A_713 = arith.constant 27 : i32
        %get3A_714 = arith.index_cast %get3A_713 : i32 to index
        %get3A_715 = arith.index_cast %mul3A_213 : i32 to index
        %get3A_716 = tpu.vector_load %arg14[%get3A_714, %get3A_715] {strides = array<i32>} : memref<56x2048xf32, #tpu.memory_space<vmem>>, vector<16xf32>,
        %mul3A_717 = arith.mulf %gather3A_712, %get3A_716 : vector<16xf32>
        %add3A_718 = arith.addf %add3A_700, %mul3A_717 : vector<16xf32>
        %broadcast_in_dim3A_719 = arith.constant 12 : i32
        %broadcast_in_dim3A_720 = vector.broadcast %broadcast_in_dim3A_719 : i32 to vector<16xi32>
        %lt3A_721 = arith.constant 0 : i32
        %lt3A_722 = vector.broadcast %lt3A_721 : i32 to vector<16xi32>
        %lt3A_723 = arith.cmpi slt, %broadcast_in_dim3A_720, %lt3A_722 : vector<16xi32>
        %add3A_724 = arith.constant 16 : i32
        %add3A_725 = vector.broadcast %add3A_724 : i32 to vector<16xi32>
        %add3A_726 = arith.addi %broadcast_in_dim3A_720, %add3A_725 : vector<16xi32>
        %select_n3A_727 = arith.select %lt3A_723, %add3A_726, %broadcast_in_dim3A_720 : vector<16xi1>, vector<16xi32>
        %broadcast_in_dim3A_728 = vector.shape_cast %select_n3A_727 : vector<16xi32> to vector<16x1xi32>
        %gather3A_729 = vector.shape_cast %broadcast_in_dim3A_728 : vector<16x1xi32> to vector<16xi32>
        %gather3A_730 = tpu.dynamic_gather %div3A_197[%gather3A_729] in [0] : vector<16xf32>, vector<16xi32> -> vector<16xf32>
        %get3A_731 = arith.constant 28 : i32
        %get3A_732 = arith.index_cast %get3A_731 : i32 to index
        %get3A_733 = arith.index_cast %mul3A_213 : i32 to index
        %get3A_734 = tpu.vector_load %arg14[%get3A_732, %get3A_733] {strides = array<i32>} : memref<56x2048xf32, #tpu.memory_space<vmem>>, vector<16xf32>,
        %mul3A_735 = arith.mulf %gather3A_730, %get3A_734 : vector<16xf32>
        %add3A_736 = arith.addf %add3A_718, %mul3A_735 : vector<16xf32>
        %broadcast_in_dim3A_737 = arith.constant 13 : i32
        %broadcast_in_dim3A_738 = vector.broadcast %broadcast_in_dim3A_737 : i32 to vector<16xi32>
        %lt3A_739 = arith.constant 0 : i32
        %lt3A_740 = vector.broadcast %lt3A_739 : i32 to vector<16xi32>
        %lt3A_741 = arith.cmpi slt, %broadcast_in_dim3A_738, %lt3A_740 : vector<16xi32>
        %add3A_742 = arith.constant 16 : i32
        %add3A_743 = vector.broadcast %add3A_742 : i32 to vector<16xi32>
        %add3A_744 = arith.addi %broadcast_in_dim3A_738, %add3A_743 : vector<16xi32>
        %select_n3A_745 = arith.select %lt3A_741, %add3A_744, %broadcast_in_dim3A_738 : vector<16xi1>, vector<16xi32>
        %broadcast_in_dim3A_746 = vector.shape_cast %select_n3A_745 : vector<16xi32> to vector<16x1xi32>
        %gather3A_747 = vector.shape_cast %broadcast_in_dim3A_746 : vector<16x1xi32> to vector<16xi32>
        %gather3A_748 = tpu.dynamic_gather %div3A_197[%gather3A_747] in [0] : vector<16xf32>, vector<16xi32> -> vector<16xf32>
        %get3A_749 = arith.constant 29 : i32
        %get3A_750 = arith.index_cast %get3A_749 : i32 to index
        %get3A_751 = arith.index_cast %mul3A_213 : i32 to index
        %get3A_752 = tpu.vector_load %arg14[%get3A_750, %get3A_751] {strides = array<i32>} : memref<56x2048xf32, #tpu.memory_space<vmem>>, vector<16xf32>,
        %mul3A_753 = arith.mulf %gather3A_748, %get3A_752 : vector<16xf32>
        %add3A_754 = arith.addf %add3A_736, %mul3A_753 : vector<16xf32>
        %broadcast_in_dim3A_755 = arith.constant 14 : i32
        %broadcast_in_dim3A_756 = vector.broadcast %broadcast_in_dim3A_755 : i32 to vector<16xi32>
        %lt3A_757 = arith.constant 0 : i32
        %lt3A_758 = vector.broadcast %lt3A_757 : i32 to vector<16xi32>
        %lt3A_759 = arith.cmpi slt, %broadcast_in_dim3A_756, %lt3A_758 : vector<16xi32>
        %add3A_760 = arith.constant 16 : i32
        %add3A_761 = vector.broadcast %add3A_760 : i32 to vector<16xi32>
        %add3A_762 = arith.addi %broadcast_in_dim3A_756, %add3A_761 : vector<16xi32>
        %select_n3A_763 = arith.select %lt3A_759, %add3A_762, %broadcast_in_dim3A_756 : vector<16xi1>, vector<16xi32>
        %broadcast_in_dim3A_764 = vector.shape_cast %select_n3A_763 : vector<16xi32> to vector<16x1xi32>
        %gather3A_765 = vector.shape_cast %broadcast_in_dim3A_764 : vector<16x1xi32> to vector<16xi32>
        %gather3A_766 = tpu.dynamic_gather %div3A_197[%gather3A_765] in [0] : vector<16xf32>, vector<16xi32> -> vector<16xf32>
        %get3A_767 = arith.constant 30 : i32
        %get3A_768 = arith.index_cast %get3A_767 : i32 to index
        %get3A_769 = arith.index_cast %mul3A_213 : i32 to index
        %get3A_770 = tpu.vector_load %arg14[%get3A_768, %get3A_769] {strides = array<i32>} : memref<56x2048xf32, #tpu.memory_space<vmem>>, vector<16xf32>,
        %mul3A_771 = arith.mulf %gather3A_766, %get3A_770 : vector<16xf32>
        %add3A_772 = arith.addf %add3A_754, %mul3A_771 : vector<16xf32>
        %broadcast_in_dim3A_773 = arith.constant 15 : i32
        %broadcast_in_dim3A_774 = vector.broadcast %broadcast_in_dim3A_773 : i32 to vector<16xi32>
        %lt3A_775 = arith.constant 0 : i32
        %lt3A_776 = vector.broadcast %lt3A_775 : i32 to vector<16xi32>
        %lt3A_777 = arith.cmpi slt, %broadcast_in_dim3A_774, %lt3A_776 : vector<16xi32>
        %add3A_778 = arith.constant 16 : i32
        %add3A_779 = vector.broadcast %add3A_778 : i32 to vector<16xi32>
        %add3A_780 = arith.addi %broadcast_in_dim3A_774, %add3A_779 : vector<16xi32>
        %select_n3A_781 = arith.select %lt3A_777, %add3A_780, %broadcast_in_dim3A_774 : vector<16xi1>, vector<16xi32>
        %broadcast_in_dim3A_782 = vector.shape_cast %select_n3A_781 : vector<16xi32> to vector<16x1xi32>
        %gather3A_783 = vector.shape_cast %broadcast_in_dim3A_782 : vector<16x1xi32> to vector<16xi32>
        %gather3A_784 = tpu.dynamic_gather %div3A_197[%gather3A_783] in [0] : vector<16xf32>, vector<16xi32> -> vector<16xf32>
        %get3A_785 = arith.constant 31 : i32
        %get3A_786 = arith.index_cast %get3A_785 : i32 to index
        %get3A_787 = arith.index_cast %mul3A_213 : i32 to index
        %get3A_788 = tpu.vector_load %arg14[%get3A_786, %get3A_787] {strides = array<i32>} : memref<56x2048xf32, #tpu.memory_space<vmem>>, vector<16xf32>,
        %mul3A_789 = arith.mulf %gather3A_784, %get3A_788 : vector<16xf32>
        %add3A_790 = arith.addf %add3A_772, %mul3A_789 : vector<16xf32>
        %broadcast_in_dim3A_791 = arith.constant 0 : i32
        %broadcast_in_dim3A_792 = vector.broadcast %broadcast_in_dim3A_791 : i32 to vector<16xi32>
        %lt3A_793 = arith.constant 0 : i32
        %lt3A_794 = vector.broadcast %lt3A_793 : i32 to vector<16xi32>
        %lt3A_795 = arith.cmpi slt, %broadcast_in_dim3A_792, %lt3A_794 : vector<16xi32>
        %add3A_796 = arith.constant 16 : i32
        %add3A_797 = vector.broadcast %add3A_796 : i32 to vector<16xi32>
        %add3A_798 = arith.addi %broadcast_in_dim3A_792, %add3A_797 : vector<16xi32>
        %select_n3A_799 = arith.select %lt3A_795, %add3A_798, %broadcast_in_dim3A_792 : vector<16xi1>, vector<16xi32>
        %broadcast_in_dim3A_800 = vector.shape_cast %select_n3A_799 : vector<16xi32> to vector<16x1xi32>
        %gather3A_801 = vector.shape_cast %broadcast_in_dim3A_800 : vector<16x1xi32> to vector<16xi32>
        %gather3A_802 = tpu.dynamic_gather %div3A_198[%gather3A_801] in [0] : vector<16xf32>, vector<16xi32> -> vector<16xf32>
        %get3A_803 = arith.constant 32 : i32
        %get3A_804 = arith.index_cast %get3A_803 : i32 to index
        %get3A_805 = arith.index_cast %mul3A_213 : i32 to index
        %get3A_806 = tpu.vector_load %arg14[%get3A_804, %get3A_805] {strides = array<i32>} : memref<56x2048xf32, #tpu.memory_space<vmem>>, vector<16xf32>,
        %mul3A_807 = arith.mulf %gather3A_802, %get3A_806 : vector<16xf32>
        %add3A_808 = arith.addf %add3A_790, %mul3A_807 : vector<16xf32>
        %broadcast_in_dim3A_809 = arith.constant 1 : i32
        %broadcast_in_dim3A_810 = vector.broadcast %broadcast_in_dim3A_809 : i32 to vector<16xi32>
        %lt3A_811 = arith.constant 0 : i32
        %lt3A_812 = vector.broadcast %lt3A_811 : i32 to vector<16xi32>
        %lt3A_813 = arith.cmpi slt, %broadcast_in_dim3A_810, %lt3A_812 : vector<16xi32>
        %add3A_814 = arith.constant 16 : i32
        %add3A_815 = vector.broadcast %add3A_814 : i32 to vector<16xi32>
        %add3A_816 = arith.addi %broadcast_in_dim3A_810, %add3A_815 : vector<16xi32>
        %select_n3A_817 = arith.select %lt3A_813, %add3A_816, %broadcast_in_dim3A_810 : vector<16xi1>, vector<16xi32>
        %broadcast_in_dim3A_818 = vector.shape_cast %select_n3A_817 : vector<16xi32> to vector<16x1xi32>
        %gather3A_819 = vector.shape_cast %broadcast_in_dim3A_818 : vector<16x1xi32> to vector<16xi32>
        %gather3A_820 = tpu.dynamic_gather %div3A_198[%gather3A_819] in [0] : vector<16xf32>, vector<16xi32> -> vector<16xf32>
        %get3A_821 = arith.constant 33 : i32
        %get3A_822 = arith.index_cast %get3A_821 : i32 to index
        %get3A_823 = arith.index_cast %mul3A_213 : i32 to index
        %get3A_824 = tpu.vector_load %arg14[%get3A_822, %get3A_823] {strides = array<i32>} : memref<56x2048xf32, #tpu.memory_space<vmem>>, vector<16xf32>,
        %mul3A_825 = arith.mulf %gather3A_820, %get3A_824 : vector<16xf32>
        %add3A_826 = arith.addf %add3A_808, %mul3A_825 : vector<16xf32>
        %broadcast_in_dim3A_827 = arith.constant 2 : i32
        %broadcast_in_dim3A_828 = vector.broadcast %broadcast_in_dim3A_827 : i32 to vector<16xi32>
        %lt3A_829 = arith.constant 0 : i32
        %lt3A_830 = vector.broadcast %lt3A_829 : i32 to vector<16xi32>
        %lt3A_831 = arith.cmpi slt, %broadcast_in_dim3A_828, %lt3A_830 : vector<16xi32>
        %add3A_832 = arith.constant 16 : i32
        %add3A_833 = vector.broadcast %add3A_832 : i32 to vector<16xi32>
        %add3A_834 = arith.addi %broadcast_in_dim3A_828, %add3A_833 : vector<16xi32>
        %select_n3A_835 = arith.select %lt3A_831, %add3A_834, %broadcast_in_dim3A_828 : vector<16xi1>, vector<16xi32>
        %broadcast_in_dim3A_836 = vector.shape_cast %select_n3A_835 : vector<16xi32> to vector<16x1xi32>
        %gather3A_837 = vector.shape_cast %broadcast_in_dim3A_836 : vector<16x1xi32> to vector<16xi32>
        %gather3A_838 = tpu.dynamic_gather %div3A_198[%gather3A_837] in [0] : vector<16xf32>, vector<16xi32> -> vector<16xf32>
        %get3A_839 = arith.constant 34 : i32
        %get3A_840 = arith.index_cast %get3A_839 : i32 to index
        %get3A_841 = arith.index_cast %mul3A_213 : i32 to index
        %get3A_842 = tpu.vector_load %arg14[%get3A_840, %get3A_841] {strides = array<i32>} : memref<56x2048xf32, #tpu.memory_space<vmem>>, vector<16xf32>,
        %mul3A_843 = arith.mulf %gather3A_838, %get3A_842 : vector<16xf32>
        %add3A_844 = arith.addf %add3A_826, %mul3A_843 : vector<16xf32>
        %broadcast_in_dim3A_845 = arith.constant 3 : i32
        %broadcast_in_dim3A_846 = vector.broadcast %broadcast_in_dim3A_845 : i32 to vector<16xi32>
        %lt3A_847 = arith.constant 0 : i32
        %lt3A_848 = vector.broadcast %lt3A_847 : i32 to vector<16xi32>
        %lt3A_849 = arith.cmpi slt, %broadcast_in_dim3A_846, %lt3A_848 : vector<16xi32>
        %add3A_850 = arith.constant 16 : i32
        %add3A_851 = vector.broadcast %add3A_850 : i32 to vector<16xi32>
        %add3A_852 = arith.addi %broadcast_in_dim3A_846, %add3A_851 : vector<16xi32>
        %select_n3A_853 = arith.select %lt3A_849, %add3A_852, %broadcast_in_dim3A_846 : vector<16xi1>, vector<16xi32>
        %broadcast_in_dim3A_854 = vector.shape_cast %select_n3A_853 : vector<16xi32> to vector<16x1xi32>
        %gather3A_855 = vector.shape_cast %broadcast_in_dim3A_854 : vector<16x1xi32> to vector<16xi32>
        %gather3A_856 = tpu.dynamic_gather %div3A_198[%gather3A_855] in [0] : vector<16xf32>, vector<16xi32> -> vector<16xf32>
        %get3A_857 = arith.constant 35 : i32
        %get3A_858 = arith.index_cast %get3A_857 : i32 to index
        %get3A_859 = arith.index_cast %mul3A_213 : i32 to index
        %get3A_860 = tpu.vector_load %arg14[%get3A_858, %get3A_859] {strides = array<i32>} : memref<56x2048xf32, #tpu.memory_space<vmem>>, vector<16xf32>,
        %mul3A_861 = arith.mulf %gather3A_856, %get3A_860 : vector<16xf32>
        %add3A_862 = arith.addf %add3A_844, %mul3A_861 : vector<16xf32>
        %broadcast_in_dim3A_863 = arith.constant 4 : i32
        %broadcast_in_dim3A_864 = vector.broadcast %broadcast_in_dim3A_863 : i32 to vector<16xi32>
        %lt3A_865 = arith.constant 0 : i32
        %lt3A_866 = vector.broadcast %lt3A_865 : i32 to vector<16xi32>
        %lt3A_867 = arith.cmpi slt, %broadcast_in_dim3A_864, %lt3A_866 : vector<16xi32>
        %add3A_868 = arith.constant 16 : i32
        %add3A_869 = vector.broadcast %add3A_868 : i32 to vector<16xi32>
        %add3A_870 = arith.addi %broadcast_in_dim3A_864, %add3A_869 : vector<16xi32>
        %select_n3A_871 = arith.select %lt3A_867, %add3A_870, %broadcast_in_dim3A_864 : vector<16xi1>, vector<16xi32>
        %broadcast_in_dim3A_872 = vector.shape_cast %select_n3A_871 : vector<16xi32> to vector<16x1xi32>
        %gather3A_873 = vector.shape_cast %broadcast_in_dim3A_872 : vector<16x1xi32> to vector<16xi32>
        %gather3A_874 = tpu.dynamic_gather %div3A_198[%gather3A_873] in [0] : vector<16xf32>, vector<16xi32> -> vector<16xf32>
        %get3A_875 = arith.constant 36 : i32
        %get3A_876 = arith.index_cast %get3A_875 : i32 to index
        %get3A_877 = arith.index_cast %mul3A_213 : i32 to index
        %get3A_878 = tpu.vector_load %arg14[%get3A_876, %get3A_877] {strides = array<i32>} : memref<56x2048xf32, #tpu.memory_space<vmem>>, vector<16xf32>,
        %mul3A_879 = arith.mulf %gather3A_874, %get3A_878 : vector<16xf32>
        %add3A_880 = arith.addf %add3A_862, %mul3A_879 : vector<16xf32>
        %broadcast_in_dim3A_881 = arith.constant 5 : i32
        %broadcast_in_dim3A_882 = vector.broadcast %broadcast_in_dim3A_881 : i32 to vector<16xi32>
        %lt3A_883 = arith.constant 0 : i32
        %lt3A_884 = vector.broadcast %lt3A_883 : i32 to vector<16xi32>
        %lt3A_885 = arith.cmpi slt, %broadcast_in_dim3A_882, %lt3A_884 : vector<16xi32>
        %add3A_886 = arith.constant 16 : i32
        %add3A_887 = vector.broadcast %add3A_886 : i32 to vector<16xi32>
        %add3A_888 = arith.addi %broadcast_in_dim3A_882, %add3A_887 : vector<16xi32>
        %select_n3A_889 = arith.select %lt3A_885, %add3A_888, %broadcast_in_dim3A_882 : vector<16xi1>, vector<16xi32>
        %broadcast_in_dim3A_890 = vector.shape_cast %select_n3A_889 : vector<16xi32> to vector<16x1xi32>
        %gather3A_891 = vector.shape_cast %broadcast_in_dim3A_890 : vector<16x1xi32> to vector<16xi32>
        %gather3A_892 = tpu.dynamic_gather %div3A_198[%gather3A_891] in [0] : vector<16xf32>, vector<16xi32> -> vector<16xf32>
        %get3A_893 = arith.constant 37 : i32
        %get3A_894 = arith.index_cast %get3A_893 : i32 to index
        %get3A_895 = arith.index_cast %mul3A_213 : i32 to index
        %get3A_896 = tpu.vector_load %arg14[%get3A_894, %get3A_895] {strides = array<i32>} : memref<56x2048xf32, #tpu.memory_space<vmem>>, vector<16xf32>,
        %mul3A_897 = arith.mulf %gather3A_892, %get3A_896 : vector<16xf32>
        %add3A_898 = arith.addf %add3A_880, %mul3A_897 : vector<16xf32>
        %broadcast_in_dim3A_899 = arith.constant 6 : i32
        %broadcast_in_dim3A_900 = vector.broadcast %broadcast_in_dim3A_899 : i32 to vector<16xi32>
        %lt3A_901 = arith.constant 0 : i32
        %lt3A_902 = vector.broadcast %lt3A_901 : i32 to vector<16xi32>
        %lt3A_903 = arith.cmpi slt, %broadcast_in_dim3A_900, %lt3A_902 : vector<16xi32>
        %add3A_904 = arith.constant 16 : i32
        %add3A_905 = vector.broadcast %add3A_904 : i32 to vector<16xi32>
        %add3A_906 = arith.addi %broadcast_in_dim3A_900, %add3A_905 : vector<16xi32>
        %select_n3A_907 = arith.select %lt3A_903, %add3A_906, %broadcast_in_dim3A_900 : vector<16xi1>, vector<16xi32>
        %broadcast_in_dim3A_908 = vector.shape_cast %select_n3A_907 : vector<16xi32> to vector<16x1xi32>
        %gather3A_909 = vector.shape_cast %broadcast_in_dim3A_908 : vector<16x1xi32> to vector<16xi32>
        %gather3A_910 = tpu.dynamic_gather %div3A_198[%gather3A_909] in [0] : vector<16xf32>, vector<16xi32> -> vector<16xf32>
        %get3A_911 = arith.constant 38 : i32
        %get3A_912 = arith.index_cast %get3A_911 : i32 to index
        %get3A_913 = arith.index_cast %mul3A_213 : i32 to index
        %get3A_914 = tpu.vector_load %arg14[%get3A_912, %get3A_913] {strides = array<i32>} : memref<56x2048xf32, #tpu.memory_space<vmem>>, vector<16xf32>,
        %mul3A_915 = arith.mulf %gather3A_910, %get3A_914 : vector<16xf32>
        %add3A_916 = arith.addf %add3A_898, %mul3A_915 : vector<16xf32>
        %broadcast_in_dim3A_917 = arith.constant 7 : i32
        %broadcast_in_dim3A_918 = vector.broadcast %broadcast_in_dim3A_917 : i32 to vector<16xi32>
        %lt3A_919 = arith.constant 0 : i32
        %lt3A_920 = vector.broadcast %lt3A_919 : i32 to vector<16xi32>
        %lt3A_921 = arith.cmpi slt, %broadcast_in_dim3A_918, %lt3A_920 : vector<16xi32>
        %add3A_922 = arith.constant 16 : i32
        %add3A_923 = vector.broadcast %add3A_922 : i32 to vector<16xi32>
        %add3A_924 = arith.addi %broadcast_in_dim3A_918, %add3A_923 : vector<16xi32>
        %select_n3A_925 = arith.select %lt3A_921, %add3A_924, %broadcast_in_dim3A_918 : vector<16xi1>, vector<16xi32>
        %broadcast_in_dim3A_926 = vector.shape_cast %select_n3A_925 : vector<16xi32> to vector<16x1xi32>
        %gather3A_927 = vector.shape_cast %broadcast_in_dim3A_926 : vector<16x1xi32> to vector<16xi32>
        %gather3A_928 = tpu.dynamic_gather %div3A_198[%gather3A_927] in [0] : vector<16xf32>, vector<16xi32> -> vector<16xf32>
        %get3A_929 = arith.constant 39 : i32
        %get3A_930 = arith.index_cast %get3A_929 : i32 to index
        %get3A_931 = arith.index_cast %mul3A_213 : i32 to index
        %get3A_932 = tpu.vector_load %arg14[%get3A_930, %get3A_931] {strides = array<i32>} : memref<56x2048xf32, #tpu.memory_space<vmem>>, vector<16xf32>,
        %mul3A_933 = arith.mulf %gather3A_928, %get3A_932 : vector<16xf32>
        %add3A_934 = arith.addf %add3A_916, %mul3A_933 : vector<16xf32>
        %broadcast_in_dim3A_935 = arith.constant 8 : i32
        %broadcast_in_dim3A_936 = vector.broadcast %broadcast_in_dim3A_935 : i32 to vector<16xi32>
        %lt3A_937 = arith.constant 0 : i32
        %lt3A_938 = vector.broadcast %lt3A_937 : i32 to vector<16xi32>
        %lt3A_939 = arith.cmpi slt, %broadcast_in_dim3A_936, %lt3A_938 : vector<16xi32>
        %add3A_940 = arith.constant 16 : i32
        %add3A_941 = vector.broadcast %add3A_940 : i32 to vector<16xi32>
        %add3A_942 = arith.addi %broadcast_in_dim3A_936, %add3A_941 : vector<16xi32>
        %select_n3A_943 = arith.select %lt3A_939, %add3A_942, %broadcast_in_dim3A_936 : vector<16xi1>, vector<16xi32>
        %broadcast_in_dim3A_944 = vector.shape_cast %select_n3A_943 : vector<16xi32> to vector<16x1xi32>
        %gather3A_945 = vector.shape_cast %broadcast_in_dim3A_944 : vector<16x1xi32> to vector<16xi32>
        %gather3A_946 = tpu.dynamic_gather %div3A_198[%gather3A_945] in [0] : vector<16xf32>, vector<16xi32> -> vector<16xf32>
        %get3A_947 = arith.constant 40 : i32
        %get3A_948 = arith.index_cast %get3A_947 : i32 to index
        %get3A_949 = arith.index_cast %mul3A_213 : i32 to index
        %get3A_950 = tpu.vector_load %arg14[%get3A_948, %get3A_949] {strides = array<i32>} : memref<56x2048xf32, #tpu.memory_space<vmem>>, vector<16xf32>,
        %mul3A_951 = arith.mulf %gather3A_946, %get3A_950 : vector<16xf32>
        %add3A_952 = arith.addf %add3A_934, %mul3A_951 : vector<16xf32>
        %broadcast_in_dim3A_953 = arith.constant 9 : i32
        %broadcast_in_dim3A_954 = vector.broadcast %broadcast_in_dim3A_953 : i32 to vector<16xi32>
        %lt3A_955 = arith.constant 0 : i32
        %lt3A_956 = vector.broadcast %lt3A_955 : i32 to vector<16xi32>
        %lt3A_957 = arith.cmpi slt, %broadcast_in_dim3A_954, %lt3A_956 : vector<16xi32>
        %add3A_958 = arith.constant 16 : i32
        %add3A_959 = vector.broadcast %add3A_958 : i32 to vector<16xi32>
        %add3A_960 = arith.addi %broadcast_in_dim3A_954, %add3A_959 : vector<16xi32>
        %select_n3A_961 = arith.select %lt3A_957, %add3A_960, %broadcast_in_dim3A_954 : vector<16xi1>, vector<16xi32>
        %broadcast_in_dim3A_962 = vector.shape_cast %select_n3A_961 : vector<16xi32> to vector<16x1xi32>
        %gather3A_963 = vector.shape_cast %broadcast_in_dim3A_962 : vector<16x1xi32> to vector<16xi32>
        %gather3A_964 = tpu.dynamic_gather %div3A_198[%gather3A_963] in [0] : vector<16xf32>, vector<16xi32> -> vector<16xf32>
        %get3A_965 = arith.constant 41 : i32
        %get3A_966 = arith.index_cast %get3A_965 : i32 to index
        %get3A_967 = arith.index_cast %mul3A_213 : i32 to index
        %get3A_968 = tpu.vector_load %arg14[%get3A_966, %get3A_967] {strides = array<i32>} : memref<56x2048xf32, #tpu.memory_space<vmem>>, vector<16xf32>,
        %mul3A_969 = arith.mulf %gather3A_964, %get3A_968 : vector<16xf32>
        %add3A_970 = arith.addf %add3A_952, %mul3A_969 : vector<16xf32>
        %broadcast_in_dim3A_971 = arith.constant 10 : i32
        %broadcast_in_dim3A_972 = vector.broadcast %broadcast_in_dim3A_971 : i32 to vector<16xi32>
        %lt3A_973 = arith.constant 0 : i32
        %lt3A_974 = vector.broadcast %lt3A_973 : i32 to vector<16xi32>
        %lt3A_975 = arith.cmpi slt, %broadcast_in_dim3A_972, %lt3A_974 : vector<16xi32>
        %add3A_976 = arith.constant 16 : i32
        %add3A_977 = vector.broadcast %add3A_976 : i32 to vector<16xi32>
        %add3A_978 = arith.addi %broadcast_in_dim3A_972, %add3A_977 : vector<16xi32>
        %select_n3A_979 = arith.select %lt3A_975, %add3A_978, %broadcast_in_dim3A_972 : vector<16xi1>, vector<16xi32>
        %broadcast_in_dim3A_980 = vector.shape_cast %select_n3A_979 : vector<16xi32> to vector<16x1xi32>
        %gather3A_981 = vector.shape_cast %broadcast_in_dim3A_980 : vector<16x1xi32> to vector<16xi32>
        %gather3A_982 = tpu.dynamic_gather %div3A_198[%gather3A_981] in [0] : vector<16xf32>, vector<16xi32> -> vector<16xf32>
        %get3A_983 = arith.constant 42 : i32
        %get3A_984 = arith.index_cast %get3A_983 : i32 to index
        %get3A_985 = arith.index_cast %mul3A_213 : i32 to index
        %get3A_986 = tpu.vector_load %arg14[%get3A_984, %get3A_985] {strides = array<i32>} : memref<56x2048xf32, #tpu.memory_space<vmem>>, vector<16xf32>,
        %mul3A_987 = arith.mulf %gather3A_982, %get3A_986 : vector<16xf32>
        %add3A_988 = arith.addf %add3A_970, %mul3A_987 : vector<16xf32>
        %broadcast_in_dim3A_989 = arith.constant 11 : i32
        %broadcast_in_dim3A_990 = vector.broadcast %broadcast_in_dim3A_989 : i32 to vector<16xi32>
        %lt3A_991 = arith.constant 0 : i32
        %lt3A_992 = vector.broadcast %lt3A_991 : i32 to vector<16xi32>
        %lt3A_993 = arith.cmpi slt, %broadcast_in_dim3A_990, %lt3A_992 : vector<16xi32>
        %add3A_994 = arith.constant 16 : i32
        %add3A_995 = vector.broadcast %add3A_994 : i32 to vector<16xi32>
        %add3A_996 = arith.addi %broadcast_in_dim3A_990, %add3A_995 : vector<16xi32>
        %select_n3A_997 = arith.select %lt3A_993, %add3A_996, %broadcast_in_dim3A_990 : vector<16xi1>, vector<16xi32>
        %broadcast_in_dim3A_998 = vector.shape_cast %select_n3A_997 : vector<16xi32> to vector<16x1xi32>
        %gather3A_999 = vector.shape_cast %broadcast_in_dim3A_998 : vector<16x1xi32> to vector<16xi32>
        %gather3A_1000 = tpu.dynamic_gather %div3A_198[%gather3A_999] in [0] : vector<16xf32>, vector<16xi32> -> vector<16xf32>
        %get3A_1001 = arith.constant 43 : i32
        %get3A_1002 = arith.index_cast %get3A_1001 : i32 to index
        %get3A_1003 = arith.index_cast %mul3A_213 : i32 to index
        %get3A_1004 = tpu.vector_load %arg14[%get3A_1002, %get3A_1003] {strides = array<i32>} : memref<56x2048xf32, #tpu.memory_space<vmem>>, vector<16xf32>,
        %mul3A_1005 = arith.mulf %gather3A_1000, %get3A_1004 : vector<16xf32>
        %add3A_1006 = arith.addf %add3A_988, %mul3A_1005 : vector<16xf32>
        %broadcast_in_dim3A_1007 = arith.constant 12 : i32
        %broadcast_in_dim3A_1008 = vector.broadcast %broadcast_in_dim3A_1007 : i32 to vector<16xi32>
        %lt3A_1009 = arith.constant 0 : i32
        %lt3A_1010 = vector.broadcast %lt3A_1009 : i32 to vector<16xi32>
        %lt3A_1011 = arith.cmpi slt, %broadcast_in_dim3A_1008, %lt3A_1010 : vector<16xi32>
        %add3A_1012 = arith.constant 16 : i32
        %add3A_1013 = vector.broadcast %add3A_1012 : i32 to vector<16xi32>
        %add3A_1014 = arith.addi %broadcast_in_dim3A_1008, %add3A_1013 : vector<16xi32>
        %select_n3A_1015 = arith.select %lt3A_1011, %add3A_1014, %broadcast_in_dim3A_1008 : vector<16xi1>, vector<16xi32>
        %broadcast_in_dim3A_1016 = vector.shape_cast %select_n3A_1015 : vector<16xi32> to vector<16x1xi32>
        %gather3A_1017 = vector.shape_cast %broadcast_in_dim3A_1016 : vector<16x1xi32> to vector<16xi32>
        %gather3A_1018 = tpu.dynamic_gather %div3A_198[%gather3A_1017] in [0] : vector<16xf32>, vector<16xi32> -> vector<16xf32>
        %get3A_1019 = arith.constant 44 : i32
        %get3A_1020 = arith.index_cast %get3A_1019 : i32 to index
        %get3A_1021 = arith.index_cast %mul3A_213 : i32 to index
        %get3A_1022 = tpu.vector_load %arg14[%get3A_1020, %get3A_1021] {strides = array<i32>} : memref<56x2048xf32, #tpu.memory_space<vmem>>, vector<16xf32>,
        %mul3A_1023 = arith.mulf %gather3A_1018, %get3A_1022 : vector<16xf32>
        %add3A_1024 = arith.addf %add3A_1006, %mul3A_1023 : vector<16xf32>
        %broadcast_in_dim3A_1025 = arith.constant 13 : i32
        %broadcast_in_dim3A_1026 = vector.broadcast %broadcast_in_dim3A_1025 : i32 to vector<16xi32>
        %lt3A_1027 = arith.constant 0 : i32
        %lt3A_1028 = vector.broadcast %lt3A_1027 : i32 to vector<16xi32>
        %lt3A_1029 = arith.cmpi slt, %broadcast_in_dim3A_1026, %lt3A_1028 : vector<16xi32>
        %add3A_1030 = arith.constant 16 : i32
        %add3A_1031 = vector.broadcast %add3A_1030 : i32 to vector<16xi32>
        %add3A_1032 = arith.addi %broadcast_in_dim3A_1026, %add3A_1031 : vector<16xi32>
        %select_n3A_1033 = arith.select %lt3A_1029, %add3A_1032, %broadcast_in_dim3A_1026 : vector<16xi1>, vector<16xi32>
        %broadcast_in_dim3A_1034 = vector.shape_cast %select_n3A_1033 : vector<16xi32> to vector<16x1xi32>
        %gather3A_1035 = vector.shape_cast %broadcast_in_dim3A_1034 : vector<16x1xi32> to vector<16xi32>
        %gather3A_1036 = tpu.dynamic_gather %div3A_198[%gather3A_1035] in [0] : vector<16xf32>, vector<16xi32> -> vector<16xf32>
        %get3A_1037 = arith.constant 45 : i32
        %get3A_1038 = arith.index_cast %get3A_1037 : i32 to index
        %get3A_1039 = arith.index_cast %mul3A_213 : i32 to index
        %get3A_1040 = tpu.vector_load %arg14[%get3A_1038, %get3A_1039] {strides = array<i32>} : memref<56x2048xf32, #tpu.memory_space<vmem>>, vector<16xf32>,
        %mul3A_1041 = arith.mulf %gather3A_1036, %get3A_1040 : vector<16xf32>
        %add3A_1042 = arith.addf %add3A_1024, %mul3A_1041 : vector<16xf32>
        %broadcast_in_dim3A_1043 = arith.constant 14 : i32
        %broadcast_in_dim3A_1044 = vector.broadcast %broadcast_in_dim3A_1043 : i32 to vector<16xi32>
        %lt3A_1045 = arith.constant 0 : i32
        %lt3A_1046 = vector.broadcast %lt3A_1045 : i32 to vector<16xi32>
        %lt3A_1047 = arith.cmpi slt, %broadcast_in_dim3A_1044, %lt3A_1046 : vector<16xi32>
        %add3A_1048 = arith.constant 16 : i32
        %add3A_1049 = vector.broadcast %add3A_1048 : i32 to vector<16xi32>
        %add3A_1050 = arith.addi %broadcast_in_dim3A_1044, %add3A_1049 : vector<16xi32>
        %select_n3A_1051 = arith.select %lt3A_1047, %add3A_1050, %broadcast_in_dim3A_1044 : vector<16xi1>, vector<16xi32>
        %broadcast_in_dim3A_1052 = vector.shape_cast %select_n3A_1051 : vector<16xi32> to vector<16x1xi32>
        %gather3A_1053 = vector.shape_cast %broadcast_in_dim3A_1052 : vector<16x1xi32> to vector<16xi32>
        %gather3A_1054 = tpu.dynamic_gather %div3A_198[%gather3A_1053] in [0] : vector<16xf32>, vector<16xi32> -> vector<16xf32>
        %get3A_1055 = arith.constant 46 : i32
        %get3A_1056 = arith.index_cast %get3A_1055 : i32 to index
        %get3A_1057 = arith.index_cast %mul3A_213 : i32 to index
        %get3A_1058 = tpu.vector_load %arg14[%get3A_1056, %get3A_1057] {strides = array<i32>} : memref<56x2048xf32, #tpu.memory_space<vmem>>, vector<16xf32>,
        %mul3A_1059 = arith.mulf %gather3A_1054, %get3A_1058 : vector<16xf32>
        %add3A_1060 = arith.addf %add3A_1042, %mul3A_1059 : vector<16xf32>
        %broadcast_in_dim3A_1061 = arith.constant 15 : i32
        %broadcast_in_dim3A_1062 = vector.broadcast %broadcast_in_dim3A_1061 : i32 to vector<16xi32>
        %lt3A_1063 = arith.constant 0 : i32
        %lt3A_1064 = vector.broadcast %lt3A_1063 : i32 to vector<16xi32>
        %lt3A_1065 = arith.cmpi slt, %broadcast_in_dim3A_1062, %lt3A_1064 : vector<16xi32>
        %add3A_1066 = arith.constant 16 : i32
        %add3A_1067 = vector.broadcast %add3A_1066 : i32 to vector<16xi32>
        %add3A_1068 = arith.addi %broadcast_in_dim3A_1062, %add3A_1067 : vector<16xi32>
        %select_n3A_1069 = arith.select %lt3A_1065, %add3A_1068, %broadcast_in_dim3A_1062 : vector<16xi1>, vector<16xi32>
        %broadcast_in_dim3A_1070 = vector.shape_cast %select_n3A_1069 : vector<16xi32> to vector<16x1xi32>
        %gather3A_1071 = vector.shape_cast %broadcast_in_dim3A_1070 : vector<16x1xi32> to vector<16xi32>
        %gather3A_1072 = tpu.dynamic_gather %div3A_198[%gather3A_1071] in [0] : vector<16xf32>, vector<16xi32> -> vector<16xf32>
        %get3A_1073 = arith.constant 47 : i32
        %get3A_1074 = arith.index_cast %get3A_1073 : i32 to index
        %get3A_1075 = arith.index_cast %mul3A_213 : i32 to index
        %get3A_1076 = tpu.vector_load %arg14[%get3A_1074, %get3A_1075] {strides = array<i32>} : memref<56x2048xf32, #tpu.memory_space<vmem>>, vector<16xf32>,
        %mul3A_1077 = arith.mulf %gather3A_1072, %get3A_1076 : vector<16xf32>
        %add3A_1078 = arith.addf %add3A_1060, %mul3A_1077 : vector<16xf32>
        %broadcast_in_dim3A_1079 = arith.constant 0 : i32
        %broadcast_in_dim3A_1080 = vector.broadcast %broadcast_in_dim3A_1079 : i32 to vector<16xi32>
        %lt3A_1081 = arith.constant 0 : i32
        %lt3A_1082 = vector.broadcast %lt3A_1081 : i32 to vector<16xi32>
        %lt3A_1083 = arith.cmpi slt, %broadcast_in_dim3A_1080, %lt3A_1082 : vector<16xi32>
        %add3A_1084 = arith.constant 16 : i32
        %add3A_1085 = vector.broadcast %add3A_1084 : i32 to vector<16xi32>
        %add3A_1086 = arith.addi %broadcast_in_dim3A_1080, %add3A_1085 : vector<16xi32>
        %select_n3A_1087 = arith.select %lt3A_1083, %add3A_1086, %broadcast_in_dim3A_1080 : vector<16xi1>, vector<16xi32>
        %broadcast_in_dim3A_1088 = vector.shape_cast %select_n3A_1087 : vector<16xi32> to vector<16x1xi32>
        %gather3A_1089 = vector.shape_cast %broadcast_in_dim3A_1088 : vector<16x1xi32> to vector<16xi32>
        %gather3A_1090 = tpu.dynamic_gather %div3A_199[%gather3A_1089] in [0] : vector<16xf32>, vector<16xi32> -> vector<16xf32>
        %get3A_1091 = arith.constant 48 : i32
        %get3A_1092 = arith.index_cast %get3A_1091 : i32 to index
        %get3A_1093 = arith.index_cast %mul3A_213 : i32 to index
        %get3A_1094 = tpu.vector_load %arg14[%get3A_1092, %get3A_1093] {strides = array<i32>} : memref<56x2048xf32, #tpu.memory_space<vmem>>, vector<16xf32>,
        %mul3A_1095 = arith.mulf %gather3A_1090, %get3A_1094 : vector<16xf32>
        %add3A_1096 = arith.addf %add3A_1078, %mul3A_1095 : vector<16xf32>
        %broadcast_in_dim3A_1097 = arith.constant 1 : i32
        %broadcast_in_dim3A_1098 = vector.broadcast %broadcast_in_dim3A_1097 : i32 to vector<16xi32>
        %lt3A_1099 = arith.constant 0 : i32
        %lt3A_1100 = vector.broadcast %lt3A_1099 : i32 to vector<16xi32>
        %lt3A_1101 = arith.cmpi slt, %broadcast_in_dim3A_1098, %lt3A_1100 : vector<16xi32>
        %add3A_1102 = arith.constant 16 : i32
        %add3A_1103 = vector.broadcast %add3A_1102 : i32 to vector<16xi32>
        %add3A_1104 = arith.addi %broadcast_in_dim3A_1098, %add3A_1103 : vector<16xi32>
        %select_n3A_1105 = arith.select %lt3A_1101, %add3A_1104, %broadcast_in_dim3A_1098 : vector<16xi1>, vector<16xi32>
        %broadcast_in_dim3A_1106 = vector.shape_cast %select_n3A_1105 : vector<16xi32> to vector<16x1xi32>
        %gather3A_1107 = vector.shape_cast %broadcast_in_dim3A_1106 : vector<16x1xi32> to vector<16xi32>
        %gather3A_1108 = tpu.dynamic_gather %div3A_199[%gather3A_1107] in [0] : vector<16xf32>, vector<16xi32> -> vector<16xf32>
        %get3A_1109 = arith.constant 49 : i32
        %get3A_1110 = arith.index_cast %get3A_1109 : i32 to index
        %get3A_1111 = arith.index_cast %mul3A_213 : i32 to index
        %get3A_1112 = tpu.vector_load %arg14[%get3A_1110, %get3A_1111] {strides = array<i32>} : memref<56x2048xf32, #tpu.memory_space<vmem>>, vector<16xf32>,
        %mul3A_1113 = arith.mulf %gather3A_1108, %get3A_1112 : vector<16xf32>
        %add3A_1114 = arith.addf %add3A_1096, %mul3A_1113 : vector<16xf32>
        %swap3A_1115 = arith.index_cast %mul3A_213 : i32 to index
        %swap3A_1116 = tpu.vector_load %arg15[%swap3A_1115] {strides = array<i32>} : memref<2048xf32, #tpu.memory_space<vmem>>, vector<16xf32>,
        tpu.vector_store %arg15[%swap3A_1115], %add3A_1114 {strides = array<i32>} : memref<2048xf32, #tpu.memory_space<vmem>>, vector<16xf32>,
        %scan3A_1117 = arith.constant 0 : i32
        scf.yield %scan3A_1117 : i32
      }
      %scan3A_208 = arith.constant 128 : i32
      "tpu.region"() ({
        %run_scoped3A = tpu.sem_alloc : memref<!tpu.dma_semaphore, #tpu.memory_space<semaphore_mem>>
        %dma_start3A_210 = arith.constant 0 : i32
        %dma_start3A_211 = tpu.memref_slice %arg4[%add3A_16, %dma_start3A_210] : memref<64x2048xf32, #tpu.memory_space<hbm>> -> memref<1x2048xf32, #tpu.memory_space<hbm>>
        %dma_start3A_212 = tpu.memref_squeeze %dma_start3A_211 : memref<1x2048xf32, #tpu.memory_space<hbm>> -> memref<2048xf32, #tpu.memory_space<hbm>>
        %dma_start3A_213 = arith.constant 0 : i32
        %dma_start3A_214 = tpu.memref_slice %arg4[%add3A_16, %dma_start3A_213] : memref<64x2048xf32, #tpu.memory_space<hbm>> -> memref<1x2048xf32, #tpu.memory_space<hbm>>
        %dma_start3A_215 = tpu.memref_squeeze %dma_start3A_214 : memref<1x2048xf32, #tpu.memory_space<hbm>> -> memref<2048xf32, #tpu.memory_space<hbm>>
        tpu.enqueue_dma source(%arg15 : memref<2048xf32, #tpu.memory_space<vmem>>) target(%dma_start3A_215 : memref<2048xf32, #tpu.memory_space<hbm>>) target_semaphore(%run_scoped3A : memref<!tpu.dma_semaphore, #tpu.memory_space<semaphore_mem>>)
        %dma_wait3A_216 = arith.constant 0 : i32
        %dma_wait3A_217 = tpu.memref_slice %arg4[%add3A_16, %dma_wait3A_216] : memref<64x2048xf32, #tpu.memory_space<hbm>> -> memref<1x2048xf32, #tpu.memory_space<hbm>>
        %dma_wait3A_218 = tpu.memref_squeeze %dma_wait3A_217 : memref<1x2048xf32, #tpu.memory_space<hbm>> -> memref<2048xf32, #tpu.memory_space<hbm>>
        %dma_wait3A_219 = arith.constant 0 : i32
        %dma_wait3A_220 = tpu.memref_slice %arg4[%add3A_16, %dma_wait3A_219] : memref<64x2048xf32, #tpu.memory_space<hbm>> -> memref<1x2048xf32, #tpu.memory_space<hbm>>
        %dma_wait3A_221 = tpu.memref_squeeze %dma_wait3A_220 : memref<1x2048xf32, #tpu.memory_space<hbm>> -> memref<2048xf32, #tpu.memory_space<hbm>>
        tpu.wait_dma2 semaphore(%run_scoped3A : memref<!tpu.dma_semaphore, #tpu.memory_space<semaphore_mem>>) src(%arg15 : memref<2048xf32, #tpu.memory_space<vmem>>) dst(%dma_wait3A_221 : memref<2048xf32, #tpu.memory_space<hbm>>)
        tpu.yield
      }) : () -> ()
      %scan3A_209 = arith.constant 0 : i32
      scf.yield %scan3A_209 : i32
    }
    %scan3A_11 = arith.constant 2 : i32
    return
  }
}

</mosaic_0001>

<sc_bundles>
// kernel: _mixer.3.cloned.1.call-start
scs
__scs_entry_jumppad:
0x0: {  	(pc) =	sbr.rel $0x88, $3  }
0x1: {  	(tag) =	ssettag $0x0;
	lr =	simm.s32 $0x1  }
0x2: {  	[smem:$0x3F9F] =	sst lr;
	_ =	strace $0xD0000000  }
0x3: {  	_ = 	snop  }
0x4: {  	_ = 	snop  }
0x5: {  	_ = 	snop  }
0x6: {  	_ = 	snop  }
0x7: {  	_ = 	snop  }
__scs_overlays_trampoline_lowered:
0x8: {  	[smem:$0x3FAE] =	sst s0  }
0x9: {  	[smem:$0x3FAF] =	sst s1  }
0xa: {  	[smem:$0x3FB0] =	sst s2  }
0xb: {  	[smem:$0x3FB1] =	sst s3  }
0xc: {  	[smem:$0x3FB2] =	sst s4  }
0xd: {  	[smem:$0x3FB3] =	sst s5  }
0xe: {  	[smem:$0x3FB4] =	sst s6  }
0xf: {  	[smem:$0x3FB5] =	sst s7  }
0x10: {  	[smem:$0x3FB6] =	sst s8  }
0x11: {  	[smem:$0x3FB7] =	sst s9;
	s0 =	simm.s32 @!p0 $0x0  }
0x12: {  	s1 =	sld [smem:$0x3F9D];
	s0 =	simm.s32 @p0 $0x1  }
0x13: {  	[smem:$0x3FB8] =	sst s0;
	s0 =	simm.s32 @!p1 $0x0  }
0x14: {  	s2 =	sld [smem:$0x3F9C];
	s0 =	simm.s32 @p1 $0x1  }
0x15: {  	[smem:$0x3FB9] =	sst s0;
	s0 =	simm.s32 @!p2 $0x0  }
0x16: {  	s3 =	sld [smem:$0x3FDB];
	s0 =	simm.s32 @p2 $0x1  }
0x17: {  	s4 =	simm.s32 $0x1BF5;
	[smem:$0x3FBB] =	sst s0  }
0x18: {  	s0 =	sld [smem:$0x3F9E];
	_ =	swait.ge [sflag:s4], $0x0  }
0x19: {  	s7 =	sld [smem:$0x3F9F]  }
0x1a: {  	s8 =	sadd.s32 $0xFFFFE003, lr  }
0x1b: {  	s9 =	sadd.s32 $0xFFFFFEF7, lr;
	s5 =	simm.s32 $0xFFFFFFFF;
	p2 =	slt.u32 s8, $0xFFFFF086  }
0x1c: {  	p1 =	slt.u32 s9, $0xF7A;
	s5 =	simm.s32 @!p2 $0x0  }
0x1d: {  	s5 =	simm.s32 @p1 $0x1;
	p0 =	seq.s32 s7, s2  }
0x1e: {  	s7 =	smul.u32 @!p0 $0xF7A, s2;
	p2 =	seq.s32 @!p0 s5, $0x0  }
0x1f: {  	s9 =	smul.u32 $0xF7A, s1;
	s8 =	simm.s32 @!p0 $0x1BF5;
	p2 =	por !p2, p0  }
0x20: {  	[sflag:s8] =	ssyncset.s32 @!p0 $0xFFFFF086;
	s6 =	sadd.s32 @!p0 s3, s7;
	s7 =	simm.s32 @!p0 $0x108  }
0x21: {  	s3 =	sadd.s32 s3, s9;
	s6 =	sadd.s32 @!p0 $0x88, s6;
	s7 =	simm.s32 @p2 $0x1082  }
0x22: {  	[simem:s7], [sflag:s8] =	dma.local @!p0 [hbm:s6], $0xF7A  }
0x23: {  	s9 =	sor.u32 $0xD0000000, s2;
	s6 =	simm.s32 $0x108;
	_ =	swait.ge @!p0 [sflag:s8], $0x0  }
0x24: {  	s3 =	sadd.s32 $0x88, s3;
	s6 =	simm.s32 @!p1 $0x1082;
	[sflag:s4] =	ssyncset.s32 $0xFFFFF086  }
0x25: {  	[simem:s6], [sflag:s4] =	dma.local [hbm:s3], $0xF7A  }
0x26: {  	[smem:$0x3F9F] =	sst s1;
	(tag) =	ssettag s2;
	_ =	strace s9  }
0x27: {  	s1 =	sld [smem:$0x3FAF]  }
0x28: {  	s2 =	sld [smem:$0x3FB0]  }
0x29: {  	s4 =	sld [smem:$0x3FB2]  }
0x2a: {  	p0 =	seq.s32 s5, $0x0;
	s5 =	sld [smem:$0x3FB3]  }
0x2b: {  	s6 =	sld [smem:$0x3FB4]  }
0x2c: {  	s7 =	sld [smem:$0x3FB5]  }
0x2d: {  	s3 =	simm.s32 $0x108;
	s8 =	sld [smem:$0x3FB6]  }
0x2e: {  	s3 =	simm.s32 @!p0 $0x1082;
	s9 =	sld [smem:$0x3FB7]  }
0x2f: {  	lr =	sadd.s32 s0, s3;
	s0 =	sld [smem:$0x3FAE]  }
0x30: {  	s3 =	sld [smem:$0x3FB1]  }
0x31: {  	[smem:$0x3FBA] =	sst s10  }
0x32: {  	s10 =	sld [smem:$0x3FB8];
	_ =	sdelay $0x3  }
0x33: {  	p0 =	seq.s32 s10, $0x1;
	s10 =	sld [smem:$0x3FBA];
	_ =	sdelay $0x3  }
0x34: {  	[smem:$0x3FBA] =	sst s10  }
0x35: {  	s10 =	sld [smem:$0x3FB9];
	_ =	sdelay $0x3  }
0x36: {  	p1 =	seq.s32 s10, $0x1;
	s10 =	sld [smem:$0x3FBA];
	_ =	sdelay $0x3  }
0x37: {  	[smem:$0x3FBA] =	sst s10  }
0x38: {  	s10 =	sld [smem:$0x3FBB]  }
0x39: {  	_ = 	snop;
	(pc) =	sbr.ind lr, $3  }
0x3a: {  	_ = 	snop  }
0x3b: {  	_ = 	snop  }
0x3c: {  	p2 =	seq.s32 s10, $0x1;
	s10 =	sld [smem:$0x3FBA]  }
0x3d: {  	_ =	shalt  }
0x3e: {  	_ =	shalt  }
0x3f: {  	_ =	shalt  }
0x40: {  	_ =	shalt  }
0x41: {  	_ =	shalt  }
0x42: {  	_ =	shalt  }
0x43: {  	_ =	shalt  }
0x44: {  	_ =	shalt  }
0x45: {  	_ =	shalt  }
0x46: {  	_ =	shalt  }
0x47: {  	_ =	shalt  }
0x48: {  	_ =	shalt  }
0x49: {  	_ =	shalt  }
0x4a: {  	_ =	shalt  }
0x4b: {  	_ =	shalt  }
0x4c: {  	_ =	shalt  }
0x4d: {  	_ =	shalt  }
0x4e: {  	_ =	shalt  }
0x4f: {  	_ =	shalt  }
0x50: {  	_ =	shalt  }
0x51: {  	_ =	shalt  }
0x52: {  	_ =	shalt  }
0x53: {  	_ =	shalt  }
0x54: {  	_ =	shalt  }
0x55: {  	_ =	shalt  }
0x56: {  	_ =	shalt  }
0x57: {  	_ =	shalt  }
0x58: {  	_ =	shalt  }
0x59: {  	_ =	shalt  }
0x5a: {  	_ =	shalt  }
0x5b: {  	_ =	shalt  }
0x5c: {  	_ =	shalt  }
0x5d: {  	_ =	shalt  }
0x5e: {  	_ =	shalt  }
0x5f: {  	_ =	shalt  }
0x60: {  	_ =	shalt  }
0x61: {  	_ =	shalt  }
0x62: {  	_ =	shalt  }
0x63: {  	_ =	shalt  }
0x64: {  	_ =	shalt  }
0x65: {  	_ =	shalt  }
0x66: {  	_ =	shalt  }
0x67: {  	_ =	shalt  }
0x68: {  	_ =	shalt  }
0x69: {  	_ =	shalt  }
0x6a: {  	_ =	shalt  }
0x6b: {  	_ =	shalt  }
0x6c: {  	_ =	shalt  }
0x6d: {  	_ =	shalt  }
0x6e: {  	_ =	shalt  }
0x6f: {  	_ =	shalt  }
0x70: {  	_ =	shalt  }
0x71: {  	_ =	shalt  }
0x72: {  	_ =	shalt  }
0x73: {  	_ =	shalt  }
0x74: {  	_ =	shalt  }
0x75: {  	_ =	shalt  }
0x76: {  	_ =	shalt  }
0x77: {  	_ =	shalt  }
0x78: {  	_ =	shalt  }
0x79: {  	_ =	shalt  }
0x7a: {  	_ =	shalt  }
0x7b: {  	_ =	shalt  }
0x7c: {  	_ =	shalt  }
0x7d: {  	_ =	shalt  }
0x7e: {  	_ =	shalt  }
0x7f: {  	_ =	shalt  }
0x80: {  	_ =	shalt  }
0x81: {  	_ =	shalt  }
0x82: {  	_ =	shalt  }
0x83: {  	_ =	shalt  }
0x84: {  	_ =	shalt  }
0x85: {  	_ =	shalt  }
0x86: {  	_ =	shalt  }
0x87: {  	_ =	shalt  }
.Lfunc_end0:
.L_simem_size_0:
called_computation_lowered:
.L_overlay_start_0:
0x88: {  	s2 =	sld [smem:$0x3FD9]  }
0x89: {  	s3 =	sld [smem:$0x3FFE];
	_ =	sdelay $0x1  }
0x8a: {  	s1 =	srdreg.scid  }
0x8b: {  	s0 =	sand.u32 $0x1, s1  }
0x8c: {  	s18 =	sshll.u32 s0, $0xA;
	s2 =	sadd.s32 s3, s2  }
0x8d: {  	s2 =	sadd.s32 s2, s18  }
0x8e: {  	[smem:$0x3FC6] =	sst s2  }
0x8f: {  	_ = 	snop  }
0x90: {  	s2 =	sld [smem:$0x3FC9]  }
0x91: {  	s19 =	sld [smem:$0x3FC8]  }
0x92: {  	s4 =	sld [smem:$0x3FD0];
	(tm) =	ssettm $0x1  }
0x93: {  	s5 =	sld [smem:$0x3FFB];
	_ =	sdelay $0x3  }
0x94: {  	_ =	strace s5  }
0x95: {  	s5 =	sld [smem:$0x3FFC];
	_ =	sdelay $0x3  }
0x96: {  	_ =	strace s5  }
0x97: {  	s5 =	sld [smem:$0x3FFD];
	_ =	sdelay $0x3  }
0x98: {  	_ =	strace s5  }
0x99: {  	_ =	strace $0x8FFFFFFF  }
0x9a: {  	s20 =	sld [smem:$0x3FDB];
	_ =	sdelay $0x1  }
0x9b: {  	s6 =	simm.s32 $_scs_section_size  }
0x9c: {  	s7 =	simm.s32 $_size__tile_overlayer_lowered;
	s8 =	simm.s32 $_tile_overlayer_lowered  }
0x9d: {  	s23 =	simm.s32 $0x1BFF;
	s22 =	sshll.u32 s8, $0x1;
	s5 =	sadd.s32 s6, s20  }
0x9e: {  	s9 =	simm.s32 $0x0;
	s21 =	sshll.u32 s7, $0x1;
	s7 =	sadd.s32 s22, s5  }
0x9f: {  	[timem:s9], [sflag:s23] =	dma.local [hbm:s7], s21  }
0xa0: {  	_ =	swait.ge [sflag:s23], s21  }
0xa1: {  	s6 =	ssub.s32 $0x0, s21;
	[sflag:s23] =	ssyncset.done $0x0  }
0xa2: {  	[sflag:s23] =	ssyncadd.s32 s6;
	_ =	sdelay $0x1  }
0xa3: {  	s24 =	simm.s32 $0x1B8B  }
0xa4: {  	_ =	swait.ge [sflag:s24], $0x1  }
0xa5: {  	[sflag:s24] =	ssyncset.done $0x0  }
0xa6: {  	s25 =	simm.s32 $0x1B8E;
	[sflag:s24] =	ssyncadd.s32 $0xFFFFFFFF  }
0xa7: {  	s26 =	simm.s32 $execute0_lowered;
	[smem:$0x3FD2] =	sst s25  }
0xa8: {  	s6 =	sshll.u32 s26, $0x1;
	_ =	strace $0x80000046;
	[dreg:$0x1] =	wrdreg $0xFFFFFFFF  }
0xa9: {  	s28 =	simm.s32 $_size_execute0_lowered;
	s5 =	sadd.s32 s5, s6;
	[dreg:$0x0] =	wrdreg $0x0  }
0xaa: {  	s6 =	sshll.u32 s28, $0x1;
	[dreg:$0x2] =	wrdreg s5  }
0xab: {  	[dreg:$0x3] =	wrdreg s6  }
0xac: {  	[dreg:$0x4] =	wrdreg $0xC0  }
0xad: {  	_ =	task [dreg:s9], $0x5FFFF  }
0xae: {  	[dreg:$0x1] =	wrdreg $0xFFFFFFFF  }
0xaf: {  	[dreg:$0x0] =	wrdreg $0x60  }
0xb0: {  	[dreg:$0x2] =	wrdreg s2  }
0xb1: {  	[dreg:$0x3] =	wrdreg s19  }
0xb2: {  	[dreg:$0x4] =	wrdreg s4  }
0xb3: {  	[dreg:$0x5] =	wrdreg $0x9  }
0xb4: {  	_ =	task.clear_ibuf [dreg:s9], $0x6FFFF;
	_ =	strace $0x90000046  }
0xb5: {  	s29 =	simm.s32 $0x9;
	_ =	strace $0x80000048  }
0xb6: {  	_ =	swait.ge [sflag:s29], $0x1  }
0xb7: {  	[sflag:s29] =	ssyncadd.s32 $0xFFFFFFFF  }
0xb8: {  	_ =	strace $0x90000048  }
0xb9: {  	_ =	sfence  }
0xba: {  	s30 =	sld [smem:$0x0];
	_ =	sdelay $0x2  }
0xbb: {  	s31 =	sshll.u32 s1, $0xD;
	s1 =	sshrl.u32 s1, $0x2  }
0xbc: {  	s3 =	sand.u32 $0x4000, s31;
	s1 =	sadd.s32 s1, s30  }
0xbd: {  	s0 =	sor.u32 s3, s0;
	s1 =	sshll.u32 s1, $0x11  }
0xbe: {  	s0 =	sor.u32 s1, s0  }
0xbf: {  	s0 =	sadd.s32 $0x8F2B, s0  }
0xc0: {  	[sflag:s0] =	ssyncadd.remote.s32 $0x1  }
0xc1: {  	_ =	sfence.sel $0xFFFF  }
0xc2: {  	[dreg:$0x0] =	wrdreg $0xFFFFFFFF;
	(pc) =	sbr.abs _section_cstart, $3  }
0xc3: {  	[dreg:$0x1] =	wrdreg $0xFFFFFFFF  }
0xc4: {  	_ =	task.clear_ibuf [dreg:s9], $0x2FFFF;
	_ =	strace $0x9FFFFFFF  }
0xc5: {  	(tm) =	ssettm $0x7FFFFFFF  }
tec
execute0_lowered:
.L_overlay_start_1:
0x0: {  	(tag) =	ssettag $0x1  }
0x1: {  	s1 =	rddreg [dreg:$0x0]  }
0x2: {  	s6 =	rddreg [dreg:$0x1];
	s0 =	srdreg.scid;
	s5 =	simm.s32 $0x0  }
0x3: {  	s7 =	stileid.u32;
	s20 =	simm.s32 $0x80;
	s21 =	simm.s32 $0x400  }
0x4: {  	s23 =	simm.s32 $0x2;
	s24 =	simm.s32 $0x80000000;
	s28 =	simm.s32 $0x2E80  }
0x5: {  	s0 =	sand.u32 $0x1, s0;
	[smem:$0x7FF] =	sst s5;
	s3 =	sshrl.u32 s7, $0x1  }
0x6: {  	s25 =	sshll.u32 s7, $0x9;
	s10 =	sadd.s32 $0x100, s6;
	s11 =	sadd.s32 $0x200, s6  }
0x7: {  	s12 =	sadd.s32 $0x300, s6;
	s13 =	sadd.s32 $0x400, s6;
	s14 =	sadd.s32 $0x500, s6  }
0x8: {  	s15 =	sadd.s32 $0x600, s6;
	s16 =	sadd.s32 $0x700, s6;
	s2 =	ssub.s32 $0x2, s0  }
0x9: {  	_ =	strace $0x80000047;
	s8 =	smul.u32 $0xFA000, s3;
	s3 =	sshll.u32 s3, $0xE  }
0xa: {  	s0 =	sshll.u32 s0, $0x8;
	s31 =	sand.u32 $0x200, s25;
	[dreg:$0x8] =	wrdreg s3  }
0xb: {  	s25 =	simm.s32 $0x2E00;
	s0 =	sor.u32 s0, s31;
	[dreg:$0x4] =	wrdreg s8  }
.Ltmp0:
0xc: {  	s26 =	sadd.s32 $0xA000, s8;
	[dreg:$0xa] =	wrdreg s0;
	(pc) =	sbr.rel .LBB2_1-.Ltmp0, $4  }
0xd: {  	s4 =	sshrl.u32 s2, $0x1;
	s29 =	sadd.s32 $0x14000, s8;
	[dreg:$0x5] =	wrdreg s26  }
0xe: {  	s2 =	ssub.s32 s2, s4;
	s30 =	sadd.s32 $0x1E000, s8;
	[dreg:$0x6] =	wrdreg s29  }
0xf: {  	v0 =	vimm.s32 $0x0;
	v1 =	vimm.f32 $-Inf;
	v2 =	vimm.s32 $0x80000000;
	s3 =	simm.s32 $0x3;
	[dreg:$0x7] =	wrdreg s30;
	s2 =	smax.u32 s2, $0x1  }
0x10: {  	v3 =	vimm.s32 $0x32;
	v18 =	vimm.s32 $0xB;
	v19 =	vimm.s32 $0xC;
	s26 =	simm.s32 $0x2F00;
	[dreg:$0x9] =	wrdreg s2;
	s2 =	simm.s32 $0x0  }
.LBB2_75:
0x11: {  	s2 =	rddreg [dreg:$0xb]  }
0x12: {  	s0 =	rddreg [dreg:$0x9];
	s2 =	sadd.s32 $0x1, s2  }
0x13: {  	p0 =	sne.s32 s2, s0  }
.Ltmp1:
0x14: {  	_ = 	snop;
	(pc) =	sbr.rel @!p0 .LBB2_76-.Ltmp1, $1  }
0x15: {  	_ =	sdelay $0x3  }
.LBB2_1:
0x16: {  	[dreg:$0xb] =	wrdreg s2;
	p1 =	por $0x1, $0x1;
	s0 =	simm.s32 $0x0  }
.LBB2_2:
0x17: {  	[tilespmem:$0x1F800] =	vst v0  }
0x18: {  	[tilespmem:$0x1F880] =	vst v1  }
0x19: {  	[tilespmem:$0x2800] =	vst v2  }
0x1a: {  	[tilespmem:$0x2810] =	vst v2  }
0x1b: {  	[tilespmem:$0x2820] =	vst v2  }
0x1c: {  	[tilespmem:$0x2830] =	vst v2  }
0x1d: {  	[tilespmem:$0x2840] =	vst v2  }
0x1e: {  	[tilespmem:$0x2850] =	vst v2  }
0x1f: {  	[tilespmem:$0x2860] =	vst v2  }
0x20: {  	[tilespmem:$0x2870] =	vst v2  }
0x21: {  	[tilespmem:$0x2880] =	vst v2  }
0x22: {  	[tilespmem:$0x2890] =	vst v2  }
0x23: {  	[tilespmem:$0x28A0] =	vst v2  }
0x24: {  	[tilespmem:$0x28B0] =	vst v2  }
0x25: {  	[tilespmem:$0x28C0] =	vst v2  }
0x26: {  	[tilespmem:$0x28D0] =	vst v2  }
0x27: {  	[tilespmem:$0x28E0] =	vst v2  }
0x28: {  	[tilespmem:$0x28F0] =	vst v2  }
0x29: {  	[tilespmem:$0x2900] =	vst v2  }
0x2a: {  	[tilespmem:$0x2910] =	vst v2  }
0x2b: {  	[tilespmem:$0x2920] =	vst v2  }
0x2c: {  	[tilespmem:$0x2930] =	vst v2  }
0x2d: {  	[tilespmem:$0x2940] =	vst v2  }
0x2e: {  	[tilespmem:$0x2950] =	vst v2  }
0x2f: {  	[tilespmem:$0x2960] =	vst v2  }
0x30: {  	[tilespmem:$0x2970] =	vst v2  }
0x31: {  	[tilespmem:$0x2980] =	vst v2  }
0x32: {  	[tilespmem:$0x2990] =	vst v2  }
0x33: {  	[tilespmem:$0x29A0] =	vst v2  }
0x34: {  	[tilespmem:$0x29B0] =	vst v2;
	s2 =	rddreg [dreg:$0xa]  }
0x35: {  	[tilespmem:$0x29C0] =	vst v2;
	s18 =	rddreg [dreg:$0x4];
	s6 =	sor.u32 s2, s0  }
0x36: {  	[tilespmem:$0x29D0] =	vst v2;
	s0 =	sor.u32 s18, s6  }
0x37: {  	[tilespmem:$0x29E0] =	vst v2;
	s0 =	sshrl.u32 s0, $0x3  }
0x38: {  	[tilespmem:$0x29F0] =	vst v2;
	s4 =	simm.s32 $0x0;
	s19 =	rddreg [dreg:$0x5];
	s0 =	sadd.s32 s1, s0  }
0x39: {  	[tilespmem:s4], [sflag:$0x2] =	stream.strided.gather [hbm4b:s0+s20], $0x1400, s21, s20, $0x38;
	[tilespmem:$0x1F900] =	vst v63  }
.Ltmp2:
0x3a: {  	s0 =	sor.u32 s19, s6;
	(pc) =	sbr.rel .LBB2_3-.Ltmp2, $4  }
0x3b: {  	s22 =	simm.s32 $0x1400;
	s30 =	rddreg [dreg:$0x6];
	s0 =	sshrl.u32 s0, $0x3  }
0x3c: {  	p0 =	por p1, p1;
	s31 =	rddreg [dreg:$0x7];
	s0 =	sadd.s32 s1, s0  }
0x3d: {  	[tilespmem:s22], [sflag:$0x3] =	stream.strided.gather [hbm4b:s0+s20], $0x1400, s21, s20, $0x38;
	[tilespmem:$0x1F900] =	vst v63  }
0x3e: {  	[dreg:$0xc] =	wrdreg s6;
	s29 =	sor.u32 s6, s31;
	s22 =	sor.u32 s6, s30  }
.LBB2_51:
0x3f: {  	p1 =	sgt.u32 s4, $0xA  }
0x40: {  	s0 =	sadd.s32 @!p1 s31, s29  }
0x41: {  	s2 =	simm.s32 @!p1 $0x80;
	s0 =	sshrl.u32 @!p1 s0, $0x3  }
0x42: {  	s6 =	simm.s32 @!p1 $0x400;
	s7 =	simm.s32 @!p1 $0x1400;
	s0 =	sadd.s32 @!p1 s1, s0  }
0x43: {  	[tilespmem:s7], [sflag:$0x3] =	stream.strided.gather @!p1 [hbm4b:s0+s2], $0x1400, s6, s2, $0x38;
	[tilespmem:$0x1F900] =	vst v63  }
.LBB2_52:
0x44: {  	s4 =	sadd.s32 $0x1, s4  }
0x45: {  	p1 =	sne.s32 s4, $0xD  }
.Ltmp3:
0x46: {  	_ = 	snop;
	(pc) =	sbr.rel @!p1 .LBB2_53-.Ltmp3, $1  }
0x47: {  	_ =	sdelay $0x3  }
.LBB2_3:
.Ltmp4:
0x48: {  	(pc) =	sbr.rel .LBB2_4-.Ltmp4, $4  }
0x49: {  	_ = 	snop  }
0x4a: {  	_ =	swait.ge [sflag:s23], $0x1400  }
0x4b: {  	[sflag:s23] =	ssyncset.done $0x0  }
0x4c: {  	s31 =	smul.u32 $0x2800, s4;
	s7 =	simm.s32 $0x0;
	[sflag:s23] =	ssyncadd.s32 $0xFFFFEC00  }
.LBB2_13:
0x4d: {  	[tilespmem:$0x2E30] =	vst v1  }
0x4e: {  	v6 =	vxor.u32 $0x80000000, v5;
	[tilespmem:$0x2EB0] =	vst v2  }
.LBB2_24:
0x4f: {  	[tilespmem:$0x2840] =	vst v2  }
0x50: {  	[tilespmem:$0x2850] =	vst v2  }
0x51: {  	[tilespmem:$0x2860] =	vst v2  }
0x52: {  	[tilespmem:$0x2870] =	vst v2  }
0x53: {  	[tilespmem:$0x2880] =	vst v2  }
0x54: {  	[tilespmem:$0x2890] =	vst v2  }
0x55: {  	[tilespmem:$0x28A0] =	vst v2  }
0x56: {  	[tilespmem:$0x28B0] =	vst v2  }
0x57: {  	[tilespmem:$0x28C0] =	vst v2  }
0x58: {  	[tilespmem:$0x28D0] =	vst v2  }
0x59: {  	[tilespmem:$0x28E0] =	vst v2  }
0x5a: {  	[tilespmem:$0x28F0] =	vst v2  }
0x5b: {  	[tilespmem:$0x2900] =	vst v2  }
0x5c: {  	[tilespmem:$0x2910] =	vst v2  }
0x5d: {  	[tilespmem:$0x2920] =	vst v2  }
0x5e: {  	[tilespmem:$0x2930] =	vst v2  }
0x5f: {  	[tilespmem:$0x2940] =	vst v2  }
0x60: {  	[tilespmem:$0x2950] =	vst v2  }
0x61: {  	[tilespmem:$0x2960] =	vst v2  }
0x62: {  	[tilespmem:$0x2970] =	vst v2  }
0x63: {  	[tilespmem:$0x2980] =	vst v2  }
0x64: {  	[tilespmem:$0x2990] =	vst v2  }
0x65: {  	[tilespmem:$0x29A0] =	vst v2  }
0x66: {  	[tilespmem:$0x29B0] =	vst v2  }
0x67: {  	[tilespmem:$0x29C0] =	vst v2  }
0x68: {  	v8 =	vld [tilespmem:$0x2E80];
	[tilespmem:$0x29D0] =	vst v2  }
0x69: {  	v9 =	vld [tilespmem:$0x2E00];
	[tilespmem:$0x29E0] =	vst v2  }
0x6a: {  	v10 =	vld [tilespmem:$0x2F00];
	[tilespmem:$0x29F0] =	vst v2;
	v63 =	vxor.u32 $0xFFFFFFFF, v5;
	vm0 =	vlt.s32 v5, $0x0  }
0x6b: {  	v11 =	vld [tilespmem:$0x2E90];
	[tilespmem:$0x1F800] =	vst v3;
	v5 =	vsel vm0, v6, v63  }
0x6c: {  	v12 =	vld [tilespmem:$0x2E10];
	[tilespmem:$0x1F880] =	vst v5  }
0x6d: {  	v56 =	vld [tilespmem:$0x2F10];
	[tilespmem:$0x2800] =	vst v8  }
0x6e: {  	v57 =	vld [tilespmem:$0x2EA0];
	[tilespmem:$0x2A00] =	vst v9  }
0x6f: {  	v58 =	vld [tilespmem:$0x2E20];
	[tilespmem:$0x2C00] =	vst v10  }
0x70: {  	v59 =	vld [tilespmem:$0x2F20];
	[tilespmem:$0x2810] =	vst v11  }
0x71: {  	v60 =	vld [tilespmem:$0x2EB0];
	[tilespmem:$0x2A10] =	vst v12  }
0x72: {  	v61 =	vld [tilespmem:$0x2E30];
	[tilespmem:$0x2C10] =	vst v56  }
0x73: {  	v62 =	vld [tilespmem:$0x2F30];
	[tilespmem:$0x2820] =	vst v57  }
0x74: {  	[tilespmem:$0x2A20] =	vst v58  }
0x75: {  	[tilespmem:$0x2C20] =	vst v59  }
0x76: {  	[tilespmem:$0x2830] =	vst v60  }
0x77: {  	[tilespmem:$0x2A30] =	vst v61  }
0x78: {  	[tilespmem:$0x2C30] =	vst v62  }
.LBB2_25:
0x79: {  	s7 =	sadd.s32 $0x1, s7  }
0x7a: {  	p1 =	sne.s32 s7, $0x14  }
.Ltmp5:
0x7b: {  	_ = 	snop;
	(pc) =	sbr.rel @!p1 .LBB2_26-.Ltmp5, $1  }
0x7c: {  	_ =	sdelay $0x3  }
.LBB2_4:
0x7d: {  	s6 =	sshll.u32 s7, $0x8  }
0x7e: {  	v11 =	vld [tilespmem:s6+$0x0]  }
0x7f: {  	v12 =	vld [tilespmem:s6+$0x10]  }
0x80: {  	v28 =	vld [tilespmem:s6+$0x20]  }
0x81: {  	v29 =	vld [tilespmem:s6+$0x30]  }
0x82: {  	v30 =	vld [tilespmem:s6+$0x40]  }
0x83: {  	v27 =	vld [tilespmem:s6+$0x50]  }
0x84: {  	v26 =	vld [tilespmem:s6+$0x60];
	v5 =	vmax.f32 v11, v12  }
0x85: {  	v25 =	vld [tilespmem:s6+$0x70];
	v5 =	vmax.f32 v5, v28  }
0x86: {  	v24 =	vld [tilespmem:s6+$0x80];
	v5 =	vmax.f32 v5, v29  }
0x87: {  	v22 =	vld [tilespmem:s6+$0x90];
	v5 =	vmax.f32 v5, v30  }
0x88: {  	v20 =	vld [tilespmem:s6+$0xA0];
	v5 =	vmax.f32 v5, v27  }
0x89: {  	v10 =	vld [tilespmem:s6+$0xB0];
	v5 =	vmax.f32 v5, v26  }
0x8a: {  	v9 =	vld [tilespmem:s6+$0xC0];
	v5 =	vmax.f32 v5, v25  }
0x8b: {  	v8 =	vld [tilespmem:s6+$0xD0];
	v5 =	vmax.f32 v5, v24  }
0x8c: {  	v6 =	vld [tilespmem:s6+$0xE0];
	v21 =	vmax.f32 v5, v22  }
0x8d: {  	v5 =	vld [tilespmem:s6+$0xF0];
	v21 =	vmax.f32 v21, v20  }
0x8e: {  	v23 =	vld [tilespmem:$0x1F880];
	v21 =	vmax.f32 v21, v10  }
0x8f: {  	v21 =	vmax.f32 v21, v9  }
0x90: {  	v21 =	vmax.f32 v21, v8  }
0x91: {  	v21 =	vmax.f32 v21, v6  }
0x92: {  	v21 =	vmax.f32 v21, v5  }
0x93: {  	vm0 =	vgt.f32 v21, v23  }
0x94: {  	v21 =	vmpcnt.ones.xlane vm0;
	_ =	sdelay $0x1  }
0x95: {  	(v2sf) =	vpush v21, $0x0;
	_ =	sdelay $0xe  }
0x96: {  	s0 =	spop (v2sf)  }
0x97: {  	p1 =	slt.s32 s0, $0x1  }
0x98: {  	vm1 =	vgt.f32 @!p1 v11, v23;
	v21 =	vimm.s32 @!p1 $0x0  }
0x99: {  	v31 =	vsel @!p1 vm1, $0x1, v21  }
0x9a: {  	(xrf0) =	vadd.scan.msk.s32 @!p1 $0xffff, v31;
	_ =	sdelay $0x1  }
0x9b: {  	vm3 =	vgt.f32 @!p1 v12, v23;
	v31 =	vld @!p1 [tilespmem:$0x1F800]  }
0x9c: {  	v32 =	vsel @!p1 vm3, $0x1, v21  }
0x9d: {  	(xrf0) =	vadd.scan.msk.s32 @!p1 $0xffff, v32;
	_ =	sdelay $0x1  }
0x9e: {  	vm2 =	vgt.f32 @!p1 v28, v23;
	v32, _, _ =	vpop @!p1 (xrf0)  }
0x9f: {  	v33 =	vsel @!p1 vm2, $0x1, v21;
	v34 =	vmpcnt.ones.xlane @!p1 vm1;
	v32 =	vadd.s32 @!p1 v31, v32  }
0xa0: {  	vm0 =	vgt.f32 @!p1 v29, v23;
	(xrf0) =	vadd.scan.msk.s32 @!p1 $0xffff, v33;
	v32 =	vadd.s32 @!p1 $0xFFFFFFFF, v32  }
0xa1: {  	v31 =	vadd.s32 @!p1 v31, v34;
	v34 =	vsel @!p1 vm0, $0x1, v21  }
0xa2: {  	v33, _, _ =	vpop @!p1 (xrf0);
	(xrf0) =	vadd.scan.msk.s32 @!p1 $0xffff, v34;
	v34 =	vmpcnt.ones.xlane @!p1 vm3  }
0xa3: {  	v33 =	vadd.s32 @!p1 v31, v33  }
0xa4: {  	vm4 =	vlt.s32 @!p1 v11, $0x0;
	s8 =	simm.s32 @!p1 $0x2A00;
	v35 =	vxor.u32 @!p1 $0x7FFFFFFF, v11;
	v33 =	vadd.s32 @!p1 $0xFFFFFFFF, v33  }
0xa5: {  	s9 =	sadd.s32 @!p1 s31, s6;
	s6 =	simm.s32 @!p1 $0x2800;
	v35 =	vsel @!p1 vm4, v35, v11;
	[tilespmem:v32+s8+$0x0] =	vst.idx.msk @!p1 vm1, v11;
	v11 =	vlaneseq.u32 @!p1  }
0xa6: {  	s17 =	simm.s32 @!p1 $0x2C00;
	vm5 =	vgt.f32 @!p1 v30, v23;
	v31 =	vadd.s32 @!p1 v31, v34;
	v34, _, _ =	vpop @!p1 (xrf0);
	[tilespmem:v32+s6+$0x0] =	vst.idx.msk @!p1 vm1, v35;
	v35 =	vor.u32 @!p1 s9, v11  }
0xa7: {  	[tilespmem:v32+s17+$0x0] =	vst.idx.msk @!p1 vm1, v35;
	v32 =	vadd.s32 @!p1 v31, v34;
	v34 =	vsel @!p1 vm5, $0x1, v21  }
0xa8: {  	vm1 =	vlt.s32 @!p1 v12, $0x0;
	v35 =	vxor.u32 @!p1 $0x7FFFFFFF, v12;
	(xrf0) =	vadd.scan.msk.s32 @!p1 $0xffff, v34;
	v34 =	vmpcnt.ones.xlane @!p1 vm2  }
0xa9: {  	s0 =	sor.u32 @!p1 $0x10, s9;
	v32 =	vadd.s32 @!p1 $0xFFFFFFFF, v32;
	[tilespmem:v33+s8+$0x0] =	vst.idx.msk @!p1 vm3, v12;
	v12 =	vsel @!p1 vm1, v35, v12  }
0xaa: {  	vm1 =	vgt.f32 @!p1 v27, v23;
	[tilespmem:v33+s6+$0x0] =	vst.idx.msk @!p1 vm3, v12;
	v12 =	vor.u32 @!p1 s0, v11  }
0xab: {  	[tilespmem:v33+s17+$0x0] =	vst.idx.msk @!p1 vm3, v12;
	v33 =	vsel @!p1 vm1, $0x1, v21  }
0xac: {  	v31 =	vadd.s32 @!p1 v31, v34;
	v34, _, _ =	vpop @!p1 (xrf0);
	(xrf0) =	vadd.scan.msk.s32 @!p1 $0xffff, v33;
	v33 =	vmpcnt.ones.xlane @!p1 vm0  }
0xad: {  	vm3 =	vlt.s32 @!p1 v28, $0x0;
	v12 =	vadd.s32 @!p1 v31, v34;
	v34 =	vxor.u32 @!p1 $0x7FFFFFFF, v28  }
0xae: {  	s0 =	sor.u32 @!p1 $0x20, s9;
	[tilespmem:v32+s8+$0x0] =	vst.idx.msk @!p1 vm2, v28;
	v12 =	vadd.s32 @!p1 $0xFFFFFFFF, v12;
	v28 =	vsel @!p1 vm3, v34, v28  }
0xaf: {  	vm3 =	vgt.f32 @!p1 v26, v23;
	[tilespmem:v32+s6+$0x0] =	vst.idx.msk @!p1 vm2, v28;
	v28 =	vor.u32 @!p1 s0, v11  }
0xb0: {  	v31 =	vadd.s32 @!p1 v31, v33;
	v33, _, _ =	vpop @!p1 (xrf0);
	[tilespmem:v32+s17+$0x0] =	vst.idx.msk @!p1 vm2, v28;
	v32 =	vsel @!p1 vm3, $0x1, v21  }
0xb1: {  	v28 =	vadd.s32 @!p1 v31, v33;
	(xrf0) =	vadd.scan.msk.s32 @!p1 $0xffff, v32;
	v32 =	vmpcnt.ones.xlane @!p1 vm5  }
0xb2: {  	vm2 =	vlt.s32 @!p1 v29, $0x0;
	v33 =	vxor.u32 @!p1 $0x7FFFFFFF, v29;
	v28 =	vadd.s32 @!p1 $0xFFFFFFFF, v28  }
0xb3: {  	s0 =	sor.u32 @!p1 $0x30, s9;
	v33 =	vsel @!p1 vm2, v33, v29;
	[tilespmem:v12+s8+$0x0] =	vst.idx.msk @!p1 vm0, v29  }
0xb4: {  	vm4 =	vgt.f32 @!p1 v25, v23;
	v29 =	vor.u32 @!p1 s0, v11;
	[tilespmem:v12+s6+$0x0] =	vst.idx.msk @!p1 vm0, v33  }
0xb5: {  	v31 =	vadd.s32 @!p1 v31, v32;
	v32, _, _ =	vpop @!p1 (xrf0);
	[tilespmem:v12+s17+$0x0] =	vst.idx.msk @!p1 vm0, v29;
	v29 =	vsel @!p1 vm4, $0x1, v21  }
0xb6: {  	vm0 =	vlt.s32 @!p1 v30, $0x0;
	v12 =	vadd.s32 @!p1 v31, v32;
	v32 =	vxor.u32 @!p1 $0x7FFFFFFF, v30;
	(xrf0) =	vadd.scan.msk.s32 @!p1 $0xffff, v29  }
0xb7: {  	s0 =	sor.u32 @!p1 $0x40, s9;
	v12 =	vadd.s32 @!p1 $0xFFFFFFFF, v12;
	[tilespmem:v28+s8+$0x0] =	vst.idx.msk @!p1 vm5, v30;
	v30 =	vsel @!p1 vm0, v32, v30  }
0xb8: {  	vm2 =	vgt.f32 @!p1 v24, v23;
	v29 =	vmpcnt.ones.xlane @!p1 vm1;
	[tilespmem:v28+s6+$0x0] =	vst.idx.msk @!p1 vm5, v30;
	v30 =	vor.u32 @!p1 s0, v11  }
0xb9: {  	v32 =	vmpcnt.ones.xlane @!p1 vm3;
	[tilespmem:v28+s17+$0x0] =	vst.idx.msk @!p1 vm5, v30;
	v30 =	vsel @!p1 vm2, $0x1, v21  }
0xba: {  	vm0 =	vlt.s32 @!p1 v27, $0x0;
	v29 =	vadd.s32 @!p1 v31, v29;
	v31, _, _ =	vpop @!p1 (xrf0)  }
0xbb: {  	v28 =	vadd.s32 @!p1 v29, v31;
	v31 =	vxor.u32 @!p1 $0x7FFFFFFF, v27;
	v29 =	vadd.s32 @!p1 v29, v32  }
0xbc: {  	s0 =	sor.u32 @!p1 $0x50, s9;
	v28 =	vadd.s32 @!p1 $0xFFFFFFFF, v28;
	(xrf0) =	vadd.scan.msk.s32 @!p1 $0xffff, v30;
	[tilespmem:v12+s8+$0x0] =	vst.idx.msk @!p1 vm1, v27;
	v27 =	vsel @!p1 vm0, v31, v27;
	v30, _, _ =	vpop @!p1 (xrf0)  }
0xbd: {  	[tilespmem:v12+s6+$0x0] =	vst.idx.msk @!p1 vm1, v27;
	v27 =	vor.u32 @!p1 s0, v11;
	v30 =	vadd.s32 @!p1 v29, v30  }
0xbe: {  	vm0 =	vgt.f32 @!p1 v22, v23;
	[tilespmem:v12+s17+$0x0] =	vst.idx.msk @!p1 vm1, v27;
	v27 =	vadd.s32 @!p1 $0xFFFFFFFF, v30;
	v30 =	vmpcnt.ones.xlane @!p1 vm4  }
0xbf: {  	vm5 =	vlt.s32 @!p1 v26, $0x0;
	v31 =	vsel @!p1 vm0, $0x1, v21  }
0xc0: {  	v32 =	vmpcnt.ones.xlane @!p1 vm2;
	s0 =	sor.u32 @!p1 $0x60, s9;
	(xrf0) =	vadd.scan.msk.s32 @!p1 $0xffff, v31;
	v31 =	vxor.u32 @!p1 $0x7FFFFFFF, v26;
	vm1 =	vgt.f32 @!p1 v20, v23  }
0xc1: {  	v12 =	vsel @!p1 vm5, v31, v26;
	[tilespmem:v28+s8+$0x0] =	vst.idx.msk @!p1 vm3, v26;
	v26 =	vor.u32 @!p1 s0, v11;
	vm5 =	vlt.s32 @!p1 v25, $0x0  }
0xc2: {  	v31 =	vsel @!p1 vm1, $0x1, v21;
	[tilespmem:v28+s6+$0x0] =	vst.idx.msk @!p1 vm3, v12;
	v12 =	vxor.u32 @!p1 $0x7FFFFFFF, v25;
	v29 =	vadd.s32 @!p1 v29, v30;
	v30, _, _ =	vpop @!p1 (xrf0)  }
0xc3: {  	v12 =	vsel @!p1 vm5, v12, v25;
	[tilespmem:v28+s17+$0x0] =	vst.idx.msk @!p1 vm3, v26;
	vm3 =	vlt.s32 @!p1 v24, $0x0;
	v30 =	vadd.s32 @!p1 v29, v30  }
0xc4: {  	s0 =	sor.u32 @!p1 $0x70, s9;
	v28 =	vxor.u32 @!p1 $0x7FFFFFFF, v24;
	(xrf0) =	vadd.scan.msk.s32 @!p1 $0xffff, v31;
	[tilespmem:v27+s8+$0x0] =	vst.idx.msk @!p1 vm4, v25;
	v26 =	vadd.s32 @!p1 $0xFFFFFFFF, v30  }
0xc5: {  	v28 =	vsel @!p1 vm3, v28, v24;
	v25 =	vor.u32 @!p1 s0, v11;
	[tilespmem:v27+s6+$0x0] =	vst.idx.msk @!p1 vm4, v12  }
0xc6: {  	vm3 =	vgt.f32 @!p1 v10, v23;
	v29 =	vadd.s32 @!p1 v29, v32;
	[tilespmem:v27+s17+$0x0] =	vst.idx.msk @!p1 vm4, v25;
	v27 =	vmpcnt.ones.xlane @!p1 vm0;
	v30, _, _ =	vpop @!p1 (xrf0)  }
0xc7: {  	vm6 =	vgt.f32 @!p1 v8, v23;
	s0 =	sor.u32 @!p1 $0x80, s9;
	v12 =	vadd.s32 @!p1 v29, v30;
	v30 =	vsel @!p1 vm3, $0x1, v21  }
0xc8: {  	vm5 =	vlt.s32 @!p1 v22, $0x0;
	v31 =	vor.u32 @!p1 s0, v11;
	v12 =	vadd.s32 @!p1 $0xFFFFFFFF, v12;
	(xrf0) =	vadd.scan.msk.s32 @!p1 $0xffff, v30  }
0xc9: {  	v25 =	vxor.u32 @!p1 $0x7FFFFFFF, v22;
	[tilespmem:v26+s8+$0x0] =	vst.idx.msk @!p1 vm2, v24;
	v24 =	vadd.s32 @!p1 v29, v27;
	v29 =	vmpcnt.ones.xlane @!p1 vm1  }
0xca: {  	v25 =	vsel @!p1 vm5, v25, v22;
	vm5 =	vgt.f32 @!p1 v9, v23;
	v27, _, _ =	vpop @!p1 (xrf0);
	[tilespmem:v26+s6+$0x0] =	vst.idx.msk @!p1 vm2, v28;
	v28 =	vmpcnt.ones.xlane @!p1 vm3  }
0xcb: {  	v30 =	vsel @!p1 vm5, $0x1, v21;
	v27 =	vadd.s32 @!p1 v24, v27;
	v24 =	vadd.s32 @!p1 v24, v29  }
0xcc: {  	vm4 =	vgt.f32 @!p1 v6, v23;
	[tilespmem:v26+s17+$0x0] =	vst.idx.msk @!p1 vm2, v31;
	v26 =	vadd.s32 @!p1 v24, v28;
	v28 =	vmpcnt.ones.xlane @!p1 vm5  }
0xcd: {  	(xrf0) =	vadd.scan.msk.s32 @!p1 $0xffff, v30;
	v29 =	vmpcnt.ones.xlane @!p1 vm6;
	[tilespmem:v12+s8+$0x0] =	vst.idx.msk @!p1 vm0, v22;
	v22 =	vsel @!p1 vm6, $0x1, v21  }
0xce: {  	vm2 =	vgt.f32 @!p1 v5, v23;
	v30, _, _ =	vpop @!p1 (xrf0);
	v28 =	vadd.s32 @!p1 v26, v28;
	(xrf0) =	vadd.scan.msk.s32 @!p1 $0xffff, v22;
	v22 =	vmpcnt.ones.xlane @!p1 vm4  }
0xcf: {  	[tilespmem:v12+s6+$0x0] =	vst.idx.msk @!p1 vm0, v25;
	v25 =	vmpcnt.ones.xlane @!p1 vm2;
	v23 =	vadd.s32 @!p1 v24, v30;
	v24 =	vadd.s32 @!p1 v28, v29  }
0xd0: {  	v27 =	vadd.s32 @!p1 $0xFFFFFFFF, v27;
	v22 =	vadd.s32 @!p1 v24, v22  }
0xd1: {  	s0 =	sor.u32 @!p1 $0x90, s9;
	v25 =	vadd.s32 @!p1 v22, v25  }
0xd2: {  	v32 =	vor.u32 @!p1 s0, v11;
	(v2sf) =	vpush @!p1 v25, $0x0  }
0xd3: {  	[tilespmem:v12+s17+$0x0] =	vst.idx.msk @!p1 vm0, v32;
	v12 =	vadd.s32 @!p1 $0xFFFFFFFF, v23;
	v23 =	vsel @!p1 vm4, $0x1, v21  }
0xd4: {  	vm0 =	vlt.s32 @!p1 v20, $0x0;
	v29, _, _ =	vpop @!p1 (xrf0);
	(xrf0) =	vadd.scan.msk.s32 @!p1 $0xffff, v23;
	v23 =	vxor.u32 @!p1 $0x7FFFFFFF, v20  }
0xd5: {  	s0 =	sor.u32 @!p1 $0xA0, s9;
	[tilespmem:v27+s8+$0x0] =	vst.idx.msk @!p1 vm1, v20;
	v23 =	vsel @!p1 vm0, v23, v20;
	v20 =	vadd.s32 @!p1 v26, v29  }
0xd6: {  	[tilespmem:v27+s6+$0x0] =	vst.idx.msk @!p1 vm1, v23;
	v23 =	vor.u32 @!p1 s0, v11;
	v20 =	vadd.s32 @!p1 $0xFFFFFFFF, v20  }
0xd7: {  	v21 =	vsel @!p1 vm2, $0x1, v21;
	vm0 =	vlt.s32 @!p1 v10, $0x0;
	[tilespmem:v27+s17+$0x0] =	vst.idx.msk @!p1 vm1, v23;
	v23 =	vxor.u32 @!p1 $0x7FFFFFFF, v10;
	v26, _, _ =	vpop @!p1 (xrf0)  }
0xd8: {  	s0 =	sor.u32 @!p1 $0xB0, s9;
	(xrf0) =	vadd.scan.msk.s32 @!p1 $0xffff, v21;
	v21 =	vsel @!p1 vm0, v23, v10;
	[tilespmem:v12+s8+$0x0] =	vst.idx.msk @!p1 vm3, v10;
	v10 =	vadd.s32 @!p1 v28, v26  }
0xd9: {  	[tilespmem:v12+s6+$0x0] =	vst.idx.msk @!p1 vm3, v21;
	v21 =	vor.u32 @!p1 s0, v11;
	v10 =	vadd.s32 @!p1 $0xFFFFFFFF, v10  }
0xda: {  	vm0 =	vlt.s32 @!p1 v9, $0x0;
	v23, _, _ =	vpop @!p1 (xrf0);
	[tilespmem:v12+s17+$0x0] =	vst.idx.msk @!p1 vm3, v21;
	v12 =	vxor.u32 @!p1 $0x7FFFFFFF, v9  }
0xdb: {  	s0 =	sor.u32 @!p1 $0xC0, s9;
	v12 =	vsel @!p1 vm0, v12, v9;
	[tilespmem:v20+s8+$0x0] =	vst.idx.msk @!p1 vm5, v9;
	v9 =	vadd.s32 @!p1 v24, v23  }
0xdc: {  	[tilespmem:v20+s6+$0x0] =	vst.idx.msk @!p1 vm5, v12;
	v12 =	vor.u32 @!p1 s0, v11;
	v9 =	vadd.s32 @!p1 $0xFFFFFFFF, v9  }
0xdd: {  	vm0 =	vlt.s32 @!p1 v8, $0x0;
	[tilespmem:v20+s17+$0x0] =	vst.idx.msk @!p1 vm5, v12;
	v12 =	vxor.u32 @!p1 $0x7FFFFFFF, v8  }
0xde: {  	s0 =	sor.u32 @!p1 $0xD0, s9;
	v20, _, _ =	vpop @!p1 (xrf0);
	v12 =	vsel @!p1 vm0, v12, v8;
	[tilespmem:v10+s8+$0x0] =	vst.idx.msk @!p1 vm6, v8  }
0xdf: {  	v8 =	vadd.s32 @!p1 v22, v20;
	[tilespmem:v10+s6+$0x0] =	vst.idx.msk @!p1 vm6, v12;
	v12 =	vor.u32 @!p1 s0, v11  }
0xe0: {  	vm0 =	vlt.s32 @!p1 v6, $0x0;
	v8 =	vadd.s32 @!p1 $0xFFFFFFFF, v8;
	s0 =	sor.u32 @!p1 $0xE0, s9;
	[tilespmem:v10+s17+$0x0] =	vst.idx.msk @!p1 vm6, v12;
	v10 =	vxor.u32 @!p1 $0x7FFFFFFF, v6  }
0xe1: {  	v10 =	vsel @!p1 vm0, v10, v6;
	[tilespmem:v9+s8+$0x0] =	vst.idx.msk @!p1 vm4, v6;
	v6 =	vor.u32 @!p1 s0, v11;
	s0 =	spop @!p1 (v2sf)  }
0xe2: {  	p2 =	slt.s32 @!p1 s0, $0x100  }
0xe3: {  	[tilespmem:v9+s6+$0x0] =	vst.idx.msk @!p1 vm4, v10;
	p2 =	por p1, p2  }
.Ltmp6:
0xe4: {  	vm0 =	vlt.s32 @!p1 v5, $0x0;
	[tilespmem:v9+s17+$0x0] =	vst.idx.msk @!p1 vm4, v6;
	v6 =	vxor.u32 @!p1 $0x7FFFFFFF, v5;
	(pc) =	sbr.rel @p2 .LBB2_25-.Ltmp6, $4  }
0xe5: {  	s2 =	sor.u32 @!p1 $0xF0, s9;
	[tilespmem:v8+s8+$0x0] =	vst.idx.msk @!p1 vm2, v5;
	v5 =	vsel @!p1 vm0, v6, v5  }
0xe6: {  	[tilespmem:v8+s6+$0x0] =	vst.idx.msk @!p1 vm2, v5;
	v5 =	vor.u32 @!p1 s2, v11  }
0xe7: {  	[tilespmem:v8+s17+$0x0] =	vst.idx.msk @!p1 vm2, v5  }
0xe8: {  	[tilespmem:$0x1F800] =	vst @!p1 v25  }
0xe9: {  	s0 =	sadd.s32 $0xF, s0  }
0xea: {  	s8 =	sshra.s32 s0, $0x4  }
0xeb: {  	v5 =	vimm.s32 $0x0;
	s0 =	simm.s32 $0x0;
	p1 =	slt.s32 s8, $0x1  }
.LBB2_6:
.Ltmp7:
0xec: {  	(pc) =	sbr.rel @!p1 .LBB2_7-.Ltmp7, $1  }
0xed: {  	_ =	sdelay $0x3  }
0xee: {  	s0 =	sadd.s32 $0x1, s0  }
0xef: {  	p2 =	sne.s32 s0, $0x20  }
.Ltmp8:
0xf0: {  	_ = 	snop;
	(pc) =	sbr.rel @p2 .LBB2_6-.Ltmp8, $4  }
.Ltmp9:
0xf1: {  	_ = 	snop;
	(pc) =	sbr.rel @!p2 .LBB2_13-.Ltmp9, $4  }
0xf2: {  	_ = 	snop  }
0xf3: {  	_ = 	snop  }
0xf4: {  	_ = 	snop  }
0xf5: {  	_ = 	snop  }
.LBB2_7:
0xf6: {  	s2 =	simm.s32 $0x2800  }
0xf7: {  	p2 =	sne.s32 s8, $0x1;
	v9 =	vld [tilespmem:s2+$0x0]  }
.Ltmp10:
0xf8: {  	_ = 	snop;
	(pc) =	sbr.rel @!p2 .LBB2_9-.Ltmp10, $3  }
0xf9: {  	_ =	sdelay $0x1  }
0xfa: {  	s30 =	sshrl.u32 s24, s0  }
0xfb: {  	v8 =	vimm.s32 $0x0;
	s6 =	simm.s32 $0x2810;
	v6 =	vor.u32 s30, v5;
	s2 =	sadd.s32 $0xFFFFFFFF, s8;
	v9 =	vxor.u32 $0x80000000, v9  }
.LBB2_8:
0xfc: {  	v10 =	vld [tilespmem:s6+$0x0];
	p3 =	sne.s32 s2, $0x1;
	s2 =	sadd.s32 $0xFFFFFFFF, s2;
	vm0 =	vge.u32 v9, v6  }
.Ltmp11:
0xfd: {  	v9 =	vmpcnt.ones.xlane vm0;
	(pc) =	sbr.rel @p3 .LBB2_8-.Ltmp11, $3  }
0xfe: {  	_ = 	snop  }
0xff: {  	v8 =	vadd.s32 v8, v9;
	_ =	sdelay $0x1  }
0x100: {  	s6 =	sadd.s32 $0x10, s6;
	v9 =	vxor.u32 $0x80000000, v10  }
.LBB2_9:
0x101: {  	vm0 =	vge.u32 v9, v6;
	p3 =	seq.s32 s0, $0x1F  }
.Ltmp12:
0x102: {  	v9 =	vmpcnt.ones.xlane vm0;
	(pc) =	sbr.rel @!p3 .LBB2_6-.Ltmp12, $4  }
0x103: {  	_ = 	snop  }
0x104: {  	v8 =	vadd.s32 v8, v9  }
0x105: {  	vm15 =	vgt.s32 v8, $0x31  }
0x106: {  	s0 =	sadd.s32 $0x1, s0;
	v5 =	vsel vm15, v6, v5  }
.Ltmp13:
0x107: {  	(pc) =	sbr.rel @!p2 .LBB2_11-.Ltmp13, $4  }
0x108: {  	[tilespmem:$0x2E30] =	vst v1  }
0x109: {  	[tilespmem:$0x2EB0] =	vst v2;
	s17 =	simm.s32 $0x2800  }
0x10a: {  	s9 =	simm.s32 $0x2A00;
	v8 =	vld [tilespmem:s17+$0x0]  }
0x10b: {  	v6 =	vxor.u32 $0x80000000, v5;
	v20 =	vimm.s32 $0x0;
	s6 =	simm.s32 $0x2C00;
	s8 =	sadd.s32 $0xFFFFFFFF, s8;
	p1 =	por $0x0, $0x0;
	v9 =	vld [tilespmem:s9+$0x0]  }
0x10c: {  	_ =	sdelay $0x2  }
0x10d: {  	vm0 =	vgt.s32 v8, v6  }
0x10e: {  	v10 =	vsel vm0, $0x1, v0  }
0x10f: {  	(xrf0) =	vadd.scan.msk.s32 $0xffff, v10;
	_ =	sdelay $0x5  }
0x110: {  	v10, _, _ =	vpop (xrf0)  }
0x111: {  	v10 =	vadd.s32 v10, v20  }
0x112: {  	v10 =	vadd.s32 $0xFFFFFFFF, v10;
	_ =	sdelay $0x4  }
0x113: {  	[tilespmem:v10+s25+$0x0] =	vst.idx.msk vm0, v9  }
0x114: {  	v9 =	vld [tilespmem:s6+$0x0];
	_ =	sdelay $0x2  }
0x115: {  	p4 =	sne.s32 s8, $0x1  }
.Ltmp14:
0x116: {  	_ = 	snop;
	(pc) =	sbr.rel @!p4 .LBB2_15-.Ltmp14, $4  }
0x117: {  	v11 =	vmpcnt.ones.xlane vm0;
	[tilespmem:v10+s26+$0x0] =	vst.idx.msk vm0, v9  }
0x118: {  	s30 =	simm.s32 $0x2810;
	[tilespmem:v10+s28+$0x0] =	vst.idx.msk vm0, v8  }
0x119: {  	s0 =	simm.s32 $0x2A10;
	v11 =	vadd.s32 v20, v11;
	v8 =	vld [tilespmem:s30+$0x0]  }
0x11a: {  	s2 =	sadd.s32 $0xFFFFFFFF, s8;
	p3 =	por $0x1, $0x1;
	s19 =	simm.s32 $0x2C00;
	v10 =	vmov v11;
	v9 =	vld [tilespmem:s0+$0x0]  }
.LBB2_16:
0x11b: {  	p4 =	sne.s32 s2, $0x1;
	_ =	sdelay $0x2  }
0x11c: {  	vm0 =	vgt.s32 v8, v6  }
0x11d: {  	v12 =	vsel vm0, $0x1, v0;
	v20 =	vmpcnt.ones.xlane vm0  }
0x11e: {  	(xrf0) =	vadd.scan.msk.s32 $0xffff, v12  }
0x11f: {  	v11 =	vadd.s32 v11, v20;
	_ =	sdelay $0x4  }
0x120: {  	v12, _, _ =	vpop (xrf0)  }
0x121: {  	v12 =	vadd.s32 v12, v10;
	v10 =	vmov v11  }
0x122: {  	v12 =	vadd.s32 $0xFFFFFFFF, v12;
	_ =	sdelay $0x4  }
0x123: {  	s19 =	sadd.s32 $0x10, s19;
	[tilespmem:v12+s25+$0x0] =	vst.idx.msk vm0, v9  }
0x124: {  	v9 =	vld [tilespmem:s19+$0x0];
	_ =	sdelay $0x3  }
.Ltmp15:
0x125: {  	(pc) =	sbr.rel @p4 .LBB2_16-.Ltmp15, $4  }
0x126: {  	[tilespmem:v12+s26+$0x0] =	vst.idx.msk vm0, v9  }
0x127: {  	s30 =	sadd.s32 $0x10, s30;
	[tilespmem:v12+s28+$0x0] =	vst.idx.msk vm0, v8  }
0x128: {  	s0 =	sadd.s32 $0x10, s0;
	v8 =	vld [tilespmem:s30+$0x0]  }
0x129: {  	s2 =	sadd.s32 $0xFFFFFFFF, s2;
	v9 =	vld [tilespmem:s0+$0x0]  }
0x12a: {  	v20 =	vmov v11  }
.LBB2_18:
0x12b: {  	_ =	sdelay $0x1  }
0x12c: {  	vm0 =	vgt.s32 v8, v6  }
0x12d: {  	v11 =	vsel vm0, $0x1, v0  }
0x12e: {  	(xrf0) =	vadd.scan.msk.s32 $0xffff, v11;
	_ =	sdelay $0x5  }
0x12f: {  	v11, _, _ =	vpop (xrf0)  }
0x130: {  	v10 =	vadd.s32 v11, v10  }
0x131: {  	v10 =	vadd.s32 $0xFFFFFFFF, v10;
	_ =	sdelay $0x3  }
0x132: {  	s0 =	sadd.s32 @p3 $0x10, s19;
	s2 =	simm.s32 $0x2C00  }
0x133: {  	s2 =	smov.u32 @p3 s0;
	[tilespmem:v10+s25+$0x0] =	vst.idx.msk vm0, v9  }
0x134: {  	v9 =	vld [tilespmem:s2+$0x0];
	_ =	sdelay $0x3  }
.Ltmp16:
0x135: {  	_ = 	snop;
	(pc) =	sbr.rel @!p2 .LBB2_19-.Ltmp16, $4  }
0x136: {  	[tilespmem:v10+s26+$0x0] =	vst.idx.msk vm0, v9  }
0x137: {  	v9 =	vmpcnt.ones.xlane vm0;
	[tilespmem:v10+s28+$0x0] =	vst.idx.msk vm0, v8  }
0x138: {  	v8 =	vld [tilespmem:s17+$0x0]  }
0x139: {  	v10 =	vadd.s32 v20, v9;
	v9 =	vld [tilespmem:s9+$0x0]  }
0x13a: {  	_ =	sdelay $0x2  }
0x13b: {  	vm0 =	veq.s32 v8, v6  }
0x13c: {  	v11 =	vsel vm0, $0x1, v0  }
0x13d: {  	(xrf0) =	vadd.scan.msk.s32 $0xffff, v11;
	_ =	sdelay $0x5  }
0x13e: {  	v11, _, _ =	vpop (xrf0)  }
0x13f: {  	v11 =	vadd.s32 v11, v10  }
0x140: {  	v11 =	vadd.s32 $0xFFFFFFFF, v11  }
0x141: {  	vm1 =	vlt.s32 v11, $0x32  }
0x142: {  	vm1 =	vmand vm0, vm1;
	_ =	sdelay $0x5  }
0x143: {  	[tilespmem:v11+s25+$0x0] =	vst.idx.msk vm1, v9  }
0x144: {  	v9 =	vld [tilespmem:s6+$0x0];
	_ =	sdelay $0x2  }
0x145: {  	p2 =	sne.s32 s8, $0x1  }
.Ltmp17:
0x146: {  	_ = 	snop;
	(pc) =	sbr.rel @!p2 .LBB2_21-.Ltmp17, $4  }
0x147: {  	v12 =	vmpcnt.ones.xlane vm0;
	[tilespmem:v11+s26+$0x0] =	vst.idx.msk vm1, v9  }
0x148: {  	s9 =	simm.s32 $0x2810;
	[tilespmem:v11+s28+$0x0] =	vst.idx.msk vm1, v8  }
0x149: {  	s17 =	simm.s32 $0x2A10;
	v10 =	vadd.s32 v10, v12;
	v8 =	vld [tilespmem:s9+$0x0]  }
0x14a: {  	s0 =	sadd.s32 $0xFFFFFFFF, s8;
	p1 =	por $0x1, $0x1;
	s8 =	simm.s32 $0x2C00;
	v11 =	vmov v10;
	v9 =	vld [tilespmem:s17+$0x0]  }
.LBB2_22:
0x14b: {  	p2 =	sne.s32 s0, $0x1;
	_ =	sdelay $0x2  }
0x14c: {  	vm0 =	veq.s32 v8, v6  }
0x14d: {  	v12 =	vsel vm0, $0x1, v0;
	v20 =	vmpcnt.ones.xlane vm0  }
0x14e: {  	(xrf0) =	vadd.scan.msk.s32 $0xffff, v12  }
0x14f: {  	v11 =	vadd.s32 v11, v20;
	_ =	sdelay $0x4  }
0x150: {  	v12, _, _ =	vpop (xrf0)  }
0x151: {  	v12 =	vadd.s32 v12, v10;
	v10 =	vmov v11  }
0x152: {  	v12 =	vadd.s32 $0xFFFFFFFF, v12  }
0x153: {  	vm1 =	vlt.s32 v12, $0x32  }
0x154: {  	vm0 =	vmand vm0, vm1;
	_ =	sdelay $0x5  }
0x155: {  	s8 =	sadd.s32 $0x10, s8;
	[tilespmem:v12+s25+$0x0] =	vst.idx.msk vm0, v9  }
0x156: {  	v9 =	vld [tilespmem:s8+$0x0];
	_ =	sdelay $0x3  }
.Ltmp18:
0x157: {  	(pc) =	sbr.rel @p2 .LBB2_22-.Ltmp18, $4  }
0x158: {  	[tilespmem:v12+s26+$0x0] =	vst.idx.msk vm0, v9  }
0x159: {  	s9 =	sadd.s32 $0x10, s9;
	[tilespmem:v12+s28+$0x0] =	vst.idx.msk vm0, v8  }
0x15a: {  	s17 =	sadd.s32 $0x10, s17;
	v8 =	vld [tilespmem:s9+$0x0]  }
0x15b: {  	s0 =	sadd.s32 $0xFFFFFFFF, s0;
	v9 =	vld [tilespmem:s17+$0x0]  }
.LBB2_23:
0x15c: {  	_ =	sdelay $0x2  }
0x15d: {  	vm0 =	veq.s32 v8, v6  }
0x15e: {  	v11 =	vsel vm0, $0x1, v0  }
0x15f: {  	(xrf0) =	vadd.scan.msk.s32 $0xffff, v11;
	_ =	sdelay $0x5  }
0x160: {  	v11, _, _ =	vpop (xrf0)  }
0x161: {  	v10 =	vadd.s32 v11, v10  }
0x162: {  	v10 =	vadd.s32 $0xFFFFFFFF, v10  }
0x163: {  	vm1 =	vlt.s32 v10, $0x32  }
0x164: {  	vm0 =	vmand vm0, vm1;
	_ =	sdelay $0x4  }
0x165: {  	s0 =	sadd.s32 @p1 $0x10, s8  }
0x166: {  	s6 =	smov.u32 @p1 s0;
	[tilespmem:v10+s25+$0x0] =	vst.idx.msk vm0, v9  }
0x167: {  	v9 =	vld [tilespmem:s6+$0x0];
	_ =	sdelay $0x1  }
.Ltmp19:
0x168: {  	_ = 	snop;
	(pc) =	sbr.rel .LBB2_24-.Ltmp19, $3  }
0x169: {  	_ =	sdelay $0x1  }
0x16a: {  	[tilespmem:v10+s26+$0x0] =	vst.idx.msk vm0, v9  }
0x16b: {  	[tilespmem:v10+s28+$0x0] =	vst.idx.msk vm0, v8  }
.LBB2_11:
.Ltmp20:
0x16c: {  	(pc) =	sbr.rel .LBB2_18-.Ltmp20, $2  }
0x16d: {  	_ =	sdelay $0x2  }
0x16e: {  	v10 =	vimm.s32 $0x0;
	s19 =	simm.s32 $0x2C00;
	p3 =	por $0x0, $0x0  }
.LBB2_19:
.Ltmp21:
0x16f: {  	(pc) =	sbr.rel .LBB2_23-.Ltmp21, $2  }
0x170: {  	_ =	sdelay $0x2  }
0x171: {  	s8 =	simm.s32 $0x2C00  }
.LBB2_15:
.Ltmp22:
0x172: {  	(pc) =	sbr.rel .LBB2_18-.Ltmp22, $2  }
0x173: {  	_ =	sdelay $0x2  }
0x174: {  	v20 =	vmov v11;
	v10 =	vmov v11;
	s19 =	simm.s32 $0x2C00  }
.LBB2_21:
.Ltmp23:
0x175: {  	(pc) =	sbr.rel .LBB2_23-.Ltmp23, $2  }
0x176: {  	_ =	sdelay $0x2  }
0x177: {  	s8 =	simm.s32 $0x2C00  }
.LBB2_26:
0x178: {  	p1 =	seq.s32 s4, $0xC  }
.Ltmp24:
0x179: {  	_ = 	snop;
	(pc) =	sbr.rel @p1 .LBB2_53-.Ltmp24, $1  }
0x17a: {  	_ =	sdelay $0x3  }
0x17b: {  	s31 =	smul.u32 $0x14000, s4;
	_ =	sdelay $0x1  }
0x17c: {  	s0 =	sadd.s32 s31, s22  }
0x17d: {  	s0 =	sshrl.u32 s0, $0x3  }
0x17e: {  	s0 =	sadd.s32 s1, s0  }
0x17f: {  	[tilespmem:s5], [sflag:$0x2] =	stream.strided.gather [hbm4b:s0+s20], $0x1400, s21, s20, $0x38;
	[tilespmem:$0x1F900] =	vst v63  }
0x180: {  	s0 =	sshllo.u32 s4, $0x1  }
0x181: {  	p1 =	sgt.u32 s0, $0x18  }
.Ltmp25:
0x182: {  	_ = 	snop;
	(pc) =	sbr.rel @p1 .LBB2_52-.Ltmp25, $1  }
0x183: {  	_ =	sdelay $0x3  }
.Ltmp26:
0x184: {  	(pc) =	sbr.rel .LBB2_29-.Ltmp26, $4  }
0x185: {  	_ = 	snop  }
0x186: {  	_ =	swait.ge [sflag:s3], $0x1400  }
0x187: {  	[sflag:s3] =	ssyncset.done $0x0  }
0x188: {  	s7 =	smul.u32 $0x1400, s0;
	s8 =	simm.s32 $0x0;
	[sflag:s3] =	ssyncadd.s32 $0xFFFFEC00  }
.LBB2_38:
0x189: {  	[tilespmem:$0x2E30] =	vst v1  }
0x18a: {  	v6 =	vxor.u32 $0x80000000, v5;
	[tilespmem:$0x2EB0] =	vst v2  }
.LBB2_49:
0x18b: {  	[tilespmem:$0x2840] =	vst v2  }
0x18c: {  	[tilespmem:$0x2850] =	vst v2  }
0x18d: {  	[tilespmem:$0x2860] =	vst v2  }
0x18e: {  	[tilespmem:$0x2870] =	vst v2  }
0x18f: {  	[tilespmem:$0x2880] =	vst v2  }
0x190: {  	[tilespmem:$0x2890] =	vst v2  }
0x191: {  	[tilespmem:$0x28A0] =	vst v2  }
0x192: {  	[tilespmem:$0x28B0] =	vst v2  }
0x193: {  	[tilespmem:$0x28C0] =	vst v2  }
0x194: {  	[tilespmem:$0x28D0] =	vst v2  }
0x195: {  	[tilespmem:$0x28E0] =	vst v2  }
0x196: {  	[tilespmem:$0x28F0] =	vst v2  }
0x197: {  	[tilespmem:$0x2900] =	vst v2  }
0x198: {  	[tilespmem:$0x2910] =	vst v2  }
0x199: {  	[tilespmem:$0x2920] =	vst v2  }
0x19a: {  	[tilespmem:$0x2930] =	vst v2  }
0x19b: {  	[tilespmem:$0x2940] =	vst v2  }
0x19c: {  	[tilespmem:$0x2950] =	vst v2  }
0x19d: {  	[tilespmem:$0x2960] =	vst v2  }
0x19e: {  	[tilespmem:$0x2970] =	vst v2  }
0x19f: {  	[tilespmem:$0x2980] =	vst v2  }
0x1a0: {  	[tilespmem:$0x2990] =	vst v2  }
0x1a1: {  	[tilespmem:$0x29A0] =	vst v2  }
0x1a2: {  	[tilespmem:$0x29B0] =	vst v2  }
0x1a3: {  	[tilespmem:$0x29C0] =	vst v2  }
0x1a4: {  	v8 =	vld [tilespmem:$0x2E80];
	[tilespmem:$0x29D0] =	vst v2  }
0x1a5: {  	v9 =	vld [tilespmem:$0x2E00];
	[tilespmem:$0x29E0] =	vst v2  }
0x1a6: {  	v10 =	vld [tilespmem:$0x2F00];
	[tilespmem:$0x29F0] =	vst v2;
	v63 =	vxor.u32 $0xFFFFFFFF, v5;
	vm0 =	vlt.s32 v5, $0x0  }
0x1a7: {  	v11 =	vld [tilespmem:$0x2E90];
	[tilespmem:$0x1F800] =	vst v3;
	v5 =	vsel vm0, v6, v63  }
0x1a8: {  	v12 =	vld [tilespmem:$0x2E10];
	[tilespmem:$0x1F880] =	vst v5  }
0x1a9: {  	v56 =	vld [tilespmem:$0x2F10];
	[tilespmem:$0x2800] =	vst v8  }
0x1aa: {  	v57 =	vld [tilespmem:$0x2EA0];
	[tilespmem:$0x2A00] =	vst v9  }
0x1ab: {  	v58 =	vld [tilespmem:$0x2E20];
	[tilespmem:$0x2C00] =	vst v10  }
0x1ac: {  	v59 =	vld [tilespmem:$0x2F20];
	[tilespmem:$0x2810] =	vst v11  }
0x1ad: {  	v60 =	vld [tilespmem:$0x2EB0];
	[tilespmem:$0x2A10] =	vst v12  }
0x1ae: {  	v61 =	vld [tilespmem:$0x2E30];
	[tilespmem:$0x2C10] =	vst v56  }
0x1af: {  	v62 =	vld [tilespmem:$0x2F30];
	[tilespmem:$0x2820] =	vst v57  }
0x1b0: {  	[tilespmem:$0x2A20] =	vst v58  }
0x1b1: {  	[tilespmem:$0x2C20] =	vst v59  }
0x1b2: {  	[tilespmem:$0x2830] =	vst v60  }
0x1b3: {  	[tilespmem:$0x2A30] =	vst v61  }
0x1b4: {  	[tilespmem:$0x2C30] =	vst v62  }
.LBB2_50:
0x1b5: {  	s8 =	sadd.s32 $0x1, s8  }
0x1b6: {  	p1 =	sne.s32 s8, $0x14  }
.Ltmp27:
0x1b7: {  	_ = 	snop;
	(pc) =	sbr.rel @!p1 .LBB2_51-.Ltmp27, $1  }
0x1b8: {  	_ =	sdelay $0x3  }
.LBB2_29:
0x1b9: {  	s6 =	sshll.u32 s8, $0x8  }
0x1ba: {  	v11 =	vld [tilespmem:s6+$0x1400]  }
0x1bb: {  	v12 =	vld [tilespmem:s6+$0x1410]  }
0x1bc: {  	v28 =	vld [tilespmem:s6+$0x1420]  }
0x1bd: {  	v29 =	vld [tilespmem:s6+$0x1430]  }
0x1be: {  	v30 =	vld [tilespmem:s6+$0x1440]  }
0x1bf: {  	v27 =	vld [tilespmem:s6+$0x1450]  }
0x1c0: {  	v26 =	vld [tilespmem:s6+$0x1460];
	v5 =	vmax.f32 v11, v12  }
0x1c1: {  	v25 =	vld [tilespmem:s6+$0x1470];
	v5 =	vmax.f32 v5, v28  }
0x1c2: {  	v24 =	vld [tilespmem:s6+$0x1480];
	v5 =	vmax.f32 v5, v29  }
0x1c3: {  	v22 =	vld [tilespmem:s6+$0x1490];
	v5 =	vmax.f32 v5, v30  }
0x1c4: {  	v20 =	vld [tilespmem:s6+$0x14A0];
	v5 =	vmax.f32 v5, v27  }
0x1c5: {  	v10 =	vld [tilespmem:s6+$0x14B0];
	v5 =	vmax.f32 v5, v26  }
0x1c6: {  	v9 =	vld [tilespmem:s6+$0x14C0];
	v5 =	vmax.f32 v5, v25  }
0x1c7: {  	v8 =	vld [tilespmem:s6+$0x14D0];
	v5 =	vmax.f32 v5, v24  }
0x1c8: {  	v6 =	vld [tilespmem:s6+$0x14E0];
	v21 =	vmax.f32 v5, v22  }
0x1c9: {  	v5 =	vld [tilespmem:s6+$0x14F0];
	v21 =	vmax.f32 v21, v20  }
0x1ca: {  	v23 =	vld [tilespmem:$0x1F880];
	v21 =	vmax.f32 v21, v10  }
0x1cb: {  	v21 =	vmax.f32 v21, v9  }
0x1cc: {  	v21 =	vmax.f32 v21, v8  }
0x1cd: {  	v21 =	vmax.f32 v21, v6  }
0x1ce: {  	v21 =	vmax.f32 v21, v5  }
0x1cf: {  	vm0 =	vgt.f32 v21, v23  }
0x1d0: {  	v21 =	vmpcnt.ones.xlane vm0;
	_ =	sdelay $0x1  }
0x1d1: {  	(v2sf) =	vpush v21, $0x0;
	_ =	sdelay $0xe  }
0x1d2: {  	s0 =	spop (v2sf)  }
0x1d3: {  	p1 =	slt.s32 s0, $0x1  }
0x1d4: {  	vm1 =	vgt.f32 @!p1 v11, v23;
	v21 =	vimm.s32 @!p1 $0x0  }
0x1d5: {  	v31 =	vsel @!p1 vm1, $0x1, v21  }
0x1d6: {  	(xrf0) =	vadd.scan.msk.s32 @!p1 $0xffff, v31;
	_ =	sdelay $0x1  }
0x1d7: {  	vm3 =	vgt.f32 @!p1 v12, v23;
	v31 =	vld @!p1 [tilespmem:$0x1F800]  }
0x1d8: {  	v32 =	vsel @!p1 vm3, $0x1, v21  }
0x1d9: {  	(xrf0) =	vadd.scan.msk.s32 @!p1 $0xffff, v32;
	_ =	sdelay $0x1  }
0x1da: {  	vm2 =	vgt.f32 @!p1 v28, v23;
	v32, _, _ =	vpop @!p1 (xrf0)  }
0x1db: {  	v33 =	vsel @!p1 vm2, $0x1, v21;
	v34 =	vmpcnt.ones.xlane @!p1 vm1;
	v32 =	vadd.s32 @!p1 v31, v32  }
0x1dc: {  	vm0 =	vgt.f32 @!p1 v29, v23;
	(xrf0) =	vadd.scan.msk.s32 @!p1 $0xffff, v33;
	v32 =	vadd.s32 @!p1 $0xFFFFFFFF, v32  }
0x1dd: {  	v31 =	vadd.s32 @!p1 v31, v34;
	v34 =	vsel @!p1 vm0, $0x1, v21  }
0x1de: {  	v33, _, _ =	vpop @!p1 (xrf0);
	(xrf0) =	vadd.scan.msk.s32 @!p1 $0xffff, v34;
	v34 =	vmpcnt.ones.xlane @!p1 vm3  }
0x1df: {  	v33 =	vadd.s32 @!p1 v31, v33  }
0x1e0: {  	vm4 =	vlt.s32 @!p1 v11, $0x0;
	s9 =	simm.s32 @!p1 $0x2A00;
	v35 =	vxor.u32 @!p1 $0x7FFFFFFF, v11;
	v33 =	vadd.s32 @!p1 $0xFFFFFFFF, v33  }
0x1e1: {  	s6 =	sadd.s32 @!p1 s7, s6;
	s17 =	simm.s32 @!p1 $0x2800;
	v35 =	vsel @!p1 vm4, v35, v11;
	[tilespmem:v32+s9+$0x0] =	vst.idx.msk @!p1 vm1, v11;
	v11 =	vlaneseq.u32 @!p1  }
0x1e2: {  	s19 =	simm.s32 @!p1 $0x2C00;
	vm5 =	vgt.f32 @!p1 v30, v23;
	v31 =	vadd.s32 @!p1 v31, v34;
	v34, _, _ =	vpop @!p1 (xrf0);
	[tilespmem:v32+s17+$0x0] =	vst.idx.msk @!p1 vm1, v35;
	v35 =	vor.u32 @!p1 s6, v11  }
0x1e3: {  	[tilespmem:v32+s19+$0x0] =	vst.idx.msk @!p1 vm1, v35;
	v32 =	vadd.s32 @!p1 v31, v34;
	v34 =	vsel @!p1 vm5, $0x1, v21  }
0x1e4: {  	vm1 =	vlt.s32 @!p1 v12, $0x0;
	v35 =	vxor.u32 @!p1 $0x7FFFFFFF, v12;
	(xrf0) =	vadd.scan.msk.s32 @!p1 $0xffff, v34;
	v34 =	vmpcnt.ones.xlane @!p1 vm2  }
0x1e5: {  	s0 =	sor.u32 @!p1 $0x10, s6;
	v32 =	vadd.s32 @!p1 $0xFFFFFFFF, v32;
	[tilespmem:v33+s9+$0x0] =	vst.idx.msk @!p1 vm3, v12;
	v12 =	vsel @!p1 vm1, v35, v12  }
0x1e6: {  	vm1 =	vgt.f32 @!p1 v27, v23;
	[tilespmem:v33+s17+$0x0] =	vst.idx.msk @!p1 vm3, v12;
	v12 =	vor.u32 @!p1 s0, v11  }
0x1e7: {  	[tilespmem:v33+s19+$0x0] =	vst.idx.msk @!p1 vm3, v12;
	v33 =	vsel @!p1 vm1, $0x1, v21  }
0x1e8: {  	v31 =	vadd.s32 @!p1 v31, v34;
	v34, _, _ =	vpop @!p1 (xrf0);
	(xrf0) =	vadd.scan.msk.s32 @!p1 $0xffff, v33;
	v33 =	vmpcnt.ones.xlane @!p1 vm0  }
0x1e9: {  	vm3 =	vlt.s32 @!p1 v28, $0x0;
	v12 =	vadd.s32 @!p1 v31, v34;
	v34 =	vxor.u32 @!p1 $0x7FFFFFFF, v28  }
0x1ea: {  	s0 =	sor.u32 @!p1 $0x20, s6;
	[tilespmem:v32+s9+$0x0] =	vst.idx.msk @!p1 vm2, v28;
	v12 =	vadd.s32 @!p1 $0xFFFFFFFF, v12;
	v28 =	vsel @!p1 vm3, v34, v28  }
0x1eb: {  	vm3 =	vgt.f32 @!p1 v26, v23;
	[tilespmem:v32+s17+$0x0] =	vst.idx.msk @!p1 vm2, v28;
	v28 =	vor.u32 @!p1 s0, v11  }
0x1ec: {  	v31 =	vadd.s32 @!p1 v31, v33;
	v33, _, _ =	vpop @!p1 (xrf0);
	[tilespmem:v32+s19+$0x0] =	vst.idx.msk @!p1 vm2, v28;
	v32 =	vsel @!p1 vm3, $0x1, v21  }
0x1ed: {  	v28 =	vadd.s32 @!p1 v31, v33;
	(xrf0) =	vadd.scan.msk.s32 @!p1 $0xffff, v32;
	v32 =	vmpcnt.ones.xlane @!p1 vm5  }
0x1ee: {  	vm2 =	vlt.s32 @!p1 v29, $0x0;
	v33 =	vxor.u32 @!p1 $0x7FFFFFFF, v29;
	v28 =	vadd.s32 @!p1 $0xFFFFFFFF, v28  }
0x1ef: {  	s0 =	sor.u32 @!p1 $0x30, s6;
	v33 =	vsel @!p1 vm2, v33, v29;
	[tilespmem:v12+s9+$0x0] =	vst.idx.msk @!p1 vm0, v29  }
0x1f0: {  	vm4 =	vgt.f32 @!p1 v25, v23;
	v29 =	vor.u32 @!p1 s0, v11;
	[tilespmem:v12+s17+$0x0] =	vst.idx.msk @!p1 vm0, v33  }
0x1f1: {  	v31 =	vadd.s32 @!p1 v31, v32;
	v32, _, _ =	vpop @!p1 (xrf0);
	[tilespmem:v12+s19+$0x0] =	vst.idx.msk @!p1 vm0, v29;
	v29 =	vsel @!p1 vm4, $0x1, v21  }
0x1f2: {  	vm0 =	vlt.s32 @!p1 v30, $0x0;
	v12 =	vadd.s32 @!p1 v31, v32;
	v32 =	vxor.u32 @!p1 $0x7FFFFFFF, v30;
	(xrf0) =	vadd.scan.msk.s32 @!p1 $0xffff, v29  }
0x1f3: {  	s0 =	sor.u32 @!p1 $0x40, s6;
	v12 =	vadd.s32 @!p1 $0xFFFFFFFF, v12;
	[tilespmem:v28+s9+$0x0] =	vst.idx.msk @!p1 vm5, v30;
	v30 =	vsel @!p1 vm0, v32, v30  }
0x1f4: {  	vm2 =	vgt.f32 @!p1 v24, v23;
	v29 =	vmpcnt.ones.xlane @!p1 vm1;
	[tilespmem:v28+s17+$0x0] =	vst.idx.msk @!p1 vm5, v30;
	v30 =	vor.u32 @!p1 s0, v11  }
0x1f5: {  	v32 =	vmpcnt.ones.xlane @!p1 vm3;
	[tilespmem:v28+s19+$0x0] =	vst.idx.msk @!p1 vm5, v30;
	v30 =	vsel @!p1 vm2, $0x1, v21  }
0x1f6: {  	vm0 =	vlt.s32 @!p1 v27, $0x0;
	v29 =	vadd.s32 @!p1 v31, v29;
	v31, _, _ =	vpop @!p1 (xrf0)  }
0x1f7: {  	v28 =	vadd.s32 @!p1 v29, v31;
	v31 =	vxor.u32 @!p1 $0x7FFFFFFF, v27;
	v29 =	vadd.s32 @!p1 v29, v32  }
0x1f8: {  	s0 =	sor.u32 @!p1 $0x50, s6;
	v28 =	vadd.s32 @!p1 $0xFFFFFFFF, v28;
	(xrf0) =	vadd.scan.msk.s32 @!p1 $0xffff, v30;
	[tilespmem:v12+s9+$0x0] =	vst.idx.msk @!p1 vm1, v27;
	v27 =	vsel @!p1 vm0, v31, v27;
	v30, _, _ =	vpop @!p1 (xrf0)  }
0x1f9: {  	[tilespmem:v12+s17+$0x0] =	vst.idx.msk @!p1 vm1, v27;
	v27 =	vor.u32 @!p1 s0, v11;
	v30 =	vadd.s32 @!p1 v29, v30  }
0x1fa: {  	vm0 =	vgt.f32 @!p1 v22, v23;
	[tilespmem:v12+s19+$0x0] =	vst.idx.msk @!p1 vm1, v27;
	v27 =	vadd.s32 @!p1 $0xFFFFFFFF, v30;
	v30 =	vmpcnt.ones.xlane @!p1 vm4  }
0x1fb: {  	vm5 =	vlt.s32 @!p1 v26, $0x0;
	v31 =	vsel @!p1 vm0, $0x1, v21  }
0x1fc: {  	v32 =	vmpcnt.ones.xlane @!p1 vm2;
	s0 =	sor.u32 @!p1 $0x60, s6;
	(xrf0) =	vadd.scan.msk.s32 @!p1 $0xffff, v31;
	v31 =	vxor.u32 @!p1 $0x7FFFFFFF, v26;
	vm1 =	vgt.f32 @!p1 v20, v23  }
0x1fd: {  	v12 =	vsel @!p1 vm5, v31, v26;
	[tilespmem:v28+s9+$0x0] =	vst.idx.msk @!p1 vm3, v26;
	v26 =	vor.u32 @!p1 s0, v11;
	vm5 =	vlt.s32 @!p1 v25, $0x0  }
0x1fe: {  	v31 =	vsel @!p1 vm1, $0x1, v21;
	[tilespmem:v28+s17+$0x0] =	vst.idx.msk @!p1 vm3, v12;
	v12 =	vxor.u32 @!p1 $0x7FFFFFFF, v25;
	v29 =	vadd.s32 @!p1 v29, v30;
	v30, _, _ =	vpop @!p1 (xrf0)  }
0x1ff: {  	v12 =	vsel @!p1 vm5, v12, v25;
	[tilespmem:v28+s19+$0x0] =	vst.idx.msk @!p1 vm3, v26;
	vm3 =	vlt.s32 @!p1 v24, $0x0;
	v30 =	vadd.s32 @!p1 v29, v30  }
0x200: {  	s0 =	sor.u32 @!p1 $0x70, s6;
	v28 =	vxor.u32 @!p1 $0x7FFFFFFF, v24;
	(xrf0) =	vadd.scan.msk.s32 @!p1 $0xffff, v31;
	[tilespmem:v27+s9+$0x0] =	vst.idx.msk @!p1 vm4, v25;
	v26 =	vadd.s32 @!p1 $0xFFFFFFFF, v30  }
0x201: {  	v28 =	vsel @!p1 vm3, v28, v24;
	v25 =	vor.u32 @!p1 s0, v11;
	[tilespmem:v27+s17+$0x0] =	vst.idx.msk @!p1 vm4, v12  }
0x202: {  	vm3 =	vgt.f32 @!p1 v10, v23;
	v29 =	vadd.s32 @!p1 v29, v32;
	[tilespmem:v27+s19+$0x0] =	vst.idx.msk @!p1 vm4, v25;
	v27 =	vmpcnt.ones.xlane @!p1 vm0;
	v30, _, _ =	vpop @!p1 (xrf0)  }
0x203: {  	vm6 =	vgt.f32 @!p1 v8, v23;
	s0 =	sor.u32 @!p1 $0x80, s6;
	v12 =	vadd.s32 @!p1 v29, v30;
	v30 =	vsel @!p1 vm3, $0x1, v21  }
0x204: {  	vm5 =	vlt.s32 @!p1 v22, $0x0;
	v31 =	vor.u32 @!p1 s0, v11;
	v12 =	vadd.s32 @!p1 $0xFFFFFFFF, v12;
	(xrf0) =	vadd.scan.msk.s32 @!p1 $0xffff, v30  }
0x205: {  	v25 =	vxor.u32 @!p1 $0x7FFFFFFF, v22;
	[tilespmem:v26+s9+$0x0] =	vst.idx.msk @!p1 vm2, v24;
	v24 =	vadd.s32 @!p1 v29, v27;
	v29 =	vmpcnt.ones.xlane @!p1 vm1  }
0x206: {  	v25 =	vsel @!p1 vm5, v25, v22;
	vm5 =	vgt.f32 @!p1 v9, v23;
	v27, _, _ =	vpop @!p1 (xrf0);
	[tilespmem:v26+s17+$0x0] =	vst.idx.msk @!p1 vm2, v28;
	v28 =	vmpcnt.ones.xlane @!p1 vm3  }
0x207: {  	v30 =	vsel @!p1 vm5, $0x1, v21;
	v27 =	vadd.s32 @!p1 v24, v27;
	v24 =	vadd.s32 @!p1 v24, v29  }
0x208: {  	vm4 =	vgt.f32 @!p1 v6, v23;
	[tilespmem:v26+s19+$0x0] =	vst.idx.msk @!p1 vm2, v31;
	v26 =	vadd.s32 @!p1 v24, v28;
	v28 =	vmpcnt.ones.xlane @!p1 vm5  }
0x209: {  	(xrf0) =	vadd.scan.msk.s32 @!p1 $0xffff, v30;
	v29 =	vmpcnt.ones.xlane @!p1 vm6;
	[tilespmem:v12+s9+$0x0] =	vst.idx.msk @!p1 vm0, v22;
	v22 =	vsel @!p1 vm6, $0x1, v21  }
0x20a: {  	vm2 =	vgt.f32 @!p1 v5, v23;
	v30, _, _ =	vpop @!p1 (xrf0);
	v28 =	vadd.s32 @!p1 v26, v28;
	(xrf0) =	vadd.scan.msk.s32 @!p1 $0xffff, v22;
	v22 =	vmpcnt.ones.xlane @!p1 vm4  }
0x20b: {  	[tilespmem:v12+s17+$0x0] =	vst.idx.msk @!p1 vm0, v25;
	v25 =	vmpcnt.ones.xlane @!p1 vm2;
	v23 =	vadd.s32 @!p1 v24, v30;
	v24 =	vadd.s32 @!p1 v28, v29  }
0x20c: {  	v27 =	vadd.s32 @!p1 $0xFFFFFFFF, v27;
	v22 =	vadd.s32 @!p1 v24, v22  }
0x20d: {  	s0 =	sor.u32 @!p1 $0x90, s6;
	v25 =	vadd.s32 @!p1 v22, v25  }
0x20e: {  	v32 =	vor.u32 @!p1 s0, v11;
	(v2sf) =	vpush @!p1 v25, $0x0  }
0x20f: {  	[tilespmem:v12+s19+$0x0] =	vst.idx.msk @!p1 vm0, v32;
	v12 =	vadd.s32 @!p1 $0xFFFFFFFF, v23;
	v23 =	vsel @!p1 vm4, $0x1, v21  }
0x210: {  	vm0 =	vlt.s32 @!p1 v20, $0x0;
	v29, _, _ =	vpop @!p1 (xrf0);
	(xrf0) =	vadd.scan.msk.s32 @!p1 $0xffff, v23;
	v23 =	vxor.u32 @!p1 $0x7FFFFFFF, v20  }
0x211: {  	s0 =	sor.u32 @!p1 $0xA0, s6;
	[tilespmem:v27+s9+$0x0] =	vst.idx.msk @!p1 vm1, v20;
	v23 =	vsel @!p1 vm0, v23, v20;
	v20 =	vadd.s32 @!p1 v26, v29  }
0x212: {  	[tilespmem:v27+s17+$0x0] =	vst.idx.msk @!p1 vm1, v23;
	v23 =	vor.u32 @!p1 s0, v11;
	v20 =	vadd.s32 @!p1 $0xFFFFFFFF, v20  }
0x213: {  	v21 =	vsel @!p1 vm2, $0x1, v21;
	vm0 =	vlt.s32 @!p1 v10, $0x0;
	[tilespmem:v27+s19+$0x0] =	vst.idx.msk @!p1 vm1, v23;
	v23 =	vxor.u32 @!p1 $0x7FFFFFFF, v10;
	v26, _, _ =	vpop @!p1 (xrf0)  }
0x214: {  	s0 =	sor.u32 @!p1 $0xB0, s6;
	(xrf0) =	vadd.scan.msk.s32 @!p1 $0xffff, v21;
	v21 =	vsel @!p1 vm0, v23, v10;
	[tilespmem:v12+s9+$0x0] =	vst.idx.msk @!p1 vm3, v10;
	v10 =	vadd.s32 @!p1 v28, v26  }
0x215: {  	[tilespmem:v12+s17+$0x0] =	vst.idx.msk @!p1 vm3, v21;
	v21 =	vor.u32 @!p1 s0, v11;
	v10 =	vadd.s32 @!p1 $0xFFFFFFFF, v10  }
0x216: {  	vm0 =	vlt.s32 @!p1 v9, $0x0;
	v23, _, _ =	vpop @!p1 (xrf0);
	[tilespmem:v12+s19+$0x0] =	vst.idx.msk @!p1 vm3, v21;
	v12 =	vxor.u32 @!p1 $0x7FFFFFFF, v9  }
0x217: {  	s0 =	sor.u32 @!p1 $0xC0, s6;
	v12 =	vsel @!p1 vm0, v12, v9;
	[tilespmem:v20+s9+$0x0] =	vst.idx.msk @!p1 vm5, v9;
	v9 =	vadd.s32 @!p1 v24, v23  }
0x218: {  	[tilespmem:v20+s17+$0x0] =	vst.idx.msk @!p1 vm5, v12;
	v12 =	vor.u32 @!p1 s0, v11;
	v9 =	vadd.s32 @!p1 $0xFFFFFFFF, v9  }
0x219: {  	vm0 =	vlt.s32 @!p1 v8, $0x0;
	[tilespmem:v20+s19+$0x0] =	vst.idx.msk @!p1 vm5, v12;
	v12 =	vxor.u32 @!p1 $0x7FFFFFFF, v8  }
0x21a: {  	s0 =	sor.u32 @!p1 $0xD0, s6;
	v20, _, _ =	vpop @!p1 (xrf0);
	v12 =	vsel @!p1 vm0, v12, v8;
	[tilespmem:v10+s9+$0x0] =	vst.idx.msk @!p1 vm6, v8  }
0x21b: {  	v8 =	vadd.s32 @!p1 v22, v20;
	[tilespmem:v10+s17+$0x0] =	vst.idx.msk @!p1 vm6, v12;
	v12 =	vor.u32 @!p1 s0, v11  }
0x21c: {  	vm0 =	vlt.s32 @!p1 v6, $0x0;
	v8 =	vadd.s32 @!p1 $0xFFFFFFFF, v8;
	s0 =	sor.u32 @!p1 $0xE0, s6;
	[tilespmem:v10+s19+$0x0] =	vst.idx.msk @!p1 vm6, v12;
	v10 =	vxor.u32 @!p1 $0x7FFFFFFF, v6  }
0x21d: {  	v10 =	vsel @!p1 vm0, v10, v6;
	[tilespmem:v9+s9+$0x0] =	vst.idx.msk @!p1 vm4, v6;
	v6 =	vor.u32 @!p1 s0, v11;
	s0 =	spop @!p1 (v2sf)  }
0x21e: {  	p2 =	slt.s32 @!p1 s0, $0x100  }
0x21f: {  	[tilespmem:v9+s17+$0x0] =	vst.idx.msk @!p1 vm4, v10;
	p2 =	por p1, p2  }
.Ltmp28:
0x220: {  	vm0 =	vlt.s32 @!p1 v5, $0x0;
	[tilespmem:v9+s19+$0x0] =	vst.idx.msk @!p1 vm4, v6;
	v6 =	vxor.u32 @!p1 $0x7FFFFFFF, v5;
	(pc) =	sbr.rel @p2 .LBB2_50-.Ltmp28, $4  }
0x221: {  	s2 =	sor.u32 @!p1 $0xF0, s6;
	[tilespmem:v8+s9+$0x0] =	vst.idx.msk @!p1 vm2, v5;
	v5 =	vsel @!p1 vm0, v6, v5  }
0x222: {  	[tilespmem:v8+s17+$0x0] =	vst.idx.msk @!p1 vm2, v5;
	v5 =	vor.u32 @!p1 s2, v11  }
0x223: {  	[tilespmem:v8+s19+$0x0] =	vst.idx.msk @!p1 vm2, v5  }
0x224: {  	[tilespmem:$0x1F800] =	vst @!p1 v25  }
0x225: {  	s0 =	sadd.s32 $0xF, s0  }
0x226: {  	s9 =	sshra.s32 s0, $0x4  }
0x227: {  	v5 =	vimm.s32 $0x0;
	s0 =	simm.s32 $0x0;
	p1 =	slt.s32 s9, $0x1  }
.LBB2_31:
.Ltmp29:
0x228: {  	(pc) =	sbr.rel @!p1 .LBB2_32-.Ltmp29, $1  }
0x229: {  	_ =	sdelay $0x3  }
0x22a: {  	s0 =	sadd.s32 $0x1, s0  }
0x22b: {  	p2 =	sne.s32 s0, $0x20  }
.Ltmp30:
0x22c: {  	_ = 	snop;
	(pc) =	sbr.rel @p2 .LBB2_31-.Ltmp30, $4  }
.Ltmp31:
0x22d: {  	_ = 	snop;
	(pc) =	sbr.rel @!p2 .LBB2_38-.Ltmp31, $4  }
0x22e: {  	_ = 	snop  }
0x22f: {  	_ = 	snop  }
0x230: {  	_ = 	snop  }
0x231: {  	_ = 	snop  }
.LBB2_32:
0x232: {  	s2 =	simm.s32 $0x2800  }
0x233: {  	p2 =	sne.s32 s9, $0x1;
	v9 =	vld [tilespmem:s2+$0x0]  }
.Ltmp32:
0x234: {  	_ = 	snop;
	(pc) =	sbr.rel @!p2 .LBB2_34-.Ltmp32, $3  }
0x235: {  	_ =	sdelay $0x1  }
0x236: {  	s30 =	sshrl.u32 s24, s0  }
0x237: {  	v8 =	vimm.s32 $0x0;
	s6 =	simm.s32 $0x2810;
	v6 =	vor.u32 s30, v5;
	s2 =	sadd.s32 $0xFFFFFFFF, s9;
	v9 =	vxor.u32 $0x80000000, v9  }
.LBB2_33:
0x238: {  	v10 =	vld [tilespmem:s6+$0x0];
	p3 =	sne.s32 s2, $0x1;
	s2 =	sadd.s32 $0xFFFFFFFF, s2;
	vm0 =	vge.u32 v9, v6  }
.Ltmp33:
0x239: {  	v9 =	vmpcnt.ones.xlane vm0;
	(pc) =	sbr.rel @p3 .LBB2_33-.Ltmp33, $3  }
0x23a: {  	_ = 	snop  }
0x23b: {  	v8 =	vadd.s32 v8, v9;
	_ =	sdelay $0x1  }
0x23c: {  	s6 =	sadd.s32 $0x10, s6;
	v9 =	vxor.u32 $0x80000000, v10  }
.LBB2_34:
0x23d: {  	vm0 =	vge.u32 v9, v6;
	p3 =	seq.s32 s0, $0x1F  }
.Ltmp34:
0x23e: {  	v9 =	vmpcnt.ones.xlane vm0;
	(pc) =	sbr.rel @!p3 .LBB2_31-.Ltmp34, $4  }
0x23f: {  	_ = 	snop  }
0x240: {  	v8 =	vadd.s32 v8, v9  }
0x241: {  	vm15 =	vgt.s32 v8, $0x31  }
0x242: {  	s0 =	sadd.s32 $0x1, s0;
	v5 =	vsel vm15, v6, v5  }
.Ltmp35:
0x243: {  	(pc) =	sbr.rel @!p2 .LBB2_36-.Ltmp35, $4  }
0x244: {  	[tilespmem:$0x2E30] =	vst v1  }
0x245: {  	[tilespmem:$0x2EB0] =	vst v2;
	s19 =	simm.s32 $0x2800  }
0x246: {  	s17 =	simm.s32 $0x2A00;
	v8 =	vld [tilespmem:s19+$0x0]  }
0x247: {  	v6 =	vxor.u32 $0x80000000, v5;
	v20 =	vimm.s32 $0x0;
	s6 =	simm.s32 $0x2C00;
	s9 =	sadd.s32 $0xFFFFFFFF, s9;
	p1 =	por $0x0, $0x0;
	v9 =	vld [tilespmem:s17+$0x0]  }
0x248: {  	_ =	sdelay $0x2  }
0x249: {  	vm0 =	vgt.s32 v8, v6  }
0x24a: {  	v10 =	vsel vm0, $0x1, v0  }
0x24b: {  	(xrf0) =	vadd.scan.msk.s32 $0xffff, v10;
	_ =	sdelay $0x5  }
0x24c: {  	v10, _, _ =	vpop (xrf0)  }
0x24d: {  	v10 =	vadd.s32 v10, v20  }
0x24e: {  	v10 =	vadd.s32 $0xFFFFFFFF, v10;
	_ =	sdelay $0x4  }
0x24f: {  	[tilespmem:v10+s25+$0x0] =	vst.idx.msk vm0, v9  }
0x250: {  	v9 =	vld [tilespmem:s6+$0x0];
	_ =	sdelay $0x2  }
0x251: {  	p4 =	sne.s32 s9, $0x1  }
.Ltmp36:
0x252: {  	_ = 	snop;
	(pc) =	sbr.rel @!p4 .LBB2_40-.Ltmp36, $4  }
0x253: {  	v11 =	vmpcnt.ones.xlane vm0;
	[tilespmem:v10+s26+$0x0] =	vst.idx.msk vm0, v9  }
0x254: {  	s0 =	simm.s32 $0x2810;
	[tilespmem:v10+s28+$0x0] =	vst.idx.msk vm0, v8  }
0x255: {  	s2 =	simm.s32 $0x2A10;
	v11 =	vadd.s32 v20, v11;
	v8 =	vld [tilespmem:s0+$0x0]  }
0x256: {  	s18 =	sadd.s32 $0xFFFFFFFF, s9;
	p3 =	por $0x1, $0x1;
	s30 =	simm.s32 $0x2C00;
	v10 =	vmov v11;
	v9 =	vld [tilespmem:s2+$0x0]  }
.LBB2_41:
0x257: {  	p4 =	sne.s32 s18, $0x1;
	_ =	sdelay $0x2  }
0x258: {  	vm0 =	vgt.s32 v8, v6  }
0x259: {  	v12 =	vsel vm0, $0x1, v0;
	v20 =	vmpcnt.ones.xlane vm0  }
0x25a: {  	(xrf0) =	vadd.scan.msk.s32 $0xffff, v12  }
0x25b: {  	v11 =	vadd.s32 v11, v20;
	_ =	sdelay $0x4  }
0x25c: {  	v12, _, _ =	vpop (xrf0)  }
0x25d: {  	v12 =	vadd.s32 v12, v10;
	v10 =	vmov v11  }
0x25e: {  	v12 =	vadd.s32 $0xFFFFFFFF, v12;
	_ =	sdelay $0x4  }
0x25f: {  	s30 =	sadd.s32 $0x10, s30;
	[tilespmem:v12+s25+$0x0] =	vst.idx.msk vm0, v9  }
0x260: {  	v9 =	vld [tilespmem:s30+$0x0];
	_ =	sdelay $0x3  }
.Ltmp37:
0x261: {  	(pc) =	sbr.rel @p4 .LBB2_41-.Ltmp37, $4  }
0x262: {  	[tilespmem:v12+s26+$0x0] =	vst.idx.msk vm0, v9  }
0x263: {  	s0 =	sadd.s32 $0x10, s0;
	[tilespmem:v12+s28+$0x0] =	vst.idx.msk vm0, v8  }
0x264: {  	s2 =	sadd.s32 $0x10, s2;
	v8 =	vld [tilespmem:s0+$0x0]  }
0x265: {  	s18 =	sadd.s32 $0xFFFFFFFF, s18;
	v9 =	vld [tilespmem:s2+$0x0]  }
0x266: {  	v20 =	vmov v11  }
.LBB2_43:
0x267: {  	_ =	sdelay $0x1  }
0x268: {  	vm0 =	vgt.s32 v8, v6  }
0x269: {  	v11 =	vsel vm0, $0x1, v0  }
0x26a: {  	(xrf0) =	vadd.scan.msk.s32 $0xffff, v11;
	_ =	sdelay $0x5  }
0x26b: {  	v11, _, _ =	vpop (xrf0)  }
0x26c: {  	v10 =	vadd.s32 v11, v10  }
0x26d: {  	v10 =	vadd.s32 $0xFFFFFFFF, v10;
	_ =	sdelay $0x3  }
0x26e: {  	s0 =	sadd.s32 @p3 $0x10, s30;
	s2 =	simm.s32 $0x2C00  }
0x26f: {  	s2 =	smov.u32 @p3 s0;
	[tilespmem:v10+s25+$0x0] =	vst.idx.msk vm0, v9  }
0x270: {  	v9 =	vld [tilespmem:s2+$0x0];
	_ =	sdelay $0x3  }
.Ltmp38:
0x271: {  	_ = 	snop;
	(pc) =	sbr.rel @!p2 .LBB2_44-.Ltmp38, $4  }
0x272: {  	[tilespmem:v10+s26+$0x0] =	vst.idx.msk vm0, v9  }
0x273: {  	v9 =	vmpcnt.ones.xlane vm0;
	[tilespmem:v10+s28+$0x0] =	vst.idx.msk vm0, v8  }
0x274: {  	v8 =	vld [tilespmem:s19+$0x0]  }
0x275: {  	v10 =	vadd.s32 v20, v9;
	v9 =	vld [tilespmem:s17+$0x0]  }
0x276: {  	_ =	sdelay $0x2  }
0x277: {  	vm0 =	veq.s32 v8, v6  }
0x278: {  	v11 =	vsel vm0, $0x1, v0  }
0x279: {  	(xrf0) =	vadd.scan.msk.s32 $0xffff, v11;
	_ =	sdelay $0x5  }
0x27a: {  	v11, _, _ =	vpop (xrf0)  }
0x27b: {  	v11 =	vadd.s32 v11, v10  }
0x27c: {  	v11 =	vadd.s32 $0xFFFFFFFF, v11  }
0x27d: {  	vm1 =	vlt.s32 v11, $0x32  }
0x27e: {  	vm1 =	vmand vm0, vm1;
	_ =	sdelay $0x5  }
0x27f: {  	[tilespmem:v11+s25+$0x0] =	vst.idx.msk vm1, v9  }
0x280: {  	v9 =	vld [tilespmem:s6+$0x0];
	_ =	sdelay $0x2  }
0x281: {  	p2 =	sne.s32 s9, $0x1  }
.Ltmp39:
0x282: {  	_ = 	snop;
	(pc) =	sbr.rel @!p2 .LBB2_46-.Ltmp39, $4  }
0x283: {  	v12 =	vmpcnt.ones.xlane vm0;
	[tilespmem:v11+s26+$0x0] =	vst.idx.msk vm1, v9  }
0x284: {  	s17 =	simm.s32 $0x2810;
	[tilespmem:v11+s28+$0x0] =	vst.idx.msk vm1, v8  }
0x285: {  	s19 =	simm.s32 $0x2A10;
	v10 =	vadd.s32 v10, v12;
	v8 =	vld [tilespmem:s17+$0x0]  }
0x286: {  	s0 =	sadd.s32 $0xFFFFFFFF, s9;
	p1 =	por $0x1, $0x1;
	s9 =	simm.s32 $0x2C00;
	v11 =	vmov v10;
	v9 =	vld [tilespmem:s19+$0x0]  }
.LBB2_47:
0x287: {  	p2 =	sne.s32 s0, $0x1;
	_ =	sdelay $0x2  }
0x288: {  	vm0 =	veq.s32 v8, v6  }
0x289: {  	v12 =	vsel vm0, $0x1, v0;
	v20 =	vmpcnt.ones.xlane vm0  }
0x28a: {  	(xrf0) =	vadd.scan.msk.s32 $0xffff, v12  }
0x28b: {  	v11 =	vadd.s32 v11, v20;
	_ =	sdelay $0x4  }
0x28c: {  	v12, _, _ =	vpop (xrf0)  }
0x28d: {  	v12 =	vadd.s32 v12, v10;
	v10 =	vmov v11  }
0x28e: {  	v12 =	vadd.s32 $0xFFFFFFFF, v12  }
0x28f: {  	vm1 =	vlt.s32 v12, $0x32  }
0x290: {  	vm0 =	vmand vm0, vm1;
	_ =	sdelay $0x5  }
0x291: {  	s9 =	sadd.s32 $0x10, s9;
	[tilespmem:v12+s25+$0x0] =	vst.idx.msk vm0, v9  }
0x292: {  	v9 =	vld [tilespmem:s9+$0x0];
	_ =	sdelay $0x3  }
.Ltmp40:
0x293: {  	(pc) =	sbr.rel @p2 .LBB2_47-.Ltmp40, $4  }
0x294: {  	[tilespmem:v12+s26+$0x0] =	vst.idx.msk vm0, v9  }
0x295: {  	s17 =	sadd.s32 $0x10, s17;
	[tilespmem:v12+s28+$0x0] =	vst.idx.msk vm0, v8  }
0x296: {  	s19 =	sadd.s32 $0x10, s19;
	v8 =	vld [tilespmem:s17+$0x0]  }
0x297: {  	s0 =	sadd.s32 $0xFFFFFFFF, s0;
	v9 =	vld [tilespmem:s19+$0x0]  }
.LBB2_48:
0x298: {  	_ =	sdelay $0x2  }
0x299: {  	vm0 =	veq.s32 v8, v6  }
0x29a: {  	v11 =	vsel vm0, $0x1, v0  }
0x29b: {  	(xrf0) =	vadd.scan.msk.s32 $0xffff, v11;
	_ =	sdelay $0x5  }
0x29c: {  	v11, _, _ =	vpop (xrf0)  }
0x29d: {  	v10 =	vadd.s32 v11, v10  }
0x29e: {  	v10 =	vadd.s32 $0xFFFFFFFF, v10  }
0x29f: {  	vm1 =	vlt.s32 v10, $0x32  }
0x2a0: {  	vm0 =	vmand vm0, vm1;
	_ =	sdelay $0x4  }
0x2a1: {  	s0 =	sadd.s32 @p1 $0x10, s9  }
0x2a2: {  	s6 =	smov.u32 @p1 s0;
	[tilespmem:v10+s25+$0x0] =	vst.idx.msk vm0, v9  }
0x2a3: {  	v9 =	vld [tilespmem:s6+$0x0];
	_ =	sdelay $0x1  }
.Ltmp41:
0x2a4: {  	_ = 	snop;
	(pc) =	sbr.rel .LBB2_49-.Ltmp41, $3  }
0x2a5: {  	_ =	sdelay $0x1  }
0x2a6: {  	[tilespmem:v10+s26+$0x0] =	vst.idx.msk vm0, v9  }
0x2a7: {  	[tilespmem:v10+s28+$0x0] =	vst.idx.msk vm0, v8  }
.LBB2_36:
.Ltmp42:
0x2a8: {  	(pc) =	sbr.rel .LBB2_43-.Ltmp42, $2  }
0x2a9: {  	_ =	sdelay $0x2  }
0x2aa: {  	v10 =	vimm.s32 $0x0;
	s30 =	simm.s32 $0x2C00;
	p3 =	por $0x0, $0x0  }
.LBB2_44:
.Ltmp43:
0x2ab: {  	(pc) =	sbr.rel .LBB2_48-.Ltmp43, $2  }
0x2ac: {  	_ =	sdelay $0x2  }
0x2ad: {  	s9 =	simm.s32 $0x2C00  }
.LBB2_40:
.Ltmp44:
0x2ae: {  	(pc) =	sbr.rel .LBB2_43-.Ltmp44, $2  }
0x2af: {  	_ =	sdelay $0x2  }
0x2b0: {  	v20 =	vmov v11;
	v10 =	vmov v11;
	s30 =	simm.s32 $0x2C00  }
.LBB2_46:
.Ltmp45:
0x2b1: {  	(pc) =	sbr.rel .LBB2_48-.Ltmp45, $2  }
0x2b2: {  	_ =	sdelay $0x2  }
0x2b3: {  	s9 =	simm.s32 $0x2C00  }
.LBB2_53:
0x2b4: {  	v5 =	vld [tilespmem:$0x1F800];
	_ =	sdelay $0x4  }
0x2b5: {  	(v2sf) =	vpush v5, $0x0;
	_ =	sdelay $0xe  }
0x2b6: {  	s0 =	spop (v2sf)  }
0x2b7: {  	s0 =	sadd.s32 $0xF, s0  }
0x2b8: {  	s6 =	sshra.s32 s0, $0x4  }
0x2b9: {  	v5 =	vimm.s32 $0x0;
	s0 =	simm.s32 $0x0;
	p1 =	slt.s32 s6, $0x1  }
.LBB2_54:
.Ltmp46:
0x2ba: {  	(pc) =	sbr.rel @!p1 .LBB2_55-.Ltmp46, $1  }
0x2bb: {  	_ =	sdelay $0x3  }
0x2bc: {  	s0 =	sadd.s32 $0x1, s0  }
0x2bd: {  	p2 =	sne.s32 s0, $0x20  }
.Ltmp47:
0x2be: {  	_ = 	snop;
	(pc) =	sbr.rel @p2 .LBB2_54-.Ltmp47, $4  }
.Ltmp48:
0x2bf: {  	_ = 	snop;
	(pc) =	sbr.rel @!p2 .LBB2_61-.Ltmp48, $4  }
0x2c0: {  	_ = 	snop  }
0x2c1: {  	_ = 	snop  }
0x2c2: {  	_ = 	snop  }
0x2c3: {  	_ = 	snop  }
.LBB2_55:
0x2c4: {  	s2 =	simm.s32 $0x2800  }
0x2c5: {  	p2 =	sne.s32 s6, $0x1;
	v9 =	vld [tilespmem:s2+$0x0]  }
.Ltmp49:
0x2c6: {  	_ = 	snop;
	(pc) =	sbr.rel @!p2 .LBB2_57-.Ltmp49, $3  }
0x2c7: {  	_ =	sdelay $0x1  }
0x2c8: {  	s31 =	sshrl.u32 s24, s0  }
0x2c9: {  	v8 =	vimm.s32 $0x0;
	s4 =	simm.s32 $0x2810;
	v6 =	vor.u32 s31, v5;
	s2 =	sadd.s32 $0xFFFFFFFF, s6;
	v9 =	vxor.u32 $0x80000000, v9  }
.LBB2_56:
0x2ca: {  	v10 =	vld [tilespmem:s4+$0x0];
	p3 =	sne.s32 s2, $0x1;
	s2 =	sadd.s32 $0xFFFFFFFF, s2;
	vm0 =	vge.u32 v9, v6  }
.Ltmp50:
0x2cb: {  	v9 =	vmpcnt.ones.xlane vm0;
	(pc) =	sbr.rel @p3 .LBB2_56-.Ltmp50, $3  }
0x2cc: {  	_ = 	snop  }
0x2cd: {  	v8 =	vadd.s32 v8, v9;
	_ =	sdelay $0x1  }
0x2ce: {  	s4 =	sadd.s32 $0x10, s4;
	v9 =	vxor.u32 $0x80000000, v10  }
.LBB2_57:
0x2cf: {  	vm0 =	vge.u32 v9, v6;
	p3 =	seq.s32 s0, $0x1F  }
.Ltmp51:
0x2d0: {  	v9 =	vmpcnt.ones.xlane vm0;
	(pc) =	sbr.rel @!p3 .LBB2_54-.Ltmp51, $4  }
0x2d1: {  	_ = 	snop  }
0x2d2: {  	v8 =	vadd.s32 v8, v9  }
0x2d3: {  	vm15 =	vgt.s32 v8, $0x31  }
0x2d4: {  	s0 =	sadd.s32 $0x1, s0;
	v5 =	vsel vm15, v6, v5  }
.Ltmp52:
0x2d5: {  	(pc) =	sbr.rel @!p2 .LBB2_59-.Ltmp52, $4  }
0x2d6: {  	[tilespmem:$0x2E30] =	vst v1  }
0x2d7: {  	[tilespmem:$0x2EB0] =	vst v2;
	s8 =	simm.s32 $0x2800  }
0x2d8: {  	s7 =	simm.s32 $0x2A00;
	v6 =	vld [tilespmem:s8+$0x0]  }
0x2d9: {  	v5 =	vxor.u32 $0x80000000, v5;
	v11 =	vimm.s32 $0x0;
	s4 =	simm.s32 $0x2C00;
	s6 =	sadd.s32 $0xFFFFFFFF, s6;
	p1 =	por $0x0, $0x0;
	v8 =	vld [tilespmem:s7+$0x0]  }
0x2da: {  	_ =	sdelay $0x2  }
0x2db: {  	vm0 =	vgt.s32 v6, v5  }
0x2dc: {  	v9 =	vsel vm0, $0x1, v0  }
0x2dd: {  	(xrf0) =	vadd.scan.msk.s32 $0xffff, v9;
	_ =	sdelay $0x5  }
0x2de: {  	v9, _, _ =	vpop (xrf0)  }
0x2df: {  	v9 =	vadd.s32 v9, v11  }
0x2e0: {  	v9 =	vadd.s32 $0xFFFFFFFF, v9;
	_ =	sdelay $0x4  }
0x2e1: {  	[tilespmem:v9+s25+$0x0] =	vst.idx.msk vm0, v8  }
0x2e2: {  	v8 =	vld [tilespmem:s4+$0x0];
	_ =	sdelay $0x2  }
0x2e3: {  	p4 =	sne.s32 s6, $0x1  }
.Ltmp53:
0x2e4: {  	_ = 	snop;
	(pc) =	sbr.rel @!p4 .LBB2_63-.Ltmp53, $4  }
0x2e5: {  	v10 =	vmpcnt.ones.xlane vm0;
	[tilespmem:v9+s26+$0x0] =	vst.idx.msk vm0, v8  }
0x2e6: {  	s0 =	simm.s32 $0x2810;
	[tilespmem:v9+s28+$0x0] =	vst.idx.msk vm0, v6  }
0x2e7: {  	s2 =	simm.s32 $0x2A10;
	v10 =	vadd.s32 v11, v10;
	v6 =	vld [tilespmem:s0+$0x0]  }
0x2e8: {  	s17 =	sadd.s32 $0xFFFFFFFF, s6;
	p3 =	por $0x1, $0x1;
	s9 =	simm.s32 $0x2C00;
	v9 =	vmov v10;
	v8 =	vld [tilespmem:s2+$0x0]  }
.LBB2_64:
0x2e9: {  	p4 =	sne.s32 s17, $0x1;
	_ =	sdelay $0x2  }
0x2ea: {  	vm0 =	vgt.s32 v6, v5  }
0x2eb: {  	v11 =	vsel vm0, $0x1, v0;
	v12 =	vmpcnt.ones.xlane vm0  }
0x2ec: {  	(xrf0) =	vadd.scan.msk.s32 $0xffff, v11  }
0x2ed: {  	v10 =	vadd.s32 v10, v12;
	_ =	sdelay $0x4  }
0x2ee: {  	v11, _, _ =	vpop (xrf0)  }
0x2ef: {  	v11 =	vadd.s32 v11, v9;
	v9 =	vmov v10  }
0x2f0: {  	v11 =	vadd.s32 $0xFFFFFFFF, v11;
	_ =	sdelay $0x4  }
0x2f1: {  	s9 =	sadd.s32 $0x10, s9;
	[tilespmem:v11+s25+$0x0] =	vst.idx.msk vm0, v8  }
0x2f2: {  	v8 =	vld [tilespmem:s9+$0x0];
	_ =	sdelay $0x3  }
.Ltmp54:
0x2f3: {  	(pc) =	sbr.rel @p4 .LBB2_64-.Ltmp54, $4  }
0x2f4: {  	[tilespmem:v11+s26+$0x0] =	vst.idx.msk vm0, v8  }
0x2f5: {  	s0 =	sadd.s32 $0x10, s0;
	[tilespmem:v11+s28+$0x0] =	vst.idx.msk vm0, v6  }
0x2f6: {  	s2 =	sadd.s32 $0x10, s2;
	v6 =	vld [tilespmem:s0+$0x0]  }
0x2f7: {  	s17 =	sadd.s32 $0xFFFFFFFF, s17;
	v8 =	vld [tilespmem:s2+$0x0]  }
0x2f8: {  	v11 =	vmov v10;
	s17 =	rddreg [dreg:$0xc]  }
.LBB2_66:
0x2f9: {  	_ =	sdelay $0x1  }
0x2fa: {  	vm0 =	vgt.s32 v6, v5  }
0x2fb: {  	v10 =	vsel vm0, $0x1, v0  }
0x2fc: {  	(xrf0) =	vadd.scan.msk.s32 $0xffff, v10;
	_ =	sdelay $0x5  }
0x2fd: {  	v10, _, _ =	vpop (xrf0)  }
0x2fe: {  	v9 =	vadd.s32 v10, v9  }
0x2ff: {  	v9 =	vadd.s32 $0xFFFFFFFF, v9;
	_ =	sdelay $0x3  }
0x300: {  	s0 =	sadd.s32 @p3 $0x10, s9;
	s2 =	simm.s32 $0x2C00  }
0x301: {  	s2 =	smov.u32 @p3 s0;
	[tilespmem:v9+s25+$0x0] =	vst.idx.msk vm0, v8  }
0x302: {  	v8 =	vld [tilespmem:s2+$0x0];
	_ =	sdelay $0x3  }
.Ltmp55:
0x303: {  	_ = 	snop;
	(pc) =	sbr.rel @!p2 .LBB2_67-.Ltmp55, $4  }
0x304: {  	[tilespmem:v9+s26+$0x0] =	vst.idx.msk vm0, v8  }
0x305: {  	v8 =	vmpcnt.ones.xlane vm0;
	[tilespmem:v9+s28+$0x0] =	vst.idx.msk vm0, v6  }
0x306: {  	v6 =	vld [tilespmem:s8+$0x0]  }
0x307: {  	v9 =	vadd.s32 v11, v8;
	v8 =	vld [tilespmem:s7+$0x0]  }
0x308: {  	_ =	sdelay $0x2  }
0x309: {  	vm0 =	veq.s32 v6, v5  }
0x30a: {  	v10 =	vsel vm0, $0x1, v0  }
0x30b: {  	(xrf0) =	vadd.scan.msk.s32 $0xffff, v10;
	_ =	sdelay $0x5  }
0x30c: {  	v10, _, _ =	vpop (xrf0)  }
0x30d: {  	v10 =	vadd.s32 v10, v9  }
0x30e: {  	v10 =	vadd.s32 $0xFFFFFFFF, v10  }
0x30f: {  	vm1 =	vlt.s32 v10, $0x32  }
0x310: {  	vm1 =	vmand vm0, vm1;
	_ =	sdelay $0x5  }
0x311: {  	[tilespmem:v10+s25+$0x0] =	vst.idx.msk vm1, v8  }
0x312: {  	v8 =	vld [tilespmem:s4+$0x0];
	_ =	sdelay $0x2  }
0x313: {  	p2 =	sne.s32 s6, $0x1  }
.Ltmp56:
0x314: {  	_ = 	snop;
	(pc) =	sbr.rel @!p2 .LBB2_69-.Ltmp56, $4  }
0x315: {  	v11 =	vmpcnt.ones.xlane vm0;
	[tilespmem:v10+s26+$0x0] =	vst.idx.msk vm1, v8  }
0x316: {  	s7 =	simm.s32 $0x2810;
	[tilespmem:v10+s28+$0x0] =	vst.idx.msk vm1, v6  }
0x317: {  	s8 =	simm.s32 $0x2A10;
	v9 =	vadd.s32 v9, v11;
	v6 =	vld [tilespmem:s7+$0x0]  }
0x318: {  	s0 =	sadd.s32 $0xFFFFFFFF, s6;
	p1 =	por $0x1, $0x1;
	s6 =	simm.s32 $0x2C00;
	v10 =	vmov v9;
	v8 =	vld [tilespmem:s8+$0x0]  }
.LBB2_70:
0x319: {  	p2 =	sne.s32 s0, $0x1;
	_ =	sdelay $0x2  }
0x31a: {  	vm0 =	veq.s32 v6, v5  }
0x31b: {  	v11 =	vsel vm0, $0x1, v0;
	v12 =	vmpcnt.ones.xlane vm0  }
0x31c: {  	(xrf0) =	vadd.scan.msk.s32 $0xffff, v11  }
0x31d: {  	v10 =	vadd.s32 v10, v12;
	_ =	sdelay $0x4  }
0x31e: {  	v11, _, _ =	vpop (xrf0)  }
0x31f: {  	v11 =	vadd.s32 v11, v9;
	v9 =	vmov v10  }
0x320: {  	v11 =	vadd.s32 $0xFFFFFFFF, v11  }
0x321: {  	vm1 =	vlt.s32 v11, $0x32  }
0x322: {  	vm0 =	vmand vm0, vm1;
	_ =	sdelay $0x5  }
0x323: {  	s6 =	sadd.s32 $0x10, s6;
	[tilespmem:v11+s25+$0x0] =	vst.idx.msk vm0, v8  }
0x324: {  	v8 =	vld [tilespmem:s6+$0x0];
	_ =	sdelay $0x3  }
.Ltmp57:
0x325: {  	(pc) =	sbr.rel @p2 .LBB2_70-.Ltmp57, $4  }
0x326: {  	[tilespmem:v11+s26+$0x0] =	vst.idx.msk vm0, v8  }
0x327: {  	s7 =	sadd.s32 $0x10, s7;
	[tilespmem:v11+s28+$0x0] =	vst.idx.msk vm0, v6  }
0x328: {  	s8 =	sadd.s32 $0x10, s8;
	v6 =	vld [tilespmem:s7+$0x0]  }
0x329: {  	s0 =	sadd.s32 $0xFFFFFFFF, s0;
	v8 =	vld [tilespmem:s8+$0x0]  }
.LBB2_71:
0x32a: {  	_ =	sdelay $0x2  }
0x32b: {  	vm0 =	veq.s32 v6, v5  }
0x32c: {  	v5 =	vsel vm0, $0x1, v0  }
0x32d: {  	(xrf0) =	vadd.scan.msk.s32 $0xffff, v5;
	_ =	sdelay $0x5  }
0x32e: {  	v5, _, _ =	vpop (xrf0)  }
0x32f: {  	v5 =	vadd.s32 v5, v9  }
0x330: {  	v5 =	vadd.s32 $0xFFFFFFFF, v5  }
0x331: {  	vm1 =	vlt.s32 v5, $0x32  }
0x332: {  	vm0 =	vmand vm0, vm1;
	_ =	sdelay $0x4  }
0x333: {  	s0 =	sadd.s32 @p1 $0x10, s6  }
0x334: {  	s4 =	smov.u32 @p1 s0;
	[tilespmem:v5+s25+$0x0] =	vst.idx.msk vm0, v8  }
0x335: {  	v8 =	vld [tilespmem:s4+$0x0];
	_ =	sdelay $0x1  }
.Ltmp58:
0x336: {  	_ = 	snop;
	(pc) =	sbr.rel .LBB2_72-.Ltmp58, $3  }
0x337: {  	_ =	sdelay $0x1  }
0x338: {  	[tilespmem:v5+s26+$0x0] =	vst.idx.msk vm0, v8  }
0x339: {  	[tilespmem:v5+s28+$0x0] =	vst.idx.msk vm0, v6  }
.LBB2_61:
0x33a: {  	[tilespmem:$0x2E30] =	vst v1  }
0x33b: {  	[tilespmem:$0x2EB0] =	vst v2;
	s17 =	rddreg [dreg:$0xc]  }
.LBB2_72:
0x33c: {  	v5 =	vld [tilespmem:$0x2F00]  }
0x33d: {  	v6 =	vld [tilespmem:$0x2F10]  }
0x33e: {  	v8 =	vld [tilespmem:$0x2F20]  }
0x33f: {  	v9 =	vld [tilespmem:$0x2F30];
	v4 =	vlaneseq.u32  }
0x340: {  	v10 =	vor.u32 $0x30, v4;
	_ =	sdelay $0x1  }
0x341: {  	[tilespmem:$0x2F80] =	vst v5  }
0x342: {  	vm0 =	vmmov $0x3;
	[tilespmem:$0x2F90] =	vst v6  }
0x343: {  	s0 =	simm.s32 $0x2F80;
	[tilespmem:$0x2FA0] =	vst v8;
	v5 =	vnsel vm0, $0x0, v9  }
0x344: {  	[tilespmem:v10+s0+$0x0] =	vst.idx.msk $0xff, v5  }
0x345: {  	v5 =	vld [tilespmem:$0x2F80];
	_ =	sdelay $0x4  }
0x346: {  	v6 =	vshll.u32 v5, $0x4  }
0x347: {  	v5 =	vand.u32 $0x7, v5;
	v6 =	vand.u32 $0xFFFFFF80, v6  }
0x348: {  	v8 =	vshrl.u32 v4, $0x3;
	v5 =	vor.u32 v5, v6;
	v6 =	vand.u32 $0x7, v4  }
0x349: {  	v8 =	vmul.u32 $0x8, v8;
	v9 =	vperm.xlane v5, v6;
	_ =	sdelay $0x1  }
0x34a: {  	v9 =	vadd.s32 v8, v9;
	_ =	sdelay $0x3  }
0x34b: {  	vm15 =	vmmov $0xffff;
	s4 =	simm.s32 $0x0;
	s2 =	simm.s32 $0x3000;
	s0 =	rddreg [dreg:$0x1]  }
0x34c: {  	[tilespmem:s2], [sflag:$0x1] =	stream.indirect_vreg.gather [hbm4b:s0+s4], $0x80, v9, vm15, $0xb8;
	[tilespmem:$0x1F900] =	vst v63  }
0x34d: {  	s8 =	simm.s32 $0x3800  }
0x34e: {  	[tilespmem:s8], [sflag:$0x1] =	stream.indirect_vreg.gather [hbm4b:s10+s4], $0x80, v9, vm15, $0xb8;
	[tilespmem:$0x1F900] =	vst v63  }
0x34f: {  	s9 =	simm.s32 $0x4000  }
0x350: {  	[tilespmem:s9], [sflag:$0x1] =	stream.indirect_vreg.gather [hbm4b:s11+s4], $0x80, v9, vm15, $0xb8;
	[tilespmem:$0x1F900] =	vst v63  }
0x351: {  	s18 =	simm.s32 $0x4800  }
0x352: {  	[tilespmem:s18], [sflag:$0x1] =	stream.indirect_vreg.gather [hbm4b:s12+s4], $0x80, v9, vm15, $0xb8;
	[tilespmem:$0x1F900] =	vst v63  }
0x353: {  	s19 =	simm.s32 $0x5000  }
0x354: {  	v10 =	vor.u32 $0x8, v4;
	[tilespmem:s19], [sflag:$0x1] =	stream.indirect_vreg.gather [hbm4b:s13+s4], $0x80, v9, vm15, $0xb8;
	[tilespmem:$0x1F900] =	vst v63  }
0x355: {  	s22 =	simm.s32 $0x5800;
	v5 =	vperm.xlane v5, v10  }
0x356: {  	[tilespmem:s22], [sflag:$0x1] =	stream.indirect_vreg.gather [hbm4b:s14+s4], $0x80, v9, vm15, $0xb8;
	[tilespmem:$0x1F900] =	vst v63  }
0x357: {  	s29 =	simm.s32 $0x6000;
	v5 =	vadd.s32 v8, v5  }
0x358: {  	[tilespmem:s29], [sflag:$0x1] =	stream.indirect_vreg.gather [hbm4b:s15+s4], $0x80, v9, vm15, $0xb8;
	[tilespmem:$0x1F900] =	vst v63  }
0x359: {  	s30 =	simm.s32 $0x6800  }
0x35a: {  	[tilespmem:s30], [sflag:$0x1] =	stream.indirect_vreg.gather [hbm4b:s16+s4], $0x80, v9, vm15, $0xb8;
	[tilespmem:$0x1F900] =	vst v63  }
0x35b: {  	s31 =	simm.s32 $0x7000  }
0x35c: {  	[tilespmem:s31], [sflag:$0x1] =	stream.indirect_vreg.gather [hbm4b:s0+s4], $0x80, v5, vm15, $0xb8;
	[tilespmem:$0x1F900] =	vst v63  }
0x35d: {  	s6 =	simm.s32 $0x7800  }
0x35e: {  	[tilespmem:s6], [sflag:$0x1] =	stream.indirect_vreg.gather [hbm4b:s10+s4], $0x80, v5, vm15, $0xb8;
	[tilespmem:$0x1F900] =	vst v63  }
0x35f: {  	s7 =	simm.s32 $0x8000  }
0x360: {  	[tilespmem:s7], [sflag:$0x1] =	stream.indirect_vreg.gather [hbm4b:s11+s4], $0x80, v5, vm15, $0xb8;
	[tilespmem:$0x1F900] =	vst v63  }
0x361: {  	s8 =	simm.s32 $0x8800  }
0x362: {  	[tilespmem:s8], [sflag:$0x1] =	stream.indirect_vreg.gather [hbm4b:s12+s4], $0x80, v5, vm15, $0xb8;
	[tilespmem:$0x1F900] =	vst v63  }
0x363: {  	s9 =	simm.s32 $0x9000  }
0x364: {  	[tilespmem:s9], [sflag:$0x1] =	stream.indirect_vreg.gather [hbm4b:s13+s4], $0x80, v5, vm15, $0xb8;
	[tilespmem:$0x1F900] =	vst v63  }
0x365: {  	s18 =	simm.s32 $0x9800  }
0x366: {  	[tilespmem:s18], [sflag:$0x1] =	stream.indirect_vreg.gather [hbm4b:s14+s4], $0x80, v5, vm15, $0xb8;
	[tilespmem:$0x1F900] =	vst v63  }
0x367: {  	s19 =	simm.s32 $0xA000  }
0x368: {  	[tilespmem:s19], [sflag:$0x1] =	stream.indirect_vreg.gather [hbm4b:s15+s4], $0x80, v5, vm15, $0xb8;
	[tilespmem:$0x1F900] =	vst v63  }
0x369: {  	s22 =	simm.s32 $0xA800  }
0x36a: {  	[tilespmem:s22], [sflag:$0x1] =	stream.indirect_vreg.gather [hbm4b:s16+s4], $0x80, v5, vm15, $0xb8;
	[tilespmem:$0x1F900] =	vst v63  }
0x36b: {  	v5 =	vld [tilespmem:$0x2F90];
	_ =	sdelay $0x4  }
0x36c: {  	v9 =	vshll.u32 v5, $0x4  }
0x36d: {  	v5 =	vand.u32 $0x7, v5;
	v9 =	vand.u32 $0xFFFFFF80, v9  }
0x36e: {  	v5 =	vor.u32 v5, v9  }
0x36f: {  	v9 =	vperm.xlane v5, v6;
	_ =	sdelay $0x1  }
0x370: {  	v9 =	vadd.s32 v8, v9;
	_ =	sdelay $0x3  }
0x371: {  	s29 =	simm.s32 $0xB000  }
0x372: {  	[tilespmem:s29], [sflag:$0x1] =	stream.indirect_vreg.gather [hbm4b:s0+s4], $0x80, v9, vm15, $0xb8;
	[tilespmem:$0x1F900] =	vst v63  }
0x373: {  	s30 =	simm.s32 $0xB800  }
0x374: {  	[tilespmem:s30], [sflag:$0x1] =	stream.indirect_vreg.gather [hbm4b:s10+s4], $0x80, v9, vm15, $0xb8;
	[tilespmem:$0x1F900] =	vst v63  }
0x375: {  	s31 =	simm.s32 $0xC000  }
0x376: {  	[tilespmem:s31], [sflag:$0x1] =	stream.indirect_vreg.gather [hbm4b:s11+s4], $0x80, v9, vm15, $0xb8;
	[tilespmem:$0x1F900] =	vst v63  }
0x377: {  	s6 =	simm.s32 $0xC800  }
0x378: {  	[tilespmem:s6], [sflag:$0x1] =	stream.indirect_vreg.gather [hbm4b:s12+s4], $0x80, v9, vm15, $0xb8;
	[tilespmem:$0x1F900] =	vst v63  }
0x379: {  	s7 =	simm.s32 $0xD000  }
0x37a: {  	[tilespmem:s7], [sflag:$0x1] =	stream.indirect_vreg.gather [hbm4b:s13+s4], $0x80, v9, vm15, $0xb8;
	[tilespmem:$0x1F900] =	vst v63  }
0x37b: {  	s8 =	simm.s32 $0xD800;
	v5 =	vperm.xlane v5, v10  }
0x37c: {  	[tilespmem:s8], [sflag:$0x1] =	stream.indirect_vreg.gather [hbm4b:s14+s4], $0x80, v9, vm15, $0xb8;
	[tilespmem:$0x1F900] =	vst v63  }
0x37d: {  	s9 =	simm.s32 $0xE000;
	v5 =	vadd.s32 v8, v5  }
0x37e: {  	[tilespmem:s9], [sflag:$0x1] =	stream.indirect_vreg.gather [hbm4b:s15+s4], $0x80, v9, vm15, $0xb8;
	[tilespmem:$0x1F900] =	vst v63  }
0x37f: {  	s18 =	simm.s32 $0xE800  }
0x380: {  	[tilespmem:s18], [sflag:$0x1] =	stream.indirect_vreg.gather [hbm4b:s16+s4], $0x80, v9, vm15, $0xb8;
	[tilespmem:$0x1F900] =	vst v63  }
0x381: {  	s19 =	simm.s32 $0xF000  }
0x382: {  	[tilespmem:s19], [sflag:$0x1] =	stream.indirect_vreg.gather [hbm4b:s0+s4], $0x80, v5, vm15, $0xb8;
	[tilespmem:$0x1F900] =	vst v63  }
0x383: {  	s22 =	simm.s32 $0xF800  }
0x384: {  	[tilespmem:s22], [sflag:$0x1] =	stream.indirect_vreg.gather [hbm4b:s10+s4], $0x80, v5, vm15, $0xb8;
	[tilespmem:$0x1F900] =	vst v63  }
0x385: {  	s29 =	simm.s32 $0x10000  }
0x386: {  	[tilespmem:s29], [sflag:$0x1] =	stream.indirect_vreg.gather [hbm4b:s11+s4], $0x80, v5, vm15, $0xb8;
	[tilespmem:$0x1F900] =	vst v63  }
0x387: {  	s30 =	simm.s32 $0x10800  }
0x388: {  	[tilespmem:s30], [sflag:$0x1] =	stream.indirect_vreg.gather [hbm4b:s12+s4], $0x80, v5, vm15, $0xb8;
	[tilespmem:$0x1F900] =	vst v63  }
0x389: {  	s31 =	simm.s32 $0x11000  }
0x38a: {  	[tilespmem:s31], [sflag:$0x1] =	stream.indirect_vreg.gather [hbm4b:s13+s4], $0x80, v5, vm15, $0xb8;
	[tilespmem:$0x1F900] =	vst v63  }
0x38b: {  	s6 =	simm.s32 $0x11800  }
0x38c: {  	[tilespmem:s6], [sflag:$0x1] =	stream.indirect_vreg.gather [hbm4b:s14+s4], $0x80, v5, vm15, $0xb8;
	[tilespmem:$0x1F900] =	vst v63  }
0x38d: {  	s7 =	simm.s32 $0x12000  }
0x38e: {  	[tilespmem:s7], [sflag:$0x1] =	stream.indirect_vreg.gather [hbm4b:s15+s4], $0x80, v5, vm15, $0xb8;
	[tilespmem:$0x1F900] =	vst v63  }
0x38f: {  	s8 =	simm.s32 $0x12800  }
0x390: {  	[tilespmem:s8], [sflag:$0x1] =	stream.indirect_vreg.gather [hbm4b:s16+s4], $0x80, v5, vm15, $0xb8;
	[tilespmem:$0x1F900] =	vst v63  }
0x391: {  	v5 =	vld [tilespmem:$0x2FA0];
	_ =	sdelay $0x4  }
0x392: {  	v9 =	vshll.u32 v5, $0x4  }
0x393: {  	v5 =	vand.u32 $0x7, v5;
	v9 =	vand.u32 $0xFFFFFF80, v9  }
0x394: {  	v5 =	vor.u32 v5, v9  }
0x395: {  	v9 =	vperm.xlane v5, v6;
	_ =	sdelay $0x1  }
0x396: {  	v9 =	vadd.s32 v8, v9;
	_ =	sdelay $0x3  }
0x397: {  	s9 =	simm.s32 $0x13000  }
0x398: {  	[tilespmem:s9], [sflag:$0x1] =	stream.indirect_vreg.gather [hbm4b:s0+s4], $0x80, v9, vm15, $0xb8;
	[tilespmem:$0x1F900] =	vst v63  }
0x399: {  	s18 =	simm.s32 $0x13800  }
0x39a: {  	[tilespmem:s18], [sflag:$0x1] =	stream.indirect_vreg.gather [hbm4b:s10+s4], $0x80, v9, vm15, $0xb8;
	[tilespmem:$0x1F900] =	vst v63  }
0x39b: {  	s19 =	simm.s32 $0x14000  }
0x39c: {  	[tilespmem:s19], [sflag:$0x1] =	stream.indirect_vreg.gather [hbm4b:s11+s4], $0x80, v9, vm15, $0xb8;
	[tilespmem:$0x1F900] =	vst v63  }
0x39d: {  	s22 =	simm.s32 $0x14800  }
0x39e: {  	[tilespmem:s22], [sflag:$0x1] =	stream.indirect_vreg.gather [hbm4b:s12+s4], $0x80, v9, vm15, $0xb8;
	[tilespmem:$0x1F900] =	vst v63  }
0x39f: {  	s29 =	simm.s32 $0x15000  }
0x3a0: {  	[tilespmem:s29], [sflag:$0x1] =	stream.indirect_vreg.gather [hbm4b:s13+s4], $0x80, v9, vm15, $0xb8;
	[tilespmem:$0x1F900] =	vst v63  }
0x3a1: {  	s30 =	simm.s32 $0x15800;
	v5 =	vperm.xlane v5, v10  }
0x3a2: {  	[tilespmem:s30], [sflag:$0x1] =	stream.indirect_vreg.gather [hbm4b:s14+s4], $0x80, v9, vm15, $0xb8;
	[tilespmem:$0x1F900] =	vst v63  }
0x3a3: {  	s31 =	simm.s32 $0x16000;
	v5 =	vadd.s32 v8, v5  }
0x3a4: {  	[tilespmem:s31], [sflag:$0x1] =	stream.indirect_vreg.gather [hbm4b:s15+s4], $0x80, v9, vm15, $0xb8;
	[tilespmem:$0x1F900] =	vst v63  }
0x3a5: {  	s6 =	simm.s32 $0x16800  }
0x3a6: {  	[tilespmem:s6], [sflag:$0x1] =	stream.indirect_vreg.gather [hbm4b:s16+s4], $0x80, v9, vm15, $0xb8;
	[tilespmem:$0x1F900] =	vst v63  }
0x3a7: {  	s7 =	simm.s32 $0x17000  }
0x3a8: {  	[tilespmem:s7], [sflag:$0x1] =	stream.indirect_vreg.gather [hbm4b:s0+s4], $0x80, v5, vm15, $0xb8;
	[tilespmem:$0x1F900] =	vst v63  }
0x3a9: {  	s8 =	simm.s32 $0x17800  }
0x3aa: {  	[tilespmem:s8], [sflag:$0x1] =	stream.indirect_vreg.gather [hbm4b:s10+s4], $0x80, v5, vm15, $0xb8;
	[tilespmem:$0x1F900] =	vst v63  }
0x3ab: {  	s9 =	simm.s32 $0x18000  }
0x3ac: {  	[tilespmem:s9], [sflag:$0x1] =	stream.indirect_vreg.gather [hbm4b:s11+s4], $0x80, v5, vm15, $0xb8;
	[tilespmem:$0x1F900] =	vst v63  }
0x3ad: {  	s18 =	simm.s32 $0x18800  }
0x3ae: {  	[tilespmem:s18], [sflag:$0x1] =	stream.indirect_vreg.gather [hbm4b:s12+s4], $0x80, v5, vm15, $0xb8;
	[tilespmem:$0x1F900] =	vst v63  }
0x3af: {  	s19 =	simm.s32 $0x19000  }
0x3b0: {  	[tilespmem:s19], [sflag:$0x1] =	stream.indirect_vreg.gather [hbm4b:s13+s4], $0x80, v5, vm15, $0xb8;
	[tilespmem:$0x1F900] =	vst v63  }
0x3b1: {  	s22 =	simm.s32 $0x19800  }
0x3b2: {  	[tilespmem:s22], [sflag:$0x1] =	stream.indirect_vreg.gather [hbm4b:s14+s4], $0x80, v5, vm15, $0xb8;
	[tilespmem:$0x1F900] =	vst v63  }
0x3b3: {  	s29 =	simm.s32 $0x1A000  }
0x3b4: {  	[tilespmem:s29], [sflag:$0x1] =	stream.indirect_vreg.gather [hbm4b:s15+s4], $0x80, v5, vm15, $0xb8;
	[tilespmem:$0x1F900] =	vst v63  }
0x3b5: {  	s30 =	simm.s32 $0x1A800  }
0x3b6: {  	[tilespmem:s30], [sflag:$0x1] =	stream.indirect_vreg.gather [hbm4b:s16+s4], $0x80, v5, vm15, $0xb8;
	[tilespmem:$0x1F900] =	vst v63  }
0x3b7: {  	v5 =	vld.msk [tilespmem:$0x2FB0], $0xff;
	_ =	sdelay $0x4  }
0x3b8: {  	v9 =	vshll.u32 v5, $0x4  }
0x3b9: {  	v5 =	vand.u32 $0x7, v5;
	v9 =	vand.u32 $0xFFFFFF80, v9  }
0x3ba: {  	v5 =	vor.u32 v5, v9  }
0x3bb: {  	v5 =	vperm.xlane v5, v6;
	_ =	sdelay $0x1  }
0x3bc: {  	v5 =	vadd.s32 v8, v5;
	_ =	sdelay $0x3  }
0x3bd: {  	s31 =	simm.s32 $0x1B000  }
0x3be: {  	[tilespmem:s31], [sflag:$0x1] =	stream.indirect_vreg.gather [hbm4b:s0+s4], $0x80, v5, vm15, $0xb8;
	[tilespmem:$0x1F900] =	vst v63  }
0x3bf: {  	s6 =	simm.s32 $0x1B800  }
0x3c0: {  	[tilespmem:s6], [sflag:$0x1] =	stream.indirect_vreg.gather [hbm4b:s10+s4], $0x80, v5, vm15, $0xb8;
	[tilespmem:$0x1F900] =	vst v63  }
0x3c1: {  	s7 =	simm.s32 $0x1C000  }
0x3c2: {  	[tilespmem:s7], [sflag:$0x1] =	stream.indirect_vreg.gather [hbm4b:s11+s4], $0x80, v5, vm15, $0xb8;
	[tilespmem:$0x1F900] =	vst v63  }
0x3c3: {  	s8 =	simm.s32 $0x1C800  }
0x3c4: {  	[tilespmem:s8], [sflag:$0x1] =	stream.indirect_vreg.gather [hbm4b:s12+s4], $0x80, v5, vm15, $0xb8;
	[tilespmem:$0x1F900] =	vst v63  }
0x3c5: {  	s9 =	simm.s32 $0x1D000  }
0x3c6: {  	[tilespmem:s9], [sflag:$0x1] =	stream.indirect_vreg.gather [hbm4b:s13+s4], $0x80, v5, vm15, $0xb8;
	[tilespmem:$0x1F900] =	vst v63  }
0x3c7: {  	s18 =	simm.s32 $0x1D800  }
0x3c8: {  	[tilespmem:s18], [sflag:$0x1] =	stream.indirect_vreg.gather [hbm4b:s14+s4], $0x80, v5, vm15, $0xb8;
	[tilespmem:$0x1F900] =	vst v63  }
0x3c9: {  	s19 =	simm.s32 $0x1E000  }
0x3ca: {  	[tilespmem:s19], [sflag:$0x1] =	stream.indirect_vreg.gather [hbm4b:s15+s4], $0x80, v5, vm15, $0xb8;
	[tilespmem:$0x1F900] =	vst v63  }
0x3cb: {  	s22 =	simm.s32 $0x1E800  }
0x3cc: {  	[tilespmem:s22], [sflag:$0x1] =	stream.indirect_vreg.gather [hbm4b:s16+s4], $0x80, v5, vm15, $0xb8;
	[tilespmem:$0x1F900] =	vst v63  }
0x3cd: {  	v5 =	vld [tilespmem:$0x2E00]  }
0x3ce: {  	v6 =	vld [tilespmem:$0x2E10]  }
0x3cf: {  	v8 =	vld [tilespmem:$0x2E20]  }
0x3d0: {  	v9 =	vld [tilespmem:$0x2E30];
	_ =	sdelay $0x2  }
0x3d1: {  	v10 =	vmax.f32 v5, v6  }
0x3d2: {  	v10 =	vmax.f32 v10, v8  }
0x3d3: {  	v10 =	vmax.f32 v10, v9  }
0x3d4: {  	(xrf0) =	vmax.scan.msk.f32 $0xffff, v10;
	_ =	sdelay $0x5  }
0x3d5: {  	v10, _, _ =	vpop (xrf0)  }
0x3d6: {  	v10 =	vbroadcast v10, $0xF;
	_ =	sdelay $0x1  }
0x3d7: {  	v5 =	vsub.f32 v5, v10  }
0x3d8: {  	v6 =	vsub.f32 v6, v10  }
0x3d9: {  	v5 =	vmul.f32 $1.442695020e+00, v5  }
0x3da: {  	v6 =	vmul.f32 $1.442695020e+00, v6  }
0x3db: {  	v8 =	vsub.f32 v8, v10;
	(erf) = vpow2.f32 v5  }
0x3dc: {  	(erf) = vpow2.f32 v6  }
0x3dd: {  	v5 =	vmul.f32 $1.442695020e+00, v8;
	v6 =	vsub.f32 v9, v10;
	_ =	sdelay $0x1  }
0x3de: {  	(erf) = vpow2.f32 v5;
	v5 =	vmul.f32 $1.442695020e+00, v6;
	_ =	sdelay $0x1  }
0x3df: {  	(erf) = vpow2.f32 v5;
	_ =	sdelay $0x2  }
0x3e0: {  	v6 =	vpop (erf)  }
0x3e1: {  	v8 =	vpop (erf)  }
0x3e2: {  	v9 =	vadd.f32 v8, v6;
	_ =	sdelay $0x1  }
0x3e3: {  	v5 =	vpop (erf)  }
0x3e4: {  	v10 =	vadd.f32 v9, v5  }
0x3e5: {  	v9 =	vpop (erf)  }
0x3e6: {  	v10 =	vadd.f32 v10, v9;
	_ =	sdelay $0x1  }
0x3e7: {  	(xrf2) =	vadd.scan.msk.f32 $0xffff, v10;
	_ =	sdelay $0x9  }
0x3e8: {  	v10, _, _ =	vpop (xrf2)  }
0x3e9: {  	v10 =	vbroadcast v10, $0xF;
	_ =	sdelay $0x1  }
0x3ea: {  	(erf) = vrcp.f32 v10;
	_ =	sdelay $0x8  }
0x3eb: {  	s6 =	simm.s32 $0x1;
	v10 =	vpop (erf)  }
0x3ec: {  	_ =	swait.ge [sflag:s6], $0x1C000  }
0x3ed: {  	s29 =	sand.u32 $0x70, s4;
	s30 =	sand.u32 $0x3C00, s4;
	[sflag:s6] =	ssyncset.done $0x0  }
0x3ee: {  	s4 =	sor.u32 s29, s30;
	[sflag:s6] =	ssyncadd.s32 $0xFFFE4000  }
0x3ef: {  	v11 =	vld [tilespmem:s4+$0x3000]  }
0x3f0: {  	v6 =	vmul.f32 v10, v6  }
0x3f1: {  	v12 =	vld [tilespmem:s4+$0x3080]  }
0x3f2: {  	v22 =	vperm.xlane v6, v0  }
0x3f3: {  	v4 =	vimm.s32 $0x1;
	v24 =	vld [tilespmem:s4+$0x3100]  }
0x3f4: {  	v20 =	vperm.xlane v6, v4;
	v11 =	vmul.f32 v11, v22  }
0x3f5: {  	v15 =	vimm.s32 $0x2;
	v25 =	vld [tilespmem:s4+$0x3180]  }
0x3f6: {  	v21 =	vperm.xlane v6, v15;
	v12 =	vmul.f32 v12, v20;
	v11 =	vadd.f32 $0.0e+00, v11  }
0x3f7: {  	v16 =	vimm.s32 $0x3;
	v26 =	vld [tilespmem:s4+$0x3200]  }
0x3f8: {  	v23 =	vperm.xlane v6, v16;
	v11 =	vadd.f32 v12, v11;
	v12 =	vmul.f32 v24, v21  }
0x3f9: {  	v13 =	vimm.s32 $0x4;
	v27 =	vld [tilespmem:s4+$0x3280]  }
0x3fa: {  	v24 =	vperm.xlane v6, v13;
	v11 =	vadd.f32 v12, v11;
	v12 =	vmul.f32 v25, v23  }
0x3fb: {  	v17 =	vimm.s32 $0x5;
	v28 =	vld [tilespmem:s4+$0x3300]  }
0x3fc: {  	v25 =	vperm.xlane v6, v17;
	v11 =	vadd.f32 v12, v11;
	v12 =	vmul.f32 v26, v24  }
0x3fd: {  	v58 =	vimm.s32 $0x6;
	v29 =	vld [tilespmem:s4+$0x3380]  }
0x3fe: {  	v26 =	vperm.xlane v6, v58;
	v11 =	vadd.f32 v12, v11;
	v12 =	vmul.f32 v27, v25  }
0x3ff: {  	v14 =	vimm.s32 $0x7;
	v30 =	vld [tilespmem:s4+$0x7000]  }
0x400: {  	v27 =	vperm.xlane v6, v14;
	v11 =	vadd.f32 v12, v11;
	v12 =	vmul.f32 v28, v26  }
0x401: {  	v60 =	vimm.s32 $0x8;
	v31 =	vld [tilespmem:s4+$0x7080]  }
0x402: {  	v28 =	vperm.xlane v6, v60;
	v11 =	vadd.f32 v12, v11;
	v12 =	vmul.f32 v29, v27  }
0x403: {  	v61 =	vimm.s32 $0x9;
	v32 =	vld [tilespmem:s4+$0x7100]  }
0x404: {  	v29 =	vperm.xlane v6, v61;
	v11 =	vadd.f32 v12, v11;
	v12 =	vmul.f32 v30, v28  }
0x405: {  	v63 =	vimm.s32 $0xA;
	v33 =	vld [tilespmem:s4+$0x7180]  }
0x406: {  	v30 =	vperm.xlane v6, v63;
	v11 =	vadd.f32 v12, v11;
	v12 =	vmul.f32 v31, v29  }
0x407: {  	v34 =	vld [tilespmem:s4+$0x7200]  }
0x408: {  	v31 =	vperm.xlane v6, v18;
	v11 =	vadd.f32 v12, v11;
	v12 =	vmul.f32 v32, v30  }
0x409: {  	v35 =	vld [tilespmem:s4+$0x7280]  }
0x40a: {  	v32 =	vperm.xlane v6, v19;
	v11 =	vadd.f32 v12, v11;
	v12 =	vmul.f32 v33, v31  }
0x40b: {  	v4 =	vimm.s32 $0xD;
	v36 =	vld [tilespmem:s4+$0x7300]  }
0x40c: {  	v33 =	vperm.xlane v6, v4;
	v11 =	vadd.f32 v12, v11;
	v12 =	vmul.f32 v34, v32  }
0x40d: {  	v7 =	vimm.s32 $0xE;
	v37 =	vld [tilespmem:s4+$0x7380]  }
0x40e: {  	v34 =	vperm.xlane v6, v7;
	v11 =	vadd.f32 v12, v11;
	v12 =	vmul.f32 v35, v33  }
0x40f: {  	v8 =	vmul.f32 v10, v8;
	v38 =	vld [tilespmem:s4+$0xB000];
	v7 =	vimm.s32 $0xF  }
0x410: {  	v35 =	vperm.xlane v6, v7;
	v6 =	vadd.f32 v12, v11;
	v11 =	vmul.f32 v36, v34  }
0x411: {  	v12 =	vld [tilespmem:s4+$0xB080]  }
0x412: {  	v36 =	vperm.xlane v8, v0;
	v6 =	vadd.f32 v11, v6;
	v11 =	vmul.f32 v37, v35  }
0x413: {  	v39 =	vimm.s32 $0x1;
	v40 =	vld [tilespmem:s4+$0xB100]  }
0x414: {  	v37 =	vperm.xlane v8, v39;
	v6 =	vadd.f32 v11, v6;
	v11 =	vmul.f32 v38, v36  }
0x415: {  	v41 =	vld [tilespmem:s4+$0xB180]  }
0x416: {  	v38 =	vperm.xlane v8, v15;
	v6 =	vadd.f32 v11, v6;
	v11 =	vmul.f32 v12, v37  }
0x417: {  	v12 =	vld [tilespmem:s4+$0xB200]  }
0x418: {  	v39 =	vperm.xlane v8, v16;
	v6 =	vadd.f32 v11, v6;
	v11 =	vmul.f32 v40, v38  }
0x419: {  	v43 =	vld [tilespmem:s4+$0xB280]  }
0x41a: {  	v40 =	vperm.xlane v8, v13;
	v6 =	vadd.f32 v11, v6;
	v11 =	vmul.f32 v41, v39  }
0x41b: {  	v44 =	vld [tilespmem:s4+$0xB300]  }
0x41c: {  	v41 =	vperm.xlane v8, v17;
	v6 =	vadd.f32 v11, v6;
	v11 =	vmul.f32 v12, v40  }
0x41d: {  	v12 =	vld [tilespmem:s4+$0xB380]  }
0x41e: {  	v42 =	vperm.xlane v8, v58;
	v6 =	vadd.f32 v11, v6;
	v11 =	vmul.f32 v43, v41  }
0x41f: {  	v46 =	vld [tilespmem:s4+$0xF000]  }
0x420: {  	v43 =	vperm.xlane v8, v14;
	v6 =	vadd.f32 v11, v6;
	v11 =	vmul.f32 v44, v42  }
0x421: {  	v47 =	vld [tilespmem:s4+$0xF080]  }
0x422: {  	v44 =	vperm.xlane v8, v60;
	v6 =	vadd.f32 v11, v6;
	v11 =	vmul.f32 v12, v43  }
0x423: {  	v12 =	vld [tilespmem:s4+$0xF100]  }
0x424: {  	v45 =	vperm.xlane v8, v61;
	v6 =	vadd.f32 v11, v6;
	v11 =	vmul.f32 v46, v44  }
0x425: {  	v49 =	vld [tilespmem:s4+$0xF180]  }
0x426: {  	v46 =	vperm.xlane v8, v63;
	v6 =	vadd.f32 v11, v6;
	v11 =	vmul.f32 v47, v45  }
0x427: {  	v50 =	vld [tilespmem:s4+$0xF200]  }
0x428: {  	v47 =	vperm.xlane v8, v18;
	v6 =	vadd.f32 v11, v6;
	v11 =	vmul.f32 v12, v46  }
0x429: {  	v12 =	vld [tilespmem:s4+$0xF280]  }
0x42a: {  	v48 =	vperm.xlane v8, v19;
	v6 =	vadd.f32 v11, v6;
	v11 =	vmul.f32 v49, v47  }
0x42b: {  	v52 =	vld [tilespmem:s4+$0xF300]  }
0x42c: {  	v49 =	vperm.xlane v8, v4;
	v6 =	vadd.f32 v11, v6;
	v11 =	vmul.f32 v50, v48  }
0x42d: {  	v51 =	vimm.s32 $0xE;
	v53 =	vld [tilespmem:s4+$0xF380]  }
0x42e: {  	v50 =	vperm.xlane v8, v51;
	v6 =	vadd.f32 v11, v6;
	v11 =	vmul.f32 v12, v49  }
0x42f: {  	v12 =	vmul.f32 v10, v5;
	v5 =	vld [tilespmem:s4+$0x13000]  }
0x430: {  	v51 =	vperm.xlane v8, v7;
	v8 =	vmul.f32 v52, v50;
	v6 =	vadd.f32 v11, v6  }
0x431: {  	v11 =	vld [tilespmem:s4+$0x13080]  }
0x432: {  	v52 =	vperm.xlane v12, v0;
	v6 =	vadd.f32 v8, v6;
	v8 =	vmul.f32 v53, v51  }
0x433: {  	v54 =	vimm.s32 $0x1;
	v56 =	vld [tilespmem:s4+$0x13100]  }
0x434: {  	v53 =	vperm.xlane v12, v54;
	v5 =	vmul.f32 v5, v52;
	v6 =	vadd.f32 v8, v6  }
0x435: {  	v8 =	vld [tilespmem:s4+$0x13180]  }
0x436: {  	v54 =	vperm.xlane v12, v15;
	v5 =	vadd.f32 v5, v6;
	v6 =	vmul.f32 v11, v53  }
0x437: {  	v11 =	vld [tilespmem:s4+$0x13200]  }
0x438: {  	v55 =	vperm.xlane v12, v16;
	v5 =	vadd.f32 v6, v5;
	v6 =	vmul.f32 v56, v54  }
0x439: {  	v59 =	vld [tilespmem:s4+$0x13280]  }
0x43a: {  	v56 =	vperm.xlane v12, v13;
	v5 =	vadd.f32 v6, v5;
	v6 =	vmul.f32 v8, v55  }
0x43b: {  	v8 =	vld [tilespmem:s4+$0x13300]  }
0x43c: {  	v57 =	vperm.xlane v12, v17;
	v5 =	vadd.f32 v6, v5;
	v6 =	vmul.f32 v11, v56  }
0x43d: {  	v11 =	vld [tilespmem:s4+$0x13380]  }
0x43e: {  	v58 =	vperm.xlane v12, v58;
	v5 =	vadd.f32 v6, v5;
	v6 =	vmul.f32 v59, v57  }
0x43f: {  	v62 =	vld [tilespmem:s4+$0x17000]  }
0x440: {  	v59 =	vperm.xlane v12, v14;
	v5 =	vadd.f32 v6, v5;
	v6 =	vmul.f32 v8, v58  }
0x441: {  	v8 =	vld [tilespmem:s4+$0x17080]  }
0x442: {  	v60 =	vperm.xlane v12, v60;
	v5 =	vadd.f32 v6, v5;
	v6 =	vmul.f32 v11, v59  }
0x443: {  	v11 =	vld [tilespmem:s4+$0x17100]  }
0x444: {  	v61 =	vperm.xlane v12, v61;
	v5 =	vadd.f32 v6, v5;
	v6 =	vmul.f32 v62, v60  }
0x445: {  	v13 =	vld [tilespmem:s4+$0x17180]  }
0x446: {  	v62 =	vperm.xlane v12, v63;
	v5 =	vadd.f32 v6, v5;
	v6 =	vmul.f32 v8, v61  }
0x447: {  	v8 =	vld [tilespmem:s4+$0x17200]  }
0x448: {  	v63 =	vperm.xlane v12, v18;
	v11 =	vmul.f32 v11, v62;
	v6 =	vadd.f32 v6, v5  }
0x449: {  	v14 =	vld [tilespmem:s4+$0x17280]  }
0x44a: {  	v13 =	vmul.f32 v13, v63;
	v5 =	vperm.xlane v12, v19;
	v11 =	vadd.f32 v11, v6  }
0x44b: {  	v15 =	vld [tilespmem:s4+$0x17300]  }
0x44c: {  	v6 =	vperm.xlane v12, v4;
	v8 =	vmul.f32 v8, v5;
	v11 =	vadd.f32 v13, v11  }
0x44d: {  	v4 =	vimm.s32 $0xE;
	v13 =	vld [tilespmem:s4+$0x17380]  }
0x44e: {  	v14 =	vmul.f32 v14, v6;
	v11 =	vadd.f32 v8, v11;
	v8 =	vperm.xlane v12, v4  }
0x44f: {  	v16 =	vmul.f32 v10, v9;
	v17 =	vld [tilespmem:s4+$0x1B000]  }
0x450: {  	v9 =	vperm.xlane v12, v7;
	v10 =	vadd.f32 v14, v11;
	v11 =	vmul.f32 v15, v8  }
0x451: {  	v12 =	vld [tilespmem:s4+$0x1B080]  }
0x452: {  	v13 =	vmul.f32 v13, v9;
	v11 =	vadd.f32 v11, v10;
	v10 =	vperm.xlane v16, v0  }
0x453: {  	v4 =	vimm.s32 $0x1  }
0x454: {  	v13 =	vadd.f32 v13, v11;
	v11 =	vperm.xlane v16, v4;
	v14 =	vmul.f32 v17, v10;
	_ =	sdelay $0x1  }
0x455: {  	v13 =	vadd.f32 v14, v13;
	v12 =	vmul.f32 v12, v11  }
0x456: {  	s31 =	simm.s32 $0x10  }
0x457: {  	s0 =	sand.u32 $0x70, s31;
	s7 =	simm.s32 $0x80;
	v12 =	vadd.f32 v12, v13  }
0x458: {  	s2 =	sand.u32 $0x3C00, s7;
	s8 =	simm.s32 $0x20;
	s4 =	simm.s32 $0x1F000  }
.LBB2_73:
0x459: {  	p1 =	sne.s32 s8, $0x7F0;
	s22 =	sor.u32 s0, s2;
	[tilespmem:s4+$0x0] =	vst v12  }
0x45a: {  	v12 =	vld [tilespmem:s22+$0x3000];
	_ =	sdelay $0x1  }
0x45b: {  	v13 =	vld [tilespmem:s22+$0x3080];
	_ =	sdelay $0x1  }
0x45c: {  	v14 =	vld [tilespmem:s22+$0x3100]  }
0x45d: {  	v12 =	vmul.f32 v12, v22  }
0x45e: {  	v15 =	vld [tilespmem:s22+$0x3180]  }
0x45f: {  	v12 =	vadd.f32 $0.0e+00, v12;
	v13 =	vmul.f32 v13, v20  }
0x460: {  	v16 =	vld [tilespmem:s22+$0x3200]  }
0x461: {  	v12 =	vadd.f32 v13, v12;
	v13 =	vmul.f32 v14, v21  }
0x462: {  	v14 =	vld [tilespmem:s22+$0x3280]  }
0x463: {  	v12 =	vadd.f32 v13, v12;
	v13 =	vmul.f32 v15, v23  }
0x464: {  	v15 =	vld [tilespmem:s22+$0x3300]  }
0x465: {  	v12 =	vadd.f32 v13, v12;
	v13 =	vmul.f32 v16, v24  }
0x466: {  	v16 =	vld [tilespmem:s22+$0x3380]  }
0x467: {  	v12 =	vadd.f32 v13, v12;
	v13 =	vmul.f32 v14, v25  }
0x468: {  	v14 =	vld [tilespmem:s22+$0x7000]  }
0x469: {  	v12 =	vadd.f32 v13, v12;
	v13 =	vmul.f32 v15, v26  }
0x46a: {  	v15 =	vld [tilespmem:s22+$0x7080]  }
0x46b: {  	v12 =	vadd.f32 v13, v12;
	v13 =	vmul.f32 v16, v27  }
0x46c: {  	v16 =	vld [tilespmem:s22+$0x7100]  }
0x46d: {  	v12 =	vadd.f32 v13, v12;
	v13 =	vmul.f32 v14, v28  }
0x46e: {  	v14 =	vld [tilespmem:s22+$0x7180]  }
0x46f: {  	v12 =	vadd.f32 v13, v12;
	v13 =	vmul.f32 v15, v29  }
0x470: {  	v15 =	vld [tilespmem:s22+$0x7200]  }
0x471: {  	v12 =	vadd.f32 v13, v12;
	v13 =	vmul.f32 v16, v30  }
0x472: {  	v16 =	vld [tilespmem:s22+$0x7280]  }
0x473: {  	v12 =	vadd.f32 v13, v12;
	v13 =	vmul.f32 v14, v31  }
0x474: {  	v14 =	vld [tilespmem:s22+$0x7300]  }
0x475: {  	v12 =	vadd.f32 v13, v12;
	v13 =	vmul.f32 v15, v32  }
0x476: {  	v15 =	vld [tilespmem:s22+$0x7380]  }
0x477: {  	v12 =	vadd.f32 v13, v12;
	v13 =	vmul.f32 v16, v33  }
0x478: {  	v16 =	vld [tilespmem:s22+$0xB000]  }
0x479: {  	v12 =	vadd.f32 v13, v12;
	v13 =	vmul.f32 v14, v34  }
0x47a: {  	v14 =	vld [tilespmem:s22+$0xB080]  }
0x47b: {  	v12 =	vadd.f32 v13, v12;
	v13 =	vmul.f32 v15, v35  }
0x47c: {  	v15 =	vld [tilespmem:s22+$0xB100]  }
0x47d: {  	v12 =	vadd.f32 v13, v12;
	v13 =	vmul.f32 v16, v36  }
0x47e: {  	v16 =	vld [tilespmem:s22+$0xB180]  }
0x47f: {  	v12 =	vadd.f32 v13, v12;
	v13 =	vmul.f32 v14, v37  }
0x480: {  	v14 =	vld [tilespmem:s22+$0xB200]  }
0x481: {  	v12 =	vadd.f32 v13, v12;
	v13 =	vmul.f32 v15, v38  }
0x482: {  	v15 =	vld [tilespmem:s22+$0xB280]  }
0x483: {  	v12 =	vadd.f32 v13, v12;
	v13 =	vmul.f32 v16, v39  }
0x484: {  	v16 =	vld [tilespmem:s22+$0xB300]  }
0x485: {  	v12 =	vadd.f32 v13, v12;
	v13 =	vmul.f32 v14, v40  }
0x486: {  	v14 =	vld [tilespmem:s22+$0xB380]  }
0x487: {  	v12 =	vadd.f32 v13, v12;
	v13 =	vmul.f32 v15, v41  }
0x488: {  	v15 =	vld [tilespmem:s22+$0xF000]  }
0x489: {  	v12 =	vadd.f32 v13, v12;
	v13 =	vmul.f32 v16, v42  }
0x48a: {  	v16 =	vld [tilespmem:s22+$0xF080]  }
0x48b: {  	v12 =	vadd.f32 v13, v12;
	v13 =	vmul.f32 v14, v43  }
0x48c: {  	v14 =	vld [tilespmem:s22+$0xF100]  }
0x48d: {  	v12 =	vadd.f32 v13, v12;
	v13 =	vmul.f32 v15, v44  }
0x48e: {  	v15 =	vld [tilespmem:s22+$0xF180]  }
0x48f: {  	v12 =	vadd.f32 v13, v12;
	v13 =	vmul.f32 v16, v45  }
0x490: {  	v16 =	vld [tilespmem:s22+$0xF200]  }
0x491: {  	v12 =	vadd.f32 v13, v12;
	v13 =	vmul.f32 v14, v46  }
0x492: {  	v14 =	vld [tilespmem:s22+$0xF280]  }
0x493: {  	v12 =	vadd.f32 v13, v12;
	v13 =	vmul.f32 v15, v47  }
0x494: {  	v15 =	vld [tilespmem:s22+$0xF300]  }
0x495: {  	v12 =	vadd.f32 v13, v12;
	v13 =	vmul.f32 v16, v48  }
0x496: {  	v16 =	vld [tilespmem:s22+$0xF380]  }
0x497: {  	v12 =	vadd.f32 v13, v12;
	v13 =	vmul.f32 v14, v49  }
0x498: {  	v14 =	vld [tilespmem:s22+$0x13000]  }
0x499: {  	v12 =	vadd.f32 v13, v12;
	v13 =	vmul.f32 v15, v50  }
0x49a: {  	v15 =	vld [tilespmem:s22+$0x13080]  }
0x49b: {  	v12 =	vadd.f32 v13, v12;
	v13 =	vmul.f32 v16, v51  }
0x49c: {  	v16 =	vld [tilespmem:s22+$0x13100]  }
0x49d: {  	v12 =	vadd.f32 v13, v12;
	v13 =	vmul.f32 v14, v52  }
0x49e: {  	v14 =	vld [tilespmem:s22+$0x13180]  }
0x49f: {  	v12 =	vadd.f32 v13, v12;
	v13 =	vmul.f32 v15, v53  }
0x4a0: {  	v15 =	vld [tilespmem:s22+$0x13200]  }
0x4a1: {  	v12 =	vadd.f32 v13, v12;
	v13 =	vmul.f32 v16, v54  }
0x4a2: {  	v16 =	vld [tilespmem:s22+$0x13280]  }
0x4a3: {  	v12 =	vadd.f32 v13, v12;
	v13 =	vmul.f32 v14, v55  }
0x4a4: {  	v14 =	vld [tilespmem:s22+$0x13300]  }
0x4a5: {  	v12 =	vadd.f32 v13, v12;
	v13 =	vmul.f32 v15, v56  }
0x4a6: {  	v15 =	vld [tilespmem:s22+$0x13380]  }
0x4a7: {  	v12 =	vadd.f32 v13, v12;
	v13 =	vmul.f32 v16, v57  }
0x4a8: {  	v16 =	vld [tilespmem:s22+$0x17000]  }
0x4a9: {  	v12 =	vadd.f32 v13, v12;
	v13 =	vmul.f32 v14, v58  }
0x4aa: {  	v14 =	vld [tilespmem:s22+$0x17080]  }
0x4ab: {  	v12 =	vadd.f32 v13, v12;
	v13 =	vmul.f32 v15, v59  }
0x4ac: {  	v15 =	vld [tilespmem:s22+$0x17100]  }
0x4ad: {  	v12 =	vadd.f32 v13, v12;
	v13 =	vmul.f32 v16, v60  }
0x4ae: {  	v16 =	vld [tilespmem:s22+$0x17180]  }
0x4af: {  	v12 =	vadd.f32 v13, v12;
	v13 =	vmul.f32 v14, v61  }
0x4b0: {  	v14 =	vld [tilespmem:s22+$0x17200]  }
0x4b1: {  	v12 =	vadd.f32 v13, v12;
	v13 =	vmul.f32 v15, v62  }
0x4b2: {  	v15 =	vld [tilespmem:s22+$0x17280]  }
0x4b3: {  	v12 =	vadd.f32 v13, v12;
	v13 =	vmul.f32 v16, v63  }
0x4b4: {  	v16 =	vld [tilespmem:s22+$0x17300]  }
0x4b5: {  	v12 =	vadd.f32 v13, v12;
	v13 =	vmul.f32 v14, v5  }
0x4b6: {  	v14 =	vld [tilespmem:s22+$0x17380]  }
0x4b7: {  	v12 =	vadd.f32 v13, v12;
	v13 =	vmul.f32 v15, v6  }
0x4b8: {  	v15 =	vld [tilespmem:s22+$0x1B000]  }
0x4b9: {  	v12 =	vadd.f32 v13, v12;
	v13 =	vmul.f32 v16, v8  }
0x4ba: {  	v16 =	vld [tilespmem:s22+$0x1B080]  }
0x4bb: {  	v12 =	vadd.f32 v13, v12;
	v13 =	vmul.f32 v14, v9;
	_ =	sdelay $0x1  }
0x4bc: {  	v12 =	vadd.f32 v13, v12;
	v13 =	vmul.f32 v15, v10  }
.Ltmp59:
0x4bd: {  	(pc) =	sbr.rel @p1 .LBB2_73-.Ltmp59, $3  }
0x4be: {  	v12 =	vadd.f32 v13, v12;
	v13 =	vmul.f32 v16, v11;
	_ =	sdelay $0x1  }
0x4bf: {  	s7 =	sadd.s32 $0x80, s7;
	s4 =	sadd.s32 $0x10, s4;
	v12 =	vadd.f32 v13, v12  }
0x4c0: {  	s0 =	sand.u32 $0x70, s8;
	s8 =	sadd.s32 $0x10, s8;
	s2 =	sand.u32 $0x3C00, s7  }
0x4c1: {  	s6 =	sor.u32 s0, s2;
	[tilespmem:s4+$0x0] =	vst v12  }
0x4c2: {  	v12 =	vld [tilespmem:s6+$0x3000];
	_ =	sdelay $0x1  }
0x4c3: {  	v13 =	vld [tilespmem:s6+$0x3080];
	_ =	sdelay $0x1  }
0x4c4: {  	v14 =	vld [tilespmem:s6+$0x3100]  }
0x4c5: {  	v12 =	vmul.f32 v12, v22  }
0x4c6: {  	v15 =	vld [tilespmem:s6+$0x3180]  }
0x4c7: {  	v13 =	vmul.f32 v13, v20;
	v12 =	vadd.f32 $0.0e+00, v12  }
0x4c8: {  	v16 =	vld [tilespmem:s6+$0x3200]  }
0x4c9: {  	v22 =	vmul.f32 v14, v21;
	v12 =	vadd.f32 v13, v12  }
0x4ca: {  	v14 =	vld [tilespmem:s6+$0x3280]  }
0x4cb: {  	v7 =	vmul.f32 v15, v23;
	v12 =	vadd.f32 v22, v12  }
0x4cc: {  	v21 =	vld [tilespmem:s6+$0x3300]  }
0x4cd: {  	v22 =	vmul.f32 v16, v24;
	v12 =	vadd.f32 v7, v12  }
0x4ce: {  	v16 =	vld [tilespmem:s6+$0x3380]  }
0x4cf: {  	v23 =	vmul.f32 v14, v25;
	v12 =	vadd.f32 v22, v12  }
0x4d0: {  	v24 =	vld [tilespmem:s6+$0x7000]  }
0x4d1: {  	v25 =	vmul.f32 v21, v26;
	v12 =	vadd.f32 v23, v12  }
0x4d2: {  	v26 =	vld [tilespmem:s6+$0x7080]  }
0x4d3: {  	v27 =	vmul.f32 v16, v27;
	v12 =	vadd.f32 v25, v12  }
0x4d4: {  	v16 =	vld [tilespmem:s6+$0x7100]  }
0x4d5: {  	v28 =	vmul.f32 v24, v28;
	v12 =	vadd.f32 v27, v12  }
0x4d6: {  	v7 =	vld [tilespmem:s6+$0x7180]  }
0x4d7: {  	v21 =	vmul.f32 v26, v29;
	v12 =	vadd.f32 v28, v12  }
0x4d8: {  	v22 =	vld [tilespmem:s6+$0x7200]  }
0x4d9: {  	v23 =	vmul.f32 v16, v30;
	v12 =	vadd.f32 v21, v12  }
0x4da: {  	v16 =	vld [tilespmem:s6+$0x7280]  }
0x4db: {  	v24 =	vmul.f32 v7, v31;
	v12 =	vadd.f32 v23, v12  }
0x4dc: {  	v25 =	vld [tilespmem:s6+$0x7300]  }
0x4dd: {  	v26 =	vmul.f32 v22, v32;
	v12 =	vadd.f32 v24, v12  }
0x4de: {  	v27 =	vld [tilespmem:s6+$0x7380]  }
0x4df: {  	v28 =	vmul.f32 v16, v33;
	v12 =	vadd.f32 v26, v12  }
0x4e0: {  	v16 =	vld [tilespmem:s6+$0xB000]  }
0x4e1: {  	v29 =	vmul.f32 v25, v34;
	v12 =	vadd.f32 v28, v12  }
0x4e2: {  	v30 =	vld [tilespmem:s6+$0xB080]  }
0x4e3: {  	v31 =	vmul.f32 v27, v35;
	v12 =	vadd.f32 v29, v12  }
0x4e4: {  	v32 =	vld [tilespmem:s6+$0xB100]  }
0x4e5: {  	v33 =	vmul.f32 v16, v36;
	v12 =	vadd.f32 v31, v12  }
0x4e6: {  	v16 =	vld [tilespmem:s6+$0xB180]  }
0x4e7: {  	v34 =	vmul.f32 v30, v37;
	v12 =	vadd.f32 v33, v12  }
0x4e8: {  	v35 =	vld [tilespmem:s6+$0xB200]  }
0x4e9: {  	v36 =	vmul.f32 v32, v38;
	v12 =	vadd.f32 v34, v12  }
0x4ea: {  	v37 =	vld [tilespmem:s6+$0xB280]  }
0x4eb: {  	v38 =	vmul.f32 v16, v39;
	v12 =	vadd.f32 v36, v12  }
0x4ec: {  	v16 =	vld [tilespmem:s6+$0xB300]  }
0x4ed: {  	v39 =	vmul.f32 v35, v40;
	v12 =	vadd.f32 v38, v12  }
0x4ee: {  	v40 =	vld [tilespmem:s6+$0xB380]  }
0x4ef: {  	v41 =	vmul.f32 v37, v41;
	v12 =	vadd.f32 v39, v12  }
0x4f0: {  	v7 =	vld [tilespmem:s6+$0xF000]  }
0x4f1: {  	v21 =	vmul.f32 v16, v42;
	v12 =	vadd.f32 v41, v12  }
0x4f2: {  	v16 =	vld [tilespmem:s6+$0xF080]  }
0x4f3: {  	v22 =	vmul.f32 v40, v43;
	v12 =	vadd.f32 v21, v12  }
0x4f4: {  	v23 =	vld [tilespmem:s6+$0xF100]  }
0x4f5: {  	v24 =	vmul.f32 v7, v44;
	v12 =	vadd.f32 v22, v12  }
0x4f6: {  	v25 =	vld [tilespmem:s6+$0xF180]  }
0x4f7: {  	v26 =	vmul.f32 v16, v45;
	v12 =	vadd.f32 v24, v12  }
0x4f8: {  	v16 =	vld [tilespmem:s6+$0xF200]  }
0x4f9: {  	v27 =	vmul.f32 v23, v46;
	v12 =	vadd.f32 v26, v12  }
0x4fa: {  	v28 =	vld [tilespmem:s6+$0xF280]  }
0x4fb: {  	v29 =	vmul.f32 v25, v47;
	v12 =	vadd.f32 v27, v12  }
0x4fc: {  	v30 =	vld [tilespmem:s6+$0xF300]  }
0x4fd: {  	v31 =	vmul.f32 v16, v48;
	v12 =	vadd.f32 v29, v12  }
0x4fe: {  	v16 =	vld [tilespmem:s6+$0xF380]  }
0x4ff: {  	v32 =	vmul.f32 v28, v49;
	v12 =	vadd.f32 v31, v12  }
0x500: {  	v33 =	vld [tilespmem:s6+$0x13000]  }
0x501: {  	v34 =	vmul.f32 v30, v50;
	v12 =	vadd.f32 v32, v12  }
0x502: {  	v35 =	vld [tilespmem:s6+$0x13080]  }
0x503: {  	v36 =	vmul.f32 v16, v51;
	v12 =	vadd.f32 v34, v12  }
0x504: {  	v16 =	vld [tilespmem:s6+$0x13100]  }
0x505: {  	v37 =	vmul.f32 v33, v52;
	v12 =	vadd.f32 v36, v12  }
0x506: {  	v38 =	vld [tilespmem:s6+$0x13180]  }
0x507: {  	v39 =	vmul.f32 v35, v53;
	v12 =	vadd.f32 v37, v12  }
0x508: {  	v40 =	vld [tilespmem:s6+$0x13200]  }
0x509: {  	v41 =	vmul.f32 v16, v54;
	v12 =	vadd.f32 v39, v12  }
0x50a: {  	v16 =	vld [tilespmem:s6+$0x13280]  }
0x50b: {  	v42 =	vmul.f32 v38, v55;
	v12 =	vadd.f32 v41, v12  }
0x50c: {  	v43 =	vld [tilespmem:s6+$0x13300]  }
0x50d: {  	v44 =	vmul.f32 v40, v56;
	v12 =	vadd.f32 v42, v12  }
0x50e: {  	v45 =	vld [tilespmem:s6+$0x13380]  }
0x50f: {  	v46 =	vmul.f32 v16, v57;
	v12 =	vadd.f32 v44, v12  }
0x510: {  	v16 =	vld [tilespmem:s6+$0x17000]  }
0x511: {  	v47 =	vmul.f32 v43, v58;
	v12 =	vadd.f32 v46, v12  }
0x512: {  	v48 =	vld [tilespmem:s6+$0x17080]  }
0x513: {  	v49 =	vmul.f32 v45, v59;
	v12 =	vadd.f32 v47, v12  }
0x514: {  	v50 =	vld [tilespmem:s6+$0x17100]  }
0x515: {  	v51 =	vmul.f32 v16, v60;
	v12 =	vadd.f32 v49, v12  }
0x516: {  	v16 =	vld [tilespmem:s6+$0x17180]  }
0x517: {  	v52 =	vmul.f32 v48, v61;
	v12 =	vadd.f32 v51, v12  }
0x518: {  	v53 =	vld [tilespmem:s6+$0x17200]  }
0x519: {  	v54 =	vmul.f32 v50, v62;
	v12 =	vadd.f32 v52, v12  }
0x51a: {  	v55 =	vld [tilespmem:s6+$0x17280]  }
0x51b: {  	v56 =	vmul.f32 v16, v63;
	v12 =	vadd.f32 v54, v12  }
0x51c: {  	v16 =	vld [tilespmem:s6+$0x17300]  }
0x51d: {  	v5 =	vmul.f32 v53, v5;
	v12 =	vadd.f32 v56, v12  }
0x51e: {  	v57 =	vld [tilespmem:s6+$0x17380]  }
0x51f: {  	v6 =	vmul.f32 v55, v6;
	v5 =	vadd.f32 v5, v12  }
0x520: {  	v58 =	vld [tilespmem:s6+$0x1B000]  }
0x521: {  	v59 =	vmul.f32 v16, v8;
	v5 =	vadd.f32 v6, v5  }
0x522: {  	v60 =	vld [tilespmem:s6+$0x1B080]  }
0x523: {  	v61 =	vmul.f32 v57, v9;
	v5 =	vadd.f32 v59, v5;
	_ =	sdelay $0x1  }
0x524: {  	v62 =	vmul.f32 v58, v10;
	v5 =	vadd.f32 v61, v5;
	_ =	sdelay $0x1  }
0x525: {  	v63 =	vmul.f32 v60, v11;
	v5 =	vadd.f32 v62, v5  }
0x526: {  	s19 =	rddreg [dreg:$0x8]  }
0x527: {  	s0 =	sor.u32 s19, s17;
	v5 =	vadd.f32 v63, v5  }
0x528: {  	s22 =	sadd.s32 $0x10, s4;
	s29 =	rddreg [dreg:$0x2];
	s0 =	sshrl.u32 s0, $0x3  }
0x529: {  	s30 =	simm.s32 $0x1F000;
	s2 =	sadd.s32 s29, s0;
	s0 =	simm.s32 $0x80;
	[tilespmem:s22+$0x0] =	vst v5  }
0x52a: {  	[hbm4b:s2+s0] =	stream.strided.scatter [tilespmem:s30], [sflag:$0x4], $0x800, s21, s0, $0x38;
	[tilespmem:$0x1F900] =	vst v63  }
.Ltmp60:
0x52b: {  	_ = 	snop;
	(pc) =	sbr.rel @p0 .LBB2_2-.Ltmp60, $4  }
.Ltmp61:
0x52c: {  	s31 =	simm.s32 $0x4;
	(pc) =	sbr.rel @!p0 .LBB2_75-.Ltmp61, $4  }
0x52d: {  	_ =	swait.ge [sflag:s31], $0x800  }
0x52e: {  	[sflag:s31] =	ssyncset.done $0x0  }
0x52f: {  	p1 =	por $0x0, $0x0;
	[sflag:s31] =	ssyncadd.s32 $0xFFFFF800  }
0x530: {  	_ = 	snop  }
.LBB2_59:
.Ltmp62:
0x531: {  	(pc) =	sbr.rel .LBB2_66-.Ltmp62, $2  }
0x532: {  	_ =	sdelay $0x2  }
0x533: {  	v9 =	vimm.s32 $0x0;
	s9 =	simm.s32 $0x2C00;
	p3 =	por $0x0, $0x0;
	s17 =	rddreg [dreg:$0xc]  }
.LBB2_67:
.Ltmp63:
0x534: {  	(pc) =	sbr.rel .LBB2_71-.Ltmp63, $2  }
0x535: {  	_ =	sdelay $0x2  }
0x536: {  	s6 =	simm.s32 $0x2C00  }
.LBB2_63:
.Ltmp64:
0x537: {  	(pc) =	sbr.rel .LBB2_66-.Ltmp64, $2  }
0x538: {  	_ =	sdelay $0x2  }
0x539: {  	v11 =	vmov v10;
	v9 =	vmov v10;
	s9 =	simm.s32 $0x2C00;
	s17 =	rddreg [dreg:$0xc]  }
.LBB2_69:
.Ltmp65:
0x53a: {  	(pc) =	sbr.rel .LBB2_71-.Ltmp65, $2  }
0x53b: {  	_ =	sdelay $0x2  }
0x53c: {  	s6 =	simm.s32 $0x2C00  }
.LBB2_76:
0x53d: {  	_ =	sfence.sel $0x180000  }
0x53e: {  	[bflag:$0x0] =	sbarrier.arrive $0xFFFF  }
0x53f: {  	_ =	strace $0x90000047  }
0x540: {  	s0 =	stileid.u32;
	[bflag:$0x2] =	sbarrier.arrive $0xFFFF  }
0x541: {  	p0 =	sne.s32 s0, $0x0;
	s0 =	rddreg [dreg:$0x3]  }
0x542: {  	s0 =	sadd.s32 @!p0 $0x100000, s0  }
0x543: {  	[sflag:s0] =	ssyncadd.tile.s32 @!p0 $0x1;
	_ =	shalt  }
.Lfunc_end2:
_tile_overlayer_lowered:
.L_overlay_start_2:
0x544: {  	(tag) =	ssettag $0x2  }
0x545: {  	s0 =	rddreg [dreg:$0x0];
	s2 =	stileid.u32  }
0x546: {  	s1 =	rddreg [dreg:$0x1];
	p0 =	sne.s32 s2, $0x0  }
0x547: {  	s3 =	rddreg [dreg:$0x2];
	[bflag:$0x3] =	sbarrier.arrive $0xFFFF;
	s2 =	simm.s32 @!p0 $0x1C04  }
0x548: {  	[timem:s3], [sflag:s2] =	dma.local @!p0 [hbm:s0], s1  }
0x549: {  	s0 =	simm.s32 @!p0 $0x4  }
0x54a: {  	_ =	swait.ge @!p0 [sflag:s0], s1  }
0x54b: {  	s1 =	ssub.s32 @!p0 $0x0, s1;
	[sflag:s0] =	ssyncset.done @!p0 $0x0  }
0x54c: {  	[sflag:s0] =	ssyncadd.s32 @!p0 s1  }
0x54d: {  	[bflag:$0x3] =	sbarrier.arrive $0xFFFF  }
0x54e: {  	_ =	shalt  }

</sc_bundles>
